<compile_context>
chip_gen: v7x
topology: tpu7x:2x2x1
jax: 0.10.2.dev20260603
libtpu: 0.0.44.dev20260713+nightly
codegen_flags: <defaults>
</compile_context>

<pallas_src>
import functools

import jax
import jax.numpy as jnp
import numpy as np
from jax import lax
from jax.experimental import pallas as pl
from jax.experimental.pallas import tpu as pltpu
from jax.experimental.pallas import tpu_sc as plsc

N = 10000
E = 160000
H = 128
HEADS = 4
DH = H // HEADS
L = 4

NPAD = 10240
NBLK = 128
NGRID = NPAD // NBLK
EBLK = 1280
EGRID = E // EBLK

NC = 2
NS = 16
NW = NC * NS
EW = E // NW
ECH = 200
NCHUNK = EW // ECH
SCH = 200
NSCH = EW // SCH
ROWS_PER_TILE = NPAD // NS

_INV_SQRT_DH = 1.0 / np.sqrt(DH)

_SEL16 = np.zeros((H, 16), np.float32)
for _h in range(HEADS):
    _SEL16[_h * DH:(_h + 1) * DH, _h] = 1.0
_B16 = np.zeros((16, H), np.float32)
for _h in range(HEADS):
    _B16[_h, _h * DH:(_h + 1) * DH] = 1.0


def _dot(a, b):
    return jnp.dot(a, b, preferred_element_type=jnp.float32)



def _g_body(gf, w1, b1, w2, b2, out):
    h = jnp.maximum(_dot(gf[...], w1[...]) + b1[...], 0.0)
    out[...] = _dot(h, w2[...]) + b2[...]


def _g_call(gf, w1, b1, w2, b2):
    return pl.pallas_call(
        _g_body,
        out_shape=jax.ShapeDtypeStruct((1, H), jnp.float32),
    )(gf, w1, b1, w2, b2)


def _rows_mlp_body(f, w1, b1, w2, b2, out):
    h = jnp.maximum(_dot(f[...], w1[...]) + b1[...], 0.0)
    out[...] = _dot(h, w2[...]) + b2[...]


def _rows_linear_body(f, w, b, out):
    out[...] = _dot(f[...], w[...]) + b[...]


def _nodes_call(nf, wn, bn):
    fdim = nf.shape[1]
    return pl.pallas_call(
        _rows_linear_body,
        grid=(NGRID,),
        in_specs=[
            pl.BlockSpec((NBLK, fdim), lambda i: (i, 0)),
            pl.BlockSpec((fdim, H), lambda i: (0, 0)),
            pl.BlockSpec((1, H), lambda i: (0, 0)),
        ],
        out_specs=pl.BlockSpec((NBLK, H), lambda i: (i, 0)),
        out_shape=jax.ShapeDtypeStruct((NPAD, H), jnp.float32),
    )(nf, wn, bn)


def _eemb_call(ef, w1, b1, w2, b2):
    fdim = ef.shape[1]
    return pl.pallas_call(
        _rows_mlp_body,
        grid=(EGRID,),
        in_specs=[
            pl.BlockSpec((EBLK, fdim), lambda i: (i, 0)),
            pl.BlockSpec((fdim, H), lambda i: (0, 0)),
            pl.BlockSpec((1, H), lambda i: (0, 0)),
            pl.BlockSpec((H, H), lambda i: (0, 0)),
            pl.BlockSpec((1, H), lambda i: (0, 0)),
        ],
        out_specs=pl.BlockSpec((EBLK, H), lambda i: (i, 0)),
        out_shape=jax.ShapeDtypeStruct((E, H), jnp.float32),
    )(ef, w1, b1, w2, b2)


def _qkvs_body(x, wq, bq, wk, bk, wv, bv, ws, bs, q, k, v, s):
    xb = x[...]
    q[...] = _dot(xb, wq[...]) + bq[...]
    k[...] = _dot(xb, wk[...]) + bk[...]
    v[...] = _dot(xb, wv[...]) + bv[...]
    s[...] = _dot(xb, ws[...]) + bs[...]


def _qkvs_call(x, wq, bq, wk, bk, wv, bv, ws, bs):
    wspec = pl.BlockSpec((H, H), lambda i: (0, 0))
    bspec = pl.BlockSpec((1, H), lambda i: (0, 0))
    nspec = pl.BlockSpec((NBLK, H), lambda i: (i, 0))
    oshape = jax.ShapeDtypeStruct((NPAD, H), jnp.float32)
    return pl.pallas_call(
        _qkvs_body,
        grid=(NGRID,),
        in_specs=[nspec, wspec, bspec, wspec, bspec, wspec, bspec, wspec, bspec],
        out_specs=[nspec, nspec, nspec, nspec],
        out_shape=[oshape, oshape, oshape, oshape],
    )(x, wq, bq, wk, bk, wv, bv, ws, bs)


def _edge_body(qd, ks, vs, eemb, we, sel16, b16, msg, exs):
    e = _dot(eemb[...], we[...])
    kj = ks[...] + e
    vj = vs[...] + e
    prod = qd[...] * kj
    score = _dot(prod, sel16[...]) * _INV_SQRT_DH
    exm = jnp.exp(score) * (jnp.sum(sel16[...], axis=0) > 0.0).astype(jnp.float32)[None, :]
    exb = _dot(exm, b16[...])
    exs[...] = exb
    msg[...] = vj * exb


def _edge_call(qd, ks, vs, eemb, we, sel16, b16):
    espec = pl.BlockSpec((EBLK, H), lambda i: (i, 0))
    return pl.pallas_call(
        _edge_body,
        grid=(EGRID,),
        in_specs=[
            espec, espec, espec, espec,
            pl.BlockSpec((H, H), lambda i: (0, 0)),
            pl.BlockSpec((H, 16), lambda i: (0, 0)),
            pl.BlockSpec((16, H), lambda i: (0, 0)),
        ],
        out_specs=[espec, espec],
        out_shape=[
            jax.ShapeDtypeStruct((E, H), jnp.float32),
            jax.ShapeDtypeStruct((E, H), jnp.float32),
        ],
    )(qd, ks, vs, eemb, we, sel16, b16)


def _final_body(a0, a1, s0, s1, skip, x, g, b, out, *, relu):
    acc = a0[...] + a1[...]
    den = s0[...] + s1[...] + 1e-16
    y = acc / den + skip[...] + x[...]
    mu = jnp.mean(y, axis=1, keepdims=True)
    d = y - mu
    var = jnp.mean(d * d, axis=1, keepdims=True)
    y = d * lax.rsqrt(var + 1e-5) * g[...] + b[...]
    if relu:
        y = jnp.maximum(y, 0.0)
    out[...] = y


def _final_call(a0, a1, s0, s1, skip, x, g, b, relu):
    nspec = pl.BlockSpec((NBLK, H), lambda i: (i, 0))
    cspec = pl.BlockSpec((1, H), lambda i: (0, 0))
    return pl.pallas_call(
        functools.partial(_final_body, relu=relu),
        grid=(NGRID,),
        in_specs=[nspec, nspec, nspec, nspec, nspec, nspec, cspec, cspec],
        out_specs=nspec,
        out_shape=jax.ShapeDtypeStruct((NPAD, H), jnp.float32),
    )(a0, a1, s0, s1, skip, x, g, b)



def _gather_sc_body(q_hbm, k_hbm, v_hbm, src_hbm, dst_hbm,
                    qd_hbm, ks_hbm, vs_hbm, idx_s, idx_d, bufk, bufv, bufq,
                    semk, semv, semq):
    c = lax.axis_index("c")
    s = lax.axis_index("s")
    wid = c * NS + s
    base = wid * EW

    def body(ch, carry):
        off = base + ch * ECH
        pltpu.sync_copy(src_hbm.at[pl.ds(off, ECH)], idx_s)
        pltpu.sync_copy(dst_hbm.at[pl.ds(off, ECH)], idx_d)
        ck = pltpu.async_copy(k_hbm.at[idx_s], bufk, semk)
        cv = pltpu.async_copy(v_hbm.at[idx_s], bufv, semv)
        cq = pltpu.async_copy(q_hbm.at[idx_d], bufq, semq)
        ck.wait()
        pltpu.sync_copy(bufk, ks_hbm.at[pl.ds(off, ECH)])
        cv.wait()
        pltpu.sync_copy(bufv, vs_hbm.at[pl.ds(off, ECH)])
        cq.wait()
        pltpu.sync_copy(bufq, qd_hbm.at[pl.ds(off, ECH)])
        return carry

    lax.fori_loop(0, NCHUNK, body, 0)


def _scatter_sc_body(msg_hbm, exb_hbm, dst_hbm, zrow_hbm,
                     acc_hbm, ssum_hbm, idx_v, mbuf, acc_sh):
    c = lax.axis_index("c")
    s = lax.axis_index("s")
    row0 = s * ROWS_PER_TILE
    base = (c * NS + s) * EW

    def phase(src_hbm, out_hbm):
        pltpu.sync_copy(zrow_hbm, acc_sh.at[pl.ds(row0, ROWS_PER_TILE)])
        plsc.subcore_barrier()

        def body(ch, carry):
            off = base + ch * SCH
            pltpu.sync_copy(dst_hbm.at[pl.ds(off, SCH)], idx_v)
            pltpu.sync_copy(src_hbm.at[pl.ds(off, SCH)], mbuf)
            pltpu.sync_copy(mbuf, acc_sh.at[idx_v], add=True)
            return carry

        lax.fori_loop(0, NSCH, body, 0)
        plsc.subcore_barrier()
        pltpu.sync_copy(acc_sh.at[pl.ds(row0, ROWS_PER_TILE)],
                        out_hbm.at[c, pl.ds(row0, ROWS_PER_TILE)])

    phase(msg_hbm, acc_hbm)
    phase(exb_hbm, ssum_hbm)


@functools.lru_cache(maxsize=1)
def _build_sc_kernels():
    mesh = plsc.VectorSubcoreMesh(core_axis_name="c", subcore_axis_name="s",
                                  num_cores=NC, num_subcores=NS)
    gather = pl.kernel(
        _gather_sc_body,
        out_type=[
            jax.ShapeDtypeStruct((E, H), jnp.float32),
            jax.ShapeDtypeStruct((E, H), jnp.float32),
            jax.ShapeDtypeStruct((E, H), jnp.float32),
        ],
        mesh=mesh,
        scratch_types=[
            pltpu.VMEM((ECH,), jnp.int32),
            pltpu.VMEM((ECH,), jnp.int32),
            pltpu.VMEM((ECH, H), jnp.float32),
            pltpu.VMEM((ECH, H), jnp.float32),
            pltpu.VMEM((ECH, H), jnp.float32),
            pltpu.SemaphoreType.DMA,
            pltpu.SemaphoreType.DMA,
            pltpu.SemaphoreType.DMA,
        ],
    )
    scatter = pl.kernel(
        _scatter_sc_body,
        out_type=[
            jax.ShapeDtypeStruct((NC, NPAD, H), jnp.float32),
            jax.ShapeDtypeStruct((NC, NPAD, H), jnp.float32),
        ],
        mesh=mesh,
        scratch_types=[
            pltpu.VMEM((SCH,), jnp.int32),
            pltpu.VMEM((SCH, H), jnp.float32),
            pltpu.VMEM_SHARED((NPAD, H), jnp.float32),
        ],
    )
    return gather, scatter


def _gather_sc(q, k, v, src, dst):
    return _build_sc_kernels()[0](q, k, v, src, dst)


def _scatter_sc(msg, exb, dst):
    zrow = jnp.zeros((ROWS_PER_TILE, H), jnp.float32)
    return _build_sc_kernels()[1](msg, exb, dst, zrow)



def kernel(graph_features, node_features, edge_features, edge_index,
           Wg1, bg1, Wg2, bg2, Wn, bn, We1, be1, We2, be2,
           Wq, bq, Wk, bk, Wv, bv, We, Wskip, bskip, ln_g, ln_b):
    f32 = jnp.float32
    sel16 = jnp.asarray(_SEL16)
    b16 = jnp.asarray(_B16)

    src = (edge_index[0] + 1).astype(jnp.int32)
    dst = (edge_index[1] + 1).astype(jnp.int32)

    gf = jnp.pad(graph_features.reshape(1, 14), ((0, 0), (0, 2)))
    wg1 = jnp.pad(Wg1, ((0, 2), (0, 0)))
    g = _g_call(gf, wg1, bg1.reshape(1, H), Wg2, bg2.reshape(1, H))

    nf = jnp.pad(node_features, ((0, NPAD - N), (0, 7)))
    wn = jnp.pad(Wn, ((0, 7), (0, 0)))
    nodes = _nodes_call(nf, wn, bn.reshape(1, H))
    x = jnp.concatenate([g, nodes[:NPAD - 1]], axis=0)

    ef = jnp.pad(edge_features, ((0, 0), (0, 5)))
    we1 = jnp.pad(We1, ((0, 5), (0, 0)))
    eemb = _eemb_call(ef, we1, be1.reshape(1, H), We2, be2.reshape(1, H))

    for i in range(L):
        q, k, v, sk = _qkvs_call(
            x, Wq[i], bq[i].reshape(1, H), Wk[i], bk[i].reshape(1, H),
            Wv[i], bv[i].reshape(1, H), Wskip[i], bskip[i].reshape(1, H))
        qd, ks, vs = _gather_sc(q, k, v, src, dst)
        msg, exb = _edge_call(qd, ks, vs, eemb, We[i], sel16, b16)
        acc, ssum = _scatter_sc(msg, exb, dst)
        x = _final_call(acc[0], acc[1], ssum[0], ssum[1], sk, x,
                        ln_g[i].reshape(1, H), ln_b[i].reshape(1, H),
                        relu=(i < L - 1))

    return x[:N + 1].astype(f32)

# --- scband reference (transcript-rebuilt; emitter-appended) ---
"""Pipeline reference for scband-graph-input-encoder-80960133529758 (READ-ONLY COPY).

The authoritative reference and input builder live on the scoring server;
editing this copy changes nothing except your own understanding.
"""

import jax, jax.numpy as jnp
import numpy as np

N = 10000
E = 160000
H = 128
HEADS = 4
DH = H // HEADS
L = 4


def setup_inputs(seed: int = 0) -> dict:
    key = jax.random.key(seed)
    ks = jax.random.split(key, 20)
    s = 0.05
    inp = {}
    inp["graph_features"] = jax.random.normal(ks[0], (14,), jnp.float32)
    inp["node_features"] = jax.random.normal(ks[1], (N, 9), jnp.float32)
    inp["edge_features"] = jax.random.normal(ks[2], (E, 3), jnp.float32)
    inp["edge_index"] = jax.random.randint(ks[3], (2, E), 0, N, dtype=jnp.int32)
    inp["Wg1"] = jax.random.normal(ks[4], (14, H), jnp.float32) * s
    inp["bg1"] = jnp.zeros((H,), jnp.float32)
    inp["Wg2"] = jax.random.normal(ks[5], (H, H), jnp.float32) * s
    inp["bg2"] = jnp.zeros((H,), jnp.float32)
    inp["Wn"] = jax.random.normal(ks[6], (9, H), jnp.float32) * s
    inp["bn"] = jnp.zeros((H,), jnp.float32)
    inp["We1"] = jax.random.normal(ks[7], (3, H), jnp.float32) * s
    inp["be1"] = jnp.zeros((H,), jnp.float32)
    inp["We2"] = jax.random.normal(ks[8], (H, H), jnp.float32) * s
    inp["be2"] = jnp.zeros((H,), jnp.float32)
    inp["Wq"] = jax.random.normal(ks[9], (L, H, H), jnp.float32) * s
    inp["bq"] = jnp.zeros((L, H), jnp.float32)
    inp["Wk"] = jax.random.normal(ks[10], (L, H, H), jnp.float32) * s
    inp["bk"] = jnp.zeros((L, H), jnp.float32)
    inp["Wv"] = jax.random.normal(ks[11], (L, H, H), jnp.float32) * s
    inp["bv"] = jnp.zeros((L, H), jnp.float32)
    inp["We"] = jax.random.normal(ks[12], (L, H, H), jnp.float32) * s
    inp["Wskip"] = jax.random.normal(ks[13], (L, H, H), jnp.float32) * s
    inp["bskip"] = jnp.zeros((L, H), jnp.float32)
    inp["ln_g"] = jnp.ones((L, H), jnp.float32)
    inp["ln_b"] = jnp.zeros((L, H), jnp.float32)
    return inp


def _segment_softmax(scores, seg, num_segments):
    smax = jax.ops.segment_max(scores, seg, num_segments=num_segments)
    smax = jnp.where(jnp.isfinite(smax), smax, 0.0)
    smax = jax.lax.stop_gradient(smax)
    ex = jnp.exp(scores - smax[seg])
    ssum = jax.ops.segment_sum(ex, seg, num_segments=num_segments)
    return ex / (ssum[seg] + 1e-16)


def _tconv(x, src, dst, eemb, Wq, bq, Wk, bk, Wv, bv, We, Wskip, bskip):
    n = x.shape[0]
    q = (x @ Wq + bq).reshape(n, HEADS, DH)
    k = (x @ Wk + bk).reshape(n, HEADS, DH)
    v = (x @ Wv + bv).reshape(n, HEADS, DH)
    e = (eemb @ We).reshape(-1, HEADS, DH)
    kj = k[src] + e
    vj = v[src] + e
    score = (q[dst] * kj).sum(-1) / np.sqrt(DH)
    alpha = _segment_softmax(score, dst, n)
    msg = vj * alpha[:, :, None]
    out = jax.ops.segment_sum(msg, dst, num_segments=n).reshape(n, H)
    return out + x @ Wskip + bskip


def _layernorm(x, g, b):
    mu = jnp.mean(x, axis=-1, keepdims=True)
    var = jnp.var(x, axis=-1, keepdims=True)
    return (x - mu) / jnp.sqrt(var + 1e-5) * g + b


def _forward(graph_features, node_features, edge_features, edge_index, Wg1, bg1, Wg2, bg2, Wn, bn, We1, be1, We2, be2, Wq, bq, Wk, bk, Wv, bv, We, Wskip, bskip, ln_g, ln_b):
    g = jax.nn.relu(graph_features @ Wg1 + bg1) @ Wg2 + bg2
    nodes = node_features @ Wn + bn
    eemb = jax.nn.relu(edge_features @ We1 + be1) @ We2 + be2
    x = jnp.concatenate([g[None, :], nodes], axis=0)
    src = edge_index[0] + 1
    dst = edge_index[1] + 1
    for i in range(L):
        res = x
        x = _tconv(x, src, dst, eemb, Wq[i], bq[i], Wk[i], bk[i], Wv[i], bv[i], We[i], Wskip[i], bskip[i])
        x = x + res
        x = _layernorm(x, ln_g[i], ln_b[i])
        if i < L - 1:
            x = jax.nn.relu(x)
    return x


def reference(graph_features, node_features, edge_features, edge_index, Wg1, bg1, Wg2, bg2, Wn, bn, We1, be1, We2, be2, Wq, bq, Wk, bk, Wv, bv, We, Wskip, bskip, ln_g, ln_b):
    return _forward(graph_features, node_features, edge_features, edge_index, Wg1, bg1, Wg2, bg2, Wn, bn, We1, be1, We2, be2, Wq, bq, Wk, bk, Wv, bv, We, Wskip, bskip, ln_g, ln_b)

if __name__ == "__main__":
    import jax
    _d = setup_inputs()
    print(jax.jit(kernel)(*tuple(_d.values())))

</pallas_src>

<mosaic_0001>
#map = affine_map<(d0, d1) -> (0, 0)>
#map1 = affine_map<(d0, d1) -> (0)>
module attributes {stable_mosaic.version = 14 : i64} {
  func.func @_gather_sc_body(%arg0: i32, %arg1: i32, %arg2: memref<10240x128xf32, #tpu.memory_space<hbm>>, %arg3: memref<10240x128xf32, #tpu.memory_space<hbm>>, %arg4: memref<10240x128xf32, #tpu.memory_space<hbm>>, %arg5: memref<160000xi32, #tpu.memory_space<hbm>>, %arg6: memref<160000xi32, #tpu.memory_space<hbm>>, %arg7: memref<160000x128xf32, #tpu.memory_space<hbm>>, %arg8: memref<160000x128xf32, #tpu.memory_space<hbm>>, %arg9: memref<160000x128xf32, #tpu.memory_space<hbm>>, %arg10: memref<200xi32, #tpu.memory_space<vmem>>, %arg11: memref<200xi32, #tpu.memory_space<vmem>>, %arg12: memref<200x128xf32, #tpu.memory_space<vmem>>, %arg13: memref<200x128xf32, #tpu.memory_space<vmem>>, %arg14: memref<200x128xf32, #tpu.memory_space<vmem>>, %arg15: memref<!tpu.dma_semaphore, #tpu.memory_space<semaphore_mem>>, %arg16: memref<!tpu.dma_semaphore, #tpu.memory_space<semaphore_mem>>, %arg17: memref<!tpu.dma_semaphore, #tpu.memory_space<semaphore_mem>>) attributes {dimension_semantics = [#tpu.dimension_semantics<core_parallel>, #tpu.dimension_semantics<subcore_parallel>], iteration_bounds = array<i64: 2, 16>, scalar_prefetch = 0 : i64, scratch_operands = 8 : i64, tpu.core_type = #tpu.core_type<sc_vector_subcore>, window_params = [{transform_indices = #map}, {transform_indices = #map}, {transform_indices = #map}, {transform_indices = #map1}, {transform_indices = #map1}, {transform_indices = #map}, {transform_indices = #map}, {transform_indices = #map}]} {
    %mul3A = arith.constant 16 : i32
    %mul3A_0 = arith.muli %arg0, %mul3A : i32
    %add3A = arith.addi %mul3A_0, %arg1 : i32
    %mul3A_1 = arith.constant 5000 : i32
    %mul3A_2 = arith.muli %add3A, %mul3A_1 : i32
    %scan3A = arith.constant 0 : i32
    %scan3A_3 = arith.constant 0 : i32
    %scan3A_4 = arith.constant 25 : i32
    %scan3A_5 = arith.addi %scan3A_3, %scan3A_4 : i32
    %scan3A_6 = arith.constant 1 : i32
    scf.for %scan3A_8 = %scan3A_3 to %scan3A_5 step %scan3A_6  : i32 {
      %mul3A_9 = arith.constant 200 : i32
      %mul3A_10 = arith.muli %scan3A_8, %mul3A_9 : i32
      %add3A_11 = arith.addi %mul3A_2, %mul3A_10 : i32
      "tpu.region"() ({
        %run_scoped3A = tpu.sem_alloc : memref<!tpu.dma_semaphore, #tpu.memory_space<semaphore_mem>>
        %dma_start3A_28 = tpu.memref_slice %arg5[%add3A_11] : memref<160000xi32, #tpu.memory_space<hbm>> -> memref<200xi32, #tpu.memory_space<hbm>>
        %dma_start3A_29 = tpu.memref_slice %arg5[%add3A_11] : memref<160000xi32, #tpu.memory_space<hbm>> -> memref<200xi32, #tpu.memory_space<hbm>>
        tpu.enqueue_dma source(%dma_start3A_29 : memref<200xi32, #tpu.memory_space<hbm>>) target(%arg10 : memref<200xi32, #tpu.memory_space<vmem>>) target_semaphore(%run_scoped3A : memref<!tpu.dma_semaphore, #tpu.memory_space<semaphore_mem>>)
        %dma_wait3A_30 = tpu.memref_slice %arg5[%add3A_11] : memref<160000xi32, #tpu.memory_space<hbm>> -> memref<200xi32, #tpu.memory_space<hbm>>
        %dma_wait3A_31 = tpu.memref_slice %arg5[%add3A_11] : memref<160000xi32, #tpu.memory_space<hbm>> -> memref<200xi32, #tpu.memory_space<hbm>>
        tpu.wait_dma2 semaphore(%run_scoped3A : memref<!tpu.dma_semaphore, #tpu.memory_space<semaphore_mem>>) src(%dma_wait3A_31 : memref<200xi32, #tpu.memory_space<hbm>>) dst(%arg10 : memref<200xi32, #tpu.memory_space<vmem>>)
        tpu.yield
      }) : () -> ()
      "tpu.region"() ({
        %run_scoped3A = tpu.sem_alloc : memref<!tpu.dma_semaphore, #tpu.memory_space<semaphore_mem>>
        %dma_start3A_28 = tpu.memref_slice %arg6[%add3A_11] : memref<160000xi32, #tpu.memory_space<hbm>> -> memref<200xi32, #tpu.memory_space<hbm>>
        %dma_start3A_29 = tpu.memref_slice %arg6[%add3A_11] : memref<160000xi32, #tpu.memory_space<hbm>> -> memref<200xi32, #tpu.memory_space<hbm>>
        tpu.enqueue_dma source(%dma_start3A_29 : memref<200xi32, #tpu.memory_space<hbm>>) target(%arg11 : memref<200xi32, #tpu.memory_space<vmem>>) target_semaphore(%run_scoped3A : memref<!tpu.dma_semaphore, #tpu.memory_space<semaphore_mem>>)
        %dma_wait3A_30 = tpu.memref_slice %arg6[%add3A_11] : memref<160000xi32, #tpu.memory_space<hbm>> -> memref<200xi32, #tpu.memory_space<hbm>>
        %dma_wait3A_31 = tpu.memref_slice %arg6[%add3A_11] : memref<160000xi32, #tpu.memory_space<hbm>> -> memref<200xi32, #tpu.memory_space<hbm>>
        tpu.wait_dma2 semaphore(%run_scoped3A : memref<!tpu.dma_semaphore, #tpu.memory_space<semaphore_mem>>) src(%dma_wait3A_31 : memref<200xi32, #tpu.memory_space<hbm>>) dst(%arg11 : memref<200xi32, #tpu.memory_space<vmem>>)
        tpu.yield
      }) : () -> ()
      %dma_start3A = arith.constant 0 : i32
      %dma_start3A_12 = arith.constant 0 : i32
      %dma_start3A_13 = tpu.memref_slice %arg3[%dma_start3A, %dma_start3A_12] : memref<10240x128xf32, #tpu.memory_space<hbm>> -> memref<10240x128xf32, #tpu.memory_space<hbm>>
      tpu.enqueue_indirect_dma source(%dma_start3A_13 : memref<10240x128xf32, #tpu.memory_space<hbm>>) target(%arg12 : memref<200x128xf32, #tpu.memory_space<vmem>>) offsets(%arg10 : memref<200xi32, #tpu.memory_space<vmem>>) semaphore(%arg15 : memref<!tpu.dma_semaphore, #tpu.memory_space<semaphore_mem>>)
      %dma_start3A_14 = arith.constant 0 : i32
      %dma_start3A_15 = arith.constant 0 : i32
      %dma_start3A_16 = tpu.memref_slice %arg4[%dma_start3A_14, %dma_start3A_15] : memref<10240x128xf32, #tpu.memory_space<hbm>> -> memref<10240x128xf32, #tpu.memory_space<hbm>>
      tpu.enqueue_indirect_dma source(%dma_start3A_16 : memref<10240x128xf32, #tpu.memory_space<hbm>>) target(%arg13 : memref<200x128xf32, #tpu.memory_space<vmem>>) offsets(%arg10 : memref<200xi32, #tpu.memory_space<vmem>>) semaphore(%arg16 : memref<!tpu.dma_semaphore, #tpu.memory_space<semaphore_mem>>)
      %dma_start3A_17 = arith.constant 0 : i32
      %dma_start3A_18 = arith.constant 0 : i32
      %dma_start3A_19 = tpu.memref_slice %arg2[%dma_start3A_17, %dma_start3A_18] : memref<10240x128xf32, #tpu.memory_space<hbm>> -> memref<10240x128xf32, #tpu.memory_space<hbm>>
      tpu.enqueue_indirect_dma source(%dma_start3A_19 : memref<10240x128xf32, #tpu.memory_space<hbm>>) target(%arg14 : memref<200x128xf32, #tpu.memory_space<vmem>>) offsets(%arg11 : memref<200xi32, #tpu.memory_space<vmem>>) semaphore(%arg17 : memref<!tpu.dma_semaphore, #tpu.memory_space<semaphore_mem>>)
      %dma_wait3A = arith.constant 0 : i32
      %dma_wait3A_20 = arith.constant 0 : i32
      %dma_wait3A_21 = tpu.memref_slice %arg3[%dma_wait3A, %dma_wait3A_20] : memref<10240x128xf32, #tpu.memory_space<hbm>> -> memref<10240x128xf32, #tpu.memory_space<hbm>>
      tpu.wait_indirect_dma semaphore(%arg15 : memref<!tpu.dma_semaphore, #tpu.memory_space<semaphore_mem>>) src(%dma_wait3A_21 : memref<10240x128xf32, #tpu.memory_space<hbm>>) dst(%arg12 : memref<200x128xf32, #tpu.memory_space<vmem>>)
      "tpu.region"() ({
        %run_scoped3A = tpu.sem_alloc : memref<!tpu.dma_semaphore, #tpu.memory_space<semaphore_mem>>
        %dma_start3A_28 = arith.constant 0 : i32
        %dma_start3A_29 = tpu.memref_slice %arg8[%add3A_11, %dma_start3A_28] : memref<160000x128xf32, #tpu.memory_space<hbm>> -> memref<200x128xf32, #tpu.memory_space<hbm>>
        %dma_start3A_30 = arith.constant 0 : i32
        %dma_start3A_31 = tpu.memref_slice %arg8[%add3A_11, %dma_start3A_30] : memref<160000x128xf32, #tpu.memory_space<hbm>> -> memref<200x128xf32, #tpu.memory_space<hbm>>
        tpu.enqueue_dma source(%arg12 : memref<200x128xf32, #tpu.memory_space<vmem>>) target(%dma_start3A_31 : memref<200x128xf32, #tpu.memory_space<hbm>>) target_semaphore(%run_scoped3A : memref<!tpu.dma_semaphore, #tpu.memory_space<semaphore_mem>>)
        %dma_wait3A_32 = arith.constant 0 : i32
        %dma_wait3A_33 = tpu.memref_slice %arg8[%add3A_11, %dma_wait3A_32] : memref<160000x128xf32, #tpu.memory_space<hbm>> -> memref<200x128xf32, #tpu.memory_space<hbm>>
        %dma_wait3A_34 = arith.constant 0 : i32
        %dma_wait3A_35 = tpu.memref_slice %arg8[%add3A_11, %dma_wait3A_34] : memref<160000x128xf32, #tpu.memory_space<hbm>> -> memref<200x128xf32, #tpu.memory_space<hbm>>
        tpu.wait_dma2 semaphore(%run_scoped3A : memref<!tpu.dma_semaphore, #tpu.memory_space<semaphore_mem>>) src(%arg12 : memref<200x128xf32, #tpu.memory_space<vmem>>) dst(%dma_wait3A_35 : memref<200x128xf32, #tpu.memory_space<hbm>>)
        tpu.yield
      }) : () -> ()
      %dma_wait3A_22 = arith.constant 0 : i32
      %dma_wait3A_23 = arith.constant 0 : i32
      %dma_wait3A_24 = tpu.memref_slice %arg4[%dma_wait3A_22, %dma_wait3A_23] : memref<10240x128xf32, #tpu.memory_space<hbm>> -> memref<10240x128xf32, #tpu.memory_space<hbm>>
      tpu.wait_indirect_dma semaphore(%arg16 : memref<!tpu.dma_semaphore, #tpu.memory_space<semaphore_mem>>) src(%dma_wait3A_24 : memref<10240x128xf32, #tpu.memory_space<hbm>>) dst(%arg13 : memref<200x128xf32, #tpu.memory_space<vmem>>)
      "tpu.region"() ({
        %run_scoped3A = tpu.sem_alloc : memref<!tpu.dma_semaphore, #tpu.memory_space<semaphore_mem>>
        %dma_start3A_28 = arith.constant 0 : i32
        %dma_start3A_29 = tpu.memref_slice %arg9[%add3A_11, %dma_start3A_28] : memref<160000x128xf32, #tpu.memory_space<hbm>> -> memref<200x128xf32, #tpu.memory_space<hbm>>
        %dma_start3A_30 = arith.constant 0 : i32
        %dma_start3A_31 = tpu.memref_slice %arg9[%add3A_11, %dma_start3A_30] : memref<160000x128xf32, #tpu.memory_space<hbm>> -> memref<200x128xf32, #tpu.memory_space<hbm>>
        tpu.enqueue_dma source(%arg13 : memref<200x128xf32, #tpu.memory_space<vmem>>) target(%dma_start3A_31 : memref<200x128xf32, #tpu.memory_space<hbm>>) target_semaphore(%run_scoped3A : memref<!tpu.dma_semaphore, #tpu.memory_space<semaphore_mem>>)
        %dma_wait3A_32 = arith.constant 0 : i32
        %dma_wait3A_33 = tpu.memref_slice %arg9[%add3A_11, %dma_wait3A_32] : memref<160000x128xf32, #tpu.memory_space<hbm>> -> memref<200x128xf32, #tpu.memory_space<hbm>>
        %dma_wait3A_34 = arith.constant 0 : i32
        %dma_wait3A_35 = tpu.memref_slice %arg9[%add3A_11, %dma_wait3A_34] : memref<160000x128xf32, #tpu.memory_space<hbm>> -> memref<200x128xf32, #tpu.memory_space<hbm>>
        tpu.wait_dma2 semaphore(%run_scoped3A : memref<!tpu.dma_semaphore, #tpu.memory_space<semaphore_mem>>) src(%arg13 : memref<200x128xf32, #tpu.memory_space<vmem>>) dst(%dma_wait3A_35 : memref<200x128xf32, #tpu.memory_space<hbm>>)
        tpu.yield
      }) : () -> ()
      %dma_wait3A_25 = arith.constant 0 : i32
      %dma_wait3A_26 = arith.constant 0 : i32
      %dma_wait3A_27 = tpu.memref_slice %arg2[%dma_wait3A_25, %dma_wait3A_26] : memref<10240x128xf32, #tpu.memory_space<hbm>> -> memref<10240x128xf32, #tpu.memory_space<hbm>>
      tpu.wait_indirect_dma semaphore(%arg17 : memref<!tpu.dma_semaphore, #tpu.memory_space<semaphore_mem>>) src(%dma_wait3A_27 : memref<10240x128xf32, #tpu.memory_space<hbm>>) dst(%arg14 : memref<200x128xf32, #tpu.memory_space<vmem>>)
      "tpu.region"() ({
        %run_scoped3A = tpu.sem_alloc : memref<!tpu.dma_semaphore, #tpu.memory_space<semaphore_mem>>
        %dma_start3A_28 = arith.constant 0 : i32
        %dma_start3A_29 = tpu.memref_slice %arg7[%add3A_11, %dma_start3A_28] : memref<160000x128xf32, #tpu.memory_space<hbm>> -> memref<200x128xf32, #tpu.memory_space<hbm>>
        %dma_start3A_30 = arith.constant 0 : i32
        %dma_start3A_31 = tpu.memref_slice %arg7[%add3A_11, %dma_start3A_30] : memref<160000x128xf32, #tpu.memory_space<hbm>> -> memref<200x128xf32, #tpu.memory_space<hbm>>
        tpu.enqueue_dma source(%arg14 : memref<200x128xf32, #tpu.memory_space<vmem>>) target(%dma_start3A_31 : memref<200x128xf32, #tpu.memory_space<hbm>>) target_semaphore(%run_scoped3A : memref<!tpu.dma_semaphore, #tpu.memory_space<semaphore_mem>>)
        %dma_wait3A_32 = arith.constant 0 : i32
        %dma_wait3A_33 = tpu.memref_slice %arg7[%add3A_11, %dma_wait3A_32] : memref<160000x128xf32, #tpu.memory_space<hbm>> -> memref<200x128xf32, #tpu.memory_space<hbm>>
        %dma_wait3A_34 = arith.constant 0 : i32
        %dma_wait3A_35 = tpu.memref_slice %arg7[%add3A_11, %dma_wait3A_34] : memref<160000x128xf32, #tpu.memory_space<hbm>> -> memref<200x128xf32, #tpu.memory_space<hbm>>
        tpu.wait_dma2 semaphore(%run_scoped3A : memref<!tpu.dma_semaphore, #tpu.memory_space<semaphore_mem>>) src(%arg14 : memref<200x128xf32, #tpu.memory_space<vmem>>) dst(%dma_wait3A_35 : memref<200x128xf32, #tpu.memory_space<hbm>>)
        tpu.yield
      }) : () -> ()
    }
    %scan3A_7 = arith.constant 25 : i32
    return
  }
}

#map = affine_map<(d0, d1) -> (0, 0)>
#map1 = affine_map<(d0, d1) -> (0)>
#map2 = affine_map<(d0, d1) -> (0, 0, 0)>
module attributes {stable_mosaic.version = 14 : i64} {
  func.func @_scatter_sc_body(%arg0: i32, %arg1: i32, %arg2: memref<160000x128xf32, #tpu.memory_space<hbm>>, %arg3: memref<160000x128xf32, #tpu.memory_space<hbm>>, %arg4: memref<160000xi32, #tpu.memory_space<hbm>>, %arg5: memref<640x128xf32, #tpu.memory_space<hbm>>, %arg6: memref<2x10240x128xf32, #tpu.memory_space<hbm>>, %arg7: memref<2x10240x128xf32, #tpu.memory_space<hbm>>, %arg8: memref<200xi32, #tpu.memory_space<vmem>>, %arg9: memref<200x128xf32, #tpu.memory_space<vmem>>, %arg10: memref<10240x128xf32, #tpu.memory_space<vmem_shared>>) attributes {dimension_semantics = [#tpu.dimension_semantics<core_parallel>, #tpu.dimension_semantics<subcore_parallel>], iteration_bounds = array<i64: 2, 16>, scalar_prefetch = 0 : i64, scratch_operands = 3 : i64, tpu.core_type = #tpu.core_type<sc_vector_subcore>, window_params = [{transform_indices = #map}, {transform_indices = #map}, {transform_indices = #map1}, {transform_indices = #map}, {transform_indices = #map2}, {transform_indices = #map2}]} {
    %mul3A = arith.constant 640 : i32
    %mul3A_0 = arith.muli %arg1, %mul3A : i32
    %mul3A_1 = arith.constant 16 : i32
    %mul3A_2 = arith.muli %arg0, %mul3A_1 : i32
    %add3A = arith.addi %mul3A_2, %arg1 : i32
    %mul3A_3 = arith.constant 5000 : i32
    %mul3A_4 = arith.muli %add3A, %mul3A_3 : i32
    "tpu.region"() ({
      %run_scoped3A = tpu.sem_alloc : memref<!tpu.dma_semaphore, #tpu.memory_space<semaphore_mem>>
      %dma_start3A = arith.constant 0 : i32
      %dma_start3A_19 = tpu.memref_slice %arg10[%mul3A_0, %dma_start3A] : memref<10240x128xf32, #tpu.memory_space<vmem_shared>> -> memref<640x128xf32, #tpu.memory_space<vmem_shared>>
      tpu.enqueue_dma source(%arg5 : memref<640x128xf32, #tpu.memory_space<hbm>>) target(%dma_start3A_19 : memref<640x128xf32, #tpu.memory_space<vmem_shared>>) target_semaphore(%run_scoped3A : memref<!tpu.dma_semaphore, #tpu.memory_space<semaphore_mem>>)
      %dma_wait3A = arith.constant 0 : i32
      %dma_wait3A_20 = tpu.memref_slice %arg10[%mul3A_0, %dma_wait3A] : memref<10240x128xf32, #tpu.memory_space<vmem_shared>> -> memref<640x128xf32, #tpu.memory_space<vmem_shared>>
      tpu.wait_dma2 semaphore(%run_scoped3A : memref<!tpu.dma_semaphore, #tpu.memory_space<semaphore_mem>>) src(%arg5 : memref<640x128xf32, #tpu.memory_space<hbm>>) dst(%dma_wait3A_20 : memref<640x128xf32, #tpu.memory_space<vmem_shared>>)
      tpu.yield
    }) : () -> ()
    %barrier3A = arith.constant 0 : index
    tpu.barrier barrier_id(%barrier3A)
    %scan3A = arith.constant 0 : i32
    %scan3A_5 = arith.constant 0 : i32
    %scan3A_6 = arith.constant 25 : i32
    %scan3A_7 = arith.addi %scan3A_5, %scan3A_6 : i32
    %scan3A_8 = arith.constant 1 : i32
    scf.for %scan3A_19 = %scan3A_5 to %scan3A_7 step %scan3A_8  : i32 {
      %mul3A_20 = arith.constant 200 : i32
      %mul3A_21 = arith.muli %scan3A_19, %mul3A_20 : i32
      %add3A_22 = arith.addi %mul3A_4, %mul3A_21 : i32
      "tpu.region"() ({
        %run_scoped3A = tpu.sem_alloc : memref<!tpu.dma_semaphore, #tpu.memory_space<semaphore_mem>>
        %dma_start3A = tpu.memref_slice %arg4[%add3A_22] : memref<160000xi32, #tpu.memory_space<hbm>> -> memref<200xi32, #tpu.memory_space<hbm>>
        %dma_start3A_23 = tpu.memref_slice %arg4[%add3A_22] : memref<160000xi32, #tpu.memory_space<hbm>> -> memref<200xi32, #tpu.memory_space<hbm>>
        tpu.enqueue_dma source(%dma_start3A_23 : memref<200xi32, #tpu.memory_space<hbm>>) target(%arg8 : memref<200xi32, #tpu.memory_space<vmem>>) target_semaphore(%run_scoped3A : memref<!tpu.dma_semaphore, #tpu.memory_space<semaphore_mem>>)
        %dma_wait3A = tpu.memref_slice %arg4[%add3A_22] : memref<160000xi32, #tpu.memory_space<hbm>> -> memref<200xi32, #tpu.memory_space<hbm>>
        %dma_wait3A_24 = tpu.memref_slice %arg4[%add3A_22] : memref<160000xi32, #tpu.memory_space<hbm>> -> memref<200xi32, #tpu.memory_space<hbm>>
        tpu.wait_dma2 semaphore(%run_scoped3A : memref<!tpu.dma_semaphore, #tpu.memory_space<semaphore_mem>>) src(%dma_wait3A_24 : memref<200xi32, #tpu.memory_space<hbm>>) dst(%arg8 : memref<200xi32, #tpu.memory_space<vmem>>)
        tpu.yield
      }) : () -> ()
      "tpu.region"() ({
        %run_scoped3A = tpu.sem_alloc : memref<!tpu.dma_semaphore, #tpu.memory_space<semaphore_mem>>
        %dma_start3A = arith.constant 0 : i32
        %dma_start3A_23 = tpu.memref_slice %arg2[%add3A_22, %dma_start3A] : memref<160000x128xf32, #tpu.memory_space<hbm>> -> memref<200x128xf32, #tpu.memory_space<hbm>>
        %dma_start3A_24 = arith.constant 0 : i32
        %dma_start3A_25 = tpu.memref_slice %arg2[%add3A_22, %dma_start3A_24] : memref<160000x128xf32, #tpu.memory_space<hbm>> -> memref<200x128xf32, #tpu.memory_space<hbm>>
        tpu.enqueue_dma source(%dma_start3A_25 : memref<200x128xf32, #tpu.memory_space<hbm>>) target(%arg9 : memref<200x128xf32, #tpu.memory_space<vmem>>) target_semaphore(%run_scoped3A : memref<!tpu.dma_semaphore, #tpu.memory_space<semaphore_mem>>)
        %dma_wait3A = arith.constant 0 : i32
        %dma_wait3A_26 = tpu.memref_slice %arg2[%add3A_22, %dma_wait3A] : memref<160000x128xf32, #tpu.memory_space<hbm>> -> memref<200x128xf32, #tpu.memory_space<hbm>>
        %dma_wait3A_27 = arith.constant 0 : i32
        %dma_wait3A_28 = tpu.memref_slice %arg2[%add3A_22, %dma_wait3A_27] : memref<160000x128xf32, #tpu.memory_space<hbm>> -> memref<200x128xf32, #tpu.memory_space<hbm>>
        tpu.wait_dma2 semaphore(%run_scoped3A : memref<!tpu.dma_semaphore, #tpu.memory_space<semaphore_mem>>) src(%dma_wait3A_28 : memref<200x128xf32, #tpu.memory_space<hbm>>) dst(%arg9 : memref<200x128xf32, #tpu.memory_space<vmem>>)
        tpu.yield
      }) : () -> ()
      "tpu.region"() ({
        %run_scoped3A = tpu.sem_alloc : memref<!tpu.dma_semaphore, #tpu.memory_space<semaphore_mem>>
        %dma_start3A = arith.constant 0 : i32
        %dma_start3A_23 = arith.constant 0 : i32
        %dma_start3A_24 = tpu.memref_slice %arg10[%dma_start3A, %dma_start3A_23] : memref<10240x128xf32, #tpu.memory_space<vmem_shared>> -> memref<10240x128xf32, #tpu.memory_space<vmem_shared>>
        tpu.enqueue_indirect_dma source(%arg9 : memref<200x128xf32, #tpu.memory_space<vmem>>) target(%dma_start3A_24 : memref<10240x128xf32, #tpu.memory_space<vmem_shared>>) offsets(%arg8 : memref<200xi32, #tpu.memory_space<vmem>>) semaphore(%run_scoped3A : memref<!tpu.dma_semaphore, #tpu.memory_space<semaphore_mem>>) {add = true}
        %dma_wait3A = arith.constant 0 : i32
        %dma_wait3A_25 = arith.constant 0 : i32
        %dma_wait3A_26 = tpu.memref_slice %arg10[%dma_wait3A, %dma_wait3A_25] : memref<10240x128xf32, #tpu.memory_space<vmem_shared>> -> memref<10240x128xf32, #tpu.memory_space<vmem_shared>>
        tpu.wait_indirect_dma semaphore(%run_scoped3A : memref<!tpu.dma_semaphore, #tpu.memory_space<semaphore_mem>>) src(%arg9 : memref<200x128xf32, #tpu.memory_space<vmem>>) dst(%dma_wait3A_26 : memref<10240x128xf32, #tpu.memory_space<vmem_shared>>)
        tpu.yield
      }) : () -> ()
    }
    %scan3A_9 = arith.constant 25 : i32
    %barrier3A_10 = arith.constant 0 : index
    tpu.barrier barrier_id(%barrier3A_10)
    "tpu.region"() ({
      %run_scoped3A = tpu.sem_alloc : memref<!tpu.dma_semaphore, #tpu.memory_space<semaphore_mem>>
      %dma_start3A = arith.constant 0 : i32
      %dma_start3A_19 = tpu.memref_slice %arg6[%arg0, %mul3A_0, %dma_start3A] : memref<2x10240x128xf32, #tpu.memory_space<hbm>> -> memref<1x640x128xf32, #tpu.memory_space<hbm>>
      %dma_start3A_20 = tpu.memref_squeeze %dma_start3A_19 : memref<1x640x128xf32, #tpu.memory_space<hbm>> -> memref<640x128xf32, #tpu.memory_space<hbm>>
      %dma_start3A_21 = arith.constant 0 : i32
      %dma_start3A_22 = tpu.memref_slice %arg10[%mul3A_0, %dma_start3A_21] : memref<10240x128xf32, #tpu.memory_space<vmem_shared>> -> memref<640x128xf32, #tpu.memory_space<vmem_shared>>
      tpu.enqueue_dma source(%dma_start3A_22 : memref<640x128xf32, #tpu.memory_space<vmem_shared>>) target(%dma_start3A_20 : memref<640x128xf32, #tpu.memory_space<hbm>>) target_semaphore(%run_scoped3A : memref<!tpu.dma_semaphore, #tpu.memory_space<semaphore_mem>>)
      %dma_wait3A = arith.constant 0 : i32
      %dma_wait3A_23 = tpu.memref_slice %arg6[%arg0, %mul3A_0, %dma_wait3A] : memref<2x10240x128xf32, #tpu.memory_space<hbm>> -> memref<1x640x128xf32, #tpu.memory_space<hbm>>
      %dma_wait3A_24 = tpu.memref_squeeze %dma_wait3A_23 : memref<1x640x128xf32, #tpu.memory_space<hbm>> -> memref<640x128xf32, #tpu.memory_space<hbm>>
      %dma_wait3A_25 = arith.constant 0 : i32
      %dma_wait3A_26 = tpu.memref_slice %arg10[%mul3A_0, %dma_wait3A_25] : memref<10240x128xf32, #tpu.memory_space<vmem_shared>> -> memref<640x128xf32, #tpu.memory_space<vmem_shared>>
      tpu.wait_dma2 semaphore(%run_scoped3A : memref<!tpu.dma_semaphore, #tpu.memory_space<semaphore_mem>>) src(%dma_wait3A_26 : memref<640x128xf32, #tpu.memory_space<vmem_shared>>) dst(%dma_wait3A_24 : memref<640x128xf32, #tpu.memory_space<hbm>>)
      tpu.yield
    }) : () -> ()
    "tpu.region"() ({
      %run_scoped3A = tpu.sem_alloc : memref<!tpu.dma_semaphore, #tpu.memory_space<semaphore_mem>>
      %dma_start3A = arith.constant 0 : i32
      %dma_start3A_19 = tpu.memref_slice %arg10[%mul3A_0, %dma_start3A] : memref<10240x128xf32, #tpu.memory_space<vmem_shared>> -> memref<640x128xf32, #tpu.memory_space<vmem_shared>>
      tpu.enqueue_dma source(%arg5 : memref<640x128xf32, #tpu.memory_space<hbm>>) target(%dma_start3A_19 : memref<640x128xf32, #tpu.memory_space<vmem_shared>>) target_semaphore(%run_scoped3A : memref<!tpu.dma_semaphore, #tpu.memory_space<semaphore_mem>>)
      %dma_wait3A = arith.constant 0 : i32
      %dma_wait3A_20 = tpu.memref_slice %arg10[%mul3A_0, %dma_wait3A] : memref<10240x128xf32, #tpu.memory_space<vmem_shared>> -> memref<640x128xf32, #tpu.memory_space<vmem_shared>>
      tpu.wait_dma2 semaphore(%run_scoped3A : memref<!tpu.dma_semaphore, #tpu.memory_space<semaphore_mem>>) src(%arg5 : memref<640x128xf32, #tpu.memory_space<hbm>>) dst(%dma_wait3A_20 : memref<640x128xf32, #tpu.memory_space<vmem_shared>>)
      tpu.yield
    }) : () -> ()
    %barrier3A_11 = arith.constant 0 : index
    tpu.barrier barrier_id(%barrier3A_11)
    %scan3A_12 = arith.constant 0 : i32
    %scan3A_13 = arith.constant 0 : i32
    %scan3A_14 = arith.constant 25 : i32
    %scan3A_15 = arith.addi %scan3A_13, %scan3A_14 : i32
    %scan3A_16 = arith.constant 1 : i32
    scf.for %scan3A_19 = %scan3A_13 to %scan3A_15 step %scan3A_16  : i32 {
      %mul3A_20 = arith.constant 200 : i32
      %mul3A_21 = arith.muli %scan3A_19, %mul3A_20 : i32
      %add3A_22 = arith.addi %mul3A_4, %mul3A_21 : i32
      "tpu.region"() ({
        %run_scoped3A = tpu.sem_alloc : memref<!tpu.dma_semaphore, #tpu.memory_space<semaphore_mem>>
        %dma_start3A = tpu.memref_slice %arg4[%add3A_22] : memref<160000xi32, #tpu.memory_space<hbm>> -> memref<200xi32, #tpu.memory_space<hbm>>
        %dma_start3A_23 = tpu.memref_slice %arg4[%add3A_22] : memref<160000xi32, #tpu.memory_space<hbm>> -> memref<200xi32, #tpu.memory_space<hbm>>
        tpu.enqueue_dma source(%dma_start3A_23 : memref<200xi32, #tpu.memory_space<hbm>>) target(%arg8 : memref<200xi32, #tpu.memory_space<vmem>>) target_semaphore(%run_scoped3A : memref<!tpu.dma_semaphore, #tpu.memory_space<semaphore_mem>>)
        %dma_wait3A = tpu.memref_slice %arg4[%add3A_22] : memref<160000xi32, #tpu.memory_space<hbm>> -> memref<200xi32, #tpu.memory_space<hbm>>
        %dma_wait3A_24 = tpu.memref_slice %arg4[%add3A_22] : memref<160000xi32, #tpu.memory_space<hbm>> -> memref<200xi32, #tpu.memory_space<hbm>>
        tpu.wait_dma2 semaphore(%run_scoped3A : memref<!tpu.dma_semaphore, #tpu.memory_space<semaphore_mem>>) src(%dma_wait3A_24 : memref<200xi32, #tpu.memory_space<hbm>>) dst(%arg8 : memref<200xi32, #tpu.memory_space<vmem>>)
        tpu.yield
      }) : () -> ()
      "tpu.region"() ({
        %run_scoped3A = tpu.sem_alloc : memref<!tpu.dma_semaphore, #tpu.memory_space<semaphore_mem>>
        %dma_start3A = arith.constant 0 : i32
        %dma_start3A_23 = tpu.memref_slice %arg3[%add3A_22, %dma_start3A] : memref<160000x128xf32, #tpu.memory_space<hbm>> -> memref<200x128xf32, #tpu.memory_space<hbm>>
        %dma_start3A_24 = arith.constant 0 : i32
        %dma_start3A_25 = tpu.memref_slice %arg3[%add3A_22, %dma_start3A_24] : memref<160000x128xf32, #tpu.memory_space<hbm>> -> memref<200x128xf32, #tpu.memory_space<hbm>>
        tpu.enqueue_dma source(%dma_start3A_25 : memref<200x128xf32, #tpu.memory_space<hbm>>) target(%arg9 : memref<200x128xf32, #tpu.memory_space<vmem>>) target_semaphore(%run_scoped3A : memref<!tpu.dma_semaphore, #tpu.memory_space<semaphore_mem>>)
        %dma_wait3A = arith.constant 0 : i32
        %dma_wait3A_26 = tpu.memref_slice %arg3[%add3A_22, %dma_wait3A] : memref<160000x128xf32, #tpu.memory_space<hbm>> -> memref<200x128xf32, #tpu.memory_space<hbm>>
        %dma_wait3A_27 = arith.constant 0 : i32
        %dma_wait3A_28 = tpu.memref_slice %arg3[%add3A_22, %dma_wait3A_27] : memref<160000x128xf32, #tpu.memory_space<hbm>> -> memref<200x128xf32, #tpu.memory_space<hbm>>
        tpu.wait_dma2 semaphore(%run_scoped3A : memref<!tpu.dma_semaphore, #tpu.memory_space<semaphore_mem>>) src(%dma_wait3A_28 : memref<200x128xf32, #tpu.memory_space<hbm>>) dst(%arg9 : memref<200x128xf32, #tpu.memory_space<vmem>>)
        tpu.yield
      }) : () -> ()
      "tpu.region"() ({
        %run_scoped3A = tpu.sem_alloc : memref<!tpu.dma_semaphore, #tpu.memory_space<semaphore_mem>>
        %dma_start3A = arith.constant 0 : i32
        %dma_start3A_23 = arith.constant 0 : i32
        %dma_start3A_24 = tpu.memref_slice %arg10[%dma_start3A, %dma_start3A_23] : memref<10240x128xf32, #tpu.memory_space<vmem_shared>> -> memref<10240x128xf32, #tpu.memory_space<vmem_shared>>
        tpu.enqueue_indirect_dma source(%arg9 : memref<200x128xf32, #tpu.memory_space<vmem>>) target(%dma_start3A_24 : memref<10240x128xf32, #tpu.memory_space<vmem_shared>>) offsets(%arg8 : memref<200xi32, #tpu.memory_space<vmem>>) semaphore(%run_scoped3A : memref<!tpu.dma_semaphore, #tpu.memory_space<semaphore_mem>>) {add = true}
        %dma_wait3A = arith.constant 0 : i32
        %dma_wait3A_25 = arith.constant 0 : i32
        %dma_wait3A_26 = tpu.memref_slice %arg10[%dma_wait3A, %dma_wait3A_25] : memref<10240x128xf32, #tpu.memory_space<vmem_shared>> -> memref<10240x128xf32, #tpu.memory_space<vmem_shared>>
        tpu.wait_indirect_dma semaphore(%run_scoped3A : memref<!tpu.dma_semaphore, #tpu.memory_space<semaphore_mem>>) src(%arg9 : memref<200x128xf32, #tpu.memory_space<vmem>>) dst(%dma_wait3A_26 : memref<10240x128xf32, #tpu.memory_space<vmem_shared>>)
        tpu.yield
      }) : () -> ()
    }
    %scan3A_17 = arith.constant 25 : i32
    %barrier3A_18 = arith.constant 0 : index
    tpu.barrier barrier_id(%barrier3A_18)
    "tpu.region"() ({
      %run_scoped3A = tpu.sem_alloc : memref<!tpu.dma_semaphore, #tpu.memory_space<semaphore_mem>>
      %dma_start3A = arith.constant 0 : i32
      %dma_start3A_19 = tpu.memref_slice %arg7[%arg0, %mul3A_0, %dma_start3A] : memref<2x10240x128xf32, #tpu.memory_space<hbm>> -> memref<1x640x128xf32, #tpu.memory_space<hbm>>
      %dma_start3A_20 = tpu.memref_squeeze %dma_start3A_19 : memref<1x640x128xf32, #tpu.memory_space<hbm>> -> memref<640x128xf32, #tpu.memory_space<hbm>>
      %dma_start3A_21 = arith.constant 0 : i32
      %dma_start3A_22 = tpu.memref_slice %arg10[%mul3A_0, %dma_start3A_21] : memref<10240x128xf32, #tpu.memory_space<vmem_shared>> -> memref<640x128xf32, #tpu.memory_space<vmem_shared>>
      tpu.enqueue_dma source(%dma_start3A_22 : memref<640x128xf32, #tpu.memory_space<vmem_shared>>) target(%dma_start3A_20 : memref<640x128xf32, #tpu.memory_space<hbm>>) target_semaphore(%run_scoped3A : memref<!tpu.dma_semaphore, #tpu.memory_space<semaphore_mem>>)
      %dma_wait3A = arith.constant 0 : i32
      %dma_wait3A_23 = tpu.memref_slice %arg7[%arg0, %mul3A_0, %dma_wait3A] : memref<2x10240x128xf32, #tpu.memory_space<hbm>> -> memref<1x640x128xf32, #tpu.memory_space<hbm>>
      %dma_wait3A_24 = tpu.memref_squeeze %dma_wait3A_23 : memref<1x640x128xf32, #tpu.memory_space<hbm>> -> memref<640x128xf32, #tpu.memory_space<hbm>>
      %dma_wait3A_25 = arith.constant 0 : i32
      %dma_wait3A_26 = tpu.memref_slice %arg10[%mul3A_0, %dma_wait3A_25] : memref<10240x128xf32, #tpu.memory_space<vmem_shared>> -> memref<640x128xf32, #tpu.memory_space<vmem_shared>>
      tpu.wait_dma2 semaphore(%run_scoped3A : memref<!tpu.dma_semaphore, #tpu.memory_space<semaphore_mem>>) src(%dma_wait3A_26 : memref<640x128xf32, #tpu.memory_space<vmem_shared>>) dst(%dma_wait3A_24 : memref<640x128xf32, #tpu.memory_space<hbm>>)
      tpu.yield
    }) : () -> ()
    return
  }
}

#map = affine_map<(d0, d1) -> (0, 0)>
#map1 = affine_map<(d0, d1) -> (0)>
#map2 = affine_map<(d0, d1) -> (0, 0, 0)>
module attributes {stable_mosaic.version = 14 : i64} {
  func.func @_scatter_sc_body(%arg0: i32, %arg1: i32, %arg2: memref<160000x128xf32, #tpu.memory_space<hbm>>, %arg3: memref<160000x128xf32, #tpu.memory_space<hbm>>, %arg4: memref<160000xi32, #tpu.memory_space<hbm>>, %arg5: memref<640x128xf32, #tpu.memory_space<hbm>>, %arg6: memref<2x10240x128xf32, #tpu.memory_space<hbm>>, %arg7: memref<2x10240x128xf32, #tpu.memory_space<hbm>>, %arg8: memref<200xi32, #tpu.memory_space<vmem>>, %arg9: memref<200x128xf32, #tpu.memory_space<vmem>>, %arg10: memref<10240x128xf32, #tpu.memory_space<vmem_shared>>) attributes {dimension_semantics = [#tpu.dimension_semantics<core_parallel>, #tpu.dimension_semantics<subcore_parallel>], iteration_bounds = array<i64: 2, 16>, scalar_prefetch = 0 : i64, scratch_operands = 3 : i64, tpu.core_type = #tpu.core_type<sc_vector_subcore>, window_params = [{transform_indices = #map}, {transform_indices = #map}, {transform_indices = #map1}, {transform_indices = #map}, {transform_indices = #map2}, {transform_indices = #map2}]} {
    %mul3A = arith.constant 640 : i32
    %mul3A_0 = arith.muli %arg1, %mul3A : i32
    %mul3A_1 = arith.constant 16 : i32
    %mul3A_2 = arith.muli %arg0, %mul3A_1 : i32
    %add3A = arith.addi %mul3A_2, %arg1 : i32
    %mul3A_3 = arith.constant 5000 : i32
    %mul3A_4 = arith.muli %add3A, %mul3A_3 : i32
    "tpu.region"() ({
      %run_scoped3A = tpu.sem_alloc : memref<!tpu.dma_semaphore, #tpu.memory_space<semaphore_mem>>
      %dma_start3A = arith.constant 0 : i32
      %dma_start3A_19 = tpu.memref_slice %arg10[%mul3A_0, %dma_start3A] : memref<10240x128xf32, #tpu.memory_space<vmem_shared>> -> memref<640x128xf32, #tpu.memory_space<vmem_shared>>
      tpu.enqueue_dma source(%arg5 : memref<640x128xf32, #tpu.memory_space<hbm>>) target(%dma_start3A_19 : memref<640x128xf32, #tpu.memory_space<vmem_shared>>) target_semaphore(%run_scoped3A : memref<!tpu.dma_semaphore, #tpu.memory_space<semaphore_mem>>)
      %dma_wait3A = arith.constant 0 : i32
      %dma_wait3A_20 = tpu.memref_slice %arg10[%mul3A_0, %dma_wait3A] : memref<10240x128xf32, #tpu.memory_space<vmem_shared>> -> memref<640x128xf32, #tpu.memory_space<vmem_shared>>
      tpu.wait_dma2 semaphore(%run_scoped3A : memref<!tpu.dma_semaphore, #tpu.memory_space<semaphore_mem>>) src(%arg5 : memref<640x128xf32, #tpu.memory_space<hbm>>) dst(%dma_wait3A_20 : memref<640x128xf32, #tpu.memory_space<vmem_shared>>)
      tpu.yield
    }) : () -> ()
    %barrier3A = arith.constant 0 : index
    tpu.barrier barrier_id(%barrier3A)
    %scan3A = arith.constant 0 : i32
    %scan3A_5 = arith.constant 0 : i32
    %scan3A_6 = arith.constant 25 : i32
    %scan3A_7 = arith.addi %scan3A_5, %scan3A_6 : i32
    %scan3A_8 = arith.constant 1 : i32
    scf.for %scan3A_19 = %scan3A_5 to %scan3A_7 step %scan3A_8  : i32 {
      %mul3A_20 = arith.constant 200 : i32
      %mul3A_21 = arith.muli %scan3A_19, %mul3A_20 : i32
      %add3A_22 = arith.addi %mul3A_4, %mul3A_21 : i32
      "tpu.region"() ({
        %run_scoped3A = tpu.sem_alloc : memref<!tpu.dma_semaphore, #tpu.memory_space<semaphore_mem>>
        %dma_start3A = tpu.memref_slice %arg4[%add3A_22] : memref<160000xi32, #tpu.memory_space<hbm>> -> memref<200xi32, #tpu.memory_space<hbm>>
        %dma_start3A_23 = tpu.memref_slice %arg4[%add3A_22] : memref<160000xi32, #tpu.memory_space<hbm>> -> memref<200xi32, #tpu.memory_space<hbm>>
        tpu.enqueue_dma source(%dma_start3A_23 : memref<200xi32, #tpu.memory_space<hbm>>) target(%arg8 : memref<200xi32, #tpu.memory_space<vmem>>) target_semaphore(%run_scoped3A : memref<!tpu.dma_semaphore, #tpu.memory_space<semaphore_mem>>)
        %dma_wait3A = tpu.memref_slice %arg4[%add3A_22] : memref<160000xi32, #tpu.memory_space<hbm>> -> memref<200xi32, #tpu.memory_space<hbm>>
        %dma_wait3A_24 = tpu.memref_slice %arg4[%add3A_22] : memref<160000xi32, #tpu.memory_space<hbm>> -> memref<200xi32, #tpu.memory_space<hbm>>
        tpu.wait_dma2 semaphore(%run_scoped3A : memref<!tpu.dma_semaphore, #tpu.memory_space<semaphore_mem>>) src(%dma_wait3A_24 : memref<200xi32, #tpu.memory_space<hbm>>) dst(%arg8 : memref<200xi32, #tpu.memory_space<vmem>>)
        tpu.yield
      }) : () -> ()
      "tpu.region"() ({
        %run_scoped3A = tpu.sem_alloc : memref<!tpu.dma_semaphore, #tpu.memory_space<semaphore_mem>>
        %dma_start3A = arith.constant 0 : i32
        %dma_start3A_23 = tpu.memref_slice %arg2[%add3A_22, %dma_start3A] : memref<160000x128xf32, #tpu.memory_space<hbm>> -> memref<200x128xf32, #tpu.memory_space<hbm>>
        %dma_start3A_24 = arith.constant 0 : i32
        %dma_start3A_25 = tpu.memref_slice %arg2[%add3A_22, %dma_start3A_24] : memref<160000x128xf32, #tpu.memory_space<hbm>> -> memref<200x128xf32, #tpu.memory_space<hbm>>
        tpu.enqueue_dma source(%dma_start3A_25 : memref<200x128xf32, #tpu.memory_space<hbm>>) target(%arg9 : memref<200x128xf32, #tpu.memory_space<vmem>>) target_semaphore(%run_scoped3A : memref<!tpu.dma_semaphore, #tpu.memory_space<semaphore_mem>>)
        %dma_wait3A = arith.constant 0 : i32
        %dma_wait3A_26 = tpu.memref_slice %arg2[%add3A_22, %dma_wait3A] : memref<160000x128xf32, #tpu.memory_space<hbm>> -> memref<200x128xf32, #tpu.memory_space<hbm>>
        %dma_wait3A_27 = arith.constant 0 : i32
        %dma_wait3A_28 = tpu.memref_slice %arg2[%add3A_22, %dma_wait3A_27] : memref<160000x128xf32, #tpu.memory_space<hbm>> -> memref<200x128xf32, #tpu.memory_space<hbm>>
        tpu.wait_dma2 semaphore(%run_scoped3A : memref<!tpu.dma_semaphore, #tpu.memory_space<semaphore_mem>>) src(%dma_wait3A_28 : memref<200x128xf32, #tpu.memory_space<hbm>>) dst(%arg9 : memref<200x128xf32, #tpu.memory_space<vmem>>)
        tpu.yield
      }) : () -> ()
      "tpu.region"() ({
        %run_scoped3A = tpu.sem_alloc : memref<!tpu.dma_semaphore, #tpu.memory_space<semaphore_mem>>
        %dma_start3A = arith.constant 0 : i32
        %dma_start3A_23 = arith.constant 0 : i32
        %dma_start3A_24 = tpu.memref_slice %arg10[%dma_start3A, %dma_start3A_23] : memref<10240x128xf32, #tpu.memory_space<vmem_shared>> -> memref<10240x128xf32, #tpu.memory_space<vmem_shared>>
        tpu.enqueue_indirect_dma source(%arg9 : memref<200x128xf32, #tpu.memory_space<vmem>>) target(%dma_start3A_24 : memref<10240x128xf32, #tpu.memory_space<vmem_shared>>) offsets(%arg8 : memref<200xi32, #tpu.memory_space<vmem>>) semaphore(%run_scoped3A : memref<!tpu.dma_semaphore, #tpu.memory_space<semaphore_mem>>) {add = true}
        %dma_wait3A = arith.constant 0 : i32
        %dma_wait3A_25 = arith.constant 0 : i32
        %dma_wait3A_26 = tpu.memref_slice %arg10[%dma_wait3A, %dma_wait3A_25] : memref<10240x128xf32, #tpu.memory_space<vmem_shared>> -> memref<10240x128xf32, #tpu.memory_space<vmem_shared>>
        tpu.wait_indirect_dma semaphore(%run_scoped3A : memref<!tpu.dma_semaphore, #tpu.memory_space<semaphore_mem>>) src(%arg9 : memref<200x128xf32, #tpu.memory_space<vmem>>) dst(%dma_wait3A_26 : memref<10240x128xf32, #tpu.memory_space<vmem_shared>>)
        tpu.yield
      }) : () -> ()
    }
    %scan3A_9 = arith.constant 25 : i32
    %barrier3A_10 = arith.constant 0 : index
    tpu.barrier barrier_id(%barrier3A_10)
    "tpu.region"() ({
      %run_scoped3A = tpu.sem_alloc : memref<!tpu.dma_semaphore, #tpu.memory_space<semaphore_mem>>
      %dma_start3A = arith.constant 0 : i32
      %dma_start3A_19 = tpu.memref_slice %arg6[%arg0, %mul3A_0, %dma_start3A] : memref<2x10240x128xf32, #tpu.memory_space<hbm>> -> memref<1x640x128xf32, #tpu.memory_space<hbm>>
      %dma_start3A_20 = tpu.memref_squeeze %dma_start3A_19 : memref<1x640x128xf32, #tpu.memory_space<hbm>> -> memref<640x128xf32, #tpu.memory_space<hbm>>
      %dma_start3A_21 = arith.constant 0 : i32
      %dma_start3A_22 = tpu.memref_slice %arg10[%mul3A_0, %dma_start3A_21] : memref<10240x128xf32, #tpu.memory_space<vmem_shared>> -> memref<640x128xf32, #tpu.memory_space<vmem_shared>>
      tpu.enqueue_dma source(%dma_start3A_22 : memref<640x128xf32, #tpu.memory_space<vmem_shared>>) target(%dma_start3A_20 : memref<640x128xf32, #tpu.memory_space<hbm>>) target_semaphore(%run_scoped3A : memref<!tpu.dma_semaphore, #tpu.memory_space<semaphore_mem>>)
      %dma_wait3A = arith.constant 0 : i32
      %dma_wait3A_23 = tpu.memref_slice %arg6[%arg0, %mul3A_0, %dma_wait3A] : memref<2x10240x128xf32, #tpu.memory_space<hbm>> -> memref<1x640x128xf32, #tpu.memory_space<hbm>>
      %dma_wait3A_24 = tpu.memref_squeeze %dma_wait3A_23 : memref<1x640x128xf32, #tpu.memory_space<hbm>> -> memref<640x128xf32, #tpu.memory_space<hbm>>
      %dma_wait3A_25 = arith.constant 0 : i32
      %dma_wait3A_26 = tpu.memref_slice %arg10[%mul3A_0, %dma_wait3A_25] : memref<10240x128xf32, #tpu.memory_space<vmem_shared>> -> memref<640x128xf32, #tpu.memory_space<vmem_shared>>
      tpu.wait_dma2 semaphore(%run_scoped3A : memref<!tpu.dma_semaphore, #tpu.memory_space<semaphore_mem>>) src(%dma_wait3A_26 : memref<640x128xf32, #tpu.memory_space<vmem_shared>>) dst(%dma_wait3A_24 : memref<640x128xf32, #tpu.memory_space<hbm>>)
      tpu.yield
    }) : () -> ()
    "tpu.region"() ({
      %run_scoped3A = tpu.sem_alloc : memref<!tpu.dma_semaphore, #tpu.memory_space<semaphore_mem>>
      %dma_start3A = arith.constant 0 : i32
      %dma_start3A_19 = tpu.memref_slice %arg10[%mul3A_0, %dma_start3A] : memref<10240x128xf32, #tpu.memory_space<vmem_shared>> -> memref<640x128xf32, #tpu.memory_space<vmem_shared>>
      tpu.enqueue_dma source(%arg5 : memref<640x128xf32, #tpu.memory_space<hbm>>) target(%dma_start3A_19 : memref<640x128xf32, #tpu.memory_space<vmem_shared>>) target_semaphore(%run_scoped3A : memref<!tpu.dma_semaphore, #tpu.memory_space<semaphore_mem>>)
      %dma_wait3A = arith.constant 0 : i32
      %dma_wait3A_20 = tpu.memref_slice %arg10[%mul3A_0, %dma_wait3A] : memref<10240x128xf32, #tpu.memory_space<vmem_shared>> -> memref<640x128xf32, #tpu.memory_space<vmem_shared>>
      tpu.wait_dma2 semaphore(%run_scoped3A : memref<!tpu.dma_semaphore, #tpu.memory_space<semaphore_mem>>) src(%arg5 : memref<640x128xf32, #tpu.memory_space<hbm>>) dst(%dma_wait3A_20 : memref<640x128xf32, #tpu.memory_space<vmem_shared>>)
      tpu.yield
    }) : () -> ()
    %barrier3A_11 = arith.constant 0 : index
    tpu.barrier barrier_id(%barrier3A_11)
    %scan3A_12 = arith.constant 0 : i32
    %scan3A_13 = arith.constant 0 : i32
    %scan3A_14 = arith.constant 25 : i32
    %scan3A_15 = arith.addi %scan3A_13, %scan3A_14 : i32
    %scan3A_16 = arith.constant 1 : i32
    scf.for %scan3A_19 = %scan3A_13 to %scan3A_15 step %scan3A_16  : i32 {
      %mul3A_20 = arith.constant 200 : i32
      %mul3A_21 = arith.muli %scan3A_19, %mul3A_20 : i32
      %add3A_22 = arith.addi %mul3A_4, %mul3A_21 : i32
      "tpu.region"() ({
        %run_scoped3A = tpu.sem_alloc : memref<!tpu.dma_semaphore, #tpu.memory_space<semaphore_mem>>
        %dma_start3A = tpu.memref_slice %arg4[%add3A_22] : memref<160000xi32, #tpu.memory_space<hbm>> -> memref<200xi32, #tpu.memory_space<hbm>>
        %dma_start3A_23 = tpu.memref_slice %arg4[%add3A_22] : memref<160000xi32, #tpu.memory_space<hbm>> -> memref<200xi32, #tpu.memory_space<hbm>>
        tpu.enqueue_dma source(%dma_start3A_23 : memref<200xi32, #tpu.memory_space<hbm>>) target(%arg8 : memref<200xi32, #tpu.memory_space<vmem>>) target_semaphore(%run_scoped3A : memref<!tpu.dma_semaphore, #tpu.memory_space<semaphore_mem>>)
        %dma_wait3A = tpu.memref_slice %arg4[%add3A_22] : memref<160000xi32, #tpu.memory_space<hbm>> -> memref<200xi32, #tpu.memory_space<hbm>>
        %dma_wait3A_24 = tpu.memref_slice %arg4[%add3A_22] : memref<160000xi32, #tpu.memory_space<hbm>> -> memref<200xi32, #tpu.memory_space<hbm>>
        tpu.wait_dma2 semaphore(%run_scoped3A : memref<!tpu.dma_semaphore, #tpu.memory_space<semaphore_mem>>) src(%dma_wait3A_24 : memref<200xi32, #tpu.memory_space<hbm>>) dst(%arg8 : memref<200xi32, #tpu.memory_space<vmem>>)
        tpu.yield
      }) : () -> ()
      "tpu.region"() ({
        %run_scoped3A = tpu.sem_alloc : memref<!tpu.dma_semaphore, #tpu.memory_space<semaphore_mem>>
        %dma_start3A = arith.constant 0 : i32
        %dma_start3A_23 = tpu.memref_slice %arg3[%add3A_22, %dma_start3A] : memref<160000x128xf32, #tpu.memory_space<hbm>> -> memref<200x128xf32, #tpu.memory_space<hbm>>
        %dma_start3A_24 = arith.constant 0 : i32
        %dma_start3A_25 = tpu.memref_slice %arg3[%add3A_22, %dma_start3A_24] : memref<160000x128xf32, #tpu.memory_space<hbm>> -> memref<200x128xf32, #tpu.memory_space<hbm>>
        tpu.enqueue_dma source(%dma_start3A_25 : memref<200x128xf32, #tpu.memory_space<hbm>>) target(%arg9 : memref<200x128xf32, #tpu.memory_space<vmem>>) target_semaphore(%run_scoped3A : memref<!tpu.dma_semaphore, #tpu.memory_space<semaphore_mem>>)
        %dma_wait3A = arith.constant 0 : i32
        %dma_wait3A_26 = tpu.memref_slice %arg3[%add3A_22, %dma_wait3A] : memref<160000x128xf32, #tpu.memory_space<hbm>> -> memref<200x128xf32, #tpu.memory_space<hbm>>
        %dma_wait3A_27 = arith.constant 0 : i32
        %dma_wait3A_28 = tpu.memref_slice %arg3[%add3A_22, %dma_wait3A_27] : memref<160000x128xf32, #tpu.memory_space<hbm>> -> memref<200x128xf32, #tpu.memory_space<hbm>>
        tpu.wait_dma2 semaphore(%run_scoped3A : memref<!tpu.dma_semaphore, #tpu.memory_space<semaphore_mem>>) src(%dma_wait3A_28 : memref<200x128xf32, #tpu.memory_space<hbm>>) dst(%arg9 : memref<200x128xf32, #tpu.memory_space<vmem>>)
        tpu.yield
      }) : () -> ()
      "tpu.region"() ({
        %run_scoped3A = tpu.sem_alloc : memref<!tpu.dma_semaphore, #tpu.memory_space<semaphore_mem>>
        %dma_start3A = arith.constant 0 : i32
        %dma_start3A_23 = arith.constant 0 : i32
        %dma_start3A_24 = tpu.memref_slice %arg10[%dma_start3A, %dma_start3A_23] : memref<10240x128xf32, #tpu.memory_space<vmem_shared>> -> memref<10240x128xf32, #tpu.memory_space<vmem_shared>>
        tpu.enqueue_indirect_dma source(%arg9 : memref<200x128xf32, #tpu.memory_space<vmem>>) target(%dma_start3A_24 : memref<10240x128xf32, #tpu.memory_space<vmem_shared>>) offsets(%arg8 : memref<200xi32, #tpu.memory_space<vmem>>) semaphore(%run_scoped3A : memref<!tpu.dma_semaphore, #tpu.memory_space<semaphore_mem>>) {add = true}
        %dma_wait3A = arith.constant 0 : i32
        %dma_wait3A_25 = arith.constant 0 : i32
        %dma_wait3A_26 = tpu.memref_slice %arg10[%dma_wait3A, %dma_wait3A_25] : memref<10240x128xf32, #tpu.memory_space<vmem_shared>> -> memref<10240x128xf32, #tpu.memory_space<vmem_shared>>
        tpu.wait_indirect_dma semaphore(%run_scoped3A : memref<!tpu.dma_semaphore, #tpu.memory_space<semaphore_mem>>) src(%arg9 : memref<200x128xf32, #tpu.memory_space<vmem>>) dst(%dma_wait3A_26 : memref<10240x128xf32, #tpu.memory_space<vmem_shared>>)
        tpu.yield
      }) : () -> ()
    }
    %scan3A_17 = arith.constant 25 : i32
    %barrier3A_18 = arith.constant 0 : index
    tpu.barrier barrier_id(%barrier3A_18)
    "tpu.region"() ({
      %run_scoped3A = tpu.sem_alloc : memref<!tpu.dma_semaphore, #tpu.memory_space<semaphore_mem>>
      %dma_start3A = arith.constant 0 : i32
      %dma_start3A_19 = tpu.memref_slice %arg7[%arg0, %mul3A_0, %dma_start3A] : memref<2x10240x128xf32, #tpu.memory_space<hbm>> -> memref<1x640x128xf32, #tpu.memory_space<hbm>>
      %dma_start3A_20 = tpu.memref_squeeze %dma_start3A_19 : memref<1x640x128xf32, #tpu.memory_space<hbm>> -> memref<640x128xf32, #tpu.memory_space<hbm>>
      %dma_start3A_21 = arith.constant 0 : i32
      %dma_start3A_22 = tpu.memref_slice %arg10[%mul3A_0, %dma_start3A_21] : memref<10240x128xf32, #tpu.memory_space<vmem_shared>> -> memref<640x128xf32, #tpu.memory_space<vmem_shared>>
      tpu.enqueue_dma source(%dma_start3A_22 : memref<640x128xf32, #tpu.memory_space<vmem_shared>>) target(%dma_start3A_20 : memref<640x128xf32, #tpu.memory_space<hbm>>) target_semaphore(%run_scoped3A : memref<!tpu.dma_semaphore, #tpu.memory_space<semaphore_mem>>)
      %dma_wait3A = arith.constant 0 : i32
      %dma_wait3A_23 = tpu.memref_slice %arg7[%arg0, %mul3A_0, %dma_wait3A] : memref<2x10240x128xf32, #tpu.memory_space<hbm>> -> memref<1x640x128xf32, #tpu.memory_space<hbm>>
      %dma_wait3A_24 = tpu.memref_squeeze %dma_wait3A_23 : memref<1x640x128xf32, #tpu.memory_space<hbm>> -> memref<640x128xf32, #tpu.memory_space<hbm>>
      %dma_wait3A_25 = arith.constant 0 : i32
      %dma_wait3A_26 = tpu.memref_slice %arg10[%mul3A_0, %dma_wait3A_25] : memref<10240x128xf32, #tpu.memory_space<vmem_shared>> -> memref<640x128xf32, #tpu.memory_space<vmem_shared>>
      tpu.wait_dma2 semaphore(%run_scoped3A : memref<!tpu.dma_semaphore, #tpu.memory_space<semaphore_mem>>) src(%dma_wait3A_26 : memref<640x128xf32, #tpu.memory_space<vmem_shared>>) dst(%dma_wait3A_24 : memref<640x128xf32, #tpu.memory_space<hbm>>)
      tpu.yield
    }) : () -> ()
    return
  }
}

#map = affine_map<(d0, d1) -> (0, 0)>
#map1 = affine_map<(d0, d1) -> (0)>
module attributes {stable_mosaic.version = 14 : i64} {
  func.func @_gather_sc_body(%arg0: i32, %arg1: i32, %arg2: memref<10240x128xf32, #tpu.memory_space<hbm>>, %arg3: memref<10240x128xf32, #tpu.memory_space<hbm>>, %arg4: memref<10240x128xf32, #tpu.memory_space<hbm>>, %arg5: memref<160000xi32, #tpu.memory_space<hbm>>, %arg6: memref<160000xi32, #tpu.memory_space<hbm>>, %arg7: memref<160000x128xf32, #tpu.memory_space<hbm>>, %arg8: memref<160000x128xf32, #tpu.memory_space<hbm>>, %arg9: memref<160000x128xf32, #tpu.memory_space<hbm>>, %arg10: memref<200xi32, #tpu.memory_space<vmem>>, %arg11: memref<200xi32, #tpu.memory_space<vmem>>, %arg12: memref<200x128xf32, #tpu.memory_space<vmem>>, %arg13: memref<200x128xf32, #tpu.memory_space<vmem>>, %arg14: memref<200x128xf32, #tpu.memory_space<vmem>>, %arg15: memref<!tpu.dma_semaphore, #tpu.memory_space<semaphore_mem>>, %arg16: memref<!tpu.dma_semaphore, #tpu.memory_space<semaphore_mem>>, %arg17: memref<!tpu.dma_semaphore, #tpu.memory_space<semaphore_mem>>) attributes {dimension_semantics = [#tpu.dimension_semantics<core_parallel>, #tpu.dimension_semantics<subcore_parallel>], iteration_bounds = array<i64: 2, 16>, scalar_prefetch = 0 : i64, scratch_operands = 8 : i64, tpu.core_type = #tpu.core_type<sc_vector_subcore>, window_params = [{transform_indices = #map}, {transform_indices = #map}, {transform_indices = #map}, {transform_indices = #map1}, {transform_indices = #map1}, {transform_indices = #map}, {transform_indices = #map}, {transform_indices = #map}]} {
    %mul3A = arith.constant 16 : i32
    %mul3A_0 = arith.muli %arg0, %mul3A : i32
    %add3A = arith.addi %mul3A_0, %arg1 : i32
    %mul3A_1 = arith.constant 5000 : i32
    %mul3A_2 = arith.muli %add3A, %mul3A_1 : i32
    %scan3A = arith.constant 0 : i32
    %scan3A_3 = arith.constant 0 : i32
    %scan3A_4 = arith.constant 25 : i32
    %scan3A_5 = arith.addi %scan3A_3, %scan3A_4 : i32
    %scan3A_6 = arith.constant 1 : i32
    scf.for %scan3A_8 = %scan3A_3 to %scan3A_5 step %scan3A_6  : i32 {
      %mul3A_9 = arith.constant 200 : i32
      %mul3A_10 = arith.muli %scan3A_8, %mul3A_9 : i32
      %add3A_11 = arith.addi %mul3A_2, %mul3A_10 : i32
      "tpu.region"() ({
        %run_scoped3A = tpu.sem_alloc : memref<!tpu.dma_semaphore, #tpu.memory_space<semaphore_mem>>
        %dma_start3A_28 = tpu.memref_slice %arg5[%add3A_11] : memref<160000xi32, #tpu.memory_space<hbm>> -> memref<200xi32, #tpu.memory_space<hbm>>
        %dma_start3A_29 = tpu.memref_slice %arg5[%add3A_11] : memref<160000xi32, #tpu.memory_space<hbm>> -> memref<200xi32, #tpu.memory_space<hbm>>
        tpu.enqueue_dma source(%dma_start3A_29 : memref<200xi32, #tpu.memory_space<hbm>>) target(%arg10 : memref<200xi32, #tpu.memory_space<vmem>>) target_semaphore(%run_scoped3A : memref<!tpu.dma_semaphore, #tpu.memory_space<semaphore_mem>>)
        %dma_wait3A_30 = tpu.memref_slice %arg5[%add3A_11] : memref<160000xi32, #tpu.memory_space<hbm>> -> memref<200xi32, #tpu.memory_space<hbm>>
        %dma_wait3A_31 = tpu.memref_slice %arg5[%add3A_11] : memref<160000xi32, #tpu.memory_space<hbm>> -> memref<200xi32, #tpu.memory_space<hbm>>
        tpu.wait_dma2 semaphore(%run_scoped3A : memref<!tpu.dma_semaphore, #tpu.memory_space<semaphore_mem>>) src(%dma_wait3A_31 : memref<200xi32, #tpu.memory_space<hbm>>) dst(%arg10 : memref<200xi32, #tpu.memory_space<vmem>>)
        tpu.yield
      }) : () -> ()
      "tpu.region"() ({
        %run_scoped3A = tpu.sem_alloc : memref<!tpu.dma_semaphore, #tpu.memory_space<semaphore_mem>>
        %dma_start3A_28 = tpu.memref_slice %arg6[%add3A_11] : memref<160000xi32, #tpu.memory_space<hbm>> -> memref<200xi32, #tpu.memory_space<hbm>>
        %dma_start3A_29 = tpu.memref_slice %arg6[%add3A_11] : memref<160000xi32, #tpu.memory_space<hbm>> -> memref<200xi32, #tpu.memory_space<hbm>>
        tpu.enqueue_dma source(%dma_start3A_29 : memref<200xi32, #tpu.memory_space<hbm>>) target(%arg11 : memref<200xi32, #tpu.memory_space<vmem>>) target_semaphore(%run_scoped3A : memref<!tpu.dma_semaphore, #tpu.memory_space<semaphore_mem>>)
        %dma_wait3A_30 = tpu.memref_slice %arg6[%add3A_11] : memref<160000xi32, #tpu.memory_space<hbm>> -> memref<200xi32, #tpu.memory_space<hbm>>
        %dma_wait3A_31 = tpu.memref_slice %arg6[%add3A_11] : memref<160000xi32, #tpu.memory_space<hbm>> -> memref<200xi32, #tpu.memory_space<hbm>>
        tpu.wait_dma2 semaphore(%run_scoped3A : memref<!tpu.dma_semaphore, #tpu.memory_space<semaphore_mem>>) src(%dma_wait3A_31 : memref<200xi32, #tpu.memory_space<hbm>>) dst(%arg11 : memref<200xi32, #tpu.memory_space<vmem>>)
        tpu.yield
      }) : () -> ()
      %dma_start3A = arith.constant 0 : i32
      %dma_start3A_12 = arith.constant 0 : i32
      %dma_start3A_13 = tpu.memref_slice %arg3[%dma_start3A, %dma_start3A_12] : memref<10240x128xf32, #tpu.memory_space<hbm>> -> memref<10240x128xf32, #tpu.memory_space<hbm>>
      tpu.enqueue_indirect_dma source(%dma_start3A_13 : memref<10240x128xf32, #tpu.memory_space<hbm>>) target(%arg12 : memref<200x128xf32, #tpu.memory_space<vmem>>) offsets(%arg10 : memref<200xi32, #tpu.memory_space<vmem>>) semaphore(%arg15 : memref<!tpu.dma_semaphore, #tpu.memory_space<semaphore_mem>>)
      %dma_start3A_14 = arith.constant 0 : i32
      %dma_start3A_15 = arith.constant 0 : i32
      %dma_start3A_16 = tpu.memref_slice %arg4[%dma_start3A_14, %dma_start3A_15] : memref<10240x128xf32, #tpu.memory_space<hbm>> -> memref<10240x128xf32, #tpu.memory_space<hbm>>
      tpu.enqueue_indirect_dma source(%dma_start3A_16 : memref<10240x128xf32, #tpu.memory_space<hbm>>) target(%arg13 : memref<200x128xf32, #tpu.memory_space<vmem>>) offsets(%arg10 : memref<200xi32, #tpu.memory_space<vmem>>) semaphore(%arg16 : memref<!tpu.dma_semaphore, #tpu.memory_space<semaphore_mem>>)
      %dma_start3A_17 = arith.constant 0 : i32
      %dma_start3A_18 = arith.constant 0 : i32
      %dma_start3A_19 = tpu.memref_slice %arg2[%dma_start3A_17, %dma_start3A_18] : memref<10240x128xf32, #tpu.memory_space<hbm>> -> memref<10240x128xf32, #tpu.memory_space<hbm>>
      tpu.enqueue_indirect_dma source(%dma_start3A_19 : memref<10240x128xf32, #tpu.memory_space<hbm>>) target(%arg14 : memref<200x128xf32, #tpu.memory_space<vmem>>) offsets(%arg11 : memref<200xi32, #tpu.memory_space<vmem>>) semaphore(%arg17 : memref<!tpu.dma_semaphore, #tpu.memory_space<semaphore_mem>>)
      %dma_wait3A = arith.constant 0 : i32
      %dma_wait3A_20 = arith.constant 0 : i32
      %dma_wait3A_21 = tpu.memref_slice %arg3[%dma_wait3A, %dma_wait3A_20] : memref<10240x128xf32, #tpu.memory_space<hbm>> -> memref<10240x128xf32, #tpu.memory_space<hbm>>
      tpu.wait_indirect_dma semaphore(%arg15 : memref<!tpu.dma_semaphore, #tpu.memory_space<semaphore_mem>>) src(%dma_wait3A_21 : memref<10240x128xf32, #tpu.memory_space<hbm>>) dst(%arg12 : memref<200x128xf32, #tpu.memory_space<vmem>>)
      "tpu.region"() ({
        %run_scoped3A = tpu.sem_alloc : memref<!tpu.dma_semaphore, #tpu.memory_space<semaphore_mem>>
        %dma_start3A_28 = arith.constant 0 : i32
        %dma_start3A_29 = tpu.memref_slice %arg8[%add3A_11, %dma_start3A_28] : memref<160000x128xf32, #tpu.memory_space<hbm>> -> memref<200x128xf32, #tpu.memory_space<hbm>>
        %dma_start3A_30 = arith.constant 0 : i32
        %dma_start3A_31 = tpu.memref_slice %arg8[%add3A_11, %dma_start3A_30] : memref<160000x128xf32, #tpu.memory_space<hbm>> -> memref<200x128xf32, #tpu.memory_space<hbm>>
        tpu.enqueue_dma source(%arg12 : memref<200x128xf32, #tpu.memory_space<vmem>>) target(%dma_start3A_31 : memref<200x128xf32, #tpu.memory_space<hbm>>) target_semaphore(%run_scoped3A : memref<!tpu.dma_semaphore, #tpu.memory_space<semaphore_mem>>)
        %dma_wait3A_32 = arith.constant 0 : i32
        %dma_wait3A_33 = tpu.memref_slice %arg8[%add3A_11, %dma_wait3A_32] : memref<160000x128xf32, #tpu.memory_space<hbm>> -> memref<200x128xf32, #tpu.memory_space<hbm>>
        %dma_wait3A_34 = arith.constant 0 : i32
        %dma_wait3A_35 = tpu.memref_slice %arg8[%add3A_11, %dma_wait3A_34] : memref<160000x128xf32, #tpu.memory_space<hbm>> -> memref<200x128xf32, #tpu.memory_space<hbm>>
        tpu.wait_dma2 semaphore(%run_scoped3A : memref<!tpu.dma_semaphore, #tpu.memory_space<semaphore_mem>>) src(%arg12 : memref<200x128xf32, #tpu.memory_space<vmem>>) dst(%dma_wait3A_35 : memref<200x128xf32, #tpu.memory_space<hbm>>)
        tpu.yield
      }) : () -> ()
      %dma_wait3A_22 = arith.constant 0 : i32
      %dma_wait3A_23 = arith.constant 0 : i32
      %dma_wait3A_24 = tpu.memref_slice %arg4[%dma_wait3A_22, %dma_wait3A_23] : memref<10240x128xf32, #tpu.memory_space<hbm>> -> memref<10240x128xf32, #tpu.memory_space<hbm>>
      tpu.wait_indirect_dma semaphore(%arg16 : memref<!tpu.dma_semaphore, #tpu.memory_space<semaphore_mem>>) src(%dma_wait3A_24 : memref<10240x128xf32, #tpu.memory_space<hbm>>) dst(%arg13 : memref<200x128xf32, #tpu.memory_space<vmem>>)
      "tpu.region"() ({
        %run_scoped3A = tpu.sem_alloc : memref<!tpu.dma_semaphore, #tpu.memory_space<semaphore_mem>>
        %dma_start3A_28 = arith.constant 0 : i32
        %dma_start3A_29 = tpu.memref_slice %arg9[%add3A_11, %dma_start3A_28] : memref<160000x128xf32, #tpu.memory_space<hbm>> -> memref<200x128xf32, #tpu.memory_space<hbm>>
        %dma_start3A_30 = arith.constant 0 : i32
        %dma_start3A_31 = tpu.memref_slice %arg9[%add3A_11, %dma_start3A_30] : memref<160000x128xf32, #tpu.memory_space<hbm>> -> memref<200x128xf32, #tpu.memory_space<hbm>>
        tpu.enqueue_dma source(%arg13 : memref<200x128xf32, #tpu.memory_space<vmem>>) target(%dma_start3A_31 : memref<200x128xf32, #tpu.memory_space<hbm>>) target_semaphore(%run_scoped3A : memref<!tpu.dma_semaphore, #tpu.memory_space<semaphore_mem>>)
        %dma_wait3A_32 = arith.constant 0 : i32
        %dma_wait3A_33 = tpu.memref_slice %arg9[%add3A_11, %dma_wait3A_32] : memref<160000x128xf32, #tpu.memory_space<hbm>> -> memref<200x128xf32, #tpu.memory_space<hbm>>
        %dma_wait3A_34 = arith.constant 0 : i32
        %dma_wait3A_35 = tpu.memref_slice %arg9[%add3A_11, %dma_wait3A_34] : memref<160000x128xf32, #tpu.memory_space<hbm>> -> memref<200x128xf32, #tpu.memory_space<hbm>>
        tpu.wait_dma2 semaphore(%run_scoped3A : memref<!tpu.dma_semaphore, #tpu.memory_space<semaphore_mem>>) src(%arg13 : memref<200x128xf32, #tpu.memory_space<vmem>>) dst(%dma_wait3A_35 : memref<200x128xf32, #tpu.memory_space<hbm>>)
        tpu.yield
      }) : () -> ()
      %dma_wait3A_25 = arith.constant 0 : i32
      %dma_wait3A_26 = arith.constant 0 : i32
      %dma_wait3A_27 = tpu.memref_slice %arg2[%dma_wait3A_25, %dma_wait3A_26] : memref<10240x128xf32, #tpu.memory_space<hbm>> -> memref<10240x128xf32, #tpu.memory_space<hbm>>
      tpu.wait_indirect_dma semaphore(%arg17 : memref<!tpu.dma_semaphore, #tpu.memory_space<semaphore_mem>>) src(%dma_wait3A_27 : memref<10240x128xf32, #tpu.memory_space<hbm>>) dst(%arg14 : memref<200x128xf32, #tpu.memory_space<vmem>>)
      "tpu.region"() ({
        %run_scoped3A = tpu.sem_alloc : memref<!tpu.dma_semaphore, #tpu.memory_space<semaphore_mem>>
        %dma_start3A_28 = arith.constant 0 : i32
        %dma_start3A_29 = tpu.memref_slice %arg7[%add3A_11, %dma_start3A_28] : memref<160000x128xf32, #tpu.memory_space<hbm>> -> memref<200x128xf32, #tpu.memory_space<hbm>>
        %dma_start3A_30 = arith.constant 0 : i32
        %dma_start3A_31 = tpu.memref_slice %arg7[%add3A_11, %dma_start3A_30] : memref<160000x128xf32, #tpu.memory_space<hbm>> -> memref<200x128xf32, #tpu.memory_space<hbm>>
        tpu.enqueue_dma source(%arg14 : memref<200x128xf32, #tpu.memory_space<vmem>>) target(%dma_start3A_31 : memref<200x128xf32, #tpu.memory_space<hbm>>) target_semaphore(%run_scoped3A : memref<!tpu.dma_semaphore, #tpu.memory_space<semaphore_mem>>)
        %dma_wait3A_32 = arith.constant 0 : i32
        %dma_wait3A_33 = tpu.memref_slice %arg7[%add3A_11, %dma_wait3A_32] : memref<160000x128xf32, #tpu.memory_space<hbm>> -> memref<200x128xf32, #tpu.memory_space<hbm>>
        %dma_wait3A_34 = arith.constant 0 : i32
        %dma_wait3A_35 = tpu.memref_slice %arg7[%add3A_11, %dma_wait3A_34] : memref<160000x128xf32, #tpu.memory_space<hbm>> -> memref<200x128xf32, #tpu.memory_space<hbm>>
        tpu.wait_dma2 semaphore(%run_scoped3A : memref<!tpu.dma_semaphore, #tpu.memory_space<semaphore_mem>>) src(%arg14 : memref<200x128xf32, #tpu.memory_space<vmem>>) dst(%dma_wait3A_35 : memref<200x128xf32, #tpu.memory_space<hbm>>)
        tpu.yield
      }) : () -> ()
    }
    %scan3A_7 = arith.constant 25 : i32
    return
  }
}

#map = affine_map<(d0, d1) -> (0, 0)>
#map1 = affine_map<(d0, d1) -> (0)>
module attributes {stable_mosaic.version = 14 : i64} {
  func.func @_gather_sc_body(%arg0: i32, %arg1: i32, %arg2: memref<10240x128xf32, #tpu.memory_space<hbm>>, %arg3: memref<10240x128xf32, #tpu.memory_space<hbm>>, %arg4: memref<10240x128xf32, #tpu.memory_space<hbm>>, %arg5: memref<160000xi32, #tpu.memory_space<hbm>>, %arg6: memref<160000xi32, #tpu.memory_space<hbm>>, %arg7: memref<160000x128xf32, #tpu.memory_space<hbm>>, %arg8: memref<160000x128xf32, #tpu.memory_space<hbm>>, %arg9: memref<160000x128xf32, #tpu.memory_space<hbm>>, %arg10: memref<200xi32, #tpu.memory_space<vmem>>, %arg11: memref<200xi32, #tpu.memory_space<vmem>>, %arg12: memref<200x128xf32, #tpu.memory_space<vmem>>, %arg13: memref<200x128xf32, #tpu.memory_space<vmem>>, %arg14: memref<200x128xf32, #tpu.memory_space<vmem>>, %arg15: memref<!tpu.dma_semaphore, #tpu.memory_space<semaphore_mem>>, %arg16: memref<!tpu.dma_semaphore, #tpu.memory_space<semaphore_mem>>, %arg17: memref<!tpu.dma_semaphore, #tpu.memory_space<semaphore_mem>>) attributes {dimension_semantics = [#tpu.dimension_semantics<core_parallel>, #tpu.dimension_semantics<subcore_parallel>], iteration_bounds = array<i64: 2, 16>, scalar_prefetch = 0 : i64, scratch_operands = 8 : i64, tpu.core_type = #tpu.core_type<sc_vector_subcore>, window_params = [{transform_indices = #map}, {transform_indices = #map}, {transform_indices = #map}, {transform_indices = #map1}, {transform_indices = #map1}, {transform_indices = #map}, {transform_indices = #map}, {transform_indices = #map}]} {
    %mul3A = arith.constant 16 : i32
    %mul3A_0 = arith.muli %arg0, %mul3A : i32
    %add3A = arith.addi %mul3A_0, %arg1 : i32
    %mul3A_1 = arith.constant 5000 : i32
    %mul3A_2 = arith.muli %add3A, %mul3A_1 : i32
    %scan3A = arith.constant 0 : i32
    %scan3A_3 = arith.constant 0 : i32
    %scan3A_4 = arith.constant 25 : i32
    %scan3A_5 = arith.addi %scan3A_3, %scan3A_4 : i32
    %scan3A_6 = arith.constant 1 : i32
    scf.for %scan3A_8 = %scan3A_3 to %scan3A_5 step %scan3A_6  : i32 {
      %mul3A_9 = arith.constant 200 : i32
      %mul3A_10 = arith.muli %scan3A_8, %mul3A_9 : i32
      %add3A_11 = arith.addi %mul3A_2, %mul3A_10 : i32
      "tpu.region"() ({
        %run_scoped3A = tpu.sem_alloc : memref<!tpu.dma_semaphore, #tpu.memory_space<semaphore_mem>>
        %dma_start3A_28 = tpu.memref_slice %arg5[%add3A_11] : memref<160000xi32, #tpu.memory_space<hbm>> -> memref<200xi32, #tpu.memory_space<hbm>>
        %dma_start3A_29 = tpu.memref_slice %arg5[%add3A_11] : memref<160000xi32, #tpu.memory_space<hbm>> -> memref<200xi32, #tpu.memory_space<hbm>>
        tpu.enqueue_dma source(%dma_start3A_29 : memref<200xi32, #tpu.memory_space<hbm>>) target(%arg10 : memref<200xi32, #tpu.memory_space<vmem>>) target_semaphore(%run_scoped3A : memref<!tpu.dma_semaphore, #tpu.memory_space<semaphore_mem>>)
        %dma_wait3A_30 = tpu.memref_slice %arg5[%add3A_11] : memref<160000xi32, #tpu.memory_space<hbm>> -> memref<200xi32, #tpu.memory_space<hbm>>
        %dma_wait3A_31 = tpu.memref_slice %arg5[%add3A_11] : memref<160000xi32, #tpu.memory_space<hbm>> -> memref<200xi32, #tpu.memory_space<hbm>>
        tpu.wait_dma2 semaphore(%run_scoped3A : memref<!tpu.dma_semaphore, #tpu.memory_space<semaphore_mem>>) src(%dma_wait3A_31 : memref<200xi32, #tpu.memory_space<hbm>>) dst(%arg10 : memref<200xi32, #tpu.memory_space<vmem>>)
        tpu.yield
      }) : () -> ()
      "tpu.region"() ({
        %run_scoped3A = tpu.sem_alloc : memref<!tpu.dma_semaphore, #tpu.memory_space<semaphore_mem>>
        %dma_start3A_28 = tpu.memref_slice %arg6[%add3A_11] : memref<160000xi32, #tpu.memory_space<hbm>> -> memref<200xi32, #tpu.memory_space<hbm>>
        %dma_start3A_29 = tpu.memref_slice %arg6[%add3A_11] : memref<160000xi32, #tpu.memory_space<hbm>> -> memref<200xi32, #tpu.memory_space<hbm>>
        tpu.enqueue_dma source(%dma_start3A_29 : memref<200xi32, #tpu.memory_space<hbm>>) target(%arg11 : memref<200xi32, #tpu.memory_space<vmem>>) target_semaphore(%run_scoped3A : memref<!tpu.dma_semaphore, #tpu.memory_space<semaphore_mem>>)
        %dma_wait3A_30 = tpu.memref_slice %arg6[%add3A_11] : memref<160000xi32, #tpu.memory_space<hbm>> -> memref<200xi32, #tpu.memory_space<hbm>>
        %dma_wait3A_31 = tpu.memref_slice %arg6[%add3A_11] : memref<160000xi32, #tpu.memory_space<hbm>> -> memref<200xi32, #tpu.memory_space<hbm>>
        tpu.wait_dma2 semaphore(%run_scoped3A : memref<!tpu.dma_semaphore, #tpu.memory_space<semaphore_mem>>) src(%dma_wait3A_31 : memref<200xi32, #tpu.memory_space<hbm>>) dst(%arg11 : memref<200xi32, #tpu.memory_space<vmem>>)
        tpu.yield
      }) : () -> ()
      %dma_start3A = arith.constant 0 : i32
      %dma_start3A_12 = arith.constant 0 : i32
      %dma_start3A_13 = tpu.memref_slice %arg3[%dma_start3A, %dma_start3A_12] : memref<10240x128xf32, #tpu.memory_space<hbm>> -> memref<10240x128xf32, #tpu.memory_space<hbm>>
      tpu.enqueue_indirect_dma source(%dma_start3A_13 : memref<10240x128xf32, #tpu.memory_space<hbm>>) target(%arg12 : memref<200x128xf32, #tpu.memory_space<vmem>>) offsets(%arg10 : memref<200xi32, #tpu.memory_space<vmem>>) semaphore(%arg15 : memref<!tpu.dma_semaphore, #tpu.memory_space<semaphore_mem>>)
      %dma_start3A_14 = arith.constant 0 : i32
      %dma_start3A_15 = arith.constant 0 : i32
      %dma_start3A_16 = tpu.memref_slice %arg4[%dma_start3A_14, %dma_start3A_15] : memref<10240x128xf32, #tpu.memory_space<hbm>> -> memref<10240x128xf32, #tpu.memory_space<hbm>>
      tpu.enqueue_indirect_dma source(%dma_start3A_16 : memref<10240x128xf32, #tpu.memory_space<hbm>>) target(%arg13 : memref<200x128xf32, #tpu.memory_space<vmem>>) offsets(%arg10 : memref<200xi32, #tpu.memory_space<vmem>>) semaphore(%arg16 : memref<!tpu.dma_semaphore, #tpu.memory_space<semaphore_mem>>)
      %dma_start3A_17 = arith.constant 0 : i32
      %dma_start3A_18 = arith.constant 0 : i32
      %dma_start3A_19 = tpu.memref_slice %arg2[%dma_start3A_17, %dma_start3A_18] : memref<10240x128xf32, #tpu.memory_space<hbm>> -> memref<10240x128xf32, #tpu.memory_space<hbm>>
      tpu.enqueue_indirect_dma source(%dma_start3A_19 : memref<10240x128xf32, #tpu.memory_space<hbm>>) target(%arg14 : memref<200x128xf32, #tpu.memory_space<vmem>>) offsets(%arg11 : memref<200xi32, #tpu.memory_space<vmem>>) semaphore(%arg17 : memref<!tpu.dma_semaphore, #tpu.memory_space<semaphore_mem>>)
      %dma_wait3A = arith.constant 0 : i32
      %dma_wait3A_20 = arith.constant 0 : i32
      %dma_wait3A_21 = tpu.memref_slice %arg3[%dma_wait3A, %dma_wait3A_20] : memref<10240x128xf32, #tpu.memory_space<hbm>> -> memref<10240x128xf32, #tpu.memory_space<hbm>>
      tpu.wait_indirect_dma semaphore(%arg15 : memref<!tpu.dma_semaphore, #tpu.memory_space<semaphore_mem>>) src(%dma_wait3A_21 : memref<10240x128xf32, #tpu.memory_space<hbm>>) dst(%arg12 : memref<200x128xf32, #tpu.memory_space<vmem>>)
      "tpu.region"() ({
        %run_scoped3A = tpu.sem_alloc : memref<!tpu.dma_semaphore, #tpu.memory_space<semaphore_mem>>
        %dma_start3A_28 = arith.constant 0 : i32
        %dma_start3A_29 = tpu.memref_slice %arg8[%add3A_11, %dma_start3A_28] : memref<160000x128xf32, #tpu.memory_space<hbm>> -> memref<200x128xf32, #tpu.memory_space<hbm>>
        %dma_start3A_30 = arith.constant 0 : i32
        %dma_start3A_31 = tpu.memref_slice %arg8[%add3A_11, %dma_start3A_30] : memref<160000x128xf32, #tpu.memory_space<hbm>> -> memref<200x128xf32, #tpu.memory_space<hbm>>
        tpu.enqueue_dma source(%arg12 : memref<200x128xf32, #tpu.memory_space<vmem>>) target(%dma_start3A_31 : memref<200x128xf32, #tpu.memory_space<hbm>>) target_semaphore(%run_scoped3A : memref<!tpu.dma_semaphore, #tpu.memory_space<semaphore_mem>>)
        %dma_wait3A_32 = arith.constant 0 : i32
        %dma_wait3A_33 = tpu.memref_slice %arg8[%add3A_11, %dma_wait3A_32] : memref<160000x128xf32, #tpu.memory_space<hbm>> -> memref<200x128xf32, #tpu.memory_space<hbm>>
        %dma_wait3A_34 = arith.constant 0 : i32
        %dma_wait3A_35 = tpu.memref_slice %arg8[%add3A_11, %dma_wait3A_34] : memref<160000x128xf32, #tpu.memory_space<hbm>> -> memref<200x128xf32, #tpu.memory_space<hbm>>
        tpu.wait_dma2 semaphore(%run_scoped3A : memref<!tpu.dma_semaphore, #tpu.memory_space<semaphore_mem>>) src(%arg12 : memref<200x128xf32, #tpu.memory_space<vmem>>) dst(%dma_wait3A_35 : memref<200x128xf32, #tpu.memory_space<hbm>>)
        tpu.yield
      }) : () -> ()
      %dma_wait3A_22 = arith.constant 0 : i32
      %dma_wait3A_23 = arith.constant 0 : i32
      %dma_wait3A_24 = tpu.memref_slice %arg4[%dma_wait3A_22, %dma_wait3A_23] : memref<10240x128xf32, #tpu.memory_space<hbm>> -> memref<10240x128xf32, #tpu.memory_space<hbm>>
      tpu.wait_indirect_dma semaphore(%arg16 : memref<!tpu.dma_semaphore, #tpu.memory_space<semaphore_mem>>) src(%dma_wait3A_24 : memref<10240x128xf32, #tpu.memory_space<hbm>>) dst(%arg13 : memref<200x128xf32, #tpu.memory_space<vmem>>)
      "tpu.region"() ({
        %run_scoped3A = tpu.sem_alloc : memref<!tpu.dma_semaphore, #tpu.memory_space<semaphore_mem>>
        %dma_start3A_28 = arith.constant 0 : i32
        %dma_start3A_29 = tpu.memref_slice %arg9[%add3A_11, %dma_start3A_28] : memref<160000x128xf32, #tpu.memory_space<hbm>> -> memref<200x128xf32, #tpu.memory_space<hbm>>
        %dma_start3A_30 = arith.constant 0 : i32
        %dma_start3A_31 = tpu.memref_slice %arg9[%add3A_11, %dma_start3A_30] : memref<160000x128xf32, #tpu.memory_space<hbm>> -> memref<200x128xf32, #tpu.memory_space<hbm>>
        tpu.enqueue_dma source(%arg13 : memref<200x128xf32, #tpu.memory_space<vmem>>) target(%dma_start3A_31 : memref<200x128xf32, #tpu.memory_space<hbm>>) target_semaphore(%run_scoped3A : memref<!tpu.dma_semaphore, #tpu.memory_space<semaphore_mem>>)
        %dma_wait3A_32 = arith.constant 0 : i32
        %dma_wait3A_33 = tpu.memref_slice %arg9[%add3A_11, %dma_wait3A_32] : memref<160000x128xf32, #tpu.memory_space<hbm>> -> memref<200x128xf32, #tpu.memory_space<hbm>>
        %dma_wait3A_34 = arith.constant 0 : i32
        %dma_wait3A_35 = tpu.memref_slice %arg9[%add3A_11, %dma_wait3A_34] : memref<160000x128xf32, #tpu.memory_space<hbm>> -> memref<200x128xf32, #tpu.memory_space<hbm>>
        tpu.wait_dma2 semaphore(%run_scoped3A : memref<!tpu.dma_semaphore, #tpu.memory_space<semaphore_mem>>) src(%arg13 : memref<200x128xf32, #tpu.memory_space<vmem>>) dst(%dma_wait3A_35 : memref<200x128xf32, #tpu.memory_space<hbm>>)
        tpu.yield
      }) : () -> ()
      %dma_wait3A_25 = arith.constant 0 : i32
      %dma_wait3A_26 = arith.constant 0 : i32
      %dma_wait3A_27 = tpu.memref_slice %arg2[%dma_wait3A_25, %dma_wait3A_26] : memref<10240x128xf32, #tpu.memory_space<hbm>> -> memref<10240x128xf32, #tpu.memory_space<hbm>>
      tpu.wait_indirect_dma semaphore(%arg17 : memref<!tpu.dma_semaphore, #tpu.memory_space<semaphore_mem>>) src(%dma_wait3A_27 : memref<10240x128xf32, #tpu.memory_space<hbm>>) dst(%arg14 : memref<200x128xf32, #tpu.memory_space<vmem>>)
      "tpu.region"() ({
        %run_scoped3A = tpu.sem_alloc : memref<!tpu.dma_semaphore, #tpu.memory_space<semaphore_mem>>
        %dma_start3A_28 = arith.constant 0 : i32
        %dma_start3A_29 = tpu.memref_slice %arg7[%add3A_11, %dma_start3A_28] : memref<160000x128xf32, #tpu.memory_space<hbm>> -> memref<200x128xf32, #tpu.memory_space<hbm>>
        %dma_start3A_30 = arith.constant 0 : i32
        %dma_start3A_31 = tpu.memref_slice %arg7[%add3A_11, %dma_start3A_30] : memref<160000x128xf32, #tpu.memory_space<hbm>> -> memref<200x128xf32, #tpu.memory_space<hbm>>
        tpu.enqueue_dma source(%arg14 : memref<200x128xf32, #tpu.memory_space<vmem>>) target(%dma_start3A_31 : memref<200x128xf32, #tpu.memory_space<hbm>>) target_semaphore(%run_scoped3A : memref<!tpu.dma_semaphore, #tpu.memory_space<semaphore_mem>>)
        %dma_wait3A_32 = arith.constant 0 : i32
        %dma_wait3A_33 = tpu.memref_slice %arg7[%add3A_11, %dma_wait3A_32] : memref<160000x128xf32, #tpu.memory_space<hbm>> -> memref<200x128xf32, #tpu.memory_space<hbm>>
        %dma_wait3A_34 = arith.constant 0 : i32
        %dma_wait3A_35 = tpu.memref_slice %arg7[%add3A_11, %dma_wait3A_34] : memref<160000x128xf32, #tpu.memory_space<hbm>> -> memref<200x128xf32, #tpu.memory_space<hbm>>
        tpu.wait_dma2 semaphore(%run_scoped3A : memref<!tpu.dma_semaphore, #tpu.memory_space<semaphore_mem>>) src(%arg14 : memref<200x128xf32, #tpu.memory_space<vmem>>) dst(%dma_wait3A_35 : memref<200x128xf32, #tpu.memory_space<hbm>>)
        tpu.yield
      }) : () -> ()
    }
    %scan3A_7 = arith.constant 25 : i32
    return
  }
}

#map = affine_map<(d0, d1) -> (0, 0)>
#map1 = affine_map<(d0, d1) -> (0)>
#map2 = affine_map<(d0, d1) -> (0, 0, 0)>
module attributes {stable_mosaic.version = 14 : i64} {
  func.func @_scatter_sc_body(%arg0: i32, %arg1: i32, %arg2: memref<160000x128xf32, #tpu.memory_space<hbm>>, %arg3: memref<160000x128xf32, #tpu.memory_space<hbm>>, %arg4: memref<160000xi32, #tpu.memory_space<hbm>>, %arg5: memref<640x128xf32, #tpu.memory_space<hbm>>, %arg6: memref<2x10240x128xf32, #tpu.memory_space<hbm>>, %arg7: memref<2x10240x128xf32, #tpu.memory_space<hbm>>, %arg8: memref<200xi32, #tpu.memory_space<vmem>>, %arg9: memref<200x128xf32, #tpu.memory_space<vmem>>, %arg10: memref<10240x128xf32, #tpu.memory_space<vmem_shared>>) attributes {dimension_semantics = [#tpu.dimension_semantics<core_parallel>, #tpu.dimension_semantics<subcore_parallel>], iteration_bounds = array<i64: 2, 16>, scalar_prefetch = 0 : i64, scratch_operands = 3 : i64, tpu.core_type = #tpu.core_type<sc_vector_subcore>, window_params = [{transform_indices = #map}, {transform_indices = #map}, {transform_indices = #map1}, {transform_indices = #map}, {transform_indices = #map2}, {transform_indices = #map2}]} {
    %mul3A = arith.constant 640 : i32
    %mul3A_0 = arith.muli %arg1, %mul3A : i32
    %mul3A_1 = arith.constant 16 : i32
    %mul3A_2 = arith.muli %arg0, %mul3A_1 : i32
    %add3A = arith.addi %mul3A_2, %arg1 : i32
    %mul3A_3 = arith.constant 5000 : i32
    %mul3A_4 = arith.muli %add3A, %mul3A_3 : i32
    "tpu.region"() ({
      %run_scoped3A = tpu.sem_alloc : memref<!tpu.dma_semaphore, #tpu.memory_space<semaphore_mem>>
      %dma_start3A = arith.constant 0 : i32
      %dma_start3A_19 = tpu.memref_slice %arg10[%mul3A_0, %dma_start3A] : memref<10240x128xf32, #tpu.memory_space<vmem_shared>> -> memref<640x128xf32, #tpu.memory_space<vmem_shared>>
      tpu.enqueue_dma source(%arg5 : memref<640x128xf32, #tpu.memory_space<hbm>>) target(%dma_start3A_19 : memref<640x128xf32, #tpu.memory_space<vmem_shared>>) target_semaphore(%run_scoped3A : memref<!tpu.dma_semaphore, #tpu.memory_space<semaphore_mem>>)
      %dma_wait3A = arith.constant 0 : i32
      %dma_wait3A_20 = tpu.memref_slice %arg10[%mul3A_0, %dma_wait3A] : memref<10240x128xf32, #tpu.memory_space<vmem_shared>> -> memref<640x128xf32, #tpu.memory_space<vmem_shared>>
      tpu.wait_dma2 semaphore(%run_scoped3A : memref<!tpu.dma_semaphore, #tpu.memory_space<semaphore_mem>>) src(%arg5 : memref<640x128xf32, #tpu.memory_space<hbm>>) dst(%dma_wait3A_20 : memref<640x128xf32, #tpu.memory_space<vmem_shared>>)
      tpu.yield
    }) : () -> ()
    %barrier3A = arith.constant 0 : index
    tpu.barrier barrier_id(%barrier3A)
    %scan3A = arith.constant 0 : i32
    %scan3A_5 = arith.constant 0 : i32
    %scan3A_6 = arith.constant 25 : i32
    %scan3A_7 = arith.addi %scan3A_5, %scan3A_6 : i32
    %scan3A_8 = arith.constant 1 : i32
    scf.for %scan3A_19 = %scan3A_5 to %scan3A_7 step %scan3A_8  : i32 {
      %mul3A_20 = arith.constant 200 : i32
      %mul3A_21 = arith.muli %scan3A_19, %mul3A_20 : i32
      %add3A_22 = arith.addi %mul3A_4, %mul3A_21 : i32
      "tpu.region"() ({
        %run_scoped3A = tpu.sem_alloc : memref<!tpu.dma_semaphore, #tpu.memory_space<semaphore_mem>>
        %dma_start3A = tpu.memref_slice %arg4[%add3A_22] : memref<160000xi32, #tpu.memory_space<hbm>> -> memref<200xi32, #tpu.memory_space<hbm>>
        %dma_start3A_23 = tpu.memref_slice %arg4[%add3A_22] : memref<160000xi32, #tpu.memory_space<hbm>> -> memref<200xi32, #tpu.memory_space<hbm>>
        tpu.enqueue_dma source(%dma_start3A_23 : memref<200xi32, #tpu.memory_space<hbm>>) target(%arg8 : memref<200xi32, #tpu.memory_space<vmem>>) target_semaphore(%run_scoped3A : memref<!tpu.dma_semaphore, #tpu.memory_space<semaphore_mem>>)
        %dma_wait3A = tpu.memref_slice %arg4[%add3A_22] : memref<160000xi32, #tpu.memory_space<hbm>> -> memref<200xi32, #tpu.memory_space<hbm>>
        %dma_wait3A_24 = tpu.memref_slice %arg4[%add3A_22] : memref<160000xi32, #tpu.memory_space<hbm>> -> memref<200xi32, #tpu.memory_space<hbm>>
        tpu.wait_dma2 semaphore(%run_scoped3A : memref<!tpu.dma_semaphore, #tpu.memory_space<semaphore_mem>>) src(%dma_wait3A_24 : memref<200xi32, #tpu.memory_space<hbm>>) dst(%arg8 : memref<200xi32, #tpu.memory_space<vmem>>)
        tpu.yield
      }) : () -> ()
      "tpu.region"() ({
        %run_scoped3A = tpu.sem_alloc : memref<!tpu.dma_semaphore, #tpu.memory_space<semaphore_mem>>
        %dma_start3A = arith.constant 0 : i32
        %dma_start3A_23 = tpu.memref_slice %arg2[%add3A_22, %dma_start3A] : memref<160000x128xf32, #tpu.memory_space<hbm>> -> memref<200x128xf32, #tpu.memory_space<hbm>>
        %dma_start3A_24 = arith.constant 0 : i32
        %dma_start3A_25 = tpu.memref_slice %arg2[%add3A_22, %dma_start3A_24] : memref<160000x128xf32, #tpu.memory_space<hbm>> -> memref<200x128xf32, #tpu.memory_space<hbm>>
        tpu.enqueue_dma source(%dma_start3A_25 : memref<200x128xf32, #tpu.memory_space<hbm>>) target(%arg9 : memref<200x128xf32, #tpu.memory_space<vmem>>) target_semaphore(%run_scoped3A : memref<!tpu.dma_semaphore, #tpu.memory_space<semaphore_mem>>)
        %dma_wait3A = arith.constant 0 : i32
        %dma_wait3A_26 = tpu.memref_slice %arg2[%add3A_22, %dma_wait3A] : memref<160000x128xf32, #tpu.memory_space<hbm>> -> memref<200x128xf32, #tpu.memory_space<hbm>>
        %dma_wait3A_27 = arith.constant 0 : i32
        %dma_wait3A_28 = tpu.memref_slice %arg2[%add3A_22, %dma_wait3A_27] : memref<160000x128xf32, #tpu.memory_space<hbm>> -> memref<200x128xf32, #tpu.memory_space<hbm>>
        tpu.wait_dma2 semaphore(%run_scoped3A : memref<!tpu.dma_semaphore, #tpu.memory_space<semaphore_mem>>) src(%dma_wait3A_28 : memref<200x128xf32, #tpu.memory_space<hbm>>) dst(%arg9 : memref<200x128xf32, #tpu.memory_space<vmem>>)
        tpu.yield
      }) : () -> ()
      "tpu.region"() ({
        %run_scoped3A = tpu.sem_alloc : memref<!tpu.dma_semaphore, #tpu.memory_space<semaphore_mem>>
        %dma_start3A = arith.constant 0 : i32
        %dma_start3A_23 = arith.constant 0 : i32
        %dma_start3A_24 = tpu.memref_slice %arg10[%dma_start3A, %dma_start3A_23] : memref<10240x128xf32, #tpu.memory_space<vmem_shared>> -> memref<10240x128xf32, #tpu.memory_space<vmem_shared>>
        tpu.enqueue_indirect_dma source(%arg9 : memref<200x128xf32, #tpu.memory_space<vmem>>) target(%dma_start3A_24 : memref<10240x128xf32, #tpu.memory_space<vmem_shared>>) offsets(%arg8 : memref<200xi32, #tpu.memory_space<vmem>>) semaphore(%run_scoped3A : memref<!tpu.dma_semaphore, #tpu.memory_space<semaphore_mem>>) {add = true}
        %dma_wait3A = arith.constant 0 : i32
        %dma_wait3A_25 = arith.constant 0 : i32
        %dma_wait3A_26 = tpu.memref_slice %arg10[%dma_wait3A, %dma_wait3A_25] : memref<10240x128xf32, #tpu.memory_space<vmem_shared>> -> memref<10240x128xf32, #tpu.memory_space<vmem_shared>>
        tpu.wait_indirect_dma semaphore(%run_scoped3A : memref<!tpu.dma_semaphore, #tpu.memory_space<semaphore_mem>>) src(%arg9 : memref<200x128xf32, #tpu.memory_space<vmem>>) dst(%dma_wait3A_26 : memref<10240x128xf32, #tpu.memory_space<vmem_shared>>)
        tpu.yield
      }) : () -> ()
    }
    %scan3A_9 = arith.constant 25 : i32
    %barrier3A_10 = arith.constant 0 : index
    tpu.barrier barrier_id(%barrier3A_10)
    "tpu.region"() ({
      %run_scoped3A = tpu.sem_alloc : memref<!tpu.dma_semaphore, #tpu.memory_space<semaphore_mem>>
      %dma_start3A = arith.constant 0 : i32
      %dma_start3A_19 = tpu.memref_slice %arg6[%arg0, %mul3A_0, %dma_start3A] : memref<2x10240x128xf32, #tpu.memory_space<hbm>> -> memref<1x640x128xf32, #tpu.memory_space<hbm>>
      %dma_start3A_20 = tpu.memref_squeeze %dma_start3A_19 : memref<1x640x128xf32, #tpu.memory_space<hbm>> -> memref<640x128xf32, #tpu.memory_space<hbm>>
      %dma_start3A_21 = arith.constant 0 : i32
      %dma_start3A_22 = tpu.memref_slice %arg10[%mul3A_0, %dma_start3A_21] : memref<10240x128xf32, #tpu.memory_space<vmem_shared>> -> memref<640x128xf32, #tpu.memory_space<vmem_shared>>
      tpu.enqueue_dma source(%dma_start3A_22 : memref<640x128xf32, #tpu.memory_space<vmem_shared>>) target(%dma_start3A_20 : memref<640x128xf32, #tpu.memory_space<hbm>>) target_semaphore(%run_scoped3A : memref<!tpu.dma_semaphore, #tpu.memory_space<semaphore_mem>>)
      %dma_wait3A = arith.constant 0 : i32
      %dma_wait3A_23 = tpu.memref_slice %arg6[%arg0, %mul3A_0, %dma_wait3A] : memref<2x10240x128xf32, #tpu.memory_space<hbm>> -> memref<1x640x128xf32, #tpu.memory_space<hbm>>
      %dma_wait3A_24 = tpu.memref_squeeze %dma_wait3A_23 : memref<1x640x128xf32, #tpu.memory_space<hbm>> -> memref<640x128xf32, #tpu.memory_space<hbm>>
      %dma_wait3A_25 = arith.constant 0 : i32
      %dma_wait3A_26 = tpu.memref_slice %arg10[%mul3A_0, %dma_wait3A_25] : memref<10240x128xf32, #tpu.memory_space<vmem_shared>> -> memref<640x128xf32, #tpu.memory_space<vmem_shared>>
      tpu.wait_dma2 semaphore(%run_scoped3A : memref<!tpu.dma_semaphore, #tpu.memory_space<semaphore_mem>>) src(%dma_wait3A_26 : memref<640x128xf32, #tpu.memory_space<vmem_shared>>) dst(%dma_wait3A_24 : memref<640x128xf32, #tpu.memory_space<hbm>>)
      tpu.yield
    }) : () -> ()
    "tpu.region"() ({
      %run_scoped3A = tpu.sem_alloc : memref<!tpu.dma_semaphore, #tpu.memory_space<semaphore_mem>>
      %dma_start3A = arith.constant 0 : i32
      %dma_start3A_19 = tpu.memref_slice %arg10[%mul3A_0, %dma_start3A] : memref<10240x128xf32, #tpu.memory_space<vmem_shared>> -> memref<640x128xf32, #tpu.memory_space<vmem_shared>>
      tpu.enqueue_dma source(%arg5 : memref<640x128xf32, #tpu.memory_space<hbm>>) target(%dma_start3A_19 : memref<640x128xf32, #tpu.memory_space<vmem_shared>>) target_semaphore(%run_scoped3A : memref<!tpu.dma_semaphore, #tpu.memory_space<semaphore_mem>>)
      %dma_wait3A = arith.constant 0 : i32
      %dma_wait3A_20 = tpu.memref_slice %arg10[%mul3A_0, %dma_wait3A] : memref<10240x128xf32, #tpu.memory_space<vmem_shared>> -> memref<640x128xf32, #tpu.memory_space<vmem_shared>>
      tpu.wait_dma2 semaphore(%run_scoped3A : memref<!tpu.dma_semaphore, #tpu.memory_space<semaphore_mem>>) src(%arg5 : memref<640x128xf32, #tpu.memory_space<hbm>>) dst(%dma_wait3A_20 : memref<640x128xf32, #tpu.memory_space<vmem_shared>>)
      tpu.yield
    }) : () -> ()
    %barrier3A_11 = arith.constant 0 : index
    tpu.barrier barrier_id(%barrier3A_11)
    %scan3A_12 = arith.constant 0 : i32
    %scan3A_13 = arith.constant 0 : i32
    %scan3A_14 = arith.constant 25 : i32
    %scan3A_15 = arith.addi %scan3A_13, %scan3A_14 : i32
    %scan3A_16 = arith.constant 1 : i32
    scf.for %scan3A_19 = %scan3A_13 to %scan3A_15 step %scan3A_16  : i32 {
      %mul3A_20 = arith.constant 200 : i32
      %mul3A_21 = arith.muli %scan3A_19, %mul3A_20 : i32
      %add3A_22 = arith.addi %mul3A_4, %mul3A_21 : i32
      "tpu.region"() ({
        %run_scoped3A = tpu.sem_alloc : memref<!tpu.dma_semaphore, #tpu.memory_space<semaphore_mem>>
        %dma_start3A = tpu.memref_slice %arg4[%add3A_22] : memref<160000xi32, #tpu.memory_space<hbm>> -> memref<200xi32, #tpu.memory_space<hbm>>
        %dma_start3A_23 = tpu.memref_slice %arg4[%add3A_22] : memref<160000xi32, #tpu.memory_space<hbm>> -> memref<200xi32, #tpu.memory_space<hbm>>
        tpu.enqueue_dma source(%dma_start3A_23 : memref<200xi32, #tpu.memory_space<hbm>>) target(%arg8 : memref<200xi32, #tpu.memory_space<vmem>>) target_semaphore(%run_scoped3A : memref<!tpu.dma_semaphore, #tpu.memory_space<semaphore_mem>>)
        %dma_wait3A = tpu.memref_slice %arg4[%add3A_22] : memref<160000xi32, #tpu.memory_space<hbm>> -> memref<200xi32, #tpu.memory_space<hbm>>
        %dma_wait3A_24 = tpu.memref_slice %arg4[%add3A_22] : memref<160000xi32, #tpu.memory_space<hbm>> -> memref<200xi32, #tpu.memory_space<hbm>>
        tpu.wait_dma2 semaphore(%run_scoped3A : memref<!tpu.dma_semaphore, #tpu.memory_space<semaphore_mem>>) src(%dma_wait3A_24 : memref<200xi32, #tpu.memory_space<hbm>>) dst(%arg8 : memref<200xi32, #tpu.memory_space<vmem>>)
        tpu.yield
      }) : () -> ()
      "tpu.region"() ({
        %run_scoped3A = tpu.sem_alloc : memref<!tpu.dma_semaphore, #tpu.memory_space<semaphore_mem>>
        %dma_start3A = arith.constant 0 : i32
        %dma_start3A_23 = tpu.memref_slice %arg3[%add3A_22, %dma_start3A] : memref<160000x128xf32, #tpu.memory_space<hbm>> -> memref<200x128xf32, #tpu.memory_space<hbm>>
        %dma_start3A_24 = arith.constant 0 : i32
        %dma_start3A_25 = tpu.memref_slice %arg3[%add3A_22, %dma_start3A_24] : memref<160000x128xf32, #tpu.memory_space<hbm>> -> memref<200x128xf32, #tpu.memory_space<hbm>>
        tpu.enqueue_dma source(%dma_start3A_25 : memref<200x128xf32, #tpu.memory_space<hbm>>) target(%arg9 : memref<200x128xf32, #tpu.memory_space<vmem>>) target_semaphore(%run_scoped3A : memref<!tpu.dma_semaphore, #tpu.memory_space<semaphore_mem>>)
        %dma_wait3A = arith.constant 0 : i32
        %dma_wait3A_26 = tpu.memref_slice %arg3[%add3A_22, %dma_wait3A] : memref<160000x128xf32, #tpu.memory_space<hbm>> -> memref<200x128xf32, #tpu.memory_space<hbm>>
        %dma_wait3A_27 = arith.constant 0 : i32
        %dma_wait3A_28 = tpu.memref_slice %arg3[%add3A_22, %dma_wait3A_27] : memref<160000x128xf32, #tpu.memory_space<hbm>> -> memref<200x128xf32, #tpu.memory_space<hbm>>
        tpu.wait_dma2 semaphore(%run_scoped3A : memref<!tpu.dma_semaphore, #tpu.memory_space<semaphore_mem>>) src(%dma_wait3A_28 : memref<200x128xf32, #tpu.memory_space<hbm>>) dst(%arg9 : memref<200x128xf32, #tpu.memory_space<vmem>>)
        tpu.yield
      }) : () -> ()
      "tpu.region"() ({
        %run_scoped3A = tpu.sem_alloc : memref<!tpu.dma_semaphore, #tpu.memory_space<semaphore_mem>>
        %dma_start3A = arith.constant 0 : i32
        %dma_start3A_23 = arith.constant 0 : i32
        %dma_start3A_24 = tpu.memref_slice %arg10[%dma_start3A, %dma_start3A_23] : memref<10240x128xf32, #tpu.memory_space<vmem_shared>> -> memref<10240x128xf32, #tpu.memory_space<vmem_shared>>
        tpu.enqueue_indirect_dma source(%arg9 : memref<200x128xf32, #tpu.memory_space<vmem>>) target(%dma_start3A_24 : memref<10240x128xf32, #tpu.memory_space<vmem_shared>>) offsets(%arg8 : memref<200xi32, #tpu.memory_space<vmem>>) semaphore(%run_scoped3A : memref<!tpu.dma_semaphore, #tpu.memory_space<semaphore_mem>>) {add = true}
        %dma_wait3A = arith.constant 0 : i32
        %dma_wait3A_25 = arith.constant 0 : i32
        %dma_wait3A_26 = tpu.memref_slice %arg10[%dma_wait3A, %dma_wait3A_25] : memref<10240x128xf32, #tpu.memory_space<vmem_shared>> -> memref<10240x128xf32, #tpu.memory_space<vmem_shared>>
        tpu.wait_indirect_dma semaphore(%run_scoped3A : memref<!tpu.dma_semaphore, #tpu.memory_space<semaphore_mem>>) src(%arg9 : memref<200x128xf32, #tpu.memory_space<vmem>>) dst(%dma_wait3A_26 : memref<10240x128xf32, #tpu.memory_space<vmem_shared>>)
        tpu.yield
      }) : () -> ()
    }
    %scan3A_17 = arith.constant 25 : i32
    %barrier3A_18 = arith.constant 0 : index
    tpu.barrier barrier_id(%barrier3A_18)
    "tpu.region"() ({
      %run_scoped3A = tpu.sem_alloc : memref<!tpu.dma_semaphore, #tpu.memory_space<semaphore_mem>>
      %dma_start3A = arith.constant 0 : i32
      %dma_start3A_19 = tpu.memref_slice %arg7[%arg0, %mul3A_0, %dma_start3A] : memref<2x10240x128xf32, #tpu.memory_space<hbm>> -> memref<1x640x128xf32, #tpu.memory_space<hbm>>
      %dma_start3A_20 = tpu.memref_squeeze %dma_start3A_19 : memref<1x640x128xf32, #tpu.memory_space<hbm>> -> memref<640x128xf32, #tpu.memory_space<hbm>>
      %dma_start3A_21 = arith.constant 0 : i32
      %dma_start3A_22 = tpu.memref_slice %arg10[%mul3A_0, %dma_start3A_21] : memref<10240x128xf32, #tpu.memory_space<vmem_shared>> -> memref<640x128xf32, #tpu.memory_space<vmem_shared>>
      tpu.enqueue_dma source(%dma_start3A_22 : memref<640x128xf32, #tpu.memory_space<vmem_shared>>) target(%dma_start3A_20 : memref<640x128xf32, #tpu.memory_space<hbm>>) target_semaphore(%run_scoped3A : memref<!tpu.dma_semaphore, #tpu.memory_space<semaphore_mem>>)
      %dma_wait3A = arith.constant 0 : i32
      %dma_wait3A_23 = tpu.memref_slice %arg7[%arg0, %mul3A_0, %dma_wait3A] : memref<2x10240x128xf32, #tpu.memory_space<hbm>> -> memref<1x640x128xf32, #tpu.memory_space<hbm>>
      %dma_wait3A_24 = tpu.memref_squeeze %dma_wait3A_23 : memref<1x640x128xf32, #tpu.memory_space<hbm>> -> memref<640x128xf32, #tpu.memory_space<hbm>>
      %dma_wait3A_25 = arith.constant 0 : i32
      %dma_wait3A_26 = tpu.memref_slice %arg10[%mul3A_0, %dma_wait3A_25] : memref<10240x128xf32, #tpu.memory_space<vmem_shared>> -> memref<640x128xf32, #tpu.memory_space<vmem_shared>>
      tpu.wait_dma2 semaphore(%run_scoped3A : memref<!tpu.dma_semaphore, #tpu.memory_space<semaphore_mem>>) src(%dma_wait3A_26 : memref<640x128xf32, #tpu.memory_space<vmem_shared>>) dst(%dma_wait3A_24 : memref<640x128xf32, #tpu.memory_space<hbm>>)
      tpu.yield
    }) : () -> ()
    return
  }
}

#map = affine_map<(d0, d1) -> (0, 0)>
#map1 = affine_map<(d0, d1) -> (0)>
module attributes {stable_mosaic.version = 14 : i64} {
  func.func @_gather_sc_body(%arg0: i32, %arg1: i32, %arg2: memref<10240x128xf32, #tpu.memory_space<hbm>>, %arg3: memref<10240x128xf32, #tpu.memory_space<hbm>>, %arg4: memref<10240x128xf32, #tpu.memory_space<hbm>>, %arg5: memref<160000xi32, #tpu.memory_space<hbm>>, %arg6: memref<160000xi32, #tpu.memory_space<hbm>>, %arg7: memref<160000x128xf32, #tpu.memory_space<hbm>>, %arg8: memref<160000x128xf32, #tpu.memory_space<hbm>>, %arg9: memref<160000x128xf32, #tpu.memory_space<hbm>>, %arg10: memref<200xi32, #tpu.memory_space<vmem>>, %arg11: memref<200xi32, #tpu.memory_space<vmem>>, %arg12: memref<200x128xf32, #tpu.memory_space<vmem>>, %arg13: memref<200x128xf32, #tpu.memory_space<vmem>>, %arg14: memref<200x128xf32, #tpu.memory_space<vmem>>, %arg15: memref<!tpu.dma_semaphore, #tpu.memory_space<semaphore_mem>>, %arg16: memref<!tpu.dma_semaphore, #tpu.memory_space<semaphore_mem>>, %arg17: memref<!tpu.dma_semaphore, #tpu.memory_space<semaphore_mem>>) attributes {dimension_semantics = [#tpu.dimension_semantics<core_parallel>, #tpu.dimension_semantics<subcore_parallel>], iteration_bounds = array<i64: 2, 16>, scalar_prefetch = 0 : i64, scratch_operands = 8 : i64, tpu.core_type = #tpu.core_type<sc_vector_subcore>, window_params = [{transform_indices = #map}, {transform_indices = #map}, {transform_indices = #map}, {transform_indices = #map1}, {transform_indices = #map1}, {transform_indices = #map}, {transform_indices = #map}, {transform_indices = #map}]} {
    %mul3A = arith.constant 16 : i32
    %mul3A_0 = arith.muli %arg0, %mul3A : i32
    %add3A = arith.addi %mul3A_0, %arg1 : i32
    %mul3A_1 = arith.constant 5000 : i32
    %mul3A_2 = arith.muli %add3A, %mul3A_1 : i32
    %scan3A = arith.constant 0 : i32
    %scan3A_3 = arith.constant 0 : i32
    %scan3A_4 = arith.constant 25 : i32
    %scan3A_5 = arith.addi %scan3A_3, %scan3A_4 : i32
    %scan3A_6 = arith.constant 1 : i32
    scf.for %scan3A_8 = %scan3A_3 to %scan3A_5 step %scan3A_6  : i32 {
      %mul3A_9 = arith.constant 200 : i32
      %mul3A_10 = arith.muli %scan3A_8, %mul3A_9 : i32
      %add3A_11 = arith.addi %mul3A_2, %mul3A_10 : i32
      "tpu.region"() ({
        %run_scoped3A = tpu.sem_alloc : memref<!tpu.dma_semaphore, #tpu.memory_space<semaphore_mem>>
        %dma_start3A_28 = tpu.memref_slice %arg5[%add3A_11] : memref<160000xi32, #tpu.memory_space<hbm>> -> memref<200xi32, #tpu.memory_space<hbm>>
        %dma_start3A_29 = tpu.memref_slice %arg5[%add3A_11] : memref<160000xi32, #tpu.memory_space<hbm>> -> memref<200xi32, #tpu.memory_space<hbm>>
        tpu.enqueue_dma source(%dma_start3A_29 : memref<200xi32, #tpu.memory_space<hbm>>) target(%arg10 : memref<200xi32, #tpu.memory_space<vmem>>) target_semaphore(%run_scoped3A : memref<!tpu.dma_semaphore, #tpu.memory_space<semaphore_mem>>)
        %dma_wait3A_30 = tpu.memref_slice %arg5[%add3A_11] : memref<160000xi32, #tpu.memory_space<hbm>> -> memref<200xi32, #tpu.memory_space<hbm>>
        %dma_wait3A_31 = tpu.memref_slice %arg5[%add3A_11] : memref<160000xi32, #tpu.memory_space<hbm>> -> memref<200xi32, #tpu.memory_space<hbm>>
        tpu.wait_dma2 semaphore(%run_scoped3A : memref<!tpu.dma_semaphore, #tpu.memory_space<semaphore_mem>>) src(%dma_wait3A_31 : memref<200xi32, #tpu.memory_space<hbm>>) dst(%arg10 : memref<200xi32, #tpu.memory_space<vmem>>)
        tpu.yield
      }) : () -> ()
      "tpu.region"() ({
        %run_scoped3A = tpu.sem_alloc : memref<!tpu.dma_semaphore, #tpu.memory_space<semaphore_mem>>
        %dma_start3A_28 = tpu.memref_slice %arg6[%add3A_11] : memref<160000xi32, #tpu.memory_space<hbm>> -> memref<200xi32, #tpu.memory_space<hbm>>
        %dma_start3A_29 = tpu.memref_slice %arg6[%add3A_11] : memref<160000xi32, #tpu.memory_space<hbm>> -> memref<200xi32, #tpu.memory_space<hbm>>
        tpu.enqueue_dma source(%dma_start3A_29 : memref<200xi32, #tpu.memory_space<hbm>>) target(%arg11 : memref<200xi32, #tpu.memory_space<vmem>>) target_semaphore(%run_scoped3A : memref<!tpu.dma_semaphore, #tpu.memory_space<semaphore_mem>>)
        %dma_wait3A_30 = tpu.memref_slice %arg6[%add3A_11] : memref<160000xi32, #tpu.memory_space<hbm>> -> memref<200xi32, #tpu.memory_space<hbm>>
        %dma_wait3A_31 = tpu.memref_slice %arg6[%add3A_11] : memref<160000xi32, #tpu.memory_space<hbm>> -> memref<200xi32, #tpu.memory_space<hbm>>
        tpu.wait_dma2 semaphore(%run_scoped3A : memref<!tpu.dma_semaphore, #tpu.memory_space<semaphore_mem>>) src(%dma_wait3A_31 : memref<200xi32, #tpu.memory_space<hbm>>) dst(%arg11 : memref<200xi32, #tpu.memory_space<vmem>>)
        tpu.yield
      }) : () -> ()
      %dma_start3A = arith.constant 0 : i32
      %dma_start3A_12 = arith.constant 0 : i32
      %dma_start3A_13 = tpu.memref_slice %arg3[%dma_start3A, %dma_start3A_12] : memref<10240x128xf32, #tpu.memory_space<hbm>> -> memref<10240x128xf32, #tpu.memory_space<hbm>>
      tpu.enqueue_indirect_dma source(%dma_start3A_13 : memref<10240x128xf32, #tpu.memory_space<hbm>>) target(%arg12 : memref<200x128xf32, #tpu.memory_space<vmem>>) offsets(%arg10 : memref<200xi32, #tpu.memory_space<vmem>>) semaphore(%arg15 : memref<!tpu.dma_semaphore, #tpu.memory_space<semaphore_mem>>)
      %dma_start3A_14 = arith.constant 0 : i32
      %dma_start3A_15 = arith.constant 0 : i32
      %dma_start3A_16 = tpu.memref_slice %arg4[%dma_start3A_14, %dma_start3A_15] : memref<10240x128xf32, #tpu.memory_space<hbm>> -> memref<10240x128xf32, #tpu.memory_space<hbm>>
      tpu.enqueue_indirect_dma source(%dma_start3A_16 : memref<10240x128xf32, #tpu.memory_space<hbm>>) target(%arg13 : memref<200x128xf32, #tpu.memory_space<vmem>>) offsets(%arg10 : memref<200xi32, #tpu.memory_space<vmem>>) semaphore(%arg16 : memref<!tpu.dma_semaphore, #tpu.memory_space<semaphore_mem>>)
      %dma_start3A_17 = arith.constant 0 : i32
      %dma_start3A_18 = arith.constant 0 : i32
      %dma_start3A_19 = tpu.memref_slice %arg2[%dma_start3A_17, %dma_start3A_18] : memref<10240x128xf32, #tpu.memory_space<hbm>> -> memref<10240x128xf32, #tpu.memory_space<hbm>>
      tpu.enqueue_indirect_dma source(%dma_start3A_19 : memref<10240x128xf32, #tpu.memory_space<hbm>>) target(%arg14 : memref<200x128xf32, #tpu.memory_space<vmem>>) offsets(%arg11 : memref<200xi32, #tpu.memory_space<vmem>>) semaphore(%arg17 : memref<!tpu.dma_semaphore, #tpu.memory_space<semaphore_mem>>)
      %dma_wait3A = arith.constant 0 : i32
      %dma_wait3A_20 = arith.constant 0 : i32
      %dma_wait3A_21 = tpu.memref_slice %arg3[%dma_wait3A, %dma_wait3A_20] : memref<10240x128xf32, #tpu.memory_space<hbm>> -> memref<10240x128xf32, #tpu.memory_space<hbm>>
      tpu.wait_indirect_dma semaphore(%arg15 : memref<!tpu.dma_semaphore, #tpu.memory_space<semaphore_mem>>) src(%dma_wait3A_21 : memref<10240x128xf32, #tpu.memory_space<hbm>>) dst(%arg12 : memref<200x128xf32, #tpu.memory_space<vmem>>)
      "tpu.region"() ({
        %run_scoped3A = tpu.sem_alloc : memref<!tpu.dma_semaphore, #tpu.memory_space<semaphore_mem>>
        %dma_start3A_28 = arith.constant 0 : i32
        %dma_start3A_29 = tpu.memref_slice %arg8[%add3A_11, %dma_start3A_28] : memref<160000x128xf32, #tpu.memory_space<hbm>> -> memref<200x128xf32, #tpu.memory_space<hbm>>
        %dma_start3A_30 = arith.constant 0 : i32
        %dma_start3A_31 = tpu.memref_slice %arg8[%add3A_11, %dma_start3A_30] : memref<160000x128xf32, #tpu.memory_space<hbm>> -> memref<200x128xf32, #tpu.memory_space<hbm>>
        tpu.enqueue_dma source(%arg12 : memref<200x128xf32, #tpu.memory_space<vmem>>) target(%dma_start3A_31 : memref<200x128xf32, #tpu.memory_space<hbm>>) target_semaphore(%run_scoped3A : memref<!tpu.dma_semaphore, #tpu.memory_space<semaphore_mem>>)
        %dma_wait3A_32 = arith.constant 0 : i32
        %dma_wait3A_33 = tpu.memref_slice %arg8[%add3A_11, %dma_wait3A_32] : memref<160000x128xf32, #tpu.memory_space<hbm>> -> memref<200x128xf32, #tpu.memory_space<hbm>>
        %dma_wait3A_34 = arith.constant 0 : i32
        %dma_wait3A_35 = tpu.memref_slice %arg8[%add3A_11, %dma_wait3A_34] : memref<160000x128xf32, #tpu.memory_space<hbm>> -> memref<200x128xf32, #tpu.memory_space<hbm>>
        tpu.wait_dma2 semaphore(%run_scoped3A : memref<!tpu.dma_semaphore, #tpu.memory_space<semaphore_mem>>) src(%arg12 : memref<200x128xf32, #tpu.memory_space<vmem>>) dst(%dma_wait3A_35 : memref<200x128xf32, #tpu.memory_space<hbm>>)
        tpu.yield
      }) : () -> ()
      %dma_wait3A_22 = arith.constant 0 : i32
      %dma_wait3A_23 = arith.constant 0 : i32
      %dma_wait3A_24 = tpu.memref_slice %arg4[%dma_wait3A_22, %dma_wait3A_23] : memref<10240x128xf32, #tpu.memory_space<hbm>> -> memref<10240x128xf32, #tpu.memory_space<hbm>>
      tpu.wait_indirect_dma semaphore(%arg16 : memref<!tpu.dma_semaphore, #tpu.memory_space<semaphore_mem>>) src(%dma_wait3A_24 : memref<10240x128xf32, #tpu.memory_space<hbm>>) dst(%arg13 : memref<200x128xf32, #tpu.memory_space<vmem>>)
      "tpu.region"() ({
        %run_scoped3A = tpu.sem_alloc : memref<!tpu.dma_semaphore, #tpu.memory_space<semaphore_mem>>
        %dma_start3A_28 = arith.constant 0 : i32
        %dma_start3A_29 = tpu.memref_slice %arg9[%add3A_11, %dma_start3A_28] : memref<160000x128xf32, #tpu.memory_space<hbm>> -> memref<200x128xf32, #tpu.memory_space<hbm>>
        %dma_start3A_30 = arith.constant 0 : i32
        %dma_start3A_31 = tpu.memref_slice %arg9[%add3A_11, %dma_start3A_30] : memref<160000x128xf32, #tpu.memory_space<hbm>> -> memref<200x128xf32, #tpu.memory_space<hbm>>
        tpu.enqueue_dma source(%arg13 : memref<200x128xf32, #tpu.memory_space<vmem>>) target(%dma_start3A_31 : memref<200x128xf32, #tpu.memory_space<hbm>>) target_semaphore(%run_scoped3A : memref<!tpu.dma_semaphore, #tpu.memory_space<semaphore_mem>>)
        %dma_wait3A_32 = arith.constant 0 : i32
        %dma_wait3A_33 = tpu.memref_slice %arg9[%add3A_11, %dma_wait3A_32] : memref<160000x128xf32, #tpu.memory_space<hbm>> -> memref<200x128xf32, #tpu.memory_space<hbm>>
        %dma_wait3A_34 = arith.constant 0 : i32
        %dma_wait3A_35 = tpu.memref_slice %arg9[%add3A_11, %dma_wait3A_34] : memref<160000x128xf32, #tpu.memory_space<hbm>> -> memref<200x128xf32, #tpu.memory_space<hbm>>
        tpu.wait_dma2 semaphore(%run_scoped3A : memref<!tpu.dma_semaphore, #tpu.memory_space<semaphore_mem>>) src(%arg13 : memref<200x128xf32, #tpu.memory_space<vmem>>) dst(%dma_wait3A_35 : memref<200x128xf32, #tpu.memory_space<hbm>>)
        tpu.yield
      }) : () -> ()
      %dma_wait3A_25 = arith.constant 0 : i32
      %dma_wait3A_26 = arith.constant 0 : i32
      %dma_wait3A_27 = tpu.memref_slice %arg2[%dma_wait3A_25, %dma_wait3A_26] : memref<10240x128xf32, #tpu.memory_space<hbm>> -> memref<10240x128xf32, #tpu.memory_space<hbm>>
      tpu.wait_indirect_dma semaphore(%arg17 : memref<!tpu.dma_semaphore, #tpu.memory_space<semaphore_mem>>) src(%dma_wait3A_27 : memref<10240x128xf32, #tpu.memory_space<hbm>>) dst(%arg14 : memref<200x128xf32, #tpu.memory_space<vmem>>)
      "tpu.region"() ({
        %run_scoped3A = tpu.sem_alloc : memref<!tpu.dma_semaphore, #tpu.memory_space<semaphore_mem>>
        %dma_start3A_28 = arith.constant 0 : i32
        %dma_start3A_29 = tpu.memref_slice %arg7[%add3A_11, %dma_start3A_28] : memref<160000x128xf32, #tpu.memory_space<hbm>> -> memref<200x128xf32, #tpu.memory_space<hbm>>
        %dma_start3A_30 = arith.constant 0 : i32
        %dma_start3A_31 = tpu.memref_slice %arg7[%add3A_11, %dma_start3A_30] : memref<160000x128xf32, #tpu.memory_space<hbm>> -> memref<200x128xf32, #tpu.memory_space<hbm>>
        tpu.enqueue_dma source(%arg14 : memref<200x128xf32, #tpu.memory_space<vmem>>) target(%dma_start3A_31 : memref<200x128xf32, #tpu.memory_space<hbm>>) target_semaphore(%run_scoped3A : memref<!tpu.dma_semaphore, #tpu.memory_space<semaphore_mem>>)
        %dma_wait3A_32 = arith.constant 0 : i32
        %dma_wait3A_33 = tpu.memref_slice %arg7[%add3A_11, %dma_wait3A_32] : memref<160000x128xf32, #tpu.memory_space<hbm>> -> memref<200x128xf32, #tpu.memory_space<hbm>>
        %dma_wait3A_34 = arith.constant 0 : i32
        %dma_wait3A_35 = tpu.memref_slice %arg7[%add3A_11, %dma_wait3A_34] : memref<160000x128xf32, #tpu.memory_space<hbm>> -> memref<200x128xf32, #tpu.memory_space<hbm>>
        tpu.wait_dma2 semaphore(%run_scoped3A : memref<!tpu.dma_semaphore, #tpu.memory_space<semaphore_mem>>) src(%arg14 : memref<200x128xf32, #tpu.memory_space<vmem>>) dst(%dma_wait3A_35 : memref<200x128xf32, #tpu.memory_space<hbm>>)
        tpu.yield
      }) : () -> ()
    }
    %scan3A_7 = arith.constant 25 : i32
    return
  }
}

#map = affine_map<(d0, d1) -> (0, 0)>
#map1 = affine_map<(d0, d1) -> (0)>
#map2 = affine_map<(d0, d1) -> (0, 0, 0)>
module attributes {stable_mosaic.version = 14 : i64} {
  func.func @_scatter_sc_body(%arg0: i32, %arg1: i32, %arg2: memref<160000x128xf32, #tpu.memory_space<hbm>>, %arg3: memref<160000x128xf32, #tpu.memory_space<hbm>>, %arg4: memref<160000xi32, #tpu.memory_space<hbm>>, %arg5: memref<640x128xf32, #tpu.memory_space<hbm>>, %arg6: memref<2x10240x128xf32, #tpu.memory_space<hbm>>, %arg7: memref<2x10240x128xf32, #tpu.memory_space<hbm>>, %arg8: memref<200xi32, #tpu.memory_space<vmem>>, %arg9: memref<200x128xf32, #tpu.memory_space<vmem>>, %arg10: memref<10240x128xf32, #tpu.memory_space<vmem_shared>>) attributes {dimension_semantics = [#tpu.dimension_semantics<core_parallel>, #tpu.dimension_semantics<subcore_parallel>], iteration_bounds = array<i64: 2, 16>, scalar_prefetch = 0 : i64, scratch_operands = 3 : i64, tpu.core_type = #tpu.core_type<sc_vector_subcore>, window_params = [{transform_indices = #map}, {transform_indices = #map}, {transform_indices = #map1}, {transform_indices = #map}, {transform_indices = #map2}, {transform_indices = #map2}]} {
    %mul3A = arith.constant 640 : i32
    %mul3A_0 = arith.muli %arg1, %mul3A : i32
    %mul3A_1 = arith.constant 16 : i32
    %mul3A_2 = arith.muli %arg0, %mul3A_1 : i32
    %add3A = arith.addi %mul3A_2, %arg1 : i32
    %mul3A_3 = arith.constant 5000 : i32
    %mul3A_4 = arith.muli %add3A, %mul3A_3 : i32
    "tpu.region"() ({
      %run_scoped3A = tpu.sem_alloc : memref<!tpu.dma_semaphore, #tpu.memory_space<semaphore_mem>>
      %dma_start3A = arith.constant 0 : i32
      %dma_start3A_19 = tpu.memref_slice %arg10[%mul3A_0, %dma_start3A] : memref<10240x128xf32, #tpu.memory_space<vmem_shared>> -> memref<640x128xf32, #tpu.memory_space<vmem_shared>>
      tpu.enqueue_dma source(%arg5 : memref<640x128xf32, #tpu.memory_space<hbm>>) target(%dma_start3A_19 : memref<640x128xf32, #tpu.memory_space<vmem_shared>>) target_semaphore(%run_scoped3A : memref<!tpu.dma_semaphore, #tpu.memory_space<semaphore_mem>>)
      %dma_wait3A = arith.constant 0 : i32
      %dma_wait3A_20 = tpu.memref_slice %arg10[%mul3A_0, %dma_wait3A] : memref<10240x128xf32, #tpu.memory_space<vmem_shared>> -> memref<640x128xf32, #tpu.memory_space<vmem_shared>>
      tpu.wait_dma2 semaphore(%run_scoped3A : memref<!tpu.dma_semaphore, #tpu.memory_space<semaphore_mem>>) src(%arg5 : memref<640x128xf32, #tpu.memory_space<hbm>>) dst(%dma_wait3A_20 : memref<640x128xf32, #tpu.memory_space<vmem_shared>>)
      tpu.yield
    }) : () -> ()
    %barrier3A = arith.constant 0 : index
    tpu.barrier barrier_id(%barrier3A)
    %scan3A = arith.constant 0 : i32
    %scan3A_5 = arith.constant 0 : i32
    %scan3A_6 = arith.constant 25 : i32
    %scan3A_7 = arith.addi %scan3A_5, %scan3A_6 : i32
    %scan3A_8 = arith.constant 1 : i32
    scf.for %scan3A_19 = %scan3A_5 to %scan3A_7 step %scan3A_8  : i32 {
      %mul3A_20 = arith.constant 200 : i32
      %mul3A_21 = arith.muli %scan3A_19, %mul3A_20 : i32
      %add3A_22 = arith.addi %mul3A_4, %mul3A_21 : i32
      "tpu.region"() ({
        %run_scoped3A = tpu.sem_alloc : memref<!tpu.dma_semaphore, #tpu.memory_space<semaphore_mem>>
        %dma_start3A = tpu.memref_slice %arg4[%add3A_22] : memref<160000xi32, #tpu.memory_space<hbm>> -> memref<200xi32, #tpu.memory_space<hbm>>
        %dma_start3A_23 = tpu.memref_slice %arg4[%add3A_22] : memref<160000xi32, #tpu.memory_space<hbm>> -> memref<200xi32, #tpu.memory_space<hbm>>
        tpu.enqueue_dma source(%dma_start3A_23 : memref<200xi32, #tpu.memory_space<hbm>>) target(%arg8 : memref<200xi32, #tpu.memory_space<vmem>>) target_semaphore(%run_scoped3A : memref<!tpu.dma_semaphore, #tpu.memory_space<semaphore_mem>>)
        %dma_wait3A = tpu.memref_slice %arg4[%add3A_22] : memref<160000xi32, #tpu.memory_space<hbm>> -> memref<200xi32, #tpu.memory_space<hbm>>
        %dma_wait3A_24 = tpu.memref_slice %arg4[%add3A_22] : memref<160000xi32, #tpu.memory_space<hbm>> -> memref<200xi32, #tpu.memory_space<hbm>>
        tpu.wait_dma2 semaphore(%run_scoped3A : memref<!tpu.dma_semaphore, #tpu.memory_space<semaphore_mem>>) src(%dma_wait3A_24 : memref<200xi32, #tpu.memory_space<hbm>>) dst(%arg8 : memref<200xi32, #tpu.memory_space<vmem>>)
        tpu.yield
      }) : () -> ()
      "tpu.region"() ({
        %run_scoped3A = tpu.sem_alloc : memref<!tpu.dma_semaphore, #tpu.memory_space<semaphore_mem>>
        %dma_start3A = arith.constant 0 : i32
        %dma_start3A_23 = tpu.memref_slice %arg2[%add3A_22, %dma_start3A] : memref<160000x128xf32, #tpu.memory_space<hbm>> -> memref<200x128xf32, #tpu.memory_space<hbm>>
        %dma_start3A_24 = arith.constant 0 : i32
        %dma_start3A_25 = tpu.memref_slice %arg2[%add3A_22, %dma_start3A_24] : memref<160000x128xf32, #tpu.memory_space<hbm>> -> memref<200x128xf32, #tpu.memory_space<hbm>>
        tpu.enqueue_dma source(%dma_start3A_25 : memref<200x128xf32, #tpu.memory_space<hbm>>) target(%arg9 : memref<200x128xf32, #tpu.memory_space<vmem>>) target_semaphore(%run_scoped3A : memref<!tpu.dma_semaphore, #tpu.memory_space<semaphore_mem>>)
        %dma_wait3A = arith.constant 0 : i32
        %dma_wait3A_26 = tpu.memref_slice %arg2[%add3A_22, %dma_wait3A] : memref<160000x128xf32, #tpu.memory_space<hbm>> -> memref<200x128xf32, #tpu.memory_space<hbm>>
        %dma_wait3A_27 = arith.constant 0 : i32
        %dma_wait3A_28 = tpu.memref_slice %arg2[%add3A_22, %dma_wait3A_27] : memref<160000x128xf32, #tpu.memory_space<hbm>> -> memref<200x128xf32, #tpu.memory_space<hbm>>
        tpu.wait_dma2 semaphore(%run_scoped3A : memref<!tpu.dma_semaphore, #tpu.memory_space<semaphore_mem>>) src(%dma_wait3A_28 : memref<200x128xf32, #tpu.memory_space<hbm>>) dst(%arg9 : memref<200x128xf32, #tpu.memory_space<vmem>>)
        tpu.yield
      }) : () -> ()
      "tpu.region"() ({
        %run_scoped3A = tpu.sem_alloc : memref<!tpu.dma_semaphore, #tpu.memory_space<semaphore_mem>>
        %dma_start3A = arith.constant 0 : i32
        %dma_start3A_23 = arith.constant 0 : i32
        %dma_start3A_24 = tpu.memref_slice %arg10[%dma_start3A, %dma_start3A_23] : memref<10240x128xf32, #tpu.memory_space<vmem_shared>> -> memref<10240x128xf32, #tpu.memory_space<vmem_shared>>
        tpu.enqueue_indirect_dma source(%arg9 : memref<200x128xf32, #tpu.memory_space<vmem>>) target(%dma_start3A_24 : memref<10240x128xf32, #tpu.memory_space<vmem_shared>>) offsets(%arg8 : memref<200xi32, #tpu.memory_space<vmem>>) semaphore(%run_scoped3A : memref<!tpu.dma_semaphore, #tpu.memory_space<semaphore_mem>>) {add = true}
        %dma_wait3A = arith.constant 0 : i32
        %dma_wait3A_25 = arith.constant 0 : i32
        %dma_wait3A_26 = tpu.memref_slice %arg10[%dma_wait3A, %dma_wait3A_25] : memref<10240x128xf32, #tpu.memory_space<vmem_shared>> -> memref<10240x128xf32, #tpu.memory_space<vmem_shared>>
        tpu.wait_indirect_dma semaphore(%run_scoped3A : memref<!tpu.dma_semaphore, #tpu.memory_space<semaphore_mem>>) src(%arg9 : memref<200x128xf32, #tpu.memory_space<vmem>>) dst(%dma_wait3A_26 : memref<10240x128xf32, #tpu.memory_space<vmem_shared>>)
        tpu.yield
      }) : () -> ()
    }
    %scan3A_9 = arith.constant 25 : i32
    %barrier3A_10 = arith.constant 0 : index
    tpu.barrier barrier_id(%barrier3A_10)
    "tpu.region"() ({
      %run_scoped3A = tpu.sem_alloc : memref<!tpu.dma_semaphore, #tpu.memory_space<semaphore_mem>>
      %dma_start3A = arith.constant 0 : i32
      %dma_start3A_19 = tpu.memref_slice %arg6[%arg0, %mul3A_0, %dma_start3A] : memref<2x10240x128xf32, #tpu.memory_space<hbm>> -> memref<1x640x128xf32, #tpu.memory_space<hbm>>
      %dma_start3A_20 = tpu.memref_squeeze %dma_start3A_19 : memref<1x640x128xf32, #tpu.memory_space<hbm>> -> memref<640x128xf32, #tpu.memory_space<hbm>>
      %dma_start3A_21 = arith.constant 0 : i32
      %dma_start3A_22 = tpu.memref_slice %arg10[%mul3A_0, %dma_start3A_21] : memref<10240x128xf32, #tpu.memory_space<vmem_shared>> -> memref<640x128xf32, #tpu.memory_space<vmem_shared>>
      tpu.enqueue_dma source(%dma_start3A_22 : memref<640x128xf32, #tpu.memory_space<vmem_shared>>) target(%dma_start3A_20 : memref<640x128xf32, #tpu.memory_space<hbm>>) target_semaphore(%run_scoped3A : memref<!tpu.dma_semaphore, #tpu.memory_space<semaphore_mem>>)
      %dma_wait3A = arith.constant 0 : i32
      %dma_wait3A_23 = tpu.memref_slice %arg6[%arg0, %mul3A_0, %dma_wait3A] : memref<2x10240x128xf32, #tpu.memory_space<hbm>> -> memref<1x640x128xf32, #tpu.memory_space<hbm>>
      %dma_wait3A_24 = tpu.memref_squeeze %dma_wait3A_23 : memref<1x640x128xf32, #tpu.memory_space<hbm>> -> memref<640x128xf32, #tpu.memory_space<hbm>>
      %dma_wait3A_25 = arith.constant 0 : i32
      %dma_wait3A_26 = tpu.memref_slice %arg10[%mul3A_0, %dma_wait3A_25] : memref<10240x128xf32, #tpu.memory_space<vmem_shared>> -> memref<640x128xf32, #tpu.memory_space<vmem_shared>>
      tpu.wait_dma2 semaphore(%run_scoped3A : memref<!tpu.dma_semaphore, #tpu.memory_space<semaphore_mem>>) src(%dma_wait3A_26 : memref<640x128xf32, #tpu.memory_space<vmem_shared>>) dst(%dma_wait3A_24 : memref<640x128xf32, #tpu.memory_space<hbm>>)
      tpu.yield
    }) : () -> ()
    "tpu.region"() ({
      %run_scoped3A = tpu.sem_alloc : memref<!tpu.dma_semaphore, #tpu.memory_space<semaphore_mem>>
      %dma_start3A = arith.constant 0 : i32
      %dma_start3A_19 = tpu.memref_slice %arg10[%mul3A_0, %dma_start3A] : memref<10240x128xf32, #tpu.memory_space<vmem_shared>> -> memref<640x128xf32, #tpu.memory_space<vmem_shared>>
      tpu.enqueue_dma source(%arg5 : memref<640x128xf32, #tpu.memory_space<hbm>>) target(%dma_start3A_19 : memref<640x128xf32, #tpu.memory_space<vmem_shared>>) target_semaphore(%run_scoped3A : memref<!tpu.dma_semaphore, #tpu.memory_space<semaphore_mem>>)
      %dma_wait3A = arith.constant 0 : i32
      %dma_wait3A_20 = tpu.memref_slice %arg10[%mul3A_0, %dma_wait3A] : memref<10240x128xf32, #tpu.memory_space<vmem_shared>> -> memref<640x128xf32, #tpu.memory_space<vmem_shared>>
      tpu.wait_dma2 semaphore(%run_scoped3A : memref<!tpu.dma_semaphore, #tpu.memory_space<semaphore_mem>>) src(%arg5 : memref<640x128xf32, #tpu.memory_space<hbm>>) dst(%dma_wait3A_20 : memref<640x128xf32, #tpu.memory_space<vmem_shared>>)
      tpu.yield
    }) : () -> ()
    %barrier3A_11 = arith.constant 0 : index
    tpu.barrier barrier_id(%barrier3A_11)
    %scan3A_12 = arith.constant 0 : i32
    %scan3A_13 = arith.constant 0 : i32
    %scan3A_14 = arith.constant 25 : i32
    %scan3A_15 = arith.addi %scan3A_13, %scan3A_14 : i32
    %scan3A_16 = arith.constant 1 : i32
    scf.for %scan3A_19 = %scan3A_13 to %scan3A_15 step %scan3A_16  : i32 {
      %mul3A_20 = arith.constant 200 : i32
      %mul3A_21 = arith.muli %scan3A_19, %mul3A_20 : i32
      %add3A_22 = arith.addi %mul3A_4, %mul3A_21 : i32
      "tpu.region"() ({
        %run_scoped3A = tpu.sem_alloc : memref<!tpu.dma_semaphore, #tpu.memory_space<semaphore_mem>>
        %dma_start3A = tpu.memref_slice %arg4[%add3A_22] : memref<160000xi32, #tpu.memory_space<hbm>> -> memref<200xi32, #tpu.memory_space<hbm>>
        %dma_start3A_23 = tpu.memref_slice %arg4[%add3A_22] : memref<160000xi32, #tpu.memory_space<hbm>> -> memref<200xi32, #tpu.memory_space<hbm>>
        tpu.enqueue_dma source(%dma_start3A_23 : memref<200xi32, #tpu.memory_space<hbm>>) target(%arg8 : memref<200xi32, #tpu.memory_space<vmem>>) target_semaphore(%run_scoped3A : memref<!tpu.dma_semaphore, #tpu.memory_space<semaphore_mem>>)
        %dma_wait3A = tpu.memref_slice %arg4[%add3A_22] : memref<160000xi32, #tpu.memory_space<hbm>> -> memref<200xi32, #tpu.memory_space<hbm>>
        %dma_wait3A_24 = tpu.memref_slice %arg4[%add3A_22] : memref<160000xi32, #tpu.memory_space<hbm>> -> memref<200xi32, #tpu.memory_space<hbm>>
        tpu.wait_dma2 semaphore(%run_scoped3A : memref<!tpu.dma_semaphore, #tpu.memory_space<semaphore_mem>>) src(%dma_wait3A_24 : memref<200xi32, #tpu.memory_space<hbm>>) dst(%arg8 : memref<200xi32, #tpu.memory_space<vmem>>)
        tpu.yield
      }) : () -> ()
      "tpu.region"() ({
        %run_scoped3A = tpu.sem_alloc : memref<!tpu.dma_semaphore, #tpu.memory_space<semaphore_mem>>
        %dma_start3A = arith.constant 0 : i32
        %dma_start3A_23 = tpu.memref_slice %arg3[%add3A_22, %dma_start3A] : memref<160000x128xf32, #tpu.memory_space<hbm>> -> memref<200x128xf32, #tpu.memory_space<hbm>>
        %dma_start3A_24 = arith.constant 0 : i32
        %dma_start3A_25 = tpu.memref_slice %arg3[%add3A_22, %dma_start3A_24] : memref<160000x128xf32, #tpu.memory_space<hbm>> -> memref<200x128xf32, #tpu.memory_space<hbm>>
        tpu.enqueue_dma source(%dma_start3A_25 : memref<200x128xf32, #tpu.memory_space<hbm>>) target(%arg9 : memref<200x128xf32, #tpu.memory_space<vmem>>) target_semaphore(%run_scoped3A : memref<!tpu.dma_semaphore, #tpu.memory_space<semaphore_mem>>)
        %dma_wait3A = arith.constant 0 : i32
        %dma_wait3A_26 = tpu.memref_slice %arg3[%add3A_22, %dma_wait3A] : memref<160000x128xf32, #tpu.memory_space<hbm>> -> memref<200x128xf32, #tpu.memory_space<hbm>>
        %dma_wait3A_27 = arith.constant 0 : i32
        %dma_wait3A_28 = tpu.memref_slice %arg3[%add3A_22, %dma_wait3A_27] : memref<160000x128xf32, #tpu.memory_space<hbm>> -> memref<200x128xf32, #tpu.memory_space<hbm>>
        tpu.wait_dma2 semaphore(%run_scoped3A : memref<!tpu.dma_semaphore, #tpu.memory_space<semaphore_mem>>) src(%dma_wait3A_28 : memref<200x128xf32, #tpu.memory_space<hbm>>) dst(%arg9 : memref<200x128xf32, #tpu.memory_space<vmem>>)
        tpu.yield
      }) : () -> ()
      "tpu.region"() ({
        %run_scoped3A = tpu.sem_alloc : memref<!tpu.dma_semaphore, #tpu.memory_space<semaphore_mem>>
        %dma_start3A = arith.constant 0 : i32
        %dma_start3A_23 = arith.constant 0 : i32
        %dma_start3A_24 = tpu.memref_slice %arg10[%dma_start3A, %dma_start3A_23] : memref<10240x128xf32, #tpu.memory_space<vmem_shared>> -> memref<10240x128xf32, #tpu.memory_space<vmem_shared>>
        tpu.enqueue_indirect_dma source(%arg9 : memref<200x128xf32, #tpu.memory_space<vmem>>) target(%dma_start3A_24 : memref<10240x128xf32, #tpu.memory_space<vmem_shared>>) offsets(%arg8 : memref<200xi32, #tpu.memory_space<vmem>>) semaphore(%run_scoped3A : memref<!tpu.dma_semaphore, #tpu.memory_space<semaphore_mem>>) {add = true}
        %dma_wait3A = arith.constant 0 : i32
        %dma_wait3A_25 = arith.constant 0 : i32
        %dma_wait3A_26 = tpu.memref_slice %arg10[%dma_wait3A, %dma_wait3A_25] : memref<10240x128xf32, #tpu.memory_space<vmem_shared>> -> memref<10240x128xf32, #tpu.memory_space<vmem_shared>>
        tpu.wait_indirect_dma semaphore(%run_scoped3A : memref<!tpu.dma_semaphore, #tpu.memory_space<semaphore_mem>>) src(%arg9 : memref<200x128xf32, #tpu.memory_space<vmem>>) dst(%dma_wait3A_26 : memref<10240x128xf32, #tpu.memory_space<vmem_shared>>)
        tpu.yield
      }) : () -> ()
    }
    %scan3A_17 = arith.constant 25 : i32
    %barrier3A_18 = arith.constant 0 : index
    tpu.barrier barrier_id(%barrier3A_18)
    "tpu.region"() ({
      %run_scoped3A = tpu.sem_alloc : memref<!tpu.dma_semaphore, #tpu.memory_space<semaphore_mem>>
      %dma_start3A = arith.constant 0 : i32
      %dma_start3A_19 = tpu.memref_slice %arg7[%arg0, %mul3A_0, %dma_start3A] : memref<2x10240x128xf32, #tpu.memory_space<hbm>> -> memref<1x640x128xf32, #tpu.memory_space<hbm>>
      %dma_start3A_20 = tpu.memref_squeeze %dma_start3A_19 : memref<1x640x128xf32, #tpu.memory_space<hbm>> -> memref<640x128xf32, #tpu.memory_space<hbm>>
      %dma_start3A_21 = arith.constant 0 : i32
      %dma_start3A_22 = tpu.memref_slice %arg10[%mul3A_0, %dma_start3A_21] : memref<10240x128xf32, #tpu.memory_space<vmem_shared>> -> memref<640x128xf32, #tpu.memory_space<vmem_shared>>
      tpu.enqueue_dma source(%dma_start3A_22 : memref<640x128xf32, #tpu.memory_space<vmem_shared>>) target(%dma_start3A_20 : memref<640x128xf32, #tpu.memory_space<hbm>>) target_semaphore(%run_scoped3A : memref<!tpu.dma_semaphore, #tpu.memory_space<semaphore_mem>>)
      %dma_wait3A = arith.constant 0 : i32
      %dma_wait3A_23 = tpu.memref_slice %arg7[%arg0, %mul3A_0, %dma_wait3A] : memref<2x10240x128xf32, #tpu.memory_space<hbm>> -> memref<1x640x128xf32, #tpu.memory_space<hbm>>
      %dma_wait3A_24 = tpu.memref_squeeze %dma_wait3A_23 : memref<1x640x128xf32, #tpu.memory_space<hbm>> -> memref<640x128xf32, #tpu.memory_space<hbm>>
      %dma_wait3A_25 = arith.constant 0 : i32
      %dma_wait3A_26 = tpu.memref_slice %arg10[%mul3A_0, %dma_wait3A_25] : memref<10240x128xf32, #tpu.memory_space<vmem_shared>> -> memref<640x128xf32, #tpu.memory_space<vmem_shared>>
      tpu.wait_dma2 semaphore(%run_scoped3A : memref<!tpu.dma_semaphore, #tpu.memory_space<semaphore_mem>>) src(%dma_wait3A_26 : memref<640x128xf32, #tpu.memory_space<vmem_shared>>) dst(%dma_wait3A_24 : memref<640x128xf32, #tpu.memory_space<hbm>>)
      tpu.yield
    }) : () -> ()
    return
  }
}

module attributes {stable_mosaic.version = 14 : i64} {
  func.func @_rows_linear_body(%arg0: i32, %arg1: memref<128x16xf32, #tpu.memory_space<vmem>>, %arg2: memref<16x128xf32, #tpu.memory_space<vmem>>, %arg3: memref<1x128xf32, #tpu.memory_space<vmem>>, %arg4: memref<128x128xf32, #tpu.memory_space<vmem>>) attributes {dimension_semantics = [#tpu.dimension_semantics<arbitrary>], iteration_bounds = array<i64: 80>, scalar_prefetch = 0 : i64, scratch_operands = 0 : i64, tpu.core_type = #tpu.core_type<tc>, window_params = [{transform_indices = @transform_0, window_bounds = array<i64: 128, 16>}, {pipeline_mode = #tpu.pipeline_mode<synchronous>, transform_indices = @transform_1, window_bounds = array<i64: 16, 128>}, {pipeline_mode = #tpu.pipeline_mode<synchronous>, transform_indices = @transform_2, window_bounds = array<i64: 1, 128>}, {transform_indices = @transform_3, window_bounds = array<i64: 128, 128>}]} {
    %get3A = arith.constant 0 : index
    %get3A_0 = arith.constant 0 : index
    %get3A_1 = vector.load %arg1[%get3A, %get3A_0] : memref<128x16xf32, #tpu.memory_space<vmem>>, vector<128x16xf32>
    %get3A_2 = arith.constant 0 : index
    %get3A_3 = arith.constant 0 : index
    %get3A_4 = vector.load %arg2[%get3A_2, %get3A_3] : memref<16x128xf32, #tpu.memory_space<vmem>>, vector<16x128xf32>
    %dot_general3A = arith.constant dense<0.000000e+00> : vector<128x128xf32>
    %dot_general3A_5 = tpu.matmul %get3A_1, %get3A_4, %dot_general3A {dimension_numbers = #tpu.dot_dimension_numbers<[1], [0], [0], [1], [0, 0, 1, 1], [], []>, transpose_lhs_hint = false} : vector<128x16xf32>, vector<16x128xf32>, vector<128x128xf32> -> vector<128x128xf32>
    %get3A_6 = arith.constant 0 : index
    %get3A_7 = arith.constant 0 : index
    %get3A_8 = vector.load %arg3[%get3A_6, %get3A_7] : memref<1x128xf32, #tpu.memory_space<vmem>>, vector<1x128xf32>
    %add3A = vector.broadcast %get3A_8 : vector<1x128xf32> to vector<128x128xf32>
    %add3A_9 = arith.addf %dot_general3A_5, %add3A : vector<128x128xf32>
    %swap3A = arith.constant 0 : index
    %swap3A_10 = arith.constant 0 : index
    %swap3A_11 = vector.load %arg4[%swap3A, %swap3A_10] : memref<128x128xf32, #tpu.memory_space<vmem>>, vector<128x128xf32>
    tpu.vector_store %arg4[%swap3A, %swap3A_10], %add3A_9 {strides = array<i32>} : memref<128x128xf32, #tpu.memory_space<vmem>>, vector<128x128xf32>,
    return
  }
  func.func @transform_0(%arg0: i32) -> (i32, i32) {
    %c0_i32 = arith.constant 0 : i32
    %c0_i32_0 = arith.constant 0 : i32
    return %arg0, %c0_i32 : i32, i32
  }
  func.func @transform_1(%arg0: i32) -> (i32, i32) {
    %c0_i32 = arith.constant 0 : i32
    %c0_i32_0 = arith.constant 0 : i32
    %c0_i32_1 = arith.constant 0 : i32
    return %c0_i32, %c0_i32_0 : i32, i32
  }
  func.func @transform_2(%arg0: i32) -> (i32, i32) {
    %c0_i32 = arith.constant 0 : i32
    %c0_i32_0 = arith.constant 0 : i32
    %c0_i32_1 = arith.constant 0 : i32
    return %c0_i32, %c0_i32_0 : i32, i32
  }
  func.func @transform_3(%arg0: i32) -> (i32, i32) {
    %c0_i32 = arith.constant 0 : i32
    %c0_i32_0 = arith.constant 0 : i32
    return %arg0, %c0_i32 : i32, i32
  }
}

module attributes {stable_mosaic.version = 14 : i64} {
  func.func @_g_body(%arg0: memref<1x16xf32, #tpu.memory_space<vmem>>, %arg1: memref<16x128xf32, #tpu.memory_space<vmem>>, %arg2: memref<1x128xf32, #tpu.memory_space<vmem>>, %arg3: memref<128x128xf32, #tpu.memory_space<vmem>>, %arg4: memref<1x128xf32, #tpu.memory_space<vmem>>, %arg5: memref<1x128xf32, #tpu.memory_space<vmem>>) attributes {dimension_semantics = [], scalar_prefetch = 0 : i64, scratch_operands = 0 : i64, tpu.core_type = #tpu.core_type<tc>} {
    %get3A = arith.constant 0 : index
    %get3A_0 = arith.constant 0 : index
    %get3A_1 = vector.load %arg0[%get3A, %get3A_0] : memref<1x16xf32, #tpu.memory_space<vmem>>, vector<1x16xf32>
    %get3A_2 = arith.constant 0 : index
    %get3A_3 = arith.constant 0 : index
    %get3A_4 = vector.load %arg1[%get3A_2, %get3A_3] : memref<16x128xf32, #tpu.memory_space<vmem>>, vector<16x128xf32>
    %dot_general3A = arith.constant dense<0.000000e+00> : vector<1x128xf32>
    %dot_general3A_5 = tpu.matmul %get3A_1, %get3A_4, %dot_general3A {dimension_numbers = #tpu.dot_dimension_numbers<[1], [0], [0], [1], [0, 0, 1, 1], [], []>, transpose_lhs_hint = false} : vector<1x16xf32>, vector<16x128xf32>, vector<1x128xf32> -> vector<1x128xf32>
    %get3A_6 = arith.constant 0 : index
    %get3A_7 = arith.constant 0 : index
    %get3A_8 = vector.load %arg2[%get3A_6, %get3A_7] : memref<1x128xf32, #tpu.memory_space<vmem>>, vector<1x128xf32>
    %add3A = arith.addf %dot_general3A_5, %get3A_8 : vector<1x128xf32>
    %max3A = arith.constant 0.000000e+00 : f32
    %max3A_9 = vector.broadcast %max3A : f32 to vector<1x128xf32>
    %max3A_10 = arith.maximumf %add3A, %max3A_9 : vector<1x128xf32>
    %get3A_11 = arith.constant 0 : index
    %get3A_12 = arith.constant 0 : index
    %get3A_13 = vector.load %arg3[%get3A_11, %get3A_12] : memref<128x128xf32, #tpu.memory_space<vmem>>, vector<128x128xf32>
    %dot_general3A_14 = arith.constant dense<0.000000e+00> : vector<1x128xf32>
    %dot_general3A_15 = tpu.matmul %max3A_10, %get3A_13, %dot_general3A_14 {dimension_numbers = #tpu.dot_dimension_numbers<[1], [0], [0], [1], [0, 0, 1, 1], [], []>, transpose_lhs_hint = false} : vector<1x128xf32>, vector<128x128xf32>, vector<1x128xf32> -> vector<1x128xf32>
    %get3A_16 = arith.constant 0 : index
    %get3A_17 = arith.constant 0 : index
    %get3A_18 = vector.load %arg4[%get3A_16, %get3A_17] : memref<1x128xf32, #tpu.memory_space<vmem>>, vector<1x128xf32>
    %add3A_19 = arith.addf %dot_general3A_15, %get3A_18 : vector<1x128xf32>
    %swap3A = arith.constant 0 : index
    %swap3A_20 = arith.constant 0 : index
    %swap3A_21 = vector.load %arg5[%swap3A, %swap3A_20] : memref<1x128xf32, #tpu.memory_space<vmem>>, vector<1x128xf32>
    tpu.vector_store %arg5[%swap3A, %swap3A_20], %add3A_19 {strides = array<i32>} : memref<1x128xf32, #tpu.memory_space<vmem>>, vector<1x128xf32>,
    return
  }
}

module attributes {stable_mosaic.version = 14 : i64} {
  func.func @_qkvs_body(%arg0: i32, %arg1: memref<128x128xf32, #tpu.memory_space<vmem>>, %arg2: memref<128x128xf32, #tpu.memory_space<vmem>>, %arg3: memref<1x128xf32, #tpu.memory_space<vmem>>, %arg4: memref<128x128xf32, #tpu.memory_space<vmem>>, %arg5: memref<1x128xf32, #tpu.memory_space<vmem>>, %arg6: memref<128x128xf32, #tpu.memory_space<vmem>>, %arg7: memref<1x128xf32, #tpu.memory_space<vmem>>, %arg8: memref<128x128xf32, #tpu.memory_space<vmem>>, %arg9: memref<1x128xf32, #tpu.memory_space<vmem>>, %arg10: memref<128x128xf32, #tpu.memory_space<vmem>>, %arg11: memref<128x128xf32, #tpu.memory_space<vmem>>, %arg12: memref<128x128xf32, #tpu.memory_space<vmem>>, %arg13: memref<128x128xf32, #tpu.memory_space<vmem>>) attributes {dimension_semantics = [#tpu.dimension_semantics<arbitrary>], iteration_bounds = array<i64: 80>, scalar_prefetch = 0 : i64, scratch_operands = 0 : i64, tpu.core_type = #tpu.core_type<tc>, window_params = [{transform_indices = @transform_0, window_bounds = array<i64: 128, 128>}, {pipeline_mode = #tpu.pipeline_mode<synchronous>, transform_indices = @transform_1, window_bounds = array<i64: 128, 128>}, {pipeline_mode = #tpu.pipeline_mode<synchronous>, transform_indices = @transform_2, window_bounds = array<i64: 1, 128>}, {pipeline_mode = #tpu.pipeline_mode<synchronous>, transform_indices = @transform_3, window_bounds = array<i64: 128, 128>}, {pipeline_mode = #tpu.pipeline_mode<synchronous>, transform_indices = @transform_4, window_bounds = array<i64: 1, 128>}, {pipeline_mode = #tpu.pipeline_mode<synchronous>, transform_indices = @transform_5, window_bounds = array<i64: 128, 128>}, {pipeline_mode = #tpu.pipeline_mode<synchronous>, transform_indices = @transform_6, window_bounds = array<i64: 1, 128>}, {pipeline_mode = #tpu.pipeline_mode<synchronous>, transform_indices = @transform_7, window_bounds = array<i64: 128, 128>}, {pipeline_mode = #tpu.pipeline_mode<synchronous>, transform_indices = @transform_8, window_bounds = array<i64: 1, 128>}, {transform_indices = @transform_9, window_bounds = array<i64: 128, 128>}, {transform_indices = @transform_10, window_bounds = array<i64: 128, 128>}, {transform_indices = @transform_11, window_bounds = array<i64: 128, 128>}, {transform_indices = @transform_12, window_bounds = array<i64: 128, 128>}]} {
    %get3A = arith.constant 0 : index
    %get3A_0 = arith.constant 0 : index
    %get3A_1 = vector.load %arg1[%get3A, %get3A_0] : memref<128x128xf32, #tpu.memory_space<vmem>>, vector<128x128xf32>
    %get3A_2 = arith.constant 0 : index
    %get3A_3 = arith.constant 0 : index
    %get3A_4 = vector.load %arg2[%get3A_2, %get3A_3] : memref<128x128xf32, #tpu.memory_space<vmem>>, vector<128x128xf32>
    %dot_general3A = arith.constant dense<0.000000e+00> : vector<128x128xf32>
    %dot_general3A_5 = tpu.matmul %get3A_1, %get3A_4, %dot_general3A {dimension_numbers = #tpu.dot_dimension_numbers<[1], [0], [0], [1], [0, 0, 1, 1], [], []>, transpose_lhs_hint = false} : vector<128x128xf32>, vector<128x128xf32>, vector<128x128xf32> -> vector<128x128xf32>
    %get3A_6 = arith.constant 0 : index
    %get3A_7 = arith.constant 0 : index
    %get3A_8 = vector.load %arg3[%get3A_6, %get3A_7] : memref<1x128xf32, #tpu.memory_space<vmem>>, vector<1x128xf32>
    %add3A = vector.broadcast %get3A_8 : vector<1x128xf32> to vector<128x128xf32>
    %add3A_9 = arith.addf %dot_general3A_5, %add3A : vector<128x128xf32>
    %swap3A = arith.constant 0 : index
    %swap3A_10 = arith.constant 0 : index
    %swap3A_11 = vector.load %arg10[%swap3A, %swap3A_10] : memref<128x128xf32, #tpu.memory_space<vmem>>, vector<128x128xf32>
    tpu.vector_store %arg10[%swap3A, %swap3A_10], %add3A_9 {strides = array<i32>} : memref<128x128xf32, #tpu.memory_space<vmem>>, vector<128x128xf32>,
    %get3A_12 = arith.constant 0 : index
    %get3A_13 = arith.constant 0 : index
    %get3A_14 = vector.load %arg4[%get3A_12, %get3A_13] : memref<128x128xf32, #tpu.memory_space<vmem>>, vector<128x128xf32>
    %dot_general3A_15 = arith.constant dense<0.000000e+00> : vector<128x128xf32>
    %dot_general3A_16 = tpu.matmul %get3A_1, %get3A_14, %dot_general3A_15 {dimension_numbers = #tpu.dot_dimension_numbers<[1], [0], [0], [1], [0, 0, 1, 1], [], []>, transpose_lhs_hint = false} : vector<128x128xf32>, vector<128x128xf32>, vector<128x128xf32> -> vector<128x128xf32>
    %get3A_17 = arith.constant 0 : index
    %get3A_18 = arith.constant 0 : index
    %get3A_19 = vector.load %arg5[%get3A_17, %get3A_18] : memref<1x128xf32, #tpu.memory_space<vmem>>, vector<1x128xf32>
    %add3A_20 = vector.broadcast %get3A_19 : vector<1x128xf32> to vector<128x128xf32>
    %add3A_21 = arith.addf %dot_general3A_16, %add3A_20 : vector<128x128xf32>
    %swap3A_22 = arith.constant 0 : index
    %swap3A_23 = arith.constant 0 : index
    %swap3A_24 = vector.load %arg11[%swap3A_22, %swap3A_23] : memref<128x128xf32, #tpu.memory_space<vmem>>, vector<128x128xf32>
    tpu.vector_store %arg11[%swap3A_22, %swap3A_23], %add3A_21 {strides = array<i32>} : memref<128x128xf32, #tpu.memory_space<vmem>>, vector<128x128xf32>,
    %get3A_25 = arith.constant 0 : index
    %get3A_26 = arith.constant 0 : index
    %get3A_27 = vector.load %arg6[%get3A_25, %get3A_26] : memref<128x128xf32, #tpu.memory_space<vmem>>, vector<128x128xf32>
    %dot_general3A_28 = arith.constant dense<0.000000e+00> : vector<128x128xf32>
    %dot_general3A_29 = tpu.matmul %get3A_1, %get3A_27, %dot_general3A_28 {dimension_numbers = #tpu.dot_dimension_numbers<[1], [0], [0], [1], [0, 0, 1, 1], [], []>, transpose_lhs_hint = false} : vector<128x128xf32>, vector<128x128xf32>, vector<128x128xf32> -> vector<128x128xf32>
    %get3A_30 = arith.constant 0 : index
    %get3A_31 = arith.constant 0 : index
    %get3A_32 = vector.load %arg7[%get3A_30, %get3A_31] : memref<1x128xf32, #tpu.memory_space<vmem>>, vector<1x128xf32>
    %add3A_33 = vector.broadcast %get3A_32 : vector<1x128xf32> to vector<128x128xf32>
    %add3A_34 = arith.addf %dot_general3A_29, %add3A_33 : vector<128x128xf32>
    %swap3A_35 = arith.constant 0 : index
    %swap3A_36 = arith.constant 0 : index
    %swap3A_37 = vector.load %arg12[%swap3A_35, %swap3A_36] : memref<128x128xf32, #tpu.memory_space<vmem>>, vector<128x128xf32>
    tpu.vector_store %arg12[%swap3A_35, %swap3A_36], %add3A_34 {strides = array<i32>} : memref<128x128xf32, #tpu.memory_space<vmem>>, vector<128x128xf32>,
    %get3A_38 = arith.constant 0 : index
    %get3A_39 = arith.constant 0 : index
    %get3A_40 = vector.load %arg8[%get3A_38, %get3A_39] : memref<128x128xf32, #tpu.memory_space<vmem>>, vector<128x128xf32>
    %dot_general3A_41 = arith.constant dense<0.000000e+00> : vector<128x128xf32>
    %dot_general3A_42 = tpu.matmul %get3A_1, %get3A_40, %dot_general3A_41 {dimension_numbers = #tpu.dot_dimension_numbers<[1], [0], [0], [1], [0, 0, 1, 1], [], []>, transpose_lhs_hint = false} : vector<128x128xf32>, vector<128x128xf32>, vector<128x128xf32> -> vector<128x128xf32>
    %get3A_43 = arith.constant 0 : index
    %get3A_44 = arith.constant 0 : index
    %get3A_45 = vector.load %arg9[%get3A_43, %get3A_44] : memref<1x128xf32, #tpu.memory_space<vmem>>, vector<1x128xf32>
    %add3A_46 = vector.broadcast %get3A_45 : vector<1x128xf32> to vector<128x128xf32>
    %add3A_47 = arith.addf %dot_general3A_42, %add3A_46 : vector<128x128xf32>
    %swap3A_48 = arith.constant 0 : index
    %swap3A_49 = arith.constant 0 : index
    %swap3A_50 = vector.load %arg13[%swap3A_48, %swap3A_49] : memref<128x128xf32, #tpu.memory_space<vmem>>, vector<128x128xf32>
    tpu.vector_store %arg13[%swap3A_48, %swap3A_49], %add3A_47 {strides = array<i32>} : memref<128x128xf32, #tpu.memory_space<vmem>>, vector<128x128xf32>,
    return
  }
  func.func @transform_0(%arg0: i32) -> (i32, i32) {
    %c0_i32 = arith.constant 0 : i32
    %c0_i32_0 = arith.constant 0 : i32
    return %arg0, %c0_i32 : i32, i32
  }
  func.func @transform_1(%arg0: i32) -> (i32, i32) {
    %c0_i32 = arith.constant 0 : i32
    %c0_i32_0 = arith.constant 0 : i32
    %c0_i32_1 = arith.constant 0 : i32
    return %c0_i32, %c0_i32_0 : i32, i32
  }
  func.func @transform_2(%arg0: i32) -> (i32, i32) {
    %c0_i32 = arith.constant 0 : i32
    %c0_i32_0 = arith.constant 0 : i32
    %c0_i32_1 = arith.constant 0 : i32
    return %c0_i32, %c0_i32_0 : i32, i32
  }
  func.func @transform_3(%arg0: i32) -> (i32, i32) {
    %c0_i32 = arith.constant 0 : i32
    %c0_i32_0 = arith.constant 0 : i32
    %c0_i32_1 = arith.constant 0 : i32
    return %c0_i32, %c0_i32_0 : i32, i32
  }
  func.func @transform_4(%arg0: i32) -> (i32, i32) {
    %c0_i32 = arith.constant 0 : i32
    %c0_i32_0 = arith.constant 0 : i32
    %c0_i32_1 = arith.constant 0 : i32
    return %c0_i32, %c0_i32_0 : i32, i32
  }
  func.func @transform_5(%arg0: i32) -> (i32, i32) {
    %c0_i32 = arith.constant 0 : i32
    %c0_i32_0 = arith.constant 0 : i32
    %c0_i32_1 = arith.constant 0 : i32
    return %c0_i32, %c0_i32_0 : i32, i32
  }
  func.func @transform_6(%arg0: i32) -> (i32, i32) {
    %c0_i32 = arith.constant 0 : i32
    %c0_i32_0 = arith.constant 0 : i32
    %c0_i32_1 = arith.constant 0 : i32
    return %c0_i32, %c0_i32_0 : i32, i32
  }
  func.func @transform_7(%arg0: i32) -> (i32, i32) {
    %c0_i32 = arith.constant 0 : i32
    %c0_i32_0 = arith.constant 0 : i32
    %c0_i32_1 = arith.constant 0 : i32
    return %c0_i32, %c0_i32_0 : i32, i32
  }
  func.func @transform_8(%arg0: i32) -> (i32, i32) {
    %c0_i32 = arith.constant 0 : i32
    %c0_i32_0 = arith.constant 0 : i32
    %c0_i32_1 = arith.constant 0 : i32
    return %c0_i32, %c0_i32_0 : i32, i32
  }
  func.func @transform_9(%arg0: i32) -> (i32, i32) {
    %c0_i32 = arith.constant 0 : i32
    %c0_i32_0 = arith.constant 0 : i32
    return %arg0, %c0_i32 : i32, i32
  }
  func.func @transform_10(%arg0: i32) -> (i32, i32) {
    %c0_i32 = arith.constant 0 : i32
    %c0_i32_0 = arith.constant 0 : i32
    return %arg0, %c0_i32 : i32, i32
  }
  func.func @transform_11(%arg0: i32) -> (i32, i32) {
    %c0_i32 = arith.constant 0 : i32
    %c0_i32_0 = arith.constant 0 : i32
    return %arg0, %c0_i32 : i32, i32
  }
  func.func @transform_12(%arg0: i32) -> (i32, i32) {
    %c0_i32 = arith.constant 0 : i32
    %c0_i32_0 = arith.constant 0 : i32
    return %arg0, %c0_i32 : i32, i32
  }
}

module attributes {stable_mosaic.version = 14 : i64} {
  func.func @_rows_mlp_body(%arg0: i32, %arg1: memref<1280x8xf32, #tpu.memory_space<vmem>>, %arg2: memref<8x128xf32, #tpu.memory_space<vmem>>, %arg3: memref<1x128xf32, #tpu.memory_space<vmem>>, %arg4: memref<128x128xf32, #tpu.memory_space<vmem>>, %arg5: memref<1x128xf32, #tpu.memory_space<vmem>>, %arg6: memref<1280x128xf32, #tpu.memory_space<vmem>>) attributes {dimension_semantics = [#tpu.dimension_semantics<arbitrary>], iteration_bounds = array<i64: 125>, scalar_prefetch = 0 : i64, scratch_operands = 0 : i64, tpu.core_type = #tpu.core_type<tc>, window_params = [{transform_indices = @transform_0, window_bounds = array<i64: 1280, 8>}, {pipeline_mode = #tpu.pipeline_mode<synchronous>, transform_indices = @transform_1, window_bounds = array<i64: 8, 128>}, {pipeline_mode = #tpu.pipeline_mode<synchronous>, transform_indices = @transform_2, window_bounds = array<i64: 1, 128>}, {pipeline_mode = #tpu.pipeline_mode<synchronous>, transform_indices = @transform_3, window_bounds = array<i64: 128, 128>}, {pipeline_mode = #tpu.pipeline_mode<synchronous>, transform_indices = @transform_4, window_bounds = array<i64: 1, 128>}, {transform_indices = @transform_5, window_bounds = array<i64: 1280, 128>}]} {
    %get3A = arith.constant 0 : index
    %get3A_0 = arith.constant 0 : index
    %get3A_1 = vector.load %arg1[%get3A, %get3A_0] : memref<1280x8xf32, #tpu.memory_space<vmem>>, vector<1280x8xf32>
    %get3A_2 = arith.constant 0 : index
    %get3A_3 = arith.constant 0 : index
    %get3A_4 = vector.load %arg2[%get3A_2, %get3A_3] : memref<8x128xf32, #tpu.memory_space<vmem>>, vector<8x128xf32>
    %dot_general3A = arith.constant dense<0.000000e+00> : vector<1280x128xf32>
    %dot_general3A_5 = tpu.matmul %get3A_1, %get3A_4, %dot_general3A {dimension_numbers = #tpu.dot_dimension_numbers<[1], [0], [0], [1], [0, 0, 1, 1], [], []>, transpose_lhs_hint = false} : vector<1280x8xf32>, vector<8x128xf32>, vector<1280x128xf32> -> vector<1280x128xf32>
    %get3A_6 = arith.constant 0 : index
    %get3A_7 = arith.constant 0 : index
    %get3A_8 = vector.load %arg3[%get3A_6, %get3A_7] : memref<1x128xf32, #tpu.memory_space<vmem>>, vector<1x128xf32>
    %add3A = vector.broadcast %get3A_8 : vector<1x128xf32> to vector<1280x128xf32>
    %add3A_9 = arith.addf %dot_general3A_5, %add3A : vector<1280x128xf32>
    %max3A = arith.constant 0.000000e+00 : f32
    %max3A_10 = vector.broadcast %max3A : f32 to vector<1280x128xf32>
    %max3A_11 = arith.maximumf %add3A_9, %max3A_10 : vector<1280x128xf32>
    %get3A_12 = arith.constant 0 : index
    %get3A_13 = arith.constant 0 : index
    %get3A_14 = vector.load %arg4[%get3A_12, %get3A_13] : memref<128x128xf32, #tpu.memory_space<vmem>>, vector<128x128xf32>
    %dot_general3A_15 = arith.constant dense<0.000000e+00> : vector<1280x128xf32>
    %dot_general3A_16 = tpu.matmul %max3A_11, %get3A_14, %dot_general3A_15 {dimension_numbers = #tpu.dot_dimension_numbers<[1], [0], [0], [1], [0, 0, 1, 1], [], []>, transpose_lhs_hint = false} : vector<1280x128xf32>, vector<128x128xf32>, vector<1280x128xf32> -> vector<1280x128xf32>
    %get3A_17 = arith.constant 0 : index
    %get3A_18 = arith.constant 0 : index
    %get3A_19 = vector.load %arg5[%get3A_17, %get3A_18] : memref<1x128xf32, #tpu.memory_space<vmem>>, vector<1x128xf32>
    %add3A_20 = vector.broadcast %get3A_19 : vector<1x128xf32> to vector<1280x128xf32>
    %add3A_21 = arith.addf %dot_general3A_16, %add3A_20 : vector<1280x128xf32>
    %swap3A = arith.constant 0 : index
    %swap3A_22 = arith.constant 0 : index
    %swap3A_23 = vector.load %arg6[%swap3A, %swap3A_22] : memref<1280x128xf32, #tpu.memory_space<vmem>>, vector<1280x128xf32>
    tpu.vector_store %arg6[%swap3A, %swap3A_22], %add3A_21 {strides = array<i32>} : memref<1280x128xf32, #tpu.memory_space<vmem>>, vector<1280x128xf32>,
    return
  }
  func.func @transform_0(%arg0: i32) -> (i32, i32) {
    %c0_i32 = arith.constant 0 : i32
    %c0_i32_0 = arith.constant 0 : i32
    return %arg0, %c0_i32 : i32, i32
  }
  func.func @transform_1(%arg0: i32) -> (i32, i32) {
    %c0_i32 = arith.constant 0 : i32
    %c0_i32_0 = arith.constant 0 : i32
    %c0_i32_1 = arith.constant 0 : i32
    return %c0_i32, %c0_i32_0 : i32, i32
  }
  func.func @transform_2(%arg0: i32) -> (i32, i32) {
    %c0_i32 = arith.constant 0 : i32
    %c0_i32_0 = arith.constant 0 : i32
    %c0_i32_1 = arith.constant 0 : i32
    return %c0_i32, %c0_i32_0 : i32, i32
  }
  func.func @transform_3(%arg0: i32) -> (i32, i32) {
    %c0_i32 = arith.constant 0 : i32
    %c0_i32_0 = arith.constant 0 : i32
    %c0_i32_1 = arith.constant 0 : i32
    return %c0_i32, %c0_i32_0 : i32, i32
  }
  func.func @transform_4(%arg0: i32) -> (i32, i32) {
    %c0_i32 = arith.constant 0 : i32
    %c0_i32_0 = arith.constant 0 : i32
    %c0_i32_1 = arith.constant 0 : i32
    return %c0_i32, %c0_i32_0 : i32, i32
  }
  func.func @transform_5(%arg0: i32) -> (i32, i32) {
    %c0_i32 = arith.constant 0 : i32
    %c0_i32_0 = arith.constant 0 : i32
    return %arg0, %c0_i32 : i32, i32
  }
}

module attributes {stable_mosaic.version = 14 : i64} {
  func.func @_edge_body(%arg0: i32, %arg1: memref<1280x128xf32, #tpu.memory_space<vmem>>, %arg2: memref<1280x128xf32, #tpu.memory_space<vmem>>, %arg3: memref<1280x128xf32, #tpu.memory_space<vmem>>, %arg4: memref<1280x128xf32, #tpu.memory_space<vmem>>, %arg5: memref<128x128xf32, #tpu.memory_space<vmem>>, %arg6: memref<128x16xf32, #tpu.memory_space<vmem>>, %arg7: memref<16x128xf32, #tpu.memory_space<vmem>>, %arg8: memref<1280x128xf32, #tpu.memory_space<vmem>>, %arg9: memref<1280x128xf32, #tpu.memory_space<vmem>>) attributes {dimension_semantics = [#tpu.dimension_semantics<arbitrary>], iteration_bounds = array<i64: 125>, scalar_prefetch = 0 : i64, scratch_operands = 0 : i64, tpu.core_type = #tpu.core_type<tc>, window_params = [{transform_indices = @transform_0, window_bounds = array<i64: 1280, 128>}, {transform_indices = @transform_1, window_bounds = array<i64: 1280, 128>}, {transform_indices = @transform_2, window_bounds = array<i64: 1280, 128>}, {transform_indices = @transform_3, window_bounds = array<i64: 1280, 128>}, {pipeline_mode = #tpu.pipeline_mode<synchronous>, transform_indices = @transform_4, window_bounds = array<i64: 128, 128>}, {pipeline_mode = #tpu.pipeline_mode<synchronous>, transform_indices = @transform_5, window_bounds = array<i64: 128, 16>}, {pipeline_mode = #tpu.pipeline_mode<synchronous>, transform_indices = @transform_6, window_bounds = array<i64: 16, 128>}, {transform_indices = @transform_7, window_bounds = array<i64: 1280, 128>}, {transform_indices = @transform_8, window_bounds = array<i64: 1280, 128>}]} {
    %get3A = arith.constant 0 : index
    %get3A_0 = arith.constant 0 : index
    %get3A_1 = vector.load %arg4[%get3A, %get3A_0] : memref<1280x128xf32, #tpu.memory_space<vmem>>, vector<1280x128xf32>
    %get3A_2 = arith.constant 0 : index
    %get3A_3 = arith.constant 0 : index
    %get3A_4 = vector.load %arg5[%get3A_2, %get3A_3] : memref<128x128xf32, #tpu.memory_space<vmem>>, vector<128x128xf32>
    %dot_general3A = arith.constant dense<0.000000e+00> : vector<1280x128xf32>
    %dot_general3A_5 = tpu.matmul %get3A_1, %get3A_4, %dot_general3A {dimension_numbers = #tpu.dot_dimension_numbers<[1], [0], [0], [1], [0, 0, 1, 1], [], []>, transpose_lhs_hint = false} : vector<1280x128xf32>, vector<128x128xf32>, vector<1280x128xf32> -> vector<1280x128xf32>
    %get3A_6 = arith.constant 0 : index
    %get3A_7 = arith.constant 0 : index
    %get3A_8 = vector.load %arg2[%get3A_6, %get3A_7] : memref<1280x128xf32, #tpu.memory_space<vmem>>, vector<1280x128xf32>
    %add3A = arith.addf %get3A_8, %dot_general3A_5 : vector<1280x128xf32>
    %get3A_9 = arith.constant 0 : index
    %get3A_10 = arith.constant 0 : index
    %get3A_11 = vector.load %arg3[%get3A_9, %get3A_10] : memref<1280x128xf32, #tpu.memory_space<vmem>>, vector<1280x128xf32>
    %add3A_12 = arith.addf %get3A_11, %dot_general3A_5 : vector<1280x128xf32>
    %get3A_13 = arith.constant 0 : index
    %get3A_14 = arith.constant 0 : index
    %get3A_15 = vector.load %arg1[%get3A_13, %get3A_14] : memref<1280x128xf32, #tpu.memory_space<vmem>>, vector<1280x128xf32>
    %mul3A = arith.mulf %get3A_15, %add3A : vector<1280x128xf32>
    %get3A_16 = arith.constant 0 : index
    %get3A_17 = arith.constant 0 : index
    %get3A_18 = vector.load %arg6[%get3A_16, %get3A_17] : memref<128x16xf32, #tpu.memory_space<vmem>>, vector<128x16xf32>
    %dot_general3A_19 = arith.constant dense<0.000000e+00> : vector<1280x16xf32>
    %dot_general3A_20 = tpu.matmul %mul3A, %get3A_18, %dot_general3A_19 {dimension_numbers = #tpu.dot_dimension_numbers<[1], [0], [0], [1], [0, 0, 1, 1], [], []>, transpose_lhs_hint = false} : vector<1280x128xf32>, vector<128x16xf32>, vector<1280x16xf32> -> vector<1280x16xf32>
    %mul3A_21 = arith.constant 0.176776692 : f32
    %mul3A_22 = vector.broadcast %mul3A_21 : f32 to vector<1280x16xf32>
    %mul3A_23 = arith.mulf %dot_general3A_20, %mul3A_22 : vector<1280x16xf32>
    %exp3A = math.exp %mul3A_23 : vector<1280x16xf32>
    %get3A_24 = arith.constant 0 : index
    %get3A_25 = arith.constant 0 : index
    %get3A_26 = vector.load %arg6[%get3A_24, %get3A_25] : memref<128x16xf32, #tpu.memory_space<vmem>>, vector<128x16xf32>
    %reduce_sum3A = arith.constant dense<0.000000e+00> : vector<16xf32>
    %reduce_sum3A_27 = vector.multi_reduction <add>, %get3A_26, %reduce_sum3A [0] : vector<128x16xf32> to vector<16xf32>
    %gt3A = arith.constant 0.000000e+00 : f32
    %gt3A_28 = vector.broadcast %gt3A : f32 to vector<16xf32>
    %gt3A_29 = arith.cmpf ogt, %reduce_sum3A_27, %gt3A_28 : vector<16xf32>
    %convert_element_type3A = arith.extui %gt3A_29 : vector<16xi1> to vector<16xi32>
    %convert_element_type3A_30 = arith.sitofp %convert_element_type3A : vector<16xi32> to vector<16xf32>
    %broadcast_in_dim3A = vector.shape_cast %convert_element_type3A_30 : vector<16xf32> to vector<1x16xf32>
    %mul3A_31 = vector.broadcast %broadcast_in_dim3A : vector<1x16xf32> to vector<1280x16xf32>
    %mul3A_32 = arith.mulf %exp3A, %mul3A_31 : vector<1280x16xf32>
    %get3A_33 = arith.constant 0 : index
    %get3A_34 = arith.constant 0 : index
    %get3A_35 = vector.load %arg7[%get3A_33, %get3A_34] : memref<16x128xf32, #tpu.memory_space<vmem>>, vector<16x128xf32>
    %dot_general3A_36 = arith.constant dense<0.000000e+00> : vector<1280x128xf32>
    %dot_general3A_37 = tpu.matmul %mul3A_32, %get3A_35, %dot_general3A_36 {dimension_numbers = #tpu.dot_dimension_numbers<[1], [0], [0], [1], [0, 0, 1, 1], [], []>, transpose_lhs_hint = false} : vector<1280x16xf32>, vector<16x128xf32>, vector<1280x128xf32> -> vector<1280x128xf32>
    %swap3A = arith.constant 0 : index
    %swap3A_38 = arith.constant 0 : index
    %swap3A_39 = vector.load %arg9[%swap3A, %swap3A_38] : memref<1280x128xf32, #tpu.memory_space<vmem>>, vector<1280x128xf32>
    tpu.vector_store %arg9[%swap3A, %swap3A_38], %dot_general3A_37 {strides = array<i32>} : memref<1280x128xf32, #tpu.memory_space<vmem>>, vector<1280x128xf32>,
    %mul3A_40 = arith.mulf %add3A_12, %dot_general3A_37 : vector<1280x128xf32>
    %swap3A_41 = arith.constant 0 : index
    %swap3A_42 = arith.constant 0 : index
    %swap3A_43 = vector.load %arg8[%swap3A_41, %swap3A_42] : memref<1280x128xf32, #tpu.memory_space<vmem>>, vector<1280x128xf32>
    tpu.vector_store %arg8[%swap3A_41, %swap3A_42], %mul3A_40 {strides = array<i32>} : memref<1280x128xf32, #tpu.memory_space<vmem>>, vector<1280x128xf32>,
    return
  }
  func.func @transform_0(%arg0: i32) -> (i32, i32) {
    %c0_i32 = arith.constant 0 : i32
    %c0_i32_0 = arith.constant 0 : i32
    return %arg0, %c0_i32 : i32, i32
  }
  func.func @transform_1(%arg0: i32) -> (i32, i32) {
    %c0_i32 = arith.constant 0 : i32
    %c0_i32_0 = arith.constant 0 : i32
    return %arg0, %c0_i32 : i32, i32
  }
  func.func @transform_2(%arg0: i32) -> (i32, i32) {
    %c0_i32 = arith.constant 0 : i32
    %c0_i32_0 = arith.constant 0 : i32
    return %arg0, %c0_i32 : i32, i32
  }
  func.func @transform_3(%arg0: i32) -> (i32, i32) {
    %c0_i32 = arith.constant 0 : i32
    %c0_i32_0 = arith.constant 0 : i32
    return %arg0, %c0_i32 : i32, i32
  }
  func.func @transform_4(%arg0: i32) -> (i32, i32) {
    %c0_i32 = arith.constant 0 : i32
    %c0_i32_0 = arith.constant 0 : i32
    %c0_i32_1 = arith.constant 0 : i32
    return %c0_i32, %c0_i32_0 : i32, i32
  }
  func.func @transform_5(%arg0: i32) -> (i32, i32) {
    %c0_i32 = arith.constant 0 : i32
    %c0_i32_0 = arith.constant 0 : i32
    %c0_i32_1 = arith.constant 0 : i32
    return %c0_i32, %c0_i32_0 : i32, i32
  }
  func.func @transform_6(%arg0: i32) -> (i32, i32) {
    %c0_i32 = arith.constant 0 : i32
    %c0_i32_0 = arith.constant 0 : i32
    %c0_i32_1 = arith.constant 0 : i32
    return %c0_i32, %c0_i32_0 : i32, i32
  }
  func.func @transform_7(%arg0: i32) -> (i32, i32) {
    %c0_i32 = arith.constant 0 : i32
    %c0_i32_0 = arith.constant 0 : i32
    return %arg0, %c0_i32 : i32, i32
  }
  func.func @transform_8(%arg0: i32) -> (i32, i32) {
    %c0_i32 = arith.constant 0 : i32
    %c0_i32_0 = arith.constant 0 : i32
    return %arg0, %c0_i32 : i32, i32
  }
}

module attributes {stable_mosaic.version = 14 : i64} {
  func.func @_final_body(%arg0: i32, %arg1: memref<128x128xf32, #tpu.memory_space<vmem>>, %arg2: memref<128x128xf32, #tpu.memory_space<vmem>>, %arg3: memref<128x128xf32, #tpu.memory_space<vmem>>, %arg4: memref<128x128xf32, #tpu.memory_space<vmem>>, %arg5: memref<128x128xf32, #tpu.memory_space<vmem>>, %arg6: memref<128x128xf32, #tpu.memory_space<vmem>>, %arg7: memref<1x128xf32, #tpu.memory_space<vmem>>, %arg8: memref<1x128xf32, #tpu.memory_space<vmem>>, %arg9: memref<128x128xf32, #tpu.memory_space<vmem>>) attributes {dimension_semantics = [#tpu.dimension_semantics<arbitrary>], iteration_bounds = array<i64: 80>, scalar_prefetch = 0 : i64, scratch_operands = 0 : i64, tpu.core_type = #tpu.core_type<tc>, window_params = [{transform_indices = @transform_0, window_bounds = array<i64: 128, 128>}, {transform_indices = @transform_1, window_bounds = array<i64: 128, 128>}, {transform_indices = @transform_2, window_bounds = array<i64: 128, 128>}, {transform_indices = @transform_3, window_bounds = array<i64: 128, 128>}, {transform_indices = @transform_4, window_bounds = array<i64: 128, 128>}, {transform_indices = @transform_5, window_bounds = array<i64: 128, 128>}, {pipeline_mode = #tpu.pipeline_mode<synchronous>, transform_indices = @transform_6, window_bounds = array<i64: 1, 128>}, {pipeline_mode = #tpu.pipeline_mode<synchronous>, transform_indices = @transform_7, window_bounds = array<i64: 1, 128>}, {transform_indices = @transform_8, window_bounds = array<i64: 128, 128>}]} {
    %get3A = arith.constant 0 : index
    %get3A_0 = arith.constant 0 : index
    %get3A_1 = vector.load %arg1[%get3A, %get3A_0] : memref<128x128xf32, #tpu.memory_space<vmem>>, vector<128x128xf32>
    %get3A_2 = arith.constant 0 : index
    %get3A_3 = arith.constant 0 : index
    %get3A_4 = vector.load %arg2[%get3A_2, %get3A_3] : memref<128x128xf32, #tpu.memory_space<vmem>>, vector<128x128xf32>
    %add3A = arith.addf %get3A_1, %get3A_4 : vector<128x128xf32>
    %get3A_5 = arith.constant 0 : index
    %get3A_6 = arith.constant 0 : index
    %get3A_7 = vector.load %arg3[%get3A_5, %get3A_6] : memref<128x128xf32, #tpu.memory_space<vmem>>, vector<128x128xf32>
    %get3A_8 = arith.constant 0 : index
    %get3A_9 = arith.constant 0 : index
    %get3A_10 = vector.load %arg4[%get3A_8, %get3A_9] : memref<128x128xf32, #tpu.memory_space<vmem>>, vector<128x128xf32>
    %add3A_11 = arith.addf %get3A_7, %get3A_10 : vector<128x128xf32>
    %add3A_12 = arith.constant 1.000000e-16 : f32
    %add3A_13 = vector.broadcast %add3A_12 : f32 to vector<128x128xf32>
    %add3A_14 = arith.addf %add3A_11, %add3A_13 : vector<128x128xf32>
    %div3A = arith.divf %add3A, %add3A_14 : vector<128x128xf32>
    %get3A_15 = arith.constant 0 : index
    %get3A_16 = arith.constant 0 : index
    %get3A_17 = vector.load %arg5[%get3A_15, %get3A_16] : memref<128x128xf32, #tpu.memory_space<vmem>>, vector<128x128xf32>
    %add3A_18 = arith.addf %div3A, %get3A_17 : vector<128x128xf32>
    %get3A_19 = arith.constant 0 : index
    %get3A_20 = arith.constant 0 : index
    %get3A_21 = vector.load %arg6[%get3A_19, %get3A_20] : memref<128x128xf32, #tpu.memory_space<vmem>>, vector<128x128xf32>
    %add3A_22 = arith.addf %add3A_18, %get3A_21 : vector<128x128xf32>
    %reduce_sum3A = arith.constant dense<0.000000e+00> : vector<128xf32>
    %reduce_sum3A_23 = vector.multi_reduction <add>, %add3A_22, %reduce_sum3A [1] : vector<128x128xf32> to vector<128xf32>
    %broadcast_in_dim3A = vector.shape_cast %reduce_sum3A_23 : vector<128xf32> to vector<128x1xf32>
    %div3A_24 = arith.constant 1.280000e+02 : f32
    %div3A_25 = vector.broadcast %div3A_24 : f32 to vector<128x1xf32>
    %div3A_26 = arith.divf %broadcast_in_dim3A, %div3A_25 : vector<128x1xf32>
    %sub3A = vector.broadcast %div3A_26 : vector<128x1xf32> to vector<128x128xf32>
    %sub3A_27 = arith.subf %add3A_22, %sub3A : vector<128x128xf32>
    %mul3A = arith.mulf %sub3A_27, %sub3A_27 : vector<128x128xf32>
    %reduce_sum3A_28 = arith.constant dense<0.000000e+00> : vector<128xf32>
    %reduce_sum3A_29 = vector.multi_reduction <add>, %mul3A, %reduce_sum3A_28 [1] : vector<128x128xf32> to vector<128xf32>
    %broadcast_in_dim3A_30 = vector.shape_cast %reduce_sum3A_29 : vector<128xf32> to vector<128x1xf32>
    %div3A_31 = arith.constant 1.280000e+02 : f32
    %div3A_32 = vector.broadcast %div3A_31 : f32 to vector<128x1xf32>
    %div3A_33 = arith.divf %broadcast_in_dim3A_30, %div3A_32 : vector<128x1xf32>
    %add3A_34 = arith.constant 9.99999974E-6 : f32
    %add3A_35 = vector.broadcast %add3A_34 : f32 to vector<128x1xf32>
    %add3A_36 = arith.addf %div3A_33, %add3A_35 : vector<128x1xf32>
    %rsqrt3A = math.rsqrt %add3A_36 : vector<128x1xf32>
    %mul3A_37 = vector.broadcast %rsqrt3A : vector<128x1xf32> to vector<128x128xf32>
    %mul3A_38 = arith.mulf %sub3A_27, %mul3A_37 : vector<128x128xf32>
    %get3A_39 = arith.constant 0 : index
    %get3A_40 = arith.constant 0 : index
    %get3A_41 = vector.load %arg7[%get3A_39, %get3A_40] : memref<1x128xf32, #tpu.memory_space<vmem>>, vector<1x128xf32>
    %mul3A_42 = vector.broadcast %get3A_41 : vector<1x128xf32> to vector<128x128xf32>
    %mul3A_43 = arith.mulf %mul3A_38, %mul3A_42 : vector<128x128xf32>
    %get3A_44 = arith.constant 0 : index
    %get3A_45 = arith.constant 0 : index
    %get3A_46 = vector.load %arg8[%get3A_44, %get3A_45] : memref<1x128xf32, #tpu.memory_space<vmem>>, vector<1x128xf32>
    %add3A_47 = vector.broadcast %get3A_46 : vector<1x128xf32> to vector<128x128xf32>
    %add3A_48 = arith.addf %mul3A_43, %add3A_47 : vector<128x128xf32>
    %max3A = arith.constant 0.000000e+00 : f32
    %max3A_49 = vector.broadcast %max3A : f32 to vector<128x128xf32>
    %max3A_50 = arith.maximumf %add3A_48, %max3A_49 : vector<128x128xf32>
    %swap3A = arith.constant 0 : index
    %swap3A_51 = arith.constant 0 : index
    %swap3A_52 = vector.load %arg9[%swap3A, %swap3A_51] : memref<128x128xf32, #tpu.memory_space<vmem>>, vector<128x128xf32>
    tpu.vector_store %arg9[%swap3A, %swap3A_51], %max3A_50 {strides = array<i32>} : memref<128x128xf32, #tpu.memory_space<vmem>>, vector<128x128xf32>,
    return
  }
  func.func @transform_0(%arg0: i32) -> (i32, i32) {
    %c0_i32 = arith.constant 0 : i32
    %c0_i32_0 = arith.constant 0 : i32
    return %arg0, %c0_i32 : i32, i32
  }
  func.func @transform_1(%arg0: i32) -> (i32, i32) {
    %c0_i32 = arith.constant 0 : i32
    %c0_i32_0 = arith.constant 0 : i32
    return %arg0, %c0_i32 : i32, i32
  }
  func.func @transform_2(%arg0: i32) -> (i32, i32) {
    %c0_i32 = arith.constant 0 : i32
    %c0_i32_0 = arith.constant 0 : i32
    return %arg0, %c0_i32 : i32, i32
  }
  func.func @transform_3(%arg0: i32) -> (i32, i32) {
    %c0_i32 = arith.constant 0 : i32
    %c0_i32_0 = arith.constant 0 : i32
    return %arg0, %c0_i32 : i32, i32
  }
  func.func @transform_4(%arg0: i32) -> (i32, i32) {
    %c0_i32 = arith.constant 0 : i32
    %c0_i32_0 = arith.constant 0 : i32
    return %arg0, %c0_i32 : i32, i32
  }
  func.func @transform_5(%arg0: i32) -> (i32, i32) {
    %c0_i32 = arith.constant 0 : i32
    %c0_i32_0 = arith.constant 0 : i32
    return %arg0, %c0_i32 : i32, i32
  }
  func.func @transform_6(%arg0: i32) -> (i32, i32) {
    %c0_i32 = arith.constant 0 : i32
    %c0_i32_0 = arith.constant 0 : i32
    %c0_i32_1 = arith.constant 0 : i32
    return %c0_i32, %c0_i32_0 : i32, i32
  }
  func.func @transform_7(%arg0: i32) -> (i32, i32) {
    %c0_i32 = arith.constant 0 : i32
    %c0_i32_0 = arith.constant 0 : i32
    %c0_i32_1 = arith.constant 0 : i32
    return %c0_i32, %c0_i32_0 : i32, i32
  }
  func.func @transform_8(%arg0: i32) -> (i32, i32) {
    %c0_i32 = arith.constant 0 : i32
    %c0_i32_0 = arith.constant 0 : i32
    return %arg0, %c0_i32 : i32, i32
  }
}

module attributes {stable_mosaic.version = 14 : i64} {
  func.func @_final_body(%arg0: i32, %arg1: memref<128x128xf32, #tpu.memory_space<vmem>>, %arg2: memref<128x128xf32, #tpu.memory_space<vmem>>, %arg3: memref<128x128xf32, #tpu.memory_space<vmem>>, %arg4: memref<128x128xf32, #tpu.memory_space<vmem>>, %arg5: memref<128x128xf32, #tpu.memory_space<vmem>>, %arg6: memref<128x128xf32, #tpu.memory_space<vmem>>, %arg7: memref<1x128xf32, #tpu.memory_space<vmem>>, %arg8: memref<1x128xf32, #tpu.memory_space<vmem>>, %arg9: memref<128x128xf32, #tpu.memory_space<vmem>>) attributes {dimension_semantics = [#tpu.dimension_semantics<arbitrary>], iteration_bounds = array<i64: 80>, scalar_prefetch = 0 : i64, scratch_operands = 0 : i64, tpu.core_type = #tpu.core_type<tc>, window_params = [{transform_indices = @transform_0, window_bounds = array<i64: 128, 128>}, {transform_indices = @transform_1, window_bounds = array<i64: 128, 128>}, {transform_indices = @transform_2, window_bounds = array<i64: 128, 128>}, {transform_indices = @transform_3, window_bounds = array<i64: 128, 128>}, {transform_indices = @transform_4, window_bounds = array<i64: 128, 128>}, {transform_indices = @transform_5, window_bounds = array<i64: 128, 128>}, {pipeline_mode = #tpu.pipeline_mode<synchronous>, transform_indices = @transform_6, window_bounds = array<i64: 1, 128>}, {pipeline_mode = #tpu.pipeline_mode<synchronous>, transform_indices = @transform_7, window_bounds = array<i64: 1, 128>}, {transform_indices = @transform_8, window_bounds = array<i64: 128, 128>}]} {
    %get3A = arith.constant 0 : index
    %get3A_0 = arith.constant 0 : index
    %get3A_1 = vector.load %arg1[%get3A, %get3A_0] : memref<128x128xf32, #tpu.memory_space<vmem>>, vector<128x128xf32>
    %get3A_2 = arith.constant 0 : index
    %get3A_3 = arith.constant 0 : index
    %get3A_4 = vector.load %arg2[%get3A_2, %get3A_3] : memref<128x128xf32, #tpu.memory_space<vmem>>, vector<128x128xf32>
    %add3A = arith.addf %get3A_1, %get3A_4 : vector<128x128xf32>
    %get3A_5 = arith.constant 0 : index
    %get3A_6 = arith.constant 0 : index
    %get3A_7 = vector.load %arg3[%get3A_5, %get3A_6] : memref<128x128xf32, #tpu.memory_space<vmem>>, vector<128x128xf32>
    %get3A_8 = arith.constant 0 : index
    %get3A_9 = arith.constant 0 : index
    %get3A_10 = vector.load %arg4[%get3A_8, %get3A_9] : memref<128x128xf32, #tpu.memory_space<vmem>>, vector<128x128xf32>
    %add3A_11 = arith.addf %get3A_7, %get3A_10 : vector<128x128xf32>
    %add3A_12 = arith.constant 1.000000e-16 : f32
    %add3A_13 = vector.broadcast %add3A_12 : f32 to vector<128x128xf32>
    %add3A_14 = arith.addf %add3A_11, %add3A_13 : vector<128x128xf32>
    %div3A = arith.divf %add3A, %add3A_14 : vector<128x128xf32>
    %get3A_15 = arith.constant 0 : index
    %get3A_16 = arith.constant 0 : index
    %get3A_17 = vector.load %arg5[%get3A_15, %get3A_16] : memref<128x128xf32, #tpu.memory_space<vmem>>, vector<128x128xf32>
    %add3A_18 = arith.addf %div3A, %get3A_17 : vector<128x128xf32>
    %get3A_19 = arith.constant 0 : index
    %get3A_20 = arith.constant 0 : index
    %get3A_21 = vector.load %arg6[%get3A_19, %get3A_20] : memref<128x128xf32, #tpu.memory_space<vmem>>, vector<128x128xf32>
    %add3A_22 = arith.addf %add3A_18, %get3A_21 : vector<128x128xf32>
    %reduce_sum3A = arith.constant dense<0.000000e+00> : vector<128xf32>
    %reduce_sum3A_23 = vector.multi_reduction <add>, %add3A_22, %reduce_sum3A [1] : vector<128x128xf32> to vector<128xf32>
    %broadcast_in_dim3A = vector.shape_cast %reduce_sum3A_23 : vector<128xf32> to vector<128x1xf32>
    %div3A_24 = arith.constant 1.280000e+02 : f32
    %div3A_25 = vector.broadcast %div3A_24 : f32 to vector<128x1xf32>
    %div3A_26 = arith.divf %broadcast_in_dim3A, %div3A_25 : vector<128x1xf32>
    %sub3A = vector.broadcast %div3A_26 : vector<128x1xf32> to vector<128x128xf32>
    %sub3A_27 = arith.subf %add3A_22, %sub3A : vector<128x128xf32>
    %mul3A = arith.mulf %sub3A_27, %sub3A_27 : vector<128x128xf32>
    %reduce_sum3A_28 = arith.constant dense<0.000000e+00> : vector<128xf32>
    %reduce_sum3A_29 = vector.multi_reduction <add>, %mul3A, %reduce_sum3A_28 [1] : vector<128x128xf32> to vector<128xf32>
    %broadcast_in_dim3A_30 = vector.shape_cast %reduce_sum3A_29 : vector<128xf32> to vector<128x1xf32>
    %div3A_31 = arith.constant 1.280000e+02 : f32
    %div3A_32 = vector.broadcast %div3A_31 : f32 to vector<128x1xf32>
    %div3A_33 = arith.divf %broadcast_in_dim3A_30, %div3A_32 : vector<128x1xf32>
    %add3A_34 = arith.constant 9.99999974E-6 : f32
    %add3A_35 = vector.broadcast %add3A_34 : f32 to vector<128x1xf32>
    %add3A_36 = arith.addf %div3A_33, %add3A_35 : vector<128x1xf32>
    %rsqrt3A = math.rsqrt %add3A_36 : vector<128x1xf32>
    %mul3A_37 = vector.broadcast %rsqrt3A : vector<128x1xf32> to vector<128x128xf32>
    %mul3A_38 = arith.mulf %sub3A_27, %mul3A_37 : vector<128x128xf32>
    %get3A_39 = arith.constant 0 : index
    %get3A_40 = arith.constant 0 : index
    %get3A_41 = vector.load %arg7[%get3A_39, %get3A_40] : memref<1x128xf32, #tpu.memory_space<vmem>>, vector<1x128xf32>
    %mul3A_42 = vector.broadcast %get3A_41 : vector<1x128xf32> to vector<128x128xf32>
    %mul3A_43 = arith.mulf %mul3A_38, %mul3A_42 : vector<128x128xf32>
    %get3A_44 = arith.constant 0 : index
    %get3A_45 = arith.constant 0 : index
    %get3A_46 = vector.load %arg8[%get3A_44, %get3A_45] : memref<1x128xf32, #tpu.memory_space<vmem>>, vector<1x128xf32>
    %add3A_47 = vector.broadcast %get3A_46 : vector<1x128xf32> to vector<128x128xf32>
    %add3A_48 = arith.addf %mul3A_43, %add3A_47 : vector<128x128xf32>
    %swap3A = arith.constant 0 : index
    %swap3A_49 = arith.constant 0 : index
    %swap3A_50 = vector.load %arg9[%swap3A, %swap3A_49] : memref<128x128xf32, #tpu.memory_space<vmem>>, vector<128x128xf32>
    tpu.vector_store %arg9[%swap3A, %swap3A_49], %add3A_48 {strides = array<i32>} : memref<128x128xf32, #tpu.memory_space<vmem>>, vector<128x128xf32>,
    return
  }
  func.func @transform_0(%arg0: i32) -> (i32, i32) {
    %c0_i32 = arith.constant 0 : i32
    %c0_i32_0 = arith.constant 0 : i32
    return %arg0, %c0_i32 : i32, i32
  }
  func.func @transform_1(%arg0: i32) -> (i32, i32) {
    %c0_i32 = arith.constant 0 : i32
    %c0_i32_0 = arith.constant 0 : i32
    return %arg0, %c0_i32 : i32, i32
  }
  func.func @transform_2(%arg0: i32) -> (i32, i32) {
    %c0_i32 = arith.constant 0 : i32
    %c0_i32_0 = arith.constant 0 : i32
    return %arg0, %c0_i32 : i32, i32
  }
  func.func @transform_3(%arg0: i32) -> (i32, i32) {
    %c0_i32 = arith.constant 0 : i32
    %c0_i32_0 = arith.constant 0 : i32
    return %arg0, %c0_i32 : i32, i32
  }
  func.func @transform_4(%arg0: i32) -> (i32, i32) {
    %c0_i32 = arith.constant 0 : i32
    %c0_i32_0 = arith.constant 0 : i32
    return %arg0, %c0_i32 : i32, i32
  }
  func.func @transform_5(%arg0: i32) -> (i32, i32) {
    %c0_i32 = arith.constant 0 : i32
    %c0_i32_0 = arith.constant 0 : i32
    return %arg0, %c0_i32 : i32, i32
  }
  func.func @transform_6(%arg0: i32) -> (i32, i32) {
    %c0_i32 = arith.constant 0 : i32
    %c0_i32_0 = arith.constant 0 : i32
    %c0_i32_1 = arith.constant 0 : i32
    return %c0_i32, %c0_i32_0 : i32, i32
  }
  func.func @transform_7(%arg0: i32) -> (i32, i32) {
    %c0_i32 = arith.constant 0 : i32
    %c0_i32_0 = arith.constant 0 : i32
    %c0_i32_1 = arith.constant 0 : i32
    return %c0_i32, %c0_i32_0 : i32, i32
  }
  func.func @transform_8(%arg0: i32) -> (i32, i32) {
    %c0_i32 = arith.constant 0 : i32
    %c0_i32_0 = arith.constant 0 : i32
    return %arg0, %c0_i32 : i32, i32
  }
}

</mosaic_0001>

<sc_bundles>
// kernel: kernel.25.cloned.1.call-start
scs
__scs_entry_jumppad:
0x0: {  	(pc) =	sbr.rel $0x88, $3  }
0x1: {  	(tag) =	ssettag $0x0;
	lr =	simm.s32 $0x1  }
0x2: {  	[smem:$0x3F88] =	sst lr;
	_ =	strace $0xD0000000  }
0x3: {  	_ = 	snop  }
0x4: {  	_ = 	snop  }
0x5: {  	_ = 	snop  }
0x6: {  	_ = 	snop  }
0x7: {  	_ = 	snop  }
__scs_overlays_trampoline_lowered:
0x8: {  	[smem:$0x3F97] =	sst s0  }
0x9: {  	[smem:$0x3F98] =	sst s1  }
0xa: {  	[smem:$0x3F99] =	sst s2  }
0xb: {  	[smem:$0x3F9A] =	sst s3  }
0xc: {  	[smem:$0x3F9B] =	sst s4  }
0xd: {  	[smem:$0x3F9C] =	sst s5  }
0xe: {  	[smem:$0x3F9D] =	sst s6  }
0xf: {  	[smem:$0x3F9E] =	sst s7  }
0x10: {  	[smem:$0x3F9F] =	sst s8  }
0x11: {  	[smem:$0x3FA0] =	sst s9;
	s0 =	simm.s32 @!p0 $0x0  }
0x12: {  	s1 =	sld [smem:$0x3F86];
	s0 =	simm.s32 @p0 $0x1  }
0x13: {  	[smem:$0x3FA1] =	sst s0;
	s0 =	simm.s32 @!p1 $0x0  }
0x14: {  	s2 =	sld [smem:$0x3F85];
	s0 =	simm.s32 @p1 $0x1  }
0x15: {  	[smem:$0x3FA2] =	sst s0;
	s0 =	simm.s32 @!p2 $0x0  }
0x16: {  	s3 =	sld [smem:$0x3FDB];
	s0 =	simm.s32 @p2 $0x1  }
0x17: {  	s4 =	simm.s32 $0x1BF5;
	[smem:$0x3FA4] =	sst s0  }
0x18: {  	s0 =	sld [smem:$0x3F87];
	_ =	swait.ge [sflag:s4], $0x0  }
0x19: {  	s7 =	sld [smem:$0x3F88]  }
0x1a: {  	s8 =	sadd.s32 $0xFFFFE003, lr  }
0x1b: {  	s9 =	sadd.s32 $0xFFFFFEF7, lr;
	s5 =	simm.s32 $0xFFFFFFFF;
	p2 =	slt.u32 s8, $0xFFFFF086  }
0x1c: {  	p1 =	slt.u32 s9, $0xF7A;
	s5 =	simm.s32 @!p2 $0x0  }
0x1d: {  	s5 =	simm.s32 @p1 $0x1;
	p0 =	seq.s32 s7, s2  }
0x1e: {  	s7 =	smul.u32 @!p0 $0xF7A, s2;
	p2 =	seq.s32 @!p0 s5, $0x0  }
0x1f: {  	s9 =	smul.u32 $0xF7A, s1;
	s8 =	simm.s32 @!p0 $0x1BF5;
	p2 =	por !p2, p0  }
0x20: {  	[sflag:s8] =	ssyncset.s32 @!p0 $0xFFFFF086;
	s6 =	sadd.s32 @!p0 s3, s7;
	s7 =	simm.s32 @!p0 $0x108  }
0x21: {  	s3 =	sadd.s32 s3, s9;
	s6 =	sadd.s32 @!p0 $0x88, s6;
	s7 =	simm.s32 @p2 $0x1082  }
0x22: {  	[simem:s7], [sflag:s8] =	dma.local @!p0 [hbm:s6], $0xF7A  }
0x23: {  	s9 =	sor.u32 $0xD0000000, s2;
	s6 =	simm.s32 $0x108;
	_ =	swait.ge @!p0 [sflag:s8], $0x0  }
0x24: {  	s3 =	sadd.s32 $0x88, s3;
	s6 =	simm.s32 @!p1 $0x1082;
	[sflag:s4] =	ssyncset.s32 $0xFFFFF086  }
0x25: {  	[simem:s6], [sflag:s4] =	dma.local [hbm:s3], $0xF7A  }
0x26: {  	[smem:$0x3F88] =	sst s1;
	(tag) =	ssettag s2;
	_ =	strace s9  }
0x27: {  	s1 =	sld [smem:$0x3F98]  }
0x28: {  	s2 =	sld [smem:$0x3F99]  }
0x29: {  	s4 =	sld [smem:$0x3F9B]  }
0x2a: {  	p0 =	seq.s32 s5, $0x0;
	s5 =	sld [smem:$0x3F9C]  }
0x2b: {  	s6 =	sld [smem:$0x3F9D]  }
0x2c: {  	s7 =	sld [smem:$0x3F9E]  }
0x2d: {  	s3 =	simm.s32 $0x108;
	s8 =	sld [smem:$0x3F9F]  }
0x2e: {  	s3 =	simm.s32 @!p0 $0x1082;
	s9 =	sld [smem:$0x3FA0]  }
0x2f: {  	lr =	sadd.s32 s0, s3;
	s0 =	sld [smem:$0x3F97]  }
0x30: {  	s3 =	sld [smem:$0x3F9A]  }
0x31: {  	[smem:$0x3FA3] =	sst s10  }
0x32: {  	s10 =	sld [smem:$0x3FA1];
	_ =	sdelay $0x3  }
0x33: {  	p0 =	seq.s32 s10, $0x1;
	s10 =	sld [smem:$0x3FA3];
	_ =	sdelay $0x3  }
0x34: {  	[smem:$0x3FA3] =	sst s10  }
0x35: {  	s10 =	sld [smem:$0x3FA2];
	_ =	sdelay $0x3  }
0x36: {  	p1 =	seq.s32 s10, $0x1;
	s10 =	sld [smem:$0x3FA3];
	_ =	sdelay $0x3  }
0x37: {  	[smem:$0x3FA3] =	sst s10  }
0x38: {  	s10 =	sld [smem:$0x3FA4]  }
0x39: {  	_ = 	snop;
	(pc) =	sbr.ind lr, $3  }
0x3a: {  	_ = 	snop  }
0x3b: {  	_ = 	snop  }
0x3c: {  	p2 =	seq.s32 s10, $0x1;
	s10 =	sld [smem:$0x3FA3]  }
0x3d: {  	_ =	shalt  }
0x3e: {  	_ =	shalt  }
0x3f: {  	_ =	shalt  }
0x40: {  	_ =	shalt  }
0x41: {  	_ =	shalt  }
0x42: {  	_ =	shalt  }
0x43: {  	_ =	shalt  }
0x44: {  	_ =	shalt  }
0x45: {  	_ =	shalt  }
0x46: {  	_ =	shalt  }
0x47: {  	_ =	shalt  }
0x48: {  	_ =	shalt  }
0x49: {  	_ =	shalt  }
0x4a: {  	_ =	shalt  }
0x4b: {  	_ =	shalt  }
0x4c: {  	_ =	shalt  }
0x4d: {  	_ =	shalt  }
0x4e: {  	_ =	shalt  }
0x4f: {  	_ =	shalt  }
0x50: {  	_ =	shalt  }
0x51: {  	_ =	shalt  }
0x52: {  	_ =	shalt  }
0x53: {  	_ =	shalt  }
0x54: {  	_ =	shalt  }
0x55: {  	_ =	shalt  }
0x56: {  	_ =	shalt  }
0x57: {  	_ =	shalt  }
0x58: {  	_ =	shalt  }
0x59: {  	_ =	shalt  }
0x5a: {  	_ =	shalt  }
0x5b: {  	_ =	shalt  }
0x5c: {  	_ =	shalt  }
0x5d: {  	_ =	shalt  }
0x5e: {  	_ =	shalt  }
0x5f: {  	_ =	shalt  }
0x60: {  	_ =	shalt  }
0x61: {  	_ =	shalt  }
0x62: {  	_ =	shalt  }
0x63: {  	_ =	shalt  }
0x64: {  	_ =	shalt  }
0x65: {  	_ =	shalt  }
0x66: {  	_ =	shalt  }
0x67: {  	_ =	shalt  }
0x68: {  	_ =	shalt  }
0x69: {  	_ =	shalt  }
0x6a: {  	_ =	shalt  }
0x6b: {  	_ =	shalt  }
0x6c: {  	_ =	shalt  }
0x6d: {  	_ =	shalt  }
0x6e: {  	_ =	shalt  }
0x6f: {  	_ =	shalt  }
0x70: {  	_ =	shalt  }
0x71: {  	_ =	shalt  }
0x72: {  	_ =	shalt  }
0x73: {  	_ =	shalt  }
0x74: {  	_ =	shalt  }
0x75: {  	_ =	shalt  }
0x76: {  	_ =	shalt  }
0x77: {  	_ =	shalt  }
0x78: {  	_ =	shalt  }
0x79: {  	_ =	shalt  }
0x7a: {  	_ =	shalt  }
0x7b: {  	_ =	shalt  }
0x7c: {  	_ =	shalt  }
0x7d: {  	_ =	shalt  }
0x7e: {  	_ =	shalt  }
0x7f: {  	_ =	shalt  }
0x80: {  	_ =	shalt  }
0x81: {  	_ =	shalt  }
0x82: {  	_ =	shalt  }
0x83: {  	_ =	shalt  }
0x84: {  	_ =	shalt  }
0x85: {  	_ =	shalt  }
0x86: {  	_ =	shalt  }
0x87: {  	_ =	shalt  }
.Lfunc_end0:
.L_simem_size_0:
called_computation_lowered:
.L_overlay_start_0:
0x88: {  	s2 =	sld [smem:$0x3FD9]  }
0x89: {  	s3 =	sld [smem:$0x3FFE];
	_ =	sdelay $0x1  }
0x8a: {  	s1 =	srdreg.scid  }
0x8b: {  	s0 =	sand.u32 $0x1, s1  }
0x8c: {  	s17 =	sshll.u32 s0, $0xA;
	s2 =	sadd.s32 s3, s2  }
0x8d: {  	s2 =	sadd.s32 s2, s17  }
0x8e: {  	[smem:$0x3FAF] =	sst s2  }
0x8f: {  	_ = 	snop  }
0x90: {  	s2 =	sld [smem:$0x3FD0];
	(tm) =	ssettm $0x1  }
0x91: {  	s18 =	sld [smem:$0x3FFB];
	_ =	sdelay $0x3  }
0x92: {  	_ =	strace s18  }
0x93: {  	s3 =	sld [smem:$0x3FFC];
	_ =	sdelay $0x3  }
0x94: {  	_ =	strace s3  }
0x95: {  	s3 =	sld [smem:$0x3FFD];
	_ =	sdelay $0x3  }
0x96: {  	_ =	strace s3  }
0x97: {  	_ =	strace $0x8FFFFFFF  }
0x98: {  	s19 =	sld [smem:$0x3FDB];
	_ =	sdelay $0x1  }
0x99: {  	s4 =	simm.s32 $_scs_section_size  }
0x9a: {  	s5 =	simm.s32 $_size__tile_overlayer_lowered;
	s6 =	simm.s32 $_tile_overlayer_lowered  }
0x9b: {  	s22 =	simm.s32 $0x1BFF;
	s21 =	sshll.u32 s6, $0x1;
	s3 =	sadd.s32 s4, s19  }
0x9c: {  	s7 =	simm.s32 $0x0;
	s20 =	sshll.u32 s5, $0x1;
	s5 =	sadd.s32 s21, s3  }
0x9d: {  	[timem:s7], [sflag:s22] =	dma.local [hbm:s5], s20  }
0x9e: {  	_ =	swait.ge [sflag:s22], s20  }
0x9f: {  	s4 =	ssub.s32 $0x0, s20;
	[sflag:s22] =	ssyncset.done $0x0  }
0xa0: {  	[sflag:s22] =	ssyncadd.s32 s4;
	_ =	sdelay $0x1  }
0xa1: {  	s23 =	simm.s32 $0x1B8B  }
0xa2: {  	_ =	swait.ge [sflag:s23], $0x1  }
0xa3: {  	[sflag:s23] =	ssyncset.done $0x0  }
0xa4: {  	s25 =	simm.s32 $0x1B8E;
	s24 =	sld [smem:$0x3FFE];
	[sflag:s23] =	ssyncadd.s32 $0xFFFFFFFF  }
0xa5: {  	s26 =	simm.s32 $execute0_lowered;
	[smem:$0x3FD2] =	sst s25  }
0xa6: {  	s5 =	sshll.u32 s26, $0x1;
	_ =	strace $0x80000046;
	[dreg:$0x1] =	wrdreg $0xFFFFFFFF  }
0xa7: {  	s28 =	simm.s32 $_size_execute0_lowered;
	s3 =	sadd.s32 s3, s5;
	[dreg:$0x0] =	wrdreg $0x0  }
0xa8: {  	s5 =	sshll.u32 s28, $0x1;
	[dreg:$0x2] =	wrdreg s3  }
0xa9: {  	[dreg:$0x3] =	wrdreg s5  }
0xaa: {  	[dreg:$0x4] =	wrdreg $0xC0  }
0xab: {  	_ =	task [dreg:s7], $0x5FFFF  }
0xac: {  	[dreg:$0x1] =	wrdreg $0xFFFFFFFF  }
0xad: {  	[dreg:$0x0] =	wrdreg $0x60  }
0xae: {  	[dreg:$0x2] =	wrdreg s24  }
0xaf: {  	[dreg:$0x3] =	wrdreg s2  }
0xb0: {  	[dreg:$0x4] =	wrdreg $0x9  }
0xb1: {  	_ =	task.clear_ibuf [dreg:s7], $0x5FFFF;
	_ =	strace $0x90000046  }
0xb2: {  	s29 =	simm.s32 $0x9;
	_ =	strace $0x80000048  }
0xb3: {  	_ =	swait.ge [sflag:s29], $0x1  }
0xb4: {  	[sflag:s29] =	ssyncadd.s32 $0xFFFFFFFF  }
0xb5: {  	_ =	strace $0x90000048  }
0xb6: {  	_ =	sfence  }
0xb7: {  	s30 =	sld [smem:$0x0];
	_ =	sdelay $0x2  }
0xb8: {  	s31 =	sshll.u32 s1, $0xD;
	s1 =	sshrl.u32 s1, $0x2  }
0xb9: {  	s3 =	sand.u32 $0x4000, s31;
	s1 =	sadd.s32 s1, s30  }
0xba: {  	s0 =	sor.u32 s3, s0;
	s1 =	sshll.u32 s1, $0x11  }
0xbb: {  	s0 =	sor.u32 s1, s0  }
0xbc: {  	s0 =	sadd.s32 $0x8F2B, s0  }
0xbd: {  	[sflag:s0] =	ssyncadd.remote.s32 $0x1  }
0xbe: {  	_ =	sfence.sel $0xFFFF  }
0xbf: {  	[dreg:$0x0] =	wrdreg $0xFFFFFFFF;
	(pc) =	sbr.abs _section_cstart, $3  }
0xc0: {  	[dreg:$0x1] =	wrdreg $0xFFFFFFFF  }
0xc1: {  	_ =	task.clear_ibuf [dreg:s7], $0x2FFFF;
	_ =	strace $0x9FFFFFFF  }
0xc2: {  	(tm) =	ssettm $0x7FFFFFFF  }
0xc3: {  	_ =	shalt  }
tec
execute0_lowered:
.L_overlay_start_1:
0x0: {  	(tag) =	ssettag $0x1  }
0x1: {  	s6 =	rddreg [dreg:$0x0]  }
0x2: {  	s10 =	rddreg [dreg:$0x1]  }
0x3: {  	s0 =	rddreg [dreg:$0x2];
	s2 =	simm.s32 $0x0  }
0x4: {  	s1 =	srdreg.scid;
	s13 =	simm.s32 $0x100;
	s14 =	simm.s32 $0xC8  }
0x5: {  	s15 =	simm.s32 $0x200;
	s16 =	simm.s32 $0x6600;
	s17 =	simm.s32 $0xCA00  }
0x6: {  	s18 =	simm.s32 $0x1;
	s19 =	simm.s32 $0x2;
	s20 =	simm.s32 $0x3  }
0x7: {  	s21 =	simm.s32 $0x0;
	[smem:$0x7FF] =	sst s2;
	s7 =	sand.u32 $0x1, s1  }
0x8: {  	s1 =	stileid.u32;
	s3 =	sadd.s32 $0x45C00, s6;
	s8 =	smul.u32 $0x13880, s7  }
0x9: {  	s4 =	sadd.s32 $0x6DC00, s6;
	s5 =	sadd.s32 $0x95C00, s6;
	s9 =	smul.u32 $0x1388, s1  }
0xa: {  	_ =	strace $0x80000047;
	s11 =	smul.u32 $0x138800, s7;
	s7 =	ssub.s32 $0x2, s7  }
0xb: {  	s12 =	smul.u32 $0x13880, s1;
	s30 =	sshrl.u32 s7, $0x1;
	s8 =	sadd.s32 s9, s8  }
0xc: {  	s28 =	sadd.s32 s11, s6;
	s7 =	ssub.s32 s7, s30;
	s29 =	sshrl.u32 s8, $0x3  }
0xd: {  	s9 =	sadd.s32 s12, s28;
	s7 =	smax.u32 s7, $0x1;
	s12 =	simm.s32 $0x4  }
0xe: {  	s31 =	sadd.s32 s29, s6;
	s6 =	sadd.s32 $0x356C00, s9;
	s8 =	sadd.s32 $0x5C7C00, s9  }
0xf: {  	s9 =	sadd.s32 $0xE5C00, s9;
	s10 =	sadd.s32 s29, s10;
	s11 =	sadd.s32 $0x11400, s31  }
.LBB2_1:
0x10: {  	[tilespmem:s2], [sflag:$0x4] =	stream.linear.gather [hbm4b:s11+s2], $0xC8, $0x38;
	[tilespmem:$0x12E00] =	vst v63  }
0x11: {  	_ =	swait.ge [sflag:s12], $0xC8  }
0x12: {  	[sflag:s12] =	ssyncset.done $0x0  }
0x13: {  	[sflag:s12] =	ssyncadd.s32 $0xFFFFFF38  }
0x14: {  	[tilespmem:s13], [sflag:$0x4] =	stream.linear.gather [hbm4b:s10+s2], $0xC8, $0x38;
	[tilespmem:$0x12E00] =	vst v63  }
0x15: {  	_ =	swait.ge [sflag:s12], $0xC8  }
0x16: {  	[sflag:s12] =	ssyncset.done $0x0  }
0x17: {  	[sflag:s12] =	ssyncadd.s32 $0xFFFFFF38  }
0x18: {  	[tilespmem:s15], [sflag:$0x1] =	stream.indirect.gather [hbm4b:s4+s14], $0x80, s2, s14, $0xb8;
	[tilespmem:$0x12E00] =	vst v63  }
0x19: {  	_ = 	snop  }
0x1a: {  	[tilespmem:s16], [sflag:$0x2] =	stream.indirect.gather [hbm4b:s5+s14], $0x80, s2, s14, $0xb8;
	[tilespmem:$0x12E00] =	vst v63  }
0x1b: {  	_ = 	snop  }
0x1c: {  	[tilespmem:s17], [sflag:$0x3] =	stream.indirect.gather [hbm4b:s3+s14], $0x80, s13, s14, $0xb8;
	[tilespmem:$0x12E00] =	vst v63  }
0x1d: {  	_ =	swait.ge [sflag:s18], $0x6400  }
0x1e: {  	[sflag:s18] =	ssyncset.done $0x0  }
0x1f: {  	s22 =	sadd.s32 $0x0, s6;
	[sflag:s18] =	ssyncadd.s32 $0xFFFF9C00  }
0x20: {  	[hbm4b:s22+s2] =	stream.linear.scatter [tilespmem:s15], [sflag:$0x4], $0x6400, $0x38;
	[tilespmem:$0x12E00] =	vst v63  }
0x21: {  	_ =	swait.ge [sflag:s12], $0x6400  }
0x22: {  	[sflag:s12] =	ssyncset.done $0x0  }
0x23: {  	[sflag:s12] =	ssyncadd.s32 $0xFFFF9C00  }
0x24: {  	_ =	swait.ge [sflag:s19], $0x6400  }
0x25: {  	[sflag:s19] =	ssyncset.done $0x0  }
0x26: {  	s30 =	sadd.s32 $0x0, s8;
	[sflag:s19] =	ssyncadd.s32 $0xFFFF9C00  }
0x27: {  	[hbm4b:s30+s2] =	stream.linear.scatter [tilespmem:s16], [sflag:$0x4], $0x6400, $0x38;
	[tilespmem:$0x12E00] =	vst v63  }
0x28: {  	_ =	swait.ge [sflag:s12], $0x6400  }
0x29: {  	[sflag:s12] =	ssyncset.done $0x0  }
0x2a: {  	[sflag:s12] =	ssyncadd.s32 $0xFFFF9C00  }
0x2b: {  	_ =	swait.ge [sflag:s20], $0x6400  }
0x2c: {  	[sflag:s20] =	ssyncset.done $0x0  }
0x2d: {  	s31 =	sadd.s32 $0x0, s9;
	[sflag:s20] =	ssyncadd.s32 $0xFFFF9C00  }
0x2e: {  	[hbm4b:s31+s2] =	stream.linear.scatter [tilespmem:s17], [sflag:$0x4], $0x6400, $0x38;
	[tilespmem:$0x12E00] =	vst v63  }
0x2f: {  	s23 =	smov.u32 s10;
	_ =	swait.ge [sflag:s12], $0x6400  }
0x30: {  	s24 =	smov.u32 s11;
	s22 =	simm.s32 $0xC80;
	[sflag:s12] =	ssyncset.done $0x0  }
.LBB2_2:
0x31: {  	[sflag:s12] =	ssyncadd.s32 $0xFFFF9C00  }
0x32: {  	s23 =	sadd.s32 $0x19, s23;
	s24 =	sadd.s32 $0x19, s24;
	s25 =	smov.u32 s22  }
0x33: {  	[tilespmem:s2], [sflag:$0x4] =	stream.linear.gather [hbm4b:s24+s2], $0xC8, $0x38;
	[tilespmem:$0x12E00] =	vst v63  }
0x34: {  	p0 =	sne.s32 s22, $0x12C00;
	s22 =	sadd.s32 $0xC80, s22;
	_ =	swait.ge [sflag:s12], $0xC8  }
0x35: {  	[sflag:s12] =	ssyncset.done $0x0  }
0x36: {  	[sflag:s12] =	ssyncadd.s32 $0xFFFFFF38  }
0x37: {  	[tilespmem:s13], [sflag:$0x4] =	stream.linear.gather [hbm4b:s23+s2], $0xC8, $0x38;
	[tilespmem:$0x12E00] =	vst v63  }
0x38: {  	_ =	swait.ge [sflag:s12], $0xC8  }
0x39: {  	[sflag:s12] =	ssyncset.done $0x0  }
0x3a: {  	[sflag:s12] =	ssyncadd.s32 $0xFFFFFF38  }
0x3b: {  	[tilespmem:s15], [sflag:$0x1] =	stream.indirect.gather [hbm4b:s4+s14], $0x80, s2, s14, $0xb8;
	[tilespmem:$0x12E00] =	vst v63  }
0x3c: {  	_ = 	snop  }
0x3d: {  	[tilespmem:s16], [sflag:$0x2] =	stream.indirect.gather [hbm4b:s5+s14], $0x80, s2, s14, $0xb8;
	[tilespmem:$0x12E00] =	vst v63  }
0x3e: {  	_ = 	snop  }
0x3f: {  	[tilespmem:s17], [sflag:$0x3] =	stream.indirect.gather [hbm4b:s3+s14], $0x80, s13, s14, $0xb8;
	[tilespmem:$0x12E00] =	vst v63  }
0x40: {  	_ =	swait.ge [sflag:s18], $0x6400  }
0x41: {  	[sflag:s18] =	ssyncset.done $0x0  }
0x42: {  	s26 =	sadd.s32 s25, s6;
	[sflag:s18] =	ssyncadd.s32 $0xFFFF9C00  }
0x43: {  	[hbm4b:s26+s2] =	stream.linear.scatter [tilespmem:s15], [sflag:$0x4], $0x6400, $0x38;
	[tilespmem:$0x12E00] =	vst v63  }
0x44: {  	_ =	swait.ge [sflag:s12], $0x6400  }
0x45: {  	[sflag:s12] =	ssyncset.done $0x0  }
0x46: {  	[sflag:s12] =	ssyncadd.s32 $0xFFFF9C00  }
0x47: {  	_ =	swait.ge [sflag:s19], $0x6400  }
0x48: {  	[sflag:s19] =	ssyncset.done $0x0  }
0x49: {  	s26 =	sadd.s32 s25, s8;
	[sflag:s19] =	ssyncadd.s32 $0xFFFF9C00  }
0x4a: {  	[hbm4b:s26+s2] =	stream.linear.scatter [tilespmem:s16], [sflag:$0x4], $0x6400, $0x38;
	[tilespmem:$0x12E00] =	vst v63  }
0x4b: {  	_ =	swait.ge [sflag:s12], $0x6400  }
0x4c: {  	[sflag:s12] =	ssyncset.done $0x0  }
0x4d: {  	[sflag:s12] =	ssyncadd.s32 $0xFFFF9C00  }
0x4e: {  	_ =	swait.ge [sflag:s20], $0x6400  }
.Ltmp0:
0x4f: {  	[sflag:s20] =	ssyncset.done $0x0;
	(pc) =	sbr.rel @p0 .LBB2_2-.Ltmp0, $4  }
0x50: {  	s25 =	sadd.s32 s25, s9;
	[sflag:s20] =	ssyncadd.s32 $0xFFFF9C00  }
0x51: {  	[hbm4b:s25+s2] =	stream.linear.scatter [tilespmem:s17], [sflag:$0x4], $0x6400, $0x38;
	[tilespmem:$0x12E00] =	vst v63  }
0x52: {  	_ =	swait.ge [sflag:s12], $0x6400  }
0x53: {  	[sflag:s12] =	ssyncset.done $0x0  }
0x54: {  	s21 =	sadd.s32 $0x1, s21  }
0x55: {  	p0 =	sne.s32 s21, s7  }
.Ltmp1:
0x56: {  	_ = 	snop;
	(pc) =	sbr.rel @p0 .LBB2_1-.Ltmp1, $2  }
0x57: {  	_ =	sdelay $0x2  }
0x58: {  	[sflag:s12] =	ssyncadd.s32 $0xFFFF9C00  }
0x59: {  	_ =	sfence.sel $0x180000  }
0x5a: {  	[bflag:$0x0] =	sbarrier.arrive $0xFFFF  }
0x5b: {  	p0 =	sne.s32 s1, $0x0;
	_ =	strace $0x90000047  }
0x5c: {  	s0 =	sadd.s32 @!p0 $0x100000, s0;
	[bflag:$0x2] =	sbarrier.arrive $0xFFFF  }
0x5d: {  	[sflag:s0] =	ssyncadd.tile.s32 @!p0 $0x1;
	_ =	shalt  }
.Lfunc_end2:
_tile_overlayer_lowered:
.L_overlay_start_2:
0x5e: {  	(tag) =	ssettag $0x2  }
0x5f: {  	s0 =	rddreg [dreg:$0x0];
	s2 =	stileid.u32  }
0x60: {  	s1 =	rddreg [dreg:$0x1];
	p0 =	sne.s32 s2, $0x0  }
0x61: {  	s3 =	rddreg [dreg:$0x2];
	[bflag:$0x3] =	sbarrier.arrive $0xFFFF;
	s2 =	simm.s32 @!p0 $0x1C04  }
0x62: {  	[timem:s3], [sflag:s2] =	dma.local @!p0 [hbm:s0], s1  }
0x63: {  	s0 =	simm.s32 @!p0 $0x4  }
0x64: {  	_ =	swait.ge @!p0 [sflag:s0], s1  }
0x65: {  	s1 =	ssub.s32 @!p0 $0x0, s1;
	[sflag:s0] =	ssyncset.done @!p0 $0x0  }
0x66: {  	[sflag:s0] =	ssyncadd.s32 @!p0 s1  }
0x67: {  	[bflag:$0x3] =	sbarrier.arrive $0xFFFF  }
0x68: {  	_ =	shalt  }

// kernel: kernel.28.cloned.1.call-start
scs
__scs_entry_jumppad:
0x0: {  	(pc) =	sbr.rel $0x88, $3  }
0x1: {  	(tag) =	ssettag $0x0;
	lr =	simm.s32 $0x1  }
0x2: {  	[smem:$0x3F88] =	sst lr;
	_ =	strace $0xD0000000  }
0x3: {  	_ = 	snop  }
0x4: {  	_ = 	snop  }
0x5: {  	_ = 	snop  }
0x6: {  	_ = 	snop  }
0x7: {  	_ = 	snop  }
__scs_overlays_trampoline_lowered:
0x8: {  	[smem:$0x3F97] =	sst s0  }
0x9: {  	[smem:$0x3F98] =	sst s1  }
0xa: {  	[smem:$0x3F99] =	sst s2  }
0xb: {  	[smem:$0x3F9A] =	sst s3  }
0xc: {  	[smem:$0x3F9B] =	sst s4  }
0xd: {  	[smem:$0x3F9C] =	sst s5  }
0xe: {  	[smem:$0x3F9D] =	sst s6  }
0xf: {  	[smem:$0x3F9E] =	sst s7  }
0x10: {  	[smem:$0x3F9F] =	sst s8  }
0x11: {  	[smem:$0x3FA0] =	sst s9;
	s0 =	simm.s32 @!p0 $0x0  }
0x12: {  	s1 =	sld [smem:$0x3F86];
	s0 =	simm.s32 @p0 $0x1  }
0x13: {  	[smem:$0x3FA1] =	sst s0;
	s0 =	simm.s32 @!p1 $0x0  }
0x14: {  	s2 =	sld [smem:$0x3F85];
	s0 =	simm.s32 @p1 $0x1  }
0x15: {  	[smem:$0x3FA2] =	sst s0;
	s0 =	simm.s32 @!p2 $0x0  }
0x16: {  	s3 =	sld [smem:$0x3FDB];
	s0 =	simm.s32 @p2 $0x1  }
0x17: {  	s4 =	simm.s32 $0x1BF5;
	[smem:$0x3FA4] =	sst s0  }
0x18: {  	s0 =	sld [smem:$0x3F87];
	_ =	swait.ge [sflag:s4], $0x0  }
0x19: {  	s7 =	sld [smem:$0x3F88]  }
0x1a: {  	s8 =	sadd.s32 $0xFFFFE003, lr  }
0x1b: {  	s9 =	sadd.s32 $0xFFFFFEF7, lr;
	s5 =	simm.s32 $0xFFFFFFFF;
	p2 =	slt.u32 s8, $0xFFFFF086  }
0x1c: {  	p1 =	slt.u32 s9, $0xF7A;
	s5 =	simm.s32 @!p2 $0x0  }
0x1d: {  	s5 =	simm.s32 @p1 $0x1;
	p0 =	seq.s32 s7, s2  }
0x1e: {  	s7 =	smul.u32 @!p0 $0xF7A, s2;
	p2 =	seq.s32 @!p0 s5, $0x0  }
0x1f: {  	s9 =	smul.u32 $0xF7A, s1;
	s8 =	simm.s32 @!p0 $0x1BF5;
	p2 =	por !p2, p0  }
0x20: {  	[sflag:s8] =	ssyncset.s32 @!p0 $0xFFFFF086;
	s6 =	sadd.s32 @!p0 s3, s7;
	s7 =	simm.s32 @!p0 $0x108  }
0x21: {  	s3 =	sadd.s32 s3, s9;
	s6 =	sadd.s32 @!p0 $0x88, s6;
	s7 =	simm.s32 @p2 $0x1082  }
0x22: {  	[simem:s7], [sflag:s8] =	dma.local @!p0 [hbm:s6], $0xF7A  }
0x23: {  	s9 =	sor.u32 $0xD0000000, s2;
	s6 =	simm.s32 $0x108;
	_ =	swait.ge @!p0 [sflag:s8], $0x0  }
0x24: {  	s3 =	sadd.s32 $0x88, s3;
	s6 =	simm.s32 @!p1 $0x1082;
	[sflag:s4] =	ssyncset.s32 $0xFFFFF086  }
0x25: {  	[simem:s6], [sflag:s4] =	dma.local [hbm:s3], $0xF7A  }
0x26: {  	[smem:$0x3F88] =	sst s1;
	(tag) =	ssettag s2;
	_ =	strace s9  }
0x27: {  	s1 =	sld [smem:$0x3F98]  }
0x28: {  	s2 =	sld [smem:$0x3F99]  }
0x29: {  	s4 =	sld [smem:$0x3F9B]  }
0x2a: {  	p0 =	seq.s32 s5, $0x0;
	s5 =	sld [smem:$0x3F9C]  }
0x2b: {  	s6 =	sld [smem:$0x3F9D]  }
0x2c: {  	s7 =	sld [smem:$0x3F9E]  }
0x2d: {  	s3 =	simm.s32 $0x108;
	s8 =	sld [smem:$0x3F9F]  }
0x2e: {  	s3 =	simm.s32 @!p0 $0x1082;
	s9 =	sld [smem:$0x3FA0]  }
0x2f: {  	lr =	sadd.s32 s0, s3;
	s0 =	sld [smem:$0x3F97]  }
0x30: {  	s3 =	sld [smem:$0x3F9A]  }
0x31: {  	[smem:$0x3FA3] =	sst s10  }
0x32: {  	s10 =	sld [smem:$0x3FA1];
	_ =	sdelay $0x3  }
0x33: {  	p0 =	seq.s32 s10, $0x1;
	s10 =	sld [smem:$0x3FA3];
	_ =	sdelay $0x3  }
0x34: {  	[smem:$0x3FA3] =	sst s10  }
0x35: {  	s10 =	sld [smem:$0x3FA2];
	_ =	sdelay $0x3  }
0x36: {  	p1 =	seq.s32 s10, $0x1;
	s10 =	sld [smem:$0x3FA3];
	_ =	sdelay $0x3  }
0x37: {  	[smem:$0x3FA3] =	sst s10  }
0x38: {  	s10 =	sld [smem:$0x3FA4]  }
0x39: {  	_ = 	snop;
	(pc) =	sbr.ind lr, $3  }
0x3a: {  	_ = 	snop  }
0x3b: {  	_ = 	snop  }
0x3c: {  	p2 =	seq.s32 s10, $0x1;
	s10 =	sld [smem:$0x3FA3]  }
0x3d: {  	_ =	shalt  }
0x3e: {  	_ =	shalt  }
0x3f: {  	_ =	shalt  }
0x40: {  	_ =	shalt  }
0x41: {  	_ =	shalt  }
0x42: {  	_ =	shalt  }
0x43: {  	_ =	shalt  }
0x44: {  	_ =	shalt  }
0x45: {  	_ =	shalt  }
0x46: {  	_ =	shalt  }
0x47: {  	_ =	shalt  }
0x48: {  	_ =	shalt  }
0x49: {  	_ =	shalt  }
0x4a: {  	_ =	shalt  }
0x4b: {  	_ =	shalt  }
0x4c: {  	_ =	shalt  }
0x4d: {  	_ =	shalt  }
0x4e: {  	_ =	shalt  }
0x4f: {  	_ =	shalt  }
0x50: {  	_ =	shalt  }
0x51: {  	_ =	shalt  }
0x52: {  	_ =	shalt  }
0x53: {  	_ =	shalt  }
0x54: {  	_ =	shalt  }
0x55: {  	_ =	shalt  }
0x56: {  	_ =	shalt  }
0x57: {  	_ =	shalt  }
0x58: {  	_ =	shalt  }
0x59: {  	_ =	shalt  }
0x5a: {  	_ =	shalt  }
0x5b: {  	_ =	shalt  }
0x5c: {  	_ =	shalt  }
0x5d: {  	_ =	shalt  }
0x5e: {  	_ =	shalt  }
0x5f: {  	_ =	shalt  }
0x60: {  	_ =	shalt  }
0x61: {  	_ =	shalt  }
0x62: {  	_ =	shalt  }
0x63: {  	_ =	shalt  }
0x64: {  	_ =	shalt  }
0x65: {  	_ =	shalt  }
0x66: {  	_ =	shalt  }
0x67: {  	_ =	shalt  }
0x68: {  	_ =	shalt  }
0x69: {  	_ =	shalt  }
0x6a: {  	_ =	shalt  }
0x6b: {  	_ =	shalt  }
0x6c: {  	_ =	shalt  }
0x6d: {  	_ =	shalt  }
0x6e: {  	_ =	shalt  }
0x6f: {  	_ =	shalt  }
0x70: {  	_ =	shalt  }
0x71: {  	_ =	shalt  }
0x72: {  	_ =	shalt  }
0x73: {  	_ =	shalt  }
0x74: {  	_ =	shalt  }
0x75: {  	_ =	shalt  }
0x76: {  	_ =	shalt  }
0x77: {  	_ =	shalt  }
0x78: {  	_ =	shalt  }
0x79: {  	_ =	shalt  }
0x7a: {  	_ =	shalt  }
0x7b: {  	_ =	shalt  }
0x7c: {  	_ =	shalt  }
0x7d: {  	_ =	shalt  }
0x7e: {  	_ =	shalt  }
0x7f: {  	_ =	shalt  }
0x80: {  	_ =	shalt  }
0x81: {  	_ =	shalt  }
0x82: {  	_ =	shalt  }
0x83: {  	_ =	shalt  }
0x84: {  	_ =	shalt  }
0x85: {  	_ =	shalt  }
0x86: {  	_ =	shalt  }
0x87: {  	_ =	shalt  }
.Lfunc_end0:
.L_simem_size_0:
called_computation.1_lowered:
.L_overlay_start_0:
0x88: {  	s2 =	sld [smem:$0x3FD9]  }
0x89: {  	s3 =	sld [smem:$0x3FFE];
	_ =	sdelay $0x1  }
0x8a: {  	s1 =	srdreg.scid  }
0x8b: {  	s0 =	sand.u32 $0x1, s1  }
0x8c: {  	s17 =	sshll.u32 s0, $0xA;
	s2 =	sadd.s32 s3, s2  }
0x8d: {  	s2 =	sadd.s32 s2, s17  }
0x8e: {  	[smem:$0x3FAF] =	sst s2  }
0x8f: {  	_ = 	snop  }
0x90: {  	s2 =	sld [smem:$0x3FD0];
	(tm) =	ssettm $0x1  }
0x91: {  	s18 =	sld [smem:$0x3FFB];
	_ =	sdelay $0x3  }
0x92: {  	_ =	strace s18  }
0x93: {  	s3 =	sld [smem:$0x3FFC];
	_ =	sdelay $0x3  }
0x94: {  	_ =	strace s3  }
0x95: {  	s3 =	sld [smem:$0x3FFD];
	_ =	sdelay $0x3  }
0x96: {  	_ =	strace s3  }
0x97: {  	_ =	strace $0x8FFFFFFF  }
0x98: {  	s19 =	sld [smem:$0x3FDB];
	_ =	sdelay $0x1  }
0x99: {  	s4 =	simm.s32 $_scs_section_size  }
0x9a: {  	s5 =	simm.s32 $_size__tile_overlayer_lowered;
	s6 =	simm.s32 $_tile_overlayer_lowered  }
0x9b: {  	s22 =	simm.s32 $0x1BFF;
	s21 =	sshll.u32 s6, $0x1;
	s3 =	sadd.s32 s4, s19  }
0x9c: {  	s7 =	simm.s32 $0x0;
	s20 =	sshll.u32 s5, $0x1;
	s5 =	sadd.s32 s21, s3  }
0x9d: {  	[timem:s7], [sflag:s22] =	dma.local [hbm:s5], s20  }
0x9e: {  	_ =	swait.ge [sflag:s22], s20  }
0x9f: {  	s4 =	ssub.s32 $0x0, s20;
	[sflag:s22] =	ssyncset.done $0x0  }
0xa0: {  	[sflag:s22] =	ssyncadd.s32 s4;
	_ =	sdelay $0x1  }
0xa1: {  	s23 =	simm.s32 $0x1B8B  }
0xa2: {  	_ =	swait.ge [sflag:s23], $0x1  }
0xa3: {  	[sflag:s23] =	ssyncset.done $0x0  }
0xa4: {  	s25 =	simm.s32 $0x1B8E;
	s24 =	sld [smem:$0x3FFE];
	[sflag:s23] =	ssyncadd.s32 $0xFFFFFFFF  }
0xa5: {  	s26 =	simm.s32 $execute0_lowered;
	[smem:$0x3FD2] =	sst s25  }
0xa6: {  	s5 =	sshll.u32 s26, $0x1;
	_ =	strace $0x80000049;
	[dreg:$0x1] =	wrdreg $0xFFFFFFFF  }
0xa7: {  	s28 =	simm.s32 $_size_execute0_lowered;
	s3 =	sadd.s32 s3, s5;
	[dreg:$0x0] =	wrdreg $0x0  }
0xa8: {  	s5 =	sshll.u32 s28, $0x1;
	[dreg:$0x2] =	wrdreg s3  }
0xa9: {  	[dreg:$0x3] =	wrdreg s5  }
0xaa: {  	[dreg:$0x4] =	wrdreg $0xC0  }
0xab: {  	_ =	task [dreg:s7], $0x5FFFF  }
0xac: {  	[dreg:$0x1] =	wrdreg $0xFFFFFFFF  }
0xad: {  	[dreg:$0x0] =	wrdreg $0x60  }
0xae: {  	[dreg:$0x2] =	wrdreg s24  }
0xaf: {  	[dreg:$0x3] =	wrdreg s2  }
0xb0: {  	[dreg:$0x4] =	wrdreg $0x65000  }
0xb1: {  	[dreg:$0x5] =	wrdreg $0x9  }
0xb2: {  	_ =	task.clear_ibuf [dreg:s7], $0x6FFFF;
	_ =	strace $0x90000049  }
0xb3: {  	s29 =	simm.s32 $0x9;
	_ =	strace $0x8000004B  }
0xb4: {  	_ =	swait.ge [sflag:s29], $0x1  }
0xb5: {  	[sflag:s29] =	ssyncadd.s32 $0xFFFFFFFF  }
0xb6: {  	_ =	strace $0x9000004B  }
0xb7: {  	_ =	sfence  }
0xb8: {  	s30 =	sld [smem:$0x0];
	_ =	sdelay $0x2  }
0xb9: {  	s31 =	sshll.u32 s1, $0xD;
	s1 =	sshrl.u32 s1, $0x2  }
0xba: {  	s3 =	sand.u32 $0x4000, s31;
	s1 =	sadd.s32 s1, s30  }
0xbb: {  	s0 =	sor.u32 s3, s0;
	s1 =	sshll.u32 s1, $0x11  }
0xbc: {  	s0 =	sor.u32 s1, s0  }
0xbd: {  	s0 =	sadd.s32 $0x8F2B, s0  }
0xbe: {  	[sflag:s0] =	ssyncadd.remote.s32 $0x1  }
0xbf: {  	_ =	sfence.sel $0xFFFF  }
0xc0: {  	[dreg:$0x0] =	wrdreg $0xFFFFFFFF;
	(pc) =	sbr.abs _section_cstart, $3  }
0xc1: {  	[dreg:$0x1] =	wrdreg $0xFFFFFFFF  }
0xc2: {  	_ =	task.clear_ibuf [dreg:s7], $0x2FFFF;
	_ =	strace $0x9FFFFFFF  }
0xc3: {  	(tm) =	ssettm $0x7FFFFFFF  }
tec
execute0_lowered:
.L_overlay_start_1:
0x0: {  	(tag) =	ssettag $0x1  }
0x1: {  	s5 =	rddreg [dreg:$0x0]  }
0x2: {  	s10 =	rddreg [dreg:$0x1];
	s2 =	stileid.u32  }
0x3: {  	s0 =	srdreg.scid;
	s8 =	smul.u32 $0x14000, s2  }
0x4: {  	s1 =	rddreg [dreg:$0x2];
	s11 =	smul.u32 $0x50000, s2  }
0x5: {  	s3 =	simm.s32 $0x0;
	s15 =	simm.s32 $0xC8;
	s29 =	smul.u32 $0x1388, s2  }
0x6: {  	s6 =	sand.u32 $0x1, s0;
	s0 =	rddreg [dreg:$0x3];
	s14 =	smul.u32 $0x13880, s2  }
0x7: {  	s16 =	simm.s32 $0x0;
	[smem:$0x7FF] =	sst s3;
	s4 =	smul.u32 $0x138800, s6  }
0x8: {  	s30 =	sshll.u32 s2, $0x6;
	s7 =	smul.u32 $0x140000, s6;
	s25 =	ssub.s32 $0x2, s6  }
0x9: {  	_ =	strace $0x8000004A;
	s12 =	smul.u32 $0x13880, s6;
	s26 =	sshrl.u32 s25, $0x1  }
0xa: {  	s28 =	sshrl.u32 s11, $0x2;
	s9 =	sadd.s32 s4, s5;
	s4 =	sadd.s32 $0x45C00, s5  }
0xb: {  	s7 =	sadd.s32 s8, s7;
	s8 =	ssub.s32 s25, s26;
	s13 =	sadd.s32 s28, s1  }
0xc: {  	s11 =	sadd.s32 s29, s12;
	s7 =	sshrl.u32 s7, $0x3;
	s31 =	sadd.s32 s14, s9  }
0xd: {  	s11 =	sshrl.u32 s11, $0x3;
	s8 =	smax.u32 s8, $0x1;
	s12 =	sshrl.u32 s13, $0x3  }
0xe: {  	s13 =	simm.s32 $0x1;
	s14 =	simm.s32 $0x100;
	s7 =	sadd.s32 s7, s5  }
0xf: {  	s5 =	sor.u32 $0x1C01, s30;
	s9 =	sadd.s32 $0xAAB400, s31;
	s10 =	sadd.s32 s11, s10  }
0x10: {  	s11 =	sadd.s32 $0xD1C400, s31;
	s6 =	sadd.s32 $0xE5C00, s7;
	s7 =	sadd.s32 $0x48400, s7  }
.LBB2_1:
0x11: {  	[spmem:s12], [sflag:s5] =	dma.local [hbm:s4], $0x2800  }
0x12: {  	_ =	swait.ge [sflag:s13], $0x2800  }
0x13: {  	[sflag:s13] =	ssyncset.done $0x0  }
0x14: {  	[sflag:s13] =	ssyncadd.s32 $0xFFFFD800  }
0x15: {  	s17 =	sadd.s32 $0x0, s10;
	[bflag:$0x0] =	sbarrier.arrive $0xFFFF  }
0x16: {  	[tilespmem:s3], [sflag:$0x1] =	stream.linear.gather [hbm4b:s17+s3], $0xC8, $0x38;
	[tilespmem:$0x1A500] =	vst v63  }
0x17: {  	_ =	swait.ge [sflag:s13], $0xC8  }
0x18: {  	[sflag:s13] =	ssyncset.done $0x0  }
0x19: {  	[sflag:s13] =	ssyncadd.s32 $0xFFFFFF38  }
0x1a: {  	[tilespmem:s14], [sflag:$0x1] =	stream.linear.gather [hbm4b:s9+s3], $0x6400, $0x38;
	[tilespmem:$0x1A500] =	vst v63  }
0x1b: {  	_ =	swait.ge [sflag:s13], $0x6400  }
0x1c: {  	[sflag:s13] =	ssyncset.done $0x0  }
0x1d: {  	[sflag:s13] =	ssyncadd.s32 $0xFFFF9C00  }
0x1e: {  	[spmem:s1] =	stream.indirect.scatter.add.f32 [tilespmem:s14], [sflag:$0x1], $0x80, s3, s15, $0xb8;
	[tilespmem:$0x1A500] =	vst v63  }
0x1f: {  	s18 =	simm.s32 $0x19;
	_ =	swait.ge [sflag:s13], $0x6400  }
0x20: {  	s19 =	simm.s32 $0x32;
	s17 =	sadd.s32 $0xC80, s9;
	[sflag:s13] =	ssyncset.done $0x0  }
.LBB2_2:
0x21: {  	s20 =	sadd.s32 s18, s10  }
0x22: {  	[sflag:s13] =	ssyncadd.s32 $0xFFFF9C00;
	s18 =	smov.u32 s19;
	s21 =	sadd.s32 $0x19, s19  }
0x23: {  	[tilespmem:s3], [sflag:$0x1] =	stream.linear.gather [hbm4b:s20+s3], $0xC8, $0x38;
	[tilespmem:$0x1A500] =	vst v63  }
0x24: {  	p0 =	sne.s32 s19, $0x258;
	_ =	swait.ge [sflag:s13], $0xC8  }
0x25: {  	[sflag:s13] =	ssyncset.done $0x0  }
0x26: {  	[sflag:s13] =	ssyncadd.s32 $0xFFFFFF38  }
0x27: {  	[tilespmem:s14], [sflag:$0x1] =	stream.linear.gather [hbm4b:s17+s3], $0x6400, $0x38;
	[tilespmem:$0x1A500] =	vst v63  }
0x28: {  	_ =	swait.ge [sflag:s13], $0x6400  }
.Ltmp0:
0x29: {  	[sflag:s13] =	ssyncset.done $0x0;
	(pc) =	sbr.rel @p0 .LBB2_2-.Ltmp0, $4  }
0x2a: {  	[sflag:s13] =	ssyncadd.s32 $0xFFFF9C00  }
0x2b: {  	[spmem:s1] =	stream.indirect.scatter.add.f32 [tilespmem:s14], [sflag:$0x1], $0x80, s3, s15, $0xb8;
	[tilespmem:$0x1A500] =	vst v63  }
0x2c: {  	_ =	swait.ge [sflag:s13], $0x6400  }
0x2d: {  	s19 =	smov.u32 s21;
	s17 =	sadd.s32 $0xC80, s17;
	[sflag:s13] =	ssyncset.done $0x0  }
0x2e: {  	s18 =	sadd.s32 s18, s10;
	[sflag:s13] =	ssyncadd.s32 $0xFFFF9C00  }
0x2f: {  	[tilespmem:s3], [sflag:$0x1] =	stream.linear.gather [hbm4b:s18+s3], $0xC8, $0x38;
	[tilespmem:$0x1A500] =	vst v63  }
0x30: {  	_ =	swait.ge [sflag:s13], $0xC8  }
0x31: {  	[sflag:s13] =	ssyncset.done $0x0  }
0x32: {  	[sflag:s13] =	ssyncadd.s32 $0xFFFFFF38  }
0x33: {  	[tilespmem:s14], [sflag:$0x1] =	stream.linear.gather [hbm4b:s17+s3], $0x6400, $0x38;
	[tilespmem:$0x1A500] =	vst v63  }
0x34: {  	_ =	swait.ge [sflag:s13], $0x6400  }
0x35: {  	[sflag:s13] =	ssyncset.done $0x0  }
0x36: {  	[sflag:s13] =	ssyncadd.s32 $0xFFFF9C00  }
0x37: {  	[spmem:s1] =	stream.indirect.scatter.add.f32 [tilespmem:s14], [sflag:$0x1], $0x80, s3, s15, $0xb8;
	[tilespmem:$0x1A500] =	vst v63  }
0x38: {  	_ =	swait.ge [sflag:s13], $0x6400  }
0x39: {  	[sflag:s13] =	ssyncset.done $0x0  }
0x3a: {  	[sflag:s13] =	ssyncadd.s32 $0xFFFF9C00  }
0x3b: {  	[bflag:$0x0] =	sbarrier.arrive $0xFFFF  }
0x3c: {  	[hbm:s6], [sflag:s5] =	dma.local [spmem:s12], $0x2800  }
0x3d: {  	_ =	swait.ge [sflag:s13], $0x2800  }
0x3e: {  	[sflag:s13] =	ssyncset.done $0x0  }
0x3f: {  	[sflag:s13] =	ssyncadd.s32 $0xFFFFD800  }
0x40: {  	[spmem:s12], [sflag:s5] =	dma.local [hbm:s4], $0x2800  }
0x41: {  	_ =	swait.ge [sflag:s13], $0x2800  }
0x42: {  	[sflag:s13] =	ssyncset.done $0x0  }
0x43: {  	[sflag:s13] =	ssyncadd.s32 $0xFFFFD800  }
0x44: {  	s31 =	sadd.s32 $0x0, s10;
	[bflag:$0x0] =	sbarrier.arrive $0xFFFF  }
0x45: {  	[tilespmem:s3], [sflag:$0x1] =	stream.linear.gather [hbm4b:s31+s3], $0xC8, $0x38;
	[tilespmem:$0x1A500] =	vst v63  }
0x46: {  	_ =	swait.ge [sflag:s13], $0xC8  }
0x47: {  	[sflag:s13] =	ssyncset.done $0x0  }
0x48: {  	[sflag:s13] =	ssyncadd.s32 $0xFFFFFF38  }
0x49: {  	[tilespmem:s14], [sflag:$0x1] =	stream.linear.gather [hbm4b:s11+s3], $0x6400, $0x38;
	[tilespmem:$0x1A500] =	vst v63  }
0x4a: {  	_ =	swait.ge [sflag:s13], $0x6400  }
0x4b: {  	[sflag:s13] =	ssyncset.done $0x0  }
0x4c: {  	[sflag:s13] =	ssyncadd.s32 $0xFFFF9C00  }
0x4d: {  	[spmem:s1] =	stream.indirect.scatter.add.f32 [tilespmem:s14], [sflag:$0x1], $0x80, s3, s15, $0xb8;
	[tilespmem:$0x1A500] =	vst v63  }
0x4e: {  	s19 =	simm.s32 $0x32;
	_ =	swait.ge [sflag:s13], $0x6400  }
0x4f: {  	s18 =	simm.s32 $0x19;
	s17 =	sadd.s32 $0xC80, s11;
	[sflag:s13] =	ssyncset.done $0x0  }
.LBB2_4:
0x50: {  	s20 =	sadd.s32 s18, s10  }
0x51: {  	[sflag:s13] =	ssyncadd.s32 $0xFFFF9C00;
	s18 =	smov.u32 s19;
	s21 =	sadd.s32 $0x19, s19  }
0x52: {  	[tilespmem:s3], [sflag:$0x1] =	stream.linear.gather [hbm4b:s20+s3], $0xC8, $0x38;
	[tilespmem:$0x1A500] =	vst v63  }
0x53: {  	p0 =	sne.s32 s19, $0x258;
	_ =	swait.ge [sflag:s13], $0xC8  }
0x54: {  	[sflag:s13] =	ssyncset.done $0x0  }
0x55: {  	[sflag:s13] =	ssyncadd.s32 $0xFFFFFF38  }
0x56: {  	[tilespmem:s14], [sflag:$0x1] =	stream.linear.gather [hbm4b:s17+s3], $0x6400, $0x38;
	[tilespmem:$0x1A500] =	vst v63  }
0x57: {  	_ =	swait.ge [sflag:s13], $0x6400  }
.Ltmp1:
0x58: {  	[sflag:s13] =	ssyncset.done $0x0;
	(pc) =	sbr.rel @p0 .LBB2_4-.Ltmp1, $4  }
0x59: {  	[sflag:s13] =	ssyncadd.s32 $0xFFFF9C00  }
0x5a: {  	[spmem:s1] =	stream.indirect.scatter.add.f32 [tilespmem:s14], [sflag:$0x1], $0x80, s3, s15, $0xb8;
	[tilespmem:$0x1A500] =	vst v63  }
0x5b: {  	_ =	swait.ge [sflag:s13], $0x6400  }
0x5c: {  	s19 =	smov.u32 s21;
	s17 =	sadd.s32 $0xC80, s17;
	[sflag:s13] =	ssyncset.done $0x0  }
0x5d: {  	s18 =	sadd.s32 s18, s10;
	[sflag:s13] =	ssyncadd.s32 $0xFFFF9C00  }
0x5e: {  	[tilespmem:s3], [sflag:$0x1] =	stream.linear.gather [hbm4b:s18+s3], $0xC8, $0x38;
	[tilespmem:$0x1A500] =	vst v63  }
0x5f: {  	_ =	swait.ge [sflag:s13], $0xC8  }
0x60: {  	[sflag:s13] =	ssyncset.done $0x0  }
0x61: {  	[sflag:s13] =	ssyncadd.s32 $0xFFFFFF38  }
0x62: {  	[tilespmem:s14], [sflag:$0x1] =	stream.linear.gather [hbm4b:s17+s3], $0x6400, $0x38;
	[tilespmem:$0x1A500] =	vst v63  }
0x63: {  	_ =	swait.ge [sflag:s13], $0x6400  }
0x64: {  	[sflag:s13] =	ssyncset.done $0x0  }
0x65: {  	[sflag:s13] =	ssyncadd.s32 $0xFFFF9C00  }
0x66: {  	[spmem:s1] =	stream.indirect.scatter.add.f32 [tilespmem:s14], [sflag:$0x1], $0x80, s3, s15, $0xb8;
	[tilespmem:$0x1A500] =	vst v63  }
0x67: {  	_ =	swait.ge [sflag:s13], $0x6400  }
0x68: {  	s16 =	sadd.s32 $0x1, s16;
	[sflag:s13] =	ssyncset.done $0x0  }
0x69: {  	p0 =	sne.s32 s16, s8;
	[sflag:s13] =	ssyncadd.s32 $0xFFFF9C00  }
.Ltmp2:
0x6a: {  	[bflag:$0x0] =	sbarrier.arrive $0xFFFF;
	(pc) =	sbr.rel @p0 .LBB2_1-.Ltmp2, $4  }
0x6b: {  	[hbm:s7], [sflag:s5] =	dma.local [spmem:s12], $0x2800  }
0x6c: {  	_ =	swait.ge [sflag:s13], $0x2800  }
0x6d: {  	[sflag:s13] =	ssyncset.done $0x0  }
0x6e: {  	[sflag:s13] =	ssyncadd.s32 $0xFFFFD800  }
0x6f: {  	_ =	sfence.sel $0x180000  }
0x70: {  	[bflag:$0x0] =	sbarrier.arrive $0xFFFF  }
0x71: {  	p0 =	sne.s32 s2, $0x0;
	_ =	strace $0x9000004A  }
0x72: {  	s0 =	sadd.s32 @!p0 $0x100000, s0;
	[bflag:$0x2] =	sbarrier.arrive $0xFFFF  }
0x73: {  	[sflag:s0] =	ssyncadd.tile.s32 @!p0 $0x1;
	_ =	shalt  }
.Lfunc_end2:
_tile_overlayer_lowered:
.L_overlay_start_2:
0x74: {  	(tag) =	ssettag $0x2  }
0x75: {  	s0 =	rddreg [dreg:$0x0];
	s2 =	stileid.u32  }
0x76: {  	s1 =	rddreg [dreg:$0x1];
	p0 =	sne.s32 s2, $0x0  }
0x77: {  	s3 =	rddreg [dreg:$0x2];
	[bflag:$0x3] =	sbarrier.arrive $0xFFFF;
	s2 =	simm.s32 @!p0 $0x1C01  }
0x78: {  	[timem:s3], [sflag:s2] =	dma.local @!p0 [hbm:s0], s1  }
0x79: {  	s0 =	simm.s32 @!p0 $0x1  }
0x7a: {  	_ =	swait.ge @!p0 [sflag:s0], s1  }
0x7b: {  	s1 =	ssub.s32 @!p0 $0x0, s1;
	[sflag:s0] =	ssyncset.done @!p0 $0x0  }
0x7c: {  	[sflag:s0] =	ssyncadd.s32 @!p0 s1  }
0x7d: {  	[bflag:$0x3] =	sbarrier.arrive $0xFFFF  }
0x7e: {  	_ =	shalt  }

// kernel: kernel.31.cloned.1.call-start
scs
__scs_entry_jumppad:
0x0: {  	(pc) =	sbr.rel $0x88, $3  }
0x1: {  	(tag) =	ssettag $0x0;
	lr =	simm.s32 $0x1  }
0x2: {  	[smem:$0x3F88] =	sst lr;
	_ =	strace $0xD0000000  }
0x3: {  	_ = 	snop  }
0x4: {  	_ = 	snop  }
0x5: {  	_ = 	snop  }
0x6: {  	_ = 	snop  }
0x7: {  	_ = 	snop  }
__scs_overlays_trampoline_lowered:
0x8: {  	[smem:$0x3F97] =	sst s0  }
0x9: {  	[smem:$0x3F98] =	sst s1  }
0xa: {  	[smem:$0x3F99] =	sst s2  }
0xb: {  	[smem:$0x3F9A] =	sst s3  }
0xc: {  	[smem:$0x3F9B] =	sst s4  }
0xd: {  	[smem:$0x3F9C] =	sst s5  }
0xe: {  	[smem:$0x3F9D] =	sst s6  }
0xf: {  	[smem:$0x3F9E] =	sst s7  }
0x10: {  	[smem:$0x3F9F] =	sst s8  }
0x11: {  	[smem:$0x3FA0] =	sst s9;
	s0 =	simm.s32 @!p0 $0x0  }
0x12: {  	s1 =	sld [smem:$0x3F86];
	s0 =	simm.s32 @p0 $0x1  }
0x13: {  	[smem:$0x3FA1] =	sst s0;
	s0 =	simm.s32 @!p1 $0x0  }
0x14: {  	s2 =	sld [smem:$0x3F85];
	s0 =	simm.s32 @p1 $0x1  }
0x15: {  	[smem:$0x3FA2] =	sst s0;
	s0 =	simm.s32 @!p2 $0x0  }
0x16: {  	s3 =	sld [smem:$0x3FDB];
	s0 =	simm.s32 @p2 $0x1  }
0x17: {  	s4 =	simm.s32 $0x1BF5;
	[smem:$0x3FA4] =	sst s0  }
0x18: {  	s0 =	sld [smem:$0x3F87];
	_ =	swait.ge [sflag:s4], $0x0  }
0x19: {  	s7 =	sld [smem:$0x3F88]  }
0x1a: {  	s8 =	sadd.s32 $0xFFFFE003, lr  }
0x1b: {  	s9 =	sadd.s32 $0xFFFFFEF7, lr;
	s5 =	simm.s32 $0xFFFFFFFF;
	p2 =	slt.u32 s8, $0xFFFFF086  }
0x1c: {  	p1 =	slt.u32 s9, $0xF7A;
	s5 =	simm.s32 @!p2 $0x0  }
0x1d: {  	s5 =	simm.s32 @p1 $0x1;
	p0 =	seq.s32 s7, s2  }
0x1e: {  	s7 =	smul.u32 @!p0 $0xF7A, s2;
	p2 =	seq.s32 @!p0 s5, $0x0  }
0x1f: {  	s9 =	smul.u32 $0xF7A, s1;
	s8 =	simm.s32 @!p0 $0x1BF5;
	p2 =	por !p2, p0  }
0x20: {  	[sflag:s8] =	ssyncset.s32 @!p0 $0xFFFFF086;
	s6 =	sadd.s32 @!p0 s3, s7;
	s7 =	simm.s32 @!p0 $0x108  }
0x21: {  	s3 =	sadd.s32 s3, s9;
	s6 =	sadd.s32 @!p0 $0x88, s6;
	s7 =	simm.s32 @p2 $0x1082  }
0x22: {  	[simem:s7], [sflag:s8] =	dma.local @!p0 [hbm:s6], $0xF7A  }
0x23: {  	s9 =	sor.u32 $0xD0000000, s2;
	s6 =	simm.s32 $0x108;
	_ =	swait.ge @!p0 [sflag:s8], $0x0  }
0x24: {  	s3 =	sadd.s32 $0x88, s3;
	s6 =	simm.s32 @!p1 $0x1082;
	[sflag:s4] =	ssyncset.s32 $0xFFFFF086  }
0x25: {  	[simem:s6], [sflag:s4] =	dma.local [hbm:s3], $0xF7A  }
0x26: {  	[smem:$0x3F88] =	sst s1;
	(tag) =	ssettag s2;
	_ =	strace s9  }
0x27: {  	s1 =	sld [smem:$0x3F98]  }
0x28: {  	s2 =	sld [smem:$0x3F99]  }
0x29: {  	s4 =	sld [smem:$0x3F9B]  }
0x2a: {  	p0 =	seq.s32 s5, $0x0;
	s5 =	sld [smem:$0x3F9C]  }
0x2b: {  	s6 =	sld [smem:$0x3F9D]  }
0x2c: {  	s7 =	sld [smem:$0x3F9E]  }
0x2d: {  	s3 =	simm.s32 $0x108;
	s8 =	sld [smem:$0x3F9F]  }
0x2e: {  	s3 =	simm.s32 @!p0 $0x1082;
	s9 =	sld [smem:$0x3FA0]  }
0x2f: {  	lr =	sadd.s32 s0, s3;
	s0 =	sld [smem:$0x3F97]  }
0x30: {  	s3 =	sld [smem:$0x3F9A]  }
0x31: {  	[smem:$0x3FA3] =	sst s10  }
0x32: {  	s10 =	sld [smem:$0x3FA1];
	_ =	sdelay $0x3  }
0x33: {  	p0 =	seq.s32 s10, $0x1;
	s10 =	sld [smem:$0x3FA3];
	_ =	sdelay $0x3  }
0x34: {  	[smem:$0x3FA3] =	sst s10  }
0x35: {  	s10 =	sld [smem:$0x3FA2];
	_ =	sdelay $0x3  }
0x36: {  	p1 =	seq.s32 s10, $0x1;
	s10 =	sld [smem:$0x3FA3];
	_ =	sdelay $0x3  }
0x37: {  	[smem:$0x3FA3] =	sst s10  }
0x38: {  	s10 =	sld [smem:$0x3FA4]  }
0x39: {  	_ = 	snop;
	(pc) =	sbr.ind lr, $3  }
0x3a: {  	_ = 	snop  }
0x3b: {  	_ = 	snop  }
0x3c: {  	p2 =	seq.s32 s10, $0x1;
	s10 =	sld [smem:$0x3FA3]  }
0x3d: {  	_ =	shalt  }
0x3e: {  	_ =	shalt  }
0x3f: {  	_ =	shalt  }
0x40: {  	_ =	shalt  }
0x41: {  	_ =	shalt  }
0x42: {  	_ =	shalt  }
0x43: {  	_ =	shalt  }
0x44: {  	_ =	shalt  }
0x45: {  	_ =	shalt  }
0x46: {  	_ =	shalt  }
0x47: {  	_ =	shalt  }
0x48: {  	_ =	shalt  }
0x49: {  	_ =	shalt  }
0x4a: {  	_ =	shalt  }
0x4b: {  	_ =	shalt  }
0x4c: {  	_ =	shalt  }
0x4d: {  	_ =	shalt  }
0x4e: {  	_ =	shalt  }
0x4f: {  	_ =	shalt  }
0x50: {  	_ =	shalt  }
0x51: {  	_ =	shalt  }
0x52: {  	_ =	shalt  }
0x53: {  	_ =	shalt  }
0x54: {  	_ =	shalt  }
0x55: {  	_ =	shalt  }
0x56: {  	_ =	shalt  }
0x57: {  	_ =	shalt  }
0x58: {  	_ =	shalt  }
0x59: {  	_ =	shalt  }
0x5a: {  	_ =	shalt  }
0x5b: {  	_ =	shalt  }
0x5c: {  	_ =	shalt  }
0x5d: {  	_ =	shalt  }
0x5e: {  	_ =	shalt  }
0x5f: {  	_ =	shalt  }
0x60: {  	_ =	shalt  }
0x61: {  	_ =	shalt  }
0x62: {  	_ =	shalt  }
0x63: {  	_ =	shalt  }
0x64: {  	_ =	shalt  }
0x65: {  	_ =	shalt  }
0x66: {  	_ =	shalt  }
0x67: {  	_ =	shalt  }
0x68: {  	_ =	shalt  }
0x69: {  	_ =	shalt  }
0x6a: {  	_ =	shalt  }
0x6b: {  	_ =	shalt  }
0x6c: {  	_ =	shalt  }
0x6d: {  	_ =	shalt  }
0x6e: {  	_ =	shalt  }
0x6f: {  	_ =	shalt  }
0x70: {  	_ =	shalt  }
0x71: {  	_ =	shalt  }
0x72: {  	_ =	shalt  }
0x73: {  	_ =	shalt  }
0x74: {  	_ =	shalt  }
0x75: {  	_ =	shalt  }
0x76: {  	_ =	shalt  }
0x77: {  	_ =	shalt  }
0x78: {  	_ =	shalt  }
0x79: {  	_ =	shalt  }
0x7a: {  	_ =	shalt  }
0x7b: {  	_ =	shalt  }
0x7c: {  	_ =	shalt  }
0x7d: {  	_ =	shalt  }
0x7e: {  	_ =	shalt  }
0x7f: {  	_ =	shalt  }
0x80: {  	_ =	shalt  }
0x81: {  	_ =	shalt  }
0x82: {  	_ =	shalt  }
0x83: {  	_ =	shalt  }
0x84: {  	_ =	shalt  }
0x85: {  	_ =	shalt  }
0x86: {  	_ =	shalt  }
0x87: {  	_ =	shalt  }
.Lfunc_end0:
.L_simem_size_0:
called_computation.2_lowered:
.L_overlay_start_0:
0x88: {  	s2 =	sld [smem:$0x3FD9]  }
0x89: {  	s3 =	sld [smem:$0x3FFE];
	_ =	sdelay $0x1  }
0x8a: {  	s1 =	srdreg.scid  }
0x8b: {  	s0 =	sand.u32 $0x1, s1  }
0x8c: {  	s17 =	sshll.u32 s0, $0xA;
	s2 =	sadd.s32 s3, s2  }
0x8d: {  	s2 =	sadd.s32 s2, s17  }
0x8e: {  	[smem:$0x3FAF] =	sst s2  }
0x8f: {  	_ = 	snop  }
0x90: {  	s2 =	sld [smem:$0x3FD0];
	(tm) =	ssettm $0x1  }
0x91: {  	s18 =	sld [smem:$0x3FFB];
	_ =	sdelay $0x3  }
0x92: {  	_ =	strace s18  }
0x93: {  	s3 =	sld [smem:$0x3FFC];
	_ =	sdelay $0x3  }
0x94: {  	_ =	strace s3  }
0x95: {  	s3 =	sld [smem:$0x3FFD];
	_ =	sdelay $0x3  }
0x96: {  	_ =	strace s3  }
0x97: {  	_ =	strace $0x8FFFFFFF  }
0x98: {  	s19 =	sld [smem:$0x3FDB];
	_ =	sdelay $0x1  }
0x99: {  	s4 =	simm.s32 $_scs_section_size  }
0x9a: {  	s5 =	simm.s32 $_size__tile_overlayer_lowered;
	s6 =	simm.s32 $_tile_overlayer_lowered  }
0x9b: {  	s22 =	simm.s32 $0x1BFF;
	s21 =	sshll.u32 s6, $0x1;
	s3 =	sadd.s32 s4, s19  }
0x9c: {  	s7 =	simm.s32 $0x0;
	s20 =	sshll.u32 s5, $0x1;
	s5 =	sadd.s32 s21, s3  }
0x9d: {  	[timem:s7], [sflag:s22] =	dma.local [hbm:s5], s20  }
0x9e: {  	_ =	swait.ge [sflag:s22], s20  }
0x9f: {  	s4 =	ssub.s32 $0x0, s20;
	[sflag:s22] =	ssyncset.done $0x0  }
0xa0: {  	[sflag:s22] =	ssyncadd.s32 s4;
	_ =	sdelay $0x1  }
0xa1: {  	s23 =	simm.s32 $0x1B8B  }
0xa2: {  	_ =	swait.ge [sflag:s23], $0x1  }
0xa3: {  	[sflag:s23] =	ssyncset.done $0x0  }
0xa4: {  	s25 =	simm.s32 $0x1B8E;
	s24 =	sld [smem:$0x3FFE];
	[sflag:s23] =	ssyncadd.s32 $0xFFFFFFFF  }
0xa5: {  	s26 =	simm.s32 $execute0_lowered;
	[smem:$0x3FD2] =	sst s25  }
0xa6: {  	s5 =	sshll.u32 s26, $0x1;
	_ =	strace $0x8000004C;
	[dreg:$0x1] =	wrdreg $0xFFFFFFFF  }
0xa7: {  	s28 =	simm.s32 $_size_execute0_lowered;
	s3 =	sadd.s32 s3, s5;
	[dreg:$0x0] =	wrdreg $0x0  }
0xa8: {  	s5 =	sshll.u32 s28, $0x1;
	[dreg:$0x2] =	wrdreg s3  }
0xa9: {  	[dreg:$0x3] =	wrdreg s5  }
0xaa: {  	[dreg:$0x4] =	wrdreg $0xC0  }
0xab: {  	_ =	task [dreg:s7], $0x5FFFF  }
0xac: {  	[dreg:$0x1] =	wrdreg $0xFFFFFFFF  }
0xad: {  	[dreg:$0x0] =	wrdreg $0x60  }
0xae: {  	[dreg:$0x2] =	wrdreg s24  }
0xaf: {  	[dreg:$0x3] =	wrdreg s2  }
0xb0: {  	[dreg:$0x4] =	wrdreg $0x9  }
0xb1: {  	_ =	task.clear_ibuf [dreg:s7], $0x5FFFF;
	_ =	strace $0x9000004C  }
0xb2: {  	s29 =	simm.s32 $0x9;
	_ =	strace $0x8000004E  }
0xb3: {  	_ =	swait.ge [sflag:s29], $0x1  }
0xb4: {  	[sflag:s29] =	ssyncadd.s32 $0xFFFFFFFF  }
0xb5: {  	_ =	strace $0x9000004E  }
0xb6: {  	_ =	sfence  }
0xb7: {  	s30 =	sld [smem:$0x0];
	_ =	sdelay $0x2  }
0xb8: {  	s31 =	sshll.u32 s1, $0xD;
	s1 =	sshrl.u32 s1, $0x2  }
0xb9: {  	s3 =	sand.u32 $0x4000, s31;
	s1 =	sadd.s32 s1, s30  }
0xba: {  	s0 =	sor.u32 s3, s0;
	s1 =	sshll.u32 s1, $0x11  }
0xbb: {  	s0 =	sor.u32 s1, s0  }
0xbc: {  	s0 =	sadd.s32 $0x8F2B, s0  }
0xbd: {  	[sflag:s0] =	ssyncadd.remote.s32 $0x1  }
0xbe: {  	_ =	sfence.sel $0xFFFF  }
0xbf: {  	[dreg:$0x0] =	wrdreg $0xFFFFFFFF;
	(pc) =	sbr.abs _section_cstart, $3  }
0xc0: {  	[dreg:$0x1] =	wrdreg $0xFFFFFFFF  }
0xc1: {  	_ =	task.clear_ibuf [dreg:s7], $0x2FFFF;
	_ =	strace $0x9FFFFFFF  }
0xc2: {  	(tm) =	ssettm $0x7FFFFFFF  }
0xc3: {  	_ =	shalt  }
tec
execute0_lowered:
.L_overlay_start_1:
0x0: {  	(tag) =	ssettag $0x1  }
0x1: {  	s6 =	rddreg [dreg:$0x0]  }
0x2: {  	s10 =	rddreg [dreg:$0x1]  }
0x3: {  	s0 =	rddreg [dreg:$0x2];
	s1 =	simm.s32 $0x0  }
0x4: {  	s2 =	srdreg.scid;
	s14 =	simm.s32 $0xC8;
	s15 =	simm.s32 $0x200  }
0x5: {  	s16 =	simm.s32 $0x6600;
	s17 =	simm.s32 $0xCA00;
	s18 =	simm.s32 $0x1  }
0x6: {  	s19 =	simm.s32 $0x2;
	s20 =	simm.s32 $0x3;
	s7 =	sand.u32 $0x1, s2  }
0x7: {  	s21 =	simm.s32 $0x0;
	s2 =	stileid.u32;
	s8 =	smul.u32 $0x13880, s7  }
0x8: {  	[smem:$0x7FF] =	sst s1;
	s3 =	sadd.s32 $0x48400, s6;
	s9 =	smul.u32 $0x1388, s2  }
0x9: {  	s4 =	sadd.s32 $0x70400, s6;
	s5 =	sadd.s32 $0x99000, s6;
	s11 =	smul.u32 $0x138800, s7  }
0xa: {  	_ =	strace $0x8000004D;
	s7 =	ssub.s32 $0x2, s7;
	s12 =	smul.u32 $0x13880, s2  }
0xb: {  	s28 =	sshrl.u32 s7, $0x1;
	s8 =	sadd.s32 s9, s8;
	s29 =	sadd.s32 s11, s6  }
0xc: {  	s7 =	ssub.s32 s7, s28;
	s13 =	sshrl.u32 s8, $0x3;
	s31 =	sadd.s32 s12, s29  }
0xd: {  	s12 =	simm.s32 $0x4;
	s30 =	sadd.s32 s13, s6;
	s6 =	smax.u32 s7, $0x1  }
0xe: {  	s7 =	sadd.s32 $0x35A000, s31;
	s8 =	sadd.s32 $0xAAB400, s31;
	s9 =	sadd.s32 $0xE9000, s31  }
0xf: {  	s10 =	sadd.s32 s13, s10;
	s13 =	simm.s32 $0x100;
	s11 =	sadd.s32 $0x11400, s30  }
.LBB2_1:
0x10: {  	[tilespmem:s1], [sflag:$0x4] =	stream.linear.gather [hbm4b:s11+s1], $0xC8, $0x38;
	[tilespmem:$0x12E00] =	vst v63  }
0x11: {  	_ =	swait.ge [sflag:s12], $0xC8  }
0x12: {  	[sflag:s12] =	ssyncset.done $0x0  }
0x13: {  	[sflag:s12] =	ssyncadd.s32 $0xFFFFFF38  }
0x14: {  	[tilespmem:s13], [sflag:$0x4] =	stream.linear.gather [hbm4b:s10+s1], $0xC8, $0x38;
	[tilespmem:$0x12E00] =	vst v63  }
0x15: {  	_ =	swait.ge [sflag:s12], $0xC8  }
0x16: {  	[sflag:s12] =	ssyncset.done $0x0  }
0x17: {  	[sflag:s12] =	ssyncadd.s32 $0xFFFFFF38  }
0x18: {  	[tilespmem:s15], [sflag:$0x1] =	stream.indirect.gather [hbm4b:s4+s14], $0x80, s1, s14, $0xb8;
	[tilespmem:$0x12E00] =	vst v63  }
0x19: {  	_ = 	snop  }
0x1a: {  	[tilespmem:s16], [sflag:$0x2] =	stream.indirect.gather [hbm4b:s5+s14], $0x80, s1, s14, $0xb8;
	[tilespmem:$0x12E00] =	vst v63  }
0x1b: {  	_ = 	snop  }
0x1c: {  	[tilespmem:s17], [sflag:$0x3] =	stream.indirect.gather [hbm4b:s3+s14], $0x80, s13, s14, $0xb8;
	[tilespmem:$0x12E00] =	vst v63  }
0x1d: {  	_ =	swait.ge [sflag:s18], $0x6400  }
0x1e: {  	[sflag:s18] =	ssyncset.done $0x0  }
0x1f: {  	s22 =	sadd.s32 $0x0, s7;
	[sflag:s18] =	ssyncadd.s32 $0xFFFF9C00  }
0x20: {  	[hbm4b:s22+s1] =	stream.linear.scatter [tilespmem:s15], [sflag:$0x4], $0x6400, $0x38;
	[tilespmem:$0x12E00] =	vst v63  }
0x21: {  	_ =	swait.ge [sflag:s12], $0x6400  }
0x22: {  	[sflag:s12] =	ssyncset.done $0x0  }
0x23: {  	[sflag:s12] =	ssyncadd.s32 $0xFFFF9C00  }
0x24: {  	_ =	swait.ge [sflag:s19], $0x6400  }
0x25: {  	[sflag:s19] =	ssyncset.done $0x0  }
0x26: {  	s30 =	sadd.s32 $0x0, s8;
	[sflag:s19] =	ssyncadd.s32 $0xFFFF9C00  }
0x27: {  	[hbm4b:s30+s1] =	stream.linear.scatter [tilespmem:s16], [sflag:$0x4], $0x6400, $0x38;
	[tilespmem:$0x12E00] =	vst v63  }
0x28: {  	_ =	swait.ge [sflag:s12], $0x6400  }
0x29: {  	[sflag:s12] =	ssyncset.done $0x0  }
0x2a: {  	[sflag:s12] =	ssyncadd.s32 $0xFFFF9C00  }
0x2b: {  	_ =	swait.ge [sflag:s20], $0x6400  }
0x2c: {  	[sflag:s20] =	ssyncset.done $0x0  }
0x2d: {  	s31 =	sadd.s32 $0x0, s9;
	[sflag:s20] =	ssyncadd.s32 $0xFFFF9C00  }
0x2e: {  	[hbm4b:s31+s1] =	stream.linear.scatter [tilespmem:s17], [sflag:$0x4], $0x6400, $0x38;
	[tilespmem:$0x12E00] =	vst v63  }
0x2f: {  	s23 =	smov.u32 s10;
	_ =	swait.ge [sflag:s12], $0x6400  }
0x30: {  	s24 =	smov.u32 s11;
	s22 =	simm.s32 $0xC80;
	[sflag:s12] =	ssyncset.done $0x0  }
.LBB2_2:
0x31: {  	[sflag:s12] =	ssyncadd.s32 $0xFFFF9C00  }
0x32: {  	s23 =	sadd.s32 $0x19, s23;
	s24 =	sadd.s32 $0x19, s24;
	s25 =	smov.u32 s22  }
0x33: {  	[tilespmem:s1], [sflag:$0x4] =	stream.linear.gather [hbm4b:s24+s1], $0xC8, $0x38;
	[tilespmem:$0x12E00] =	vst v63  }
0x34: {  	p0 =	sne.s32 s22, $0x12C00;
	s22 =	sadd.s32 $0xC80, s22;
	_ =	swait.ge [sflag:s12], $0xC8  }
0x35: {  	[sflag:s12] =	ssyncset.done $0x0  }
0x36: {  	[sflag:s12] =	ssyncadd.s32 $0xFFFFFF38  }
0x37: {  	[tilespmem:s13], [sflag:$0x4] =	stream.linear.gather [hbm4b:s23+s1], $0xC8, $0x38;
	[tilespmem:$0x12E00] =	vst v63  }
0x38: {  	_ =	swait.ge [sflag:s12], $0xC8  }
0x39: {  	[sflag:s12] =	ssyncset.done $0x0  }
0x3a: {  	[sflag:s12] =	ssyncadd.s32 $0xFFFFFF38  }
0x3b: {  	[tilespmem:s15], [sflag:$0x1] =	stream.indirect.gather [hbm4b:s4+s14], $0x80, s1, s14, $0xb8;
	[tilespmem:$0x12E00] =	vst v63  }
0x3c: {  	_ = 	snop  }
0x3d: {  	[tilespmem:s16], [sflag:$0x2] =	stream.indirect.gather [hbm4b:s5+s14], $0x80, s1, s14, $0xb8;
	[tilespmem:$0x12E00] =	vst v63  }
0x3e: {  	_ = 	snop  }
0x3f: {  	[tilespmem:s17], [sflag:$0x3] =	stream.indirect.gather [hbm4b:s3+s14], $0x80, s13, s14, $0xb8;
	[tilespmem:$0x12E00] =	vst v63  }
0x40: {  	_ =	swait.ge [sflag:s18], $0x6400  }
0x41: {  	[sflag:s18] =	ssyncset.done $0x0  }
0x42: {  	s26 =	sadd.s32 s25, s7;
	[sflag:s18] =	ssyncadd.s32 $0xFFFF9C00  }
0x43: {  	[hbm4b:s26+s1] =	stream.linear.scatter [tilespmem:s15], [sflag:$0x4], $0x6400, $0x38;
	[tilespmem:$0x12E00] =	vst v63  }
0x44: {  	_ =	swait.ge [sflag:s12], $0x6400  }
0x45: {  	[sflag:s12] =	ssyncset.done $0x0  }
0x46: {  	[sflag:s12] =	ssyncadd.s32 $0xFFFF9C00  }
0x47: {  	_ =	swait.ge [sflag:s19], $0x6400  }
0x48: {  	[sflag:s19] =	ssyncset.done $0x0  }
0x49: {  	s26 =	sadd.s32 s25, s8;
	[sflag:s19] =	ssyncadd.s32 $0xFFFF9C00  }
0x4a: {  	[hbm4b:s26+s1] =	stream.linear.scatter [tilespmem:s16], [sflag:$0x4], $0x6400, $0x38;
	[tilespmem:$0x12E00] =	vst v63  }
0x4b: {  	_ =	swait.ge [sflag:s12], $0x6400  }
0x4c: {  	[sflag:s12] =	ssyncset.done $0x0  }
0x4d: {  	[sflag:s12] =	ssyncadd.s32 $0xFFFF9C00  }
0x4e: {  	_ =	swait.ge [sflag:s20], $0x6400  }
.Ltmp0:
0x4f: {  	[sflag:s20] =	ssyncset.done $0x0;
	(pc) =	sbr.rel @p0 .LBB2_2-.Ltmp0, $4  }
0x50: {  	s25 =	sadd.s32 s25, s9;
	[sflag:s20] =	ssyncadd.s32 $0xFFFF9C00  }
0x51: {  	[hbm4b:s25+s1] =	stream.linear.scatter [tilespmem:s17], [sflag:$0x4], $0x6400, $0x38;
	[tilespmem:$0x12E00] =	vst v63  }
0x52: {  	_ =	swait.ge [sflag:s12], $0x6400  }
0x53: {  	[sflag:s12] =	ssyncset.done $0x0  }
0x54: {  	s21 =	sadd.s32 $0x1, s21  }
0x55: {  	p0 =	sne.s32 s21, s6  }
.Ltmp1:
0x56: {  	_ = 	snop;
	(pc) =	sbr.rel @p0 .LBB2_1-.Ltmp1, $2  }
0x57: {  	_ =	sdelay $0x2  }
0x58: {  	[sflag:s12] =	ssyncadd.s32 $0xFFFF9C00  }
0x59: {  	_ =	sfence.sel $0x180000  }
0x5a: {  	[bflag:$0x0] =	sbarrier.arrive $0xFFFF  }
0x5b: {  	p0 =	sne.s32 s2, $0x0;
	_ =	strace $0x9000004D  }
0x5c: {  	s0 =	sadd.s32 @!p0 $0x100000, s0;
	[bflag:$0x2] =	sbarrier.arrive $0xFFFF  }
0x5d: {  	[sflag:s0] =	ssyncadd.tile.s32 @!p0 $0x1;
	_ =	shalt  }
.Lfunc_end2:
_tile_overlayer_lowered:
.L_overlay_start_2:
0x5e: {  	(tag) =	ssettag $0x2  }
0x5f: {  	s0 =	rddreg [dreg:$0x0];
	s2 =	stileid.u32  }
0x60: {  	s1 =	rddreg [dreg:$0x1];
	p0 =	sne.s32 s2, $0x0  }
0x61: {  	s3 =	rddreg [dreg:$0x2];
	[bflag:$0x3] =	sbarrier.arrive $0xFFFF;
	s2 =	simm.s32 @!p0 $0x1C04  }
0x62: {  	[timem:s3], [sflag:s2] =	dma.local @!p0 [hbm:s0], s1  }
0x63: {  	s0 =	simm.s32 @!p0 $0x4  }
0x64: {  	_ =	swait.ge @!p0 [sflag:s0], s1  }
0x65: {  	s1 =	ssub.s32 @!p0 $0x0, s1;
	[sflag:s0] =	ssyncset.done @!p0 $0x0  }
0x66: {  	[sflag:s0] =	ssyncadd.s32 @!p0 s1  }
0x67: {  	[bflag:$0x3] =	sbarrier.arrive $0xFFFF  }
0x68: {  	_ =	shalt  }

// kernel: kernel.34.cloned.1.call-start
scs
__scs_entry_jumppad:
0x0: {  	(pc) =	sbr.rel $0x88, $3  }
0x1: {  	(tag) =	ssettag $0x0;
	lr =	simm.s32 $0x1  }
0x2: {  	[smem:$0x3F88] =	sst lr;
	_ =	strace $0xD0000000  }
0x3: {  	_ = 	snop  }
0x4: {  	_ = 	snop  }
0x5: {  	_ = 	snop  }
0x6: {  	_ = 	snop  }
0x7: {  	_ = 	snop  }
__scs_overlays_trampoline_lowered:
0x8: {  	[smem:$0x3F97] =	sst s0  }
0x9: {  	[smem:$0x3F98] =	sst s1  }
0xa: {  	[smem:$0x3F99] =	sst s2  }
0xb: {  	[smem:$0x3F9A] =	sst s3  }
0xc: {  	[smem:$0x3F9B] =	sst s4  }
0xd: {  	[smem:$0x3F9C] =	sst s5  }
0xe: {  	[smem:$0x3F9D] =	sst s6  }
0xf: {  	[smem:$0x3F9E] =	sst s7  }
0x10: {  	[smem:$0x3F9F] =	sst s8  }
0x11: {  	[smem:$0x3FA0] =	sst s9;
	s0 =	simm.s32 @!p0 $0x0  }
0x12: {  	s1 =	sld [smem:$0x3F86];
	s0 =	simm.s32 @p0 $0x1  }
0x13: {  	[smem:$0x3FA1] =	sst s0;
	s0 =	simm.s32 @!p1 $0x0  }
0x14: {  	s2 =	sld [smem:$0x3F85];
	s0 =	simm.s32 @p1 $0x1  }
0x15: {  	[smem:$0x3FA2] =	sst s0;
	s0 =	simm.s32 @!p2 $0x0  }
0x16: {  	s3 =	sld [smem:$0x3FDB];
	s0 =	simm.s32 @p2 $0x1  }
0x17: {  	s4 =	simm.s32 $0x1BF5;
	[smem:$0x3FA4] =	sst s0  }
0x18: {  	s0 =	sld [smem:$0x3F87];
	_ =	swait.ge [sflag:s4], $0x0  }
0x19: {  	s7 =	sld [smem:$0x3F88]  }
0x1a: {  	s8 =	sadd.s32 $0xFFFFE003, lr  }
0x1b: {  	s9 =	sadd.s32 $0xFFFFFEF7, lr;
	s5 =	simm.s32 $0xFFFFFFFF;
	p2 =	slt.u32 s8, $0xFFFFF086  }
0x1c: {  	p1 =	slt.u32 s9, $0xF7A;
	s5 =	simm.s32 @!p2 $0x0  }
0x1d: {  	s5 =	simm.s32 @p1 $0x1;
	p0 =	seq.s32 s7, s2  }
0x1e: {  	s7 =	smul.u32 @!p0 $0xF7A, s2;
	p2 =	seq.s32 @!p0 s5, $0x0  }
0x1f: {  	s9 =	smul.u32 $0xF7A, s1;
	s8 =	simm.s32 @!p0 $0x1BF5;
	p2 =	por !p2, p0  }
0x20: {  	[sflag:s8] =	ssyncset.s32 @!p0 $0xFFFFF086;
	s6 =	sadd.s32 @!p0 s3, s7;
	s7 =	simm.s32 @!p0 $0x108  }
0x21: {  	s3 =	sadd.s32 s3, s9;
	s6 =	sadd.s32 @!p0 $0x88, s6;
	s7 =	simm.s32 @p2 $0x1082  }
0x22: {  	[simem:s7], [sflag:s8] =	dma.local @!p0 [hbm:s6], $0xF7A  }
0x23: {  	s9 =	sor.u32 $0xD0000000, s2;
	s6 =	simm.s32 $0x108;
	_ =	swait.ge @!p0 [sflag:s8], $0x0  }
0x24: {  	s3 =	sadd.s32 $0x88, s3;
	s6 =	simm.s32 @!p1 $0x1082;
	[sflag:s4] =	ssyncset.s32 $0xFFFFF086  }
0x25: {  	[simem:s6], [sflag:s4] =	dma.local [hbm:s3], $0xF7A  }
0x26: {  	[smem:$0x3F88] =	sst s1;
	(tag) =	ssettag s2;
	_ =	strace s9  }
0x27: {  	s1 =	sld [smem:$0x3F98]  }
0x28: {  	s2 =	sld [smem:$0x3F99]  }
0x29: {  	s4 =	sld [smem:$0x3F9B]  }
0x2a: {  	p0 =	seq.s32 s5, $0x0;
	s5 =	sld [smem:$0x3F9C]  }
0x2b: {  	s6 =	sld [smem:$0x3F9D]  }
0x2c: {  	s7 =	sld [smem:$0x3F9E]  }
0x2d: {  	s3 =	simm.s32 $0x108;
	s8 =	sld [smem:$0x3F9F]  }
0x2e: {  	s3 =	simm.s32 @!p0 $0x1082;
	s9 =	sld [smem:$0x3FA0]  }
0x2f: {  	lr =	sadd.s32 s0, s3;
	s0 =	sld [smem:$0x3F97]  }
0x30: {  	s3 =	sld [smem:$0x3F9A]  }
0x31: {  	[smem:$0x3FA3] =	sst s10  }
0x32: {  	s10 =	sld [smem:$0x3FA1];
	_ =	sdelay $0x3  }
0x33: {  	p0 =	seq.s32 s10, $0x1;
	s10 =	sld [smem:$0x3FA3];
	_ =	sdelay $0x3  }
0x34: {  	[smem:$0x3FA3] =	sst s10  }
0x35: {  	s10 =	sld [smem:$0x3FA2];
	_ =	sdelay $0x3  }
0x36: {  	p1 =	seq.s32 s10, $0x1;
	s10 =	sld [smem:$0x3FA3];
	_ =	sdelay $0x3  }
0x37: {  	[smem:$0x3FA3] =	sst s10  }
0x38: {  	s10 =	sld [smem:$0x3FA4]  }
0x39: {  	_ = 	snop;
	(pc) =	sbr.ind lr, $3  }
0x3a: {  	_ = 	snop  }
0x3b: {  	_ = 	snop  }
0x3c: {  	p2 =	seq.s32 s10, $0x1;
	s10 =	sld [smem:$0x3FA3]  }
0x3d: {  	_ =	shalt  }
0x3e: {  	_ =	shalt  }
0x3f: {  	_ =	shalt  }
0x40: {  	_ =	shalt  }
0x41: {  	_ =	shalt  }
0x42: {  	_ =	shalt  }
0x43: {  	_ =	shalt  }
0x44: {  	_ =	shalt  }
0x45: {  	_ =	shalt  }
0x46: {  	_ =	shalt  }
0x47: {  	_ =	shalt  }
0x48: {  	_ =	shalt  }
0x49: {  	_ =	shalt  }
0x4a: {  	_ =	shalt  }
0x4b: {  	_ =	shalt  }
0x4c: {  	_ =	shalt  }
0x4d: {  	_ =	shalt  }
0x4e: {  	_ =	shalt  }
0x4f: {  	_ =	shalt  }
0x50: {  	_ =	shalt  }
0x51: {  	_ =	shalt  }
0x52: {  	_ =	shalt  }
0x53: {  	_ =	shalt  }
0x54: {  	_ =	shalt  }
0x55: {  	_ =	shalt  }
0x56: {  	_ =	shalt  }
0x57: {  	_ =	shalt  }
0x58: {  	_ =	shalt  }
0x59: {  	_ =	shalt  }
0x5a: {  	_ =	shalt  }
0x5b: {  	_ =	shalt  }
0x5c: {  	_ =	shalt  }
0x5d: {  	_ =	shalt  }
0x5e: {  	_ =	shalt  }
0x5f: {  	_ =	shalt  }
0x60: {  	_ =	shalt  }
0x61: {  	_ =	shalt  }
0x62: {  	_ =	shalt  }
0x63: {  	_ =	shalt  }
0x64: {  	_ =	shalt  }
0x65: {  	_ =	shalt  }
0x66: {  	_ =	shalt  }
0x67: {  	_ =	shalt  }
0x68: {  	_ =	shalt  }
0x69: {  	_ =	shalt  }
0x6a: {  	_ =	shalt  }
0x6b: {  	_ =	shalt  }
0x6c: {  	_ =	shalt  }
0x6d: {  	_ =	shalt  }
0x6e: {  	_ =	shalt  }
0x6f: {  	_ =	shalt  }
0x70: {  	_ =	shalt  }
0x71: {  	_ =	shalt  }
0x72: {  	_ =	shalt  }
0x73: {  	_ =	shalt  }
0x74: {  	_ =	shalt  }
0x75: {  	_ =	shalt  }
0x76: {  	_ =	shalt  }
0x77: {  	_ =	shalt  }
0x78: {  	_ =	shalt  }
0x79: {  	_ =	shalt  }
0x7a: {  	_ =	shalt  }
0x7b: {  	_ =	shalt  }
0x7c: {  	_ =	shalt  }
0x7d: {  	_ =	shalt  }
0x7e: {  	_ =	shalt  }
0x7f: {  	_ =	shalt  }
0x80: {  	_ =	shalt  }
0x81: {  	_ =	shalt  }
0x82: {  	_ =	shalt  }
0x83: {  	_ =	shalt  }
0x84: {  	_ =	shalt  }
0x85: {  	_ =	shalt  }
0x86: {  	_ =	shalt  }
0x87: {  	_ =	shalt  }
.Lfunc_end0:
.L_simem_size_0:
called_computation.3_lowered:
.L_overlay_start_0:
0x88: {  	s2 =	sld [smem:$0x3FD9]  }
0x89: {  	s3 =	sld [smem:$0x3FFE];
	_ =	sdelay $0x1  }
0x8a: {  	s1 =	srdreg.scid  }
0x8b: {  	s0 =	sand.u32 $0x1, s1  }
0x8c: {  	s17 =	sshll.u32 s0, $0xA;
	s2 =	sadd.s32 s3, s2  }
0x8d: {  	s2 =	sadd.s32 s2, s17  }
0x8e: {  	[smem:$0x3FAF] =	sst s2  }
0x8f: {  	_ = 	snop  }
0x90: {  	s2 =	sld [smem:$0x3FD0];
	(tm) =	ssettm $0x1  }
0x91: {  	s18 =	sld [smem:$0x3FFB];
	_ =	sdelay $0x3  }
0x92: {  	_ =	strace s18  }
0x93: {  	s3 =	sld [smem:$0x3FFC];
	_ =	sdelay $0x3  }
0x94: {  	_ =	strace s3  }
0x95: {  	s3 =	sld [smem:$0x3FFD];
	_ =	sdelay $0x3  }
0x96: {  	_ =	strace s3  }
0x97: {  	_ =	strace $0x8FFFFFFF  }
0x98: {  	s19 =	sld [smem:$0x3FDB];
	_ =	sdelay $0x1  }
0x99: {  	s4 =	simm.s32 $_scs_section_size  }
0x9a: {  	s5 =	simm.s32 $_size__tile_overlayer_lowered;
	s6 =	simm.s32 $_tile_overlayer_lowered  }
0x9b: {  	s22 =	simm.s32 $0x1BFF;
	s21 =	sshll.u32 s6, $0x1;
	s3 =	sadd.s32 s4, s19  }
0x9c: {  	s7 =	simm.s32 $0x0;
	s20 =	sshll.u32 s5, $0x1;
	s5 =	sadd.s32 s21, s3  }
0x9d: {  	[timem:s7], [sflag:s22] =	dma.local [hbm:s5], s20  }
0x9e: {  	_ =	swait.ge [sflag:s22], s20  }
0x9f: {  	s4 =	ssub.s32 $0x0, s20;
	[sflag:s22] =	ssyncset.done $0x0  }
0xa0: {  	[sflag:s22] =	ssyncadd.s32 s4;
	_ =	sdelay $0x1  }
0xa1: {  	s23 =	simm.s32 $0x1B8B  }
0xa2: {  	_ =	swait.ge [sflag:s23], $0x1  }
0xa3: {  	[sflag:s23] =	ssyncset.done $0x0  }
0xa4: {  	s25 =	simm.s32 $0x1B8E;
	s24 =	sld [smem:$0x3FFE];
	[sflag:s23] =	ssyncadd.s32 $0xFFFFFFFF  }
0xa5: {  	s26 =	simm.s32 $execute0_lowered;
	[smem:$0x3FD2] =	sst s25  }
0xa6: {  	s5 =	sshll.u32 s26, $0x1;
	_ =	strace $0x8000004F;
	[dreg:$0x1] =	wrdreg $0xFFFFFFFF  }
0xa7: {  	s28 =	simm.s32 $_size_execute0_lowered;
	s3 =	sadd.s32 s3, s5;
	[dreg:$0x0] =	wrdreg $0x0  }
0xa8: {  	s5 =	sshll.u32 s28, $0x1;
	[dreg:$0x2] =	wrdreg s3  }
0xa9: {  	[dreg:$0x3] =	wrdreg s5  }
0xaa: {  	[dreg:$0x4] =	wrdreg $0xC0  }
0xab: {  	_ =	task [dreg:s7], $0x5FFFF  }
0xac: {  	[dreg:$0x1] =	wrdreg $0xFFFFFFFF  }
0xad: {  	[dreg:$0x0] =	wrdreg $0x60  }
0xae: {  	[dreg:$0x2] =	wrdreg s24  }
0xaf: {  	[dreg:$0x3] =	wrdreg s2  }
0xb0: {  	[dreg:$0x4] =	wrdreg $0x65000  }
0xb1: {  	[dreg:$0x5] =	wrdreg $0x9  }
0xb2: {  	_ =	task.clear_ibuf [dreg:s7], $0x6FFFF;
	_ =	strace $0x9000004F  }
0xb3: {  	s29 =	simm.s32 $0x9;
	_ =	strace $0x80000051  }
0xb4: {  	_ =	swait.ge [sflag:s29], $0x1  }
0xb5: {  	[sflag:s29] =	ssyncadd.s32 $0xFFFFFFFF  }
0xb6: {  	_ =	strace $0x90000051  }
0xb7: {  	_ =	sfence  }
0xb8: {  	s30 =	sld [smem:$0x0];
	_ =	sdelay $0x2  }
0xb9: {  	s31 =	sshll.u32 s1, $0xD;
	s1 =	sshrl.u32 s1, $0x2  }
0xba: {  	s3 =	sand.u32 $0x4000, s31;
	s1 =	sadd.s32 s1, s30  }
0xbb: {  	s0 =	sor.u32 s3, s0;
	s1 =	sshll.u32 s1, $0x11  }
0xbc: {  	s0 =	sor.u32 s1, s0  }
0xbd: {  	s0 =	sadd.s32 $0x8F2B, s0  }
0xbe: {  	[sflag:s0] =	ssyncadd.remote.s32 $0x1  }
0xbf: {  	_ =	sfence.sel $0xFFFF  }
0xc0: {  	[dreg:$0x0] =	wrdreg $0xFFFFFFFF;
	(pc) =	sbr.abs _section_cstart, $3  }
0xc1: {  	[dreg:$0x1] =	wrdreg $0xFFFFFFFF  }
0xc2: {  	_ =	task.clear_ibuf [dreg:s7], $0x2FFFF;
	_ =	strace $0x9FFFFFFF  }
0xc3: {  	(tm) =	ssettm $0x7FFFFFFF  }
tec
execute0_lowered:
.L_overlay_start_1:
0x0: {  	(tag) =	ssettag $0x1  }
0x1: {  	s5 =	rddreg [dreg:$0x0]  }
0x2: {  	s10 =	rddreg [dreg:$0x1];
	s2 =	stileid.u32  }
0x3: {  	s0 =	srdreg.scid;
	s8 =	smul.u32 $0x14000, s2  }
0x4: {  	s1 =	rddreg [dreg:$0x2];
	s11 =	smul.u32 $0x50000, s2  }
0x5: {  	s3 =	simm.s32 $0x0;
	s15 =	simm.s32 $0xC8;
	s29 =	smul.u32 $0x1388, s2  }
0x6: {  	s6 =	sand.u32 $0x1, s0;
	s0 =	rddreg [dreg:$0x3];
	s14 =	smul.u32 $0x13880, s2  }
0x7: {  	s16 =	simm.s32 $0x0;
	[smem:$0x7FF] =	sst s3;
	s4 =	smul.u32 $0x138800, s6  }
0x8: {  	s30 =	sshll.u32 s2, $0x6;
	s7 =	smul.u32 $0x140000, s6;
	s25 =	ssub.s32 $0x2, s6  }
0x9: {  	_ =	strace $0x80000050;
	s12 =	smul.u32 $0x13880, s6;
	s26 =	sshrl.u32 s25, $0x1  }
0xa: {  	s28 =	sshrl.u32 s11, $0x2;
	s9 =	sadd.s32 s4, s5;
	s4 =	sadd.s32 $0x45C00, s5  }
0xb: {  	s7 =	sadd.s32 s8, s7;
	s8 =	ssub.s32 s25, s26;
	s13 =	sadd.s32 s28, s1  }
0xc: {  	s11 =	sadd.s32 s29, s12;
	s7 =	sshrl.u32 s7, $0x3;
	s31 =	sadd.s32 s14, s9  }
0xd: {  	s11 =	sshrl.u32 s11, $0x3;
	s8 =	smax.u32 s8, $0x1;
	s12 =	sshrl.u32 s13, $0x3  }
0xe: {  	s13 =	simm.s32 $0x1;
	s14 =	simm.s32 $0x100;
	s7 =	sadd.s32 s7, s5  }
0xf: {  	s9 =	sadd.s32 $0xD1C400, s31;
	s10 =	sadd.s32 s11, s10;
	s11 =	sadd.s32 $0xF8D400, s31  }
0x10: {  	s5 =	sor.u32 $0x1C01, s30;
	s6 =	sadd.s32 $0xAAB400, s7;
	s7 =	sadd.s32 $0x48400, s7  }
.LBB2_1:
0x11: {  	[spmem:s12], [sflag:s5] =	dma.local [hbm:s4], $0x2800  }
0x12: {  	_ =	swait.ge [sflag:s13], $0x2800  }
0x13: {  	[sflag:s13] =	ssyncset.done $0x0  }
0x14: {  	[sflag:s13] =	ssyncadd.s32 $0xFFFFD800  }
0x15: {  	s17 =	sadd.s32 $0x0, s10;
	[bflag:$0x0] =	sbarrier.arrive $0xFFFF  }
0x16: {  	[tilespmem:s3], [sflag:$0x1] =	stream.linear.gather [hbm4b:s17+s3], $0xC8, $0x38;
	[tilespmem:$0x1A500] =	vst v63  }
0x17: {  	_ =	swait.ge [sflag:s13], $0xC8  }
0x18: {  	[sflag:s13] =	ssyncset.done $0x0  }
0x19: {  	[sflag:s13] =	ssyncadd.s32 $0xFFFFFF38  }
0x1a: {  	[tilespmem:s14], [sflag:$0x1] =	stream.linear.gather [hbm4b:s9+s3], $0x6400, $0x38;
	[tilespmem:$0x1A500] =	vst v63  }
0x1b: {  	_ =	swait.ge [sflag:s13], $0x6400  }
0x1c: {  	[sflag:s13] =	ssyncset.done $0x0  }
0x1d: {  	[sflag:s13] =	ssyncadd.s32 $0xFFFF9C00  }
0x1e: {  	[spmem:s1] =	stream.indirect.scatter.add.f32 [tilespmem:s14], [sflag:$0x1], $0x80, s3, s15, $0xb8;
	[tilespmem:$0x1A500] =	vst v63  }
0x1f: {  	s18 =	simm.s32 $0x19;
	_ =	swait.ge [sflag:s13], $0x6400  }
0x20: {  	s19 =	simm.s32 $0x32;
	s17 =	sadd.s32 $0xC80, s9;
	[sflag:s13] =	ssyncset.done $0x0  }
.LBB2_2:
0x21: {  	s20 =	sadd.s32 s18, s10  }
0x22: {  	[sflag:s13] =	ssyncadd.s32 $0xFFFF9C00;
	s18 =	smov.u32 s19;
	s21 =	sadd.s32 $0x19, s19  }
0x23: {  	[tilespmem:s3], [sflag:$0x1] =	stream.linear.gather [hbm4b:s20+s3], $0xC8, $0x38;
	[tilespmem:$0x1A500] =	vst v63  }
0x24: {  	p0 =	sne.s32 s19, $0x258;
	_ =	swait.ge [sflag:s13], $0xC8  }
0x25: {  	[sflag:s13] =	ssyncset.done $0x0  }
0x26: {  	[sflag:s13] =	ssyncadd.s32 $0xFFFFFF38  }
0x27: {  	[tilespmem:s14], [sflag:$0x1] =	stream.linear.gather [hbm4b:s17+s3], $0x6400, $0x38;
	[tilespmem:$0x1A500] =	vst v63  }
0x28: {  	_ =	swait.ge [sflag:s13], $0x6400  }
.Ltmp0:
0x29: {  	[sflag:s13] =	ssyncset.done $0x0;
	(pc) =	sbr.rel @p0 .LBB2_2-.Ltmp0, $4  }
0x2a: {  	[sflag:s13] =	ssyncadd.s32 $0xFFFF9C00  }
0x2b: {  	[spmem:s1] =	stream.indirect.scatter.add.f32 [tilespmem:s14], [sflag:$0x1], $0x80, s3, s15, $0xb8;
	[tilespmem:$0x1A500] =	vst v63  }
0x2c: {  	_ =	swait.ge [sflag:s13], $0x6400  }
0x2d: {  	s19 =	smov.u32 s21;
	s17 =	sadd.s32 $0xC80, s17;
	[sflag:s13] =	ssyncset.done $0x0  }
0x2e: {  	s18 =	sadd.s32 s18, s10;
	[sflag:s13] =	ssyncadd.s32 $0xFFFF9C00  }
0x2f: {  	[tilespmem:s3], [sflag:$0x1] =	stream.linear.gather [hbm4b:s18+s3], $0xC8, $0x38;
	[tilespmem:$0x1A500] =	vst v63  }
0x30: {  	_ =	swait.ge [sflag:s13], $0xC8  }
0x31: {  	[sflag:s13] =	ssyncset.done $0x0  }
0x32: {  	[sflag:s13] =	ssyncadd.s32 $0xFFFFFF38  }
0x33: {  	[tilespmem:s14], [sflag:$0x1] =	stream.linear.gather [hbm4b:s17+s3], $0x6400, $0x38;
	[tilespmem:$0x1A500] =	vst v63  }
0x34: {  	_ =	swait.ge [sflag:s13], $0x6400  }
0x35: {  	[sflag:s13] =	ssyncset.done $0x0  }
0x36: {  	[sflag:s13] =	ssyncadd.s32 $0xFFFF9C00  }
0x37: {  	[spmem:s1] =	stream.indirect.scatter.add.f32 [tilespmem:s14], [sflag:$0x1], $0x80, s3, s15, $0xb8;
	[tilespmem:$0x1A500] =	vst v63  }
0x38: {  	_ =	swait.ge [sflag:s13], $0x6400  }
0x39: {  	[sflag:s13] =	ssyncset.done $0x0  }
0x3a: {  	[sflag:s13] =	ssyncadd.s32 $0xFFFF9C00  }
0x3b: {  	[bflag:$0x0] =	sbarrier.arrive $0xFFFF  }
0x3c: {  	[hbm:s6], [sflag:s5] =	dma.local [spmem:s12], $0x2800  }
0x3d: {  	_ =	swait.ge [sflag:s13], $0x2800  }
0x3e: {  	[sflag:s13] =	ssyncset.done $0x0  }
0x3f: {  	[sflag:s13] =	ssyncadd.s32 $0xFFFFD800  }
0x40: {  	[spmem:s12], [sflag:s5] =	dma.local [hbm:s4], $0x2800  }
0x41: {  	_ =	swait.ge [sflag:s13], $0x2800  }
0x42: {  	[sflag:s13] =	ssyncset.done $0x0  }
0x43: {  	[sflag:s13] =	ssyncadd.s32 $0xFFFFD800  }
0x44: {  	s31 =	sadd.s32 $0x0, s10;
	[bflag:$0x0] =	sbarrier.arrive $0xFFFF  }
0x45: {  	[tilespmem:s3], [sflag:$0x1] =	stream.linear.gather [hbm4b:s31+s3], $0xC8, $0x38;
	[tilespmem:$0x1A500] =	vst v63  }
0x46: {  	_ =	swait.ge [sflag:s13], $0xC8  }
0x47: {  	[sflag:s13] =	ssyncset.done $0x0  }
0x48: {  	[sflag:s13] =	ssyncadd.s32 $0xFFFFFF38  }
0x49: {  	[tilespmem:s14], [sflag:$0x1] =	stream.linear.gather [hbm4b:s11+s3], $0x6400, $0x38;
	[tilespmem:$0x1A500] =	vst v63  }
0x4a: {  	_ =	swait.ge [sflag:s13], $0x6400  }
0x4b: {  	[sflag:s13] =	ssyncset.done $0x0  }
0x4c: {  	[sflag:s13] =	ssyncadd.s32 $0xFFFF9C00  }
0x4d: {  	[spmem:s1] =	stream.indirect.scatter.add.f32 [tilespmem:s14], [sflag:$0x1], $0x80, s3, s15, $0xb8;
	[tilespmem:$0x1A500] =	vst v63  }
0x4e: {  	s19 =	simm.s32 $0x32;
	_ =	swait.ge [sflag:s13], $0x6400  }
0x4f: {  	s18 =	simm.s32 $0x19;
	s17 =	sadd.s32 $0xC80, s11;
	[sflag:s13] =	ssyncset.done $0x0  }
.LBB2_4:
0x50: {  	s20 =	sadd.s32 s18, s10  }
0x51: {  	[sflag:s13] =	ssyncadd.s32 $0xFFFF9C00;
	s18 =	smov.u32 s19;
	s21 =	sadd.s32 $0x19, s19  }
0x52: {  	[tilespmem:s3], [sflag:$0x1] =	stream.linear.gather [hbm4b:s20+s3], $0xC8, $0x38;
	[tilespmem:$0x1A500] =	vst v63  }
0x53: {  	p0 =	sne.s32 s19, $0x258;
	_ =	swait.ge [sflag:s13], $0xC8  }
0x54: {  	[sflag:s13] =	ssyncset.done $0x0  }
0x55: {  	[sflag:s13] =	ssyncadd.s32 $0xFFFFFF38  }
0x56: {  	[tilespmem:s14], [sflag:$0x1] =	stream.linear.gather [hbm4b:s17+s3], $0x6400, $0x38;
	[tilespmem:$0x1A500] =	vst v63  }
0x57: {  	_ =	swait.ge [sflag:s13], $0x6400  }
.Ltmp1:
0x58: {  	[sflag:s13] =	ssyncset.done $0x0;
	(pc) =	sbr.rel @p0 .LBB2_4-.Ltmp1, $4  }
0x59: {  	[sflag:s13] =	ssyncadd.s32 $0xFFFF9C00  }
0x5a: {  	[spmem:s1] =	stream.indirect.scatter.add.f32 [tilespmem:s14], [sflag:$0x1], $0x80, s3, s15, $0xb8;
	[tilespmem:$0x1A500] =	vst v63  }
0x5b: {  	_ =	swait.ge [sflag:s13], $0x6400  }
0x5c: {  	s19 =	smov.u32 s21;
	s17 =	sadd.s32 $0xC80, s17;
	[sflag:s13] =	ssyncset.done $0x0  }
0x5d: {  	s18 =	sadd.s32 s18, s10;
	[sflag:s13] =	ssyncadd.s32 $0xFFFF9C00  }
0x5e: {  	[tilespmem:s3], [sflag:$0x1] =	stream.linear.gather [hbm4b:s18+s3], $0xC8, $0x38;
	[tilespmem:$0x1A500] =	vst v63  }
0x5f: {  	_ =	swait.ge [sflag:s13], $0xC8  }
0x60: {  	[sflag:s13] =	ssyncset.done $0x0  }
0x61: {  	[sflag:s13] =	ssyncadd.s32 $0xFFFFFF38  }
0x62: {  	[tilespmem:s14], [sflag:$0x1] =	stream.linear.gather [hbm4b:s17+s3], $0x6400, $0x38;
	[tilespmem:$0x1A500] =	vst v63  }
0x63: {  	_ =	swait.ge [sflag:s13], $0x6400  }
0x64: {  	[sflag:s13] =	ssyncset.done $0x0  }
0x65: {  	[sflag:s13] =	ssyncadd.s32 $0xFFFF9C00  }
0x66: {  	[spmem:s1] =	stream.indirect.scatter.add.f32 [tilespmem:s14], [sflag:$0x1], $0x80, s3, s15, $0xb8;
	[tilespmem:$0x1A500] =	vst v63  }
0x67: {  	_ =	swait.ge [sflag:s13], $0x6400  }
0x68: {  	s16 =	sadd.s32 $0x1, s16;
	[sflag:s13] =	ssyncset.done $0x0  }
0x69: {  	p0 =	sne.s32 s16, s8;
	[sflag:s13] =	ssyncadd.s32 $0xFFFF9C00  }
.Ltmp2:
0x6a: {  	[bflag:$0x0] =	sbarrier.arrive $0xFFFF;
	(pc) =	sbr.rel @p0 .LBB2_1-.Ltmp2, $4  }
0x6b: {  	[hbm:s7], [sflag:s5] =	dma.local [spmem:s12], $0x2800  }
0x6c: {  	_ =	swait.ge [sflag:s13], $0x2800  }
0x6d: {  	[sflag:s13] =	ssyncset.done $0x0  }
0x6e: {  	[sflag:s13] =	ssyncadd.s32 $0xFFFFD800  }
0x6f: {  	_ =	sfence.sel $0x180000  }
0x70: {  	[bflag:$0x0] =	sbarrier.arrive $0xFFFF  }
0x71: {  	p0 =	sne.s32 s2, $0x0;
	_ =	strace $0x90000050  }
0x72: {  	s0 =	sadd.s32 @!p0 $0x100000, s0;
	[bflag:$0x2] =	sbarrier.arrive $0xFFFF  }
0x73: {  	[sflag:s0] =	ssyncadd.tile.s32 @!p0 $0x1;
	_ =	shalt  }
.Lfunc_end2:
_tile_overlayer_lowered:
.L_overlay_start_2:
0x74: {  	(tag) =	ssettag $0x2  }
0x75: {  	s0 =	rddreg [dreg:$0x0];
	s2 =	stileid.u32  }
0x76: {  	s1 =	rddreg [dreg:$0x1];
	p0 =	sne.s32 s2, $0x0  }
0x77: {  	s3 =	rddreg [dreg:$0x2];
	[bflag:$0x3] =	sbarrier.arrive $0xFFFF;
	s2 =	simm.s32 @!p0 $0x1C01  }
0x78: {  	[timem:s3], [sflag:s2] =	dma.local @!p0 [hbm:s0], s1  }
0x79: {  	s0 =	simm.s32 @!p0 $0x1  }
0x7a: {  	_ =	swait.ge @!p0 [sflag:s0], s1  }
0x7b: {  	s1 =	ssub.s32 @!p0 $0x0, s1;
	[sflag:s0] =	ssyncset.done @!p0 $0x0  }
0x7c: {  	[sflag:s0] =	ssyncadd.s32 @!p0 s1  }
0x7d: {  	[bflag:$0x3] =	sbarrier.arrive $0xFFFF  }
0x7e: {  	_ =	shalt  }

// kernel: kernel.37.cloned.1.call-start
scs
__scs_entry_jumppad:
0x0: {  	(pc) =	sbr.rel $0x88, $3  }
0x1: {  	(tag) =	ssettag $0x0;
	lr =	simm.s32 $0x1  }
0x2: {  	[smem:$0x3F88] =	sst lr;
	_ =	strace $0xD0000000  }
0x3: {  	_ = 	snop  }
0x4: {  	_ = 	snop  }
0x5: {  	_ = 	snop  }
0x6: {  	_ = 	snop  }
0x7: {  	_ = 	snop  }
__scs_overlays_trampoline_lowered:
0x8: {  	[smem:$0x3F97] =	sst s0  }
0x9: {  	[smem:$0x3F98] =	sst s1  }
0xa: {  	[smem:$0x3F99] =	sst s2  }
0xb: {  	[smem:$0x3F9A] =	sst s3  }
0xc: {  	[smem:$0x3F9B] =	sst s4  }
0xd: {  	[smem:$0x3F9C] =	sst s5  }
0xe: {  	[smem:$0x3F9D] =	sst s6  }
0xf: {  	[smem:$0x3F9E] =	sst s7  }
0x10: {  	[smem:$0x3F9F] =	sst s8  }
0x11: {  	[smem:$0x3FA0] =	sst s9;
	s0 =	simm.s32 @!p0 $0x0  }
0x12: {  	s1 =	sld [smem:$0x3F86];
	s0 =	simm.s32 @p0 $0x1  }
0x13: {  	[smem:$0x3FA1] =	sst s0;
	s0 =	simm.s32 @!p1 $0x0  }
0x14: {  	s2 =	sld [smem:$0x3F85];
	s0 =	simm.s32 @p1 $0x1  }
0x15: {  	[smem:$0x3FA2] =	sst s0;
	s0 =	simm.s32 @!p2 $0x0  }
0x16: {  	s3 =	sld [smem:$0x3FDB];
	s0 =	simm.s32 @p2 $0x1  }
0x17: {  	s4 =	simm.s32 $0x1BF5;
	[smem:$0x3FA4] =	sst s0  }
0x18: {  	s0 =	sld [smem:$0x3F87];
	_ =	swait.ge [sflag:s4], $0x0  }
0x19: {  	s7 =	sld [smem:$0x3F88]  }
0x1a: {  	s8 =	sadd.s32 $0xFFFFE003, lr  }
0x1b: {  	s9 =	sadd.s32 $0xFFFFFEF7, lr;
	s5 =	simm.s32 $0xFFFFFFFF;
	p2 =	slt.u32 s8, $0xFFFFF086  }
0x1c: {  	p1 =	slt.u32 s9, $0xF7A;
	s5 =	simm.s32 @!p2 $0x0  }
0x1d: {  	s5 =	simm.s32 @p1 $0x1;
	p0 =	seq.s32 s7, s2  }
0x1e: {  	s7 =	smul.u32 @!p0 $0xF7A, s2;
	p2 =	seq.s32 @!p0 s5, $0x0  }
0x1f: {  	s9 =	smul.u32 $0xF7A, s1;
	s8 =	simm.s32 @!p0 $0x1BF5;
	p2 =	por !p2, p0  }
0x20: {  	[sflag:s8] =	ssyncset.s32 @!p0 $0xFFFFF086;
	s6 =	sadd.s32 @!p0 s3, s7;
	s7 =	simm.s32 @!p0 $0x108  }
0x21: {  	s3 =	sadd.s32 s3, s9;
	s6 =	sadd.s32 @!p0 $0x88, s6;
	s7 =	simm.s32 @p2 $0x1082  }
0x22: {  	[simem:s7], [sflag:s8] =	dma.local @!p0 [hbm:s6], $0xF7A  }
0x23: {  	s9 =	sor.u32 $0xD0000000, s2;
	s6 =	simm.s32 $0x108;
	_ =	swait.ge @!p0 [sflag:s8], $0x0  }
0x24: {  	s3 =	sadd.s32 $0x88, s3;
	s6 =	simm.s32 @!p1 $0x1082;
	[sflag:s4] =	ssyncset.s32 $0xFFFFF086  }
0x25: {  	[simem:s6], [sflag:s4] =	dma.local [hbm:s3], $0xF7A  }
0x26: {  	[smem:$0x3F88] =	sst s1;
	(tag) =	ssettag s2;
	_ =	strace s9  }
0x27: {  	s1 =	sld [smem:$0x3F98]  }
0x28: {  	s2 =	sld [smem:$0x3F99]  }
0x29: {  	s4 =	sld [smem:$0x3F9B]  }
0x2a: {  	p0 =	seq.s32 s5, $0x0;
	s5 =	sld [smem:$0x3F9C]  }
0x2b: {  	s6 =	sld [smem:$0x3F9D]  }
0x2c: {  	s7 =	sld [smem:$0x3F9E]  }
0x2d: {  	s3 =	simm.s32 $0x108;
	s8 =	sld [smem:$0x3F9F]  }
0x2e: {  	s3 =	simm.s32 @!p0 $0x1082;
	s9 =	sld [smem:$0x3FA0]  }
0x2f: {  	lr =	sadd.s32 s0, s3;
	s0 =	sld [smem:$0x3F97]  }
0x30: {  	s3 =	sld [smem:$0x3F9A]  }
0x31: {  	[smem:$0x3FA3] =	sst s10  }
0x32: {  	s10 =	sld [smem:$0x3FA1];
	_ =	sdelay $0x3  }
0x33: {  	p0 =	seq.s32 s10, $0x1;
	s10 =	sld [smem:$0x3FA3];
	_ =	sdelay $0x3  }
0x34: {  	[smem:$0x3FA3] =	sst s10  }
0x35: {  	s10 =	sld [smem:$0x3FA2];
	_ =	sdelay $0x3  }
0x36: {  	p1 =	seq.s32 s10, $0x1;
	s10 =	sld [smem:$0x3FA3];
	_ =	sdelay $0x3  }
0x37: {  	[smem:$0x3FA3] =	sst s10  }
0x38: {  	s10 =	sld [smem:$0x3FA4]  }
0x39: {  	_ = 	snop;
	(pc) =	sbr.ind lr, $3  }
0x3a: {  	_ = 	snop  }
0x3b: {  	_ = 	snop  }
0x3c: {  	p2 =	seq.s32 s10, $0x1;
	s10 =	sld [smem:$0x3FA3]  }
0x3d: {  	_ =	shalt  }
0x3e: {  	_ =	shalt  }
0x3f: {  	_ =	shalt  }
0x40: {  	_ =	shalt  }
0x41: {  	_ =	shalt  }
0x42: {  	_ =	shalt  }
0x43: {  	_ =	shalt  }
0x44: {  	_ =	shalt  }
0x45: {  	_ =	shalt  }
0x46: {  	_ =	shalt  }
0x47: {  	_ =	shalt  }
0x48: {  	_ =	shalt  }
0x49: {  	_ =	shalt  }
0x4a: {  	_ =	shalt  }
0x4b: {  	_ =	shalt  }
0x4c: {  	_ =	shalt  }
0x4d: {  	_ =	shalt  }
0x4e: {  	_ =	shalt  }
0x4f: {  	_ =	shalt  }
0x50: {  	_ =	shalt  }
0x51: {  	_ =	shalt  }
0x52: {  	_ =	shalt  }
0x53: {  	_ =	shalt  }
0x54: {  	_ =	shalt  }
0x55: {  	_ =	shalt  }
0x56: {  	_ =	shalt  }
0x57: {  	_ =	shalt  }
0x58: {  	_ =	shalt  }
0x59: {  	_ =	shalt  }
0x5a: {  	_ =	shalt  }
0x5b: {  	_ =	shalt  }
0x5c: {  	_ =	shalt  }
0x5d: {  	_ =	shalt  }
0x5e: {  	_ =	shalt  }
0x5f: {  	_ =	shalt  }
0x60: {  	_ =	shalt  }
0x61: {  	_ =	shalt  }
0x62: {  	_ =	shalt  }
0x63: {  	_ =	shalt  }
0x64: {  	_ =	shalt  }
0x65: {  	_ =	shalt  }
0x66: {  	_ =	shalt  }
0x67: {  	_ =	shalt  }
0x68: {  	_ =	shalt  }
0x69: {  	_ =	shalt  }
0x6a: {  	_ =	shalt  }
0x6b: {  	_ =	shalt  }
0x6c: {  	_ =	shalt  }
0x6d: {  	_ =	shalt  }
0x6e: {  	_ =	shalt  }
0x6f: {  	_ =	shalt  }
0x70: {  	_ =	shalt  }
0x71: {  	_ =	shalt  }
0x72: {  	_ =	shalt  }
0x73: {  	_ =	shalt  }
0x74: {  	_ =	shalt  }
0x75: {  	_ =	shalt  }
0x76: {  	_ =	shalt  }
0x77: {  	_ =	shalt  }
0x78: {  	_ =	shalt  }
0x79: {  	_ =	shalt  }
0x7a: {  	_ =	shalt  }
0x7b: {  	_ =	shalt  }
0x7c: {  	_ =	shalt  }
0x7d: {  	_ =	shalt  }
0x7e: {  	_ =	shalt  }
0x7f: {  	_ =	shalt  }
0x80: {  	_ =	shalt  }
0x81: {  	_ =	shalt  }
0x82: {  	_ =	shalt  }
0x83: {  	_ =	shalt  }
0x84: {  	_ =	shalt  }
0x85: {  	_ =	shalt  }
0x86: {  	_ =	shalt  }
0x87: {  	_ =	shalt  }
.Lfunc_end0:
.L_simem_size_0:
called_computation.4_lowered:
.L_overlay_start_0:
0x88: {  	s2 =	sld [smem:$0x3FD9]  }
0x89: {  	s3 =	sld [smem:$0x3FFE];
	_ =	sdelay $0x1  }
0x8a: {  	s1 =	srdreg.scid  }
0x8b: {  	s0 =	sand.u32 $0x1, s1  }
0x8c: {  	s17 =	sshll.u32 s0, $0xA;
	s2 =	sadd.s32 s3, s2  }
0x8d: {  	s2 =	sadd.s32 s2, s17  }
0x8e: {  	[smem:$0x3FAF] =	sst s2  }
0x8f: {  	_ = 	snop  }
0x90: {  	s2 =	sld [smem:$0x3FD0];
	(tm) =	ssettm $0x1  }
0x91: {  	s18 =	sld [smem:$0x3FFB];
	_ =	sdelay $0x3  }
0x92: {  	_ =	strace s18  }
0x93: {  	s3 =	sld [smem:$0x3FFC];
	_ =	sdelay $0x3  }
0x94: {  	_ =	strace s3  }
0x95: {  	s3 =	sld [smem:$0x3FFD];
	_ =	sdelay $0x3  }
0x96: {  	_ =	strace s3  }
0x97: {  	_ =	strace $0x8FFFFFFF  }
0x98: {  	s19 =	sld [smem:$0x3FDB];
	_ =	sdelay $0x1  }
0x99: {  	s4 =	simm.s32 $_scs_section_size  }
0x9a: {  	s5 =	simm.s32 $_size__tile_overlayer_lowered;
	s6 =	simm.s32 $_tile_overlayer_lowered  }
0x9b: {  	s22 =	simm.s32 $0x1BFF;
	s21 =	sshll.u32 s6, $0x1;
	s3 =	sadd.s32 s4, s19  }
0x9c: {  	s7 =	simm.s32 $0x0;
	s20 =	sshll.u32 s5, $0x1;
	s5 =	sadd.s32 s21, s3  }
0x9d: {  	[timem:s7], [sflag:s22] =	dma.local [hbm:s5], s20  }
0x9e: {  	_ =	swait.ge [sflag:s22], s20  }
0x9f: {  	s4 =	ssub.s32 $0x0, s20;
	[sflag:s22] =	ssyncset.done $0x0  }
0xa0: {  	[sflag:s22] =	ssyncadd.s32 s4;
	_ =	sdelay $0x1  }
0xa1: {  	s23 =	simm.s32 $0x1B8B  }
0xa2: {  	_ =	swait.ge [sflag:s23], $0x1  }
0xa3: {  	[sflag:s23] =	ssyncset.done $0x0  }
0xa4: {  	s25 =	simm.s32 $0x1B8E;
	s24 =	sld [smem:$0x3FFE];
	[sflag:s23] =	ssyncadd.s32 $0xFFFFFFFF  }
0xa5: {  	s26 =	simm.s32 $execute0_lowered;
	[smem:$0x3FD2] =	sst s25  }
0xa6: {  	s5 =	sshll.u32 s26, $0x1;
	_ =	strace $0x80000052;
	[dreg:$0x1] =	wrdreg $0xFFFFFFFF  }
0xa7: {  	s28 =	simm.s32 $_size_execute0_lowered;
	s3 =	sadd.s32 s3, s5;
	[dreg:$0x0] =	wrdreg $0x0  }
0xa8: {  	s5 =	sshll.u32 s28, $0x1;
	[dreg:$0x2] =	wrdreg s3  }
0xa9: {  	[dreg:$0x3] =	wrdreg s5  }
0xaa: {  	[dreg:$0x4] =	wrdreg $0xC0  }
0xab: {  	_ =	task [dreg:s7], $0x5FFFF  }
0xac: {  	[dreg:$0x1] =	wrdreg $0xFFFFFFFF  }
0xad: {  	[dreg:$0x0] =	wrdreg $0x60  }
0xae: {  	[dreg:$0x2] =	wrdreg s24  }
0xaf: {  	[dreg:$0x3] =	wrdreg s2  }
0xb0: {  	[dreg:$0x4] =	wrdreg $0x9  }
0xb1: {  	_ =	task.clear_ibuf [dreg:s7], $0x5FFFF;
	_ =	strace $0x90000052  }
0xb2: {  	s29 =	simm.s32 $0x9;
	_ =	strace $0x80000054  }
0xb3: {  	_ =	swait.ge [sflag:s29], $0x1  }
0xb4: {  	[sflag:s29] =	ssyncadd.s32 $0xFFFFFFFF  }
0xb5: {  	_ =	strace $0x90000054  }
0xb6: {  	_ =	sfence  }
0xb7: {  	s30 =	sld [smem:$0x0];
	_ =	sdelay $0x2  }
0xb8: {  	s31 =	sshll.u32 s1, $0xD;
	s1 =	sshrl.u32 s1, $0x2  }
0xb9: {  	s3 =	sand.u32 $0x4000, s31;
	s1 =	sadd.s32 s1, s30  }
0xba: {  	s0 =	sor.u32 s3, s0;
	s1 =	sshll.u32 s1, $0x11  }
0xbb: {  	s0 =	sor.u32 s1, s0  }
0xbc: {  	s0 =	sadd.s32 $0x8F2B, s0  }
0xbd: {  	[sflag:s0] =	ssyncadd.remote.s32 $0x1  }
0xbe: {  	_ =	sfence.sel $0xFFFF  }
0xbf: {  	[dreg:$0x0] =	wrdreg $0xFFFFFFFF;
	(pc) =	sbr.abs _section_cstart, $3  }
0xc0: {  	[dreg:$0x1] =	wrdreg $0xFFFFFFFF  }
0xc1: {  	_ =	task.clear_ibuf [dreg:s7], $0x2FFFF;
	_ =	strace $0x9FFFFFFF  }
0xc2: {  	(tm) =	ssettm $0x7FFFFFFF  }
0xc3: {  	_ =	shalt  }
tec
execute0_lowered:
.L_overlay_start_1:
0x0: {  	(tag) =	ssettag $0x1  }
0x1: {  	s6 =	rddreg [dreg:$0x0]  }
0x2: {  	s10 =	rddreg [dreg:$0x1]  }
0x3: {  	s0 =	rddreg [dreg:$0x2];
	s1 =	simm.s32 $0x0  }
0x4: {  	s2 =	srdreg.scid;
	s14 =	simm.s32 $0xC8;
	s15 =	simm.s32 $0x200  }
0x5: {  	s16 =	simm.s32 $0x6600;
	s17 =	simm.s32 $0xCA00;
	s18 =	simm.s32 $0x1  }
0x6: {  	s19 =	simm.s32 $0x2;
	s20 =	simm.s32 $0x3;
	s7 =	sand.u32 $0x1, s2  }
0x7: {  	s21 =	simm.s32 $0x0;
	s2 =	stileid.u32;
	s8 =	smul.u32 $0x13880, s7  }
0x8: {  	[smem:$0x7FF] =	sst s1;
	s3 =	sadd.s32 $0x48400, s6;
	s9 =	smul.u32 $0x1388, s2  }
0x9: {  	s4 =	sadd.s32 $0x70400, s6;
	s5 =	sadd.s32 $0x99000, s6;
	s11 =	smul.u32 $0x138800, s7  }
0xa: {  	_ =	strace $0x80000053;
	s7 =	ssub.s32 $0x2, s7;
	s12 =	smul.u32 $0x13880, s2  }
0xb: {  	s28 =	sshrl.u32 s7, $0x1;
	s8 =	sadd.s32 s9, s8;
	s29 =	sadd.s32 s11, s6  }
0xc: {  	s7 =	ssub.s32 s7, s28;
	s13 =	sshrl.u32 s8, $0x3;
	s31 =	sadd.s32 s12, s29  }
0xd: {  	s12 =	simm.s32 $0x4;
	s30 =	sadd.s32 s13, s6;
	s6 =	smax.u32 s7, $0x1  }
0xe: {  	s7 =	sadd.s32 $0x35A000, s31;
	s8 =	sadd.s32 $0xAAB400, s31;
	s9 =	sadd.s32 $0xE9000, s31  }
0xf: {  	s10 =	sadd.s32 s13, s10;
	s13 =	simm.s32 $0x100;
	s11 =	sadd.s32 $0x11400, s30  }
.LBB2_1:
0x10: {  	[tilespmem:s1], [sflag:$0x4] =	stream.linear.gather [hbm4b:s11+s1], $0xC8, $0x38;
	[tilespmem:$0x12E00] =	vst v63  }
0x11: {  	_ =	swait.ge [sflag:s12], $0xC8  }
0x12: {  	[sflag:s12] =	ssyncset.done $0x0  }
0x13: {  	[sflag:s12] =	ssyncadd.s32 $0xFFFFFF38  }
0x14: {  	[tilespmem:s13], [sflag:$0x4] =	stream.linear.gather [hbm4b:s10+s1], $0xC8, $0x38;
	[tilespmem:$0x12E00] =	vst v63  }
0x15: {  	_ =	swait.ge [sflag:s12], $0xC8  }
0x16: {  	[sflag:s12] =	ssyncset.done $0x0  }
0x17: {  	[sflag:s12] =	ssyncadd.s32 $0xFFFFFF38  }
0x18: {  	[tilespmem:s15], [sflag:$0x1] =	stream.indirect.gather [hbm4b:s4+s14], $0x80, s1, s14, $0xb8;
	[tilespmem:$0x12E00] =	vst v63  }
0x19: {  	_ = 	snop  }
0x1a: {  	[tilespmem:s16], [sflag:$0x2] =	stream.indirect.gather [hbm4b:s5+s14], $0x80, s1, s14, $0xb8;
	[tilespmem:$0x12E00] =	vst v63  }
0x1b: {  	_ = 	snop  }
0x1c: {  	[tilespmem:s17], [sflag:$0x3] =	stream.indirect.gather [hbm4b:s3+s14], $0x80, s13, s14, $0xb8;
	[tilespmem:$0x12E00] =	vst v63  }
0x1d: {  	_ =	swait.ge [sflag:s18], $0x6400  }
0x1e: {  	[sflag:s18] =	ssyncset.done $0x0  }
0x1f: {  	s22 =	sadd.s32 $0x0, s7;
	[sflag:s18] =	ssyncadd.s32 $0xFFFF9C00  }
0x20: {  	[hbm4b:s22+s1] =	stream.linear.scatter [tilespmem:s15], [sflag:$0x4], $0x6400, $0x38;
	[tilespmem:$0x12E00] =	vst v63  }
0x21: {  	_ =	swait.ge [sflag:s12], $0x6400  }
0x22: {  	[sflag:s12] =	ssyncset.done $0x0  }
0x23: {  	[sflag:s12] =	ssyncadd.s32 $0xFFFF9C00  }
0x24: {  	_ =	swait.ge [sflag:s19], $0x6400  }
0x25: {  	[sflag:s19] =	ssyncset.done $0x0  }
0x26: {  	s30 =	sadd.s32 $0x0, s8;
	[sflag:s19] =	ssyncadd.s32 $0xFFFF9C00  }
0x27: {  	[hbm4b:s30+s1] =	stream.linear.scatter [tilespmem:s16], [sflag:$0x4], $0x6400, $0x38;
	[tilespmem:$0x12E00] =	vst v63  }
0x28: {  	_ =	swait.ge [sflag:s12], $0x6400  }
0x29: {  	[sflag:s12] =	ssyncset.done $0x0  }
0x2a: {  	[sflag:s12] =	ssyncadd.s32 $0xFFFF9C00  }
0x2b: {  	_ =	swait.ge [sflag:s20], $0x6400  }
0x2c: {  	[sflag:s20] =	ssyncset.done $0x0  }
0x2d: {  	s31 =	sadd.s32 $0x0, s9;
	[sflag:s20] =	ssyncadd.s32 $0xFFFF9C00  }
0x2e: {  	[hbm4b:s31+s1] =	stream.linear.scatter [tilespmem:s17], [sflag:$0x4], $0x6400, $0x38;
	[tilespmem:$0x12E00] =	vst v63  }
0x2f: {  	s23 =	smov.u32 s10;
	_ =	swait.ge [sflag:s12], $0x6400  }
0x30: {  	s24 =	smov.u32 s11;
	s22 =	simm.s32 $0xC80;
	[sflag:s12] =	ssyncset.done $0x0  }
.LBB2_2:
0x31: {  	[sflag:s12] =	ssyncadd.s32 $0xFFFF9C00  }
0x32: {  	s23 =	sadd.s32 $0x19, s23;
	s24 =	sadd.s32 $0x19, s24;
	s25 =	smov.u32 s22  }
0x33: {  	[tilespmem:s1], [sflag:$0x4] =	stream.linear.gather [hbm4b:s24+s1], $0xC8, $0x38;
	[tilespmem:$0x12E00] =	vst v63  }
0x34: {  	p0 =	sne.s32 s22, $0x12C00;
	s22 =	sadd.s32 $0xC80, s22;
	_ =	swait.ge [sflag:s12], $0xC8  }
0x35: {  	[sflag:s12] =	ssyncset.done $0x0  }
0x36: {  	[sflag:s12] =	ssyncadd.s32 $0xFFFFFF38  }
0x37: {  	[tilespmem:s13], [sflag:$0x4] =	stream.linear.gather [hbm4b:s23+s1], $0xC8, $0x38;
	[tilespmem:$0x12E00] =	vst v63  }
0x38: {  	_ =	swait.ge [sflag:s12], $0xC8  }
0x39: {  	[sflag:s12] =	ssyncset.done $0x0  }
0x3a: {  	[sflag:s12] =	ssyncadd.s32 $0xFFFFFF38  }
0x3b: {  	[tilespmem:s15], [sflag:$0x1] =	stream.indirect.gather [hbm4b:s4+s14], $0x80, s1, s14, $0xb8;
	[tilespmem:$0x12E00] =	vst v63  }
0x3c: {  	_ = 	snop  }
0x3d: {  	[tilespmem:s16], [sflag:$0x2] =	stream.indirect.gather [hbm4b:s5+s14], $0x80, s1, s14, $0xb8;
	[tilespmem:$0x12E00] =	vst v63  }
0x3e: {  	_ = 	snop  }
0x3f: {  	[tilespmem:s17], [sflag:$0x3] =	stream.indirect.gather [hbm4b:s3+s14], $0x80, s13, s14, $0xb8;
	[tilespmem:$0x12E00] =	vst v63  }
0x40: {  	_ =	swait.ge [sflag:s18], $0x6400  }
0x41: {  	[sflag:s18] =	ssyncset.done $0x0  }
0x42: {  	s26 =	sadd.s32 s25, s7;
	[sflag:s18] =	ssyncadd.s32 $0xFFFF9C00  }
0x43: {  	[hbm4b:s26+s1] =	stream.linear.scatter [tilespmem:s15], [sflag:$0x4], $0x6400, $0x38;
	[tilespmem:$0x12E00] =	vst v63  }
0x44: {  	_ =	swait.ge [sflag:s12], $0x6400  }
0x45: {  	[sflag:s12] =	ssyncset.done $0x0  }
0x46: {  	[sflag:s12] =	ssyncadd.s32 $0xFFFF9C00  }
0x47: {  	_ =	swait.ge [sflag:s19], $0x6400  }
0x48: {  	[sflag:s19] =	ssyncset.done $0x0  }
0x49: {  	s26 =	sadd.s32 s25, s8;
	[sflag:s19] =	ssyncadd.s32 $0xFFFF9C00  }
0x4a: {  	[hbm4b:s26+s1] =	stream.linear.scatter [tilespmem:s16], [sflag:$0x4], $0x6400, $0x38;
	[tilespmem:$0x12E00] =	vst v63  }
0x4b: {  	_ =	swait.ge [sflag:s12], $0x6400  }
0x4c: {  	[sflag:s12] =	ssyncset.done $0x0  }
0x4d: {  	[sflag:s12] =	ssyncadd.s32 $0xFFFF9C00  }
0x4e: {  	_ =	swait.ge [sflag:s20], $0x6400  }
.Ltmp0:
0x4f: {  	[sflag:s20] =	ssyncset.done $0x0;
	(pc) =	sbr.rel @p0 .LBB2_2-.Ltmp0, $4  }
0x50: {  	s25 =	sadd.s32 s25, s9;
	[sflag:s20] =	ssyncadd.s32 $0xFFFF9C00  }
0x51: {  	[hbm4b:s25+s1] =	stream.linear.scatter [tilespmem:s17], [sflag:$0x4], $0x6400, $0x38;
	[tilespmem:$0x12E00] =	vst v63  }
0x52: {  	_ =	swait.ge [sflag:s12], $0x6400  }
0x53: {  	[sflag:s12] =	ssyncset.done $0x0  }
0x54: {  	s21 =	sadd.s32 $0x1, s21  }
0x55: {  	p0 =	sne.s32 s21, s6  }
.Ltmp1:
0x56: {  	_ = 	snop;
	(pc) =	sbr.rel @p0 .LBB2_1-.Ltmp1, $2  }
0x57: {  	_ =	sdelay $0x2  }
0x58: {  	[sflag:s12] =	ssyncadd.s32 $0xFFFF9C00  }
0x59: {  	_ =	sfence.sel $0x180000  }
0x5a: {  	[bflag:$0x0] =	sbarrier.arrive $0xFFFF  }
0x5b: {  	p0 =	sne.s32 s2, $0x0;
	_ =	strace $0x90000053  }
0x5c: {  	s0 =	sadd.s32 @!p0 $0x100000, s0;
	[bflag:$0x2] =	sbarrier.arrive $0xFFFF  }
0x5d: {  	[sflag:s0] =	ssyncadd.tile.s32 @!p0 $0x1;
	_ =	shalt  }
.Lfunc_end2:
_tile_overlayer_lowered:
.L_overlay_start_2:
0x5e: {  	(tag) =	ssettag $0x2  }
0x5f: {  	s0 =	rddreg [dreg:$0x0];
	s2 =	stileid.u32  }
0x60: {  	s1 =	rddreg [dreg:$0x1];
	p0 =	sne.s32 s2, $0x0  }
0x61: {  	s3 =	rddreg [dreg:$0x2];
	[bflag:$0x3] =	sbarrier.arrive $0xFFFF;
	s2 =	simm.s32 @!p0 $0x1C04  }
0x62: {  	[timem:s3], [sflag:s2] =	dma.local @!p0 [hbm:s0], s1  }
0x63: {  	s0 =	simm.s32 @!p0 $0x4  }
0x64: {  	_ =	swait.ge @!p0 [sflag:s0], s1  }
0x65: {  	s1 =	ssub.s32 @!p0 $0x0, s1;
	[sflag:s0] =	ssyncset.done @!p0 $0x0  }
0x66: {  	[sflag:s0] =	ssyncadd.s32 @!p0 s1  }
0x67: {  	[bflag:$0x3] =	sbarrier.arrive $0xFFFF  }
0x68: {  	_ =	shalt  }

// kernel: kernel.40.cloned.1.call-start
scs
__scs_entry_jumppad:
0x0: {  	(pc) =	sbr.rel $0x88, $3  }
0x1: {  	(tag) =	ssettag $0x0;
	lr =	simm.s32 $0x1  }
0x2: {  	[smem:$0x3F88] =	sst lr;
	_ =	strace $0xD0000000  }
0x3: {  	_ = 	snop  }
0x4: {  	_ = 	snop  }
0x5: {  	_ = 	snop  }
0x6: {  	_ = 	snop  }
0x7: {  	_ = 	snop  }
__scs_overlays_trampoline_lowered:
0x8: {  	[smem:$0x3F97] =	sst s0  }
0x9: {  	[smem:$0x3F98] =	sst s1  }
0xa: {  	[smem:$0x3F99] =	sst s2  }
0xb: {  	[smem:$0x3F9A] =	sst s3  }
0xc: {  	[smem:$0x3F9B] =	sst s4  }
0xd: {  	[smem:$0x3F9C] =	sst s5  }
0xe: {  	[smem:$0x3F9D] =	sst s6  }
0xf: {  	[smem:$0x3F9E] =	sst s7  }
0x10: {  	[smem:$0x3F9F] =	sst s8  }
0x11: {  	[smem:$0x3FA0] =	sst s9;
	s0 =	simm.s32 @!p0 $0x0  }
0x12: {  	s1 =	sld [smem:$0x3F86];
	s0 =	simm.s32 @p0 $0x1  }
0x13: {  	[smem:$0x3FA1] =	sst s0;
	s0 =	simm.s32 @!p1 $0x0  }
0x14: {  	s2 =	sld [smem:$0x3F85];
	s0 =	simm.s32 @p1 $0x1  }
0x15: {  	[smem:$0x3FA2] =	sst s0;
	s0 =	simm.s32 @!p2 $0x0  }
0x16: {  	s3 =	sld [smem:$0x3FDB];
	s0 =	simm.s32 @p2 $0x1  }
0x17: {  	s4 =	simm.s32 $0x1BF5;
	[smem:$0x3FA4] =	sst s0  }
0x18: {  	s0 =	sld [smem:$0x3F87];
	_ =	swait.ge [sflag:s4], $0x0  }
0x19: {  	s7 =	sld [smem:$0x3F88]  }
0x1a: {  	s8 =	sadd.s32 $0xFFFFE003, lr  }
0x1b: {  	s9 =	sadd.s32 $0xFFFFFEF7, lr;
	s5 =	simm.s32 $0xFFFFFFFF;
	p2 =	slt.u32 s8, $0xFFFFF086  }
0x1c: {  	p1 =	slt.u32 s9, $0xF7A;
	s5 =	simm.s32 @!p2 $0x0  }
0x1d: {  	s5 =	simm.s32 @p1 $0x1;
	p0 =	seq.s32 s7, s2  }
0x1e: {  	s7 =	smul.u32 @!p0 $0xF7A, s2;
	p2 =	seq.s32 @!p0 s5, $0x0  }
0x1f: {  	s9 =	smul.u32 $0xF7A, s1;
	s8 =	simm.s32 @!p0 $0x1BF5;
	p2 =	por !p2, p0  }
0x20: {  	[sflag:s8] =	ssyncset.s32 @!p0 $0xFFFFF086;
	s6 =	sadd.s32 @!p0 s3, s7;
	s7 =	simm.s32 @!p0 $0x108  }
0x21: {  	s3 =	sadd.s32 s3, s9;
	s6 =	sadd.s32 @!p0 $0x88, s6;
	s7 =	simm.s32 @p2 $0x1082  }
0x22: {  	[simem:s7], [sflag:s8] =	dma.local @!p0 [hbm:s6], $0xF7A  }
0x23: {  	s9 =	sor.u32 $0xD0000000, s2;
	s6 =	simm.s32 $0x108;
	_ =	swait.ge @!p0 [sflag:s8], $0x0  }
0x24: {  	s3 =	sadd.s32 $0x88, s3;
	s6 =	simm.s32 @!p1 $0x1082;
	[sflag:s4] =	ssyncset.s32 $0xFFFFF086  }
0x25: {  	[simem:s6], [sflag:s4] =	dma.local [hbm:s3], $0xF7A  }
0x26: {  	[smem:$0x3F88] =	sst s1;
	(tag) =	ssettag s2;
	_ =	strace s9  }
0x27: {  	s1 =	sld [smem:$0x3F98]  }
0x28: {  	s2 =	sld [smem:$0x3F99]  }
0x29: {  	s4 =	sld [smem:$0x3F9B]  }
0x2a: {  	p0 =	seq.s32 s5, $0x0;
	s5 =	sld [smem:$0x3F9C]  }
0x2b: {  	s6 =	sld [smem:$0x3F9D]  }
0x2c: {  	s7 =	sld [smem:$0x3F9E]  }
0x2d: {  	s3 =	simm.s32 $0x108;
	s8 =	sld [smem:$0x3F9F]  }
0x2e: {  	s3 =	simm.s32 @!p0 $0x1082;
	s9 =	sld [smem:$0x3FA0]  }
0x2f: {  	lr =	sadd.s32 s0, s3;
	s0 =	sld [smem:$0x3F97]  }
0x30: {  	s3 =	sld [smem:$0x3F9A]  }
0x31: {  	[smem:$0x3FA3] =	sst s10  }
0x32: {  	s10 =	sld [smem:$0x3FA1];
	_ =	sdelay $0x3  }
0x33: {  	p0 =	seq.s32 s10, $0x1;
	s10 =	sld [smem:$0x3FA3];
	_ =	sdelay $0x3  }
0x34: {  	[smem:$0x3FA3] =	sst s10  }
0x35: {  	s10 =	sld [smem:$0x3FA2];
	_ =	sdelay $0x3  }
0x36: {  	p1 =	seq.s32 s10, $0x1;
	s10 =	sld [smem:$0x3FA3];
	_ =	sdelay $0x3  }
0x37: {  	[smem:$0x3FA3] =	sst s10  }
0x38: {  	s10 =	sld [smem:$0x3FA4]  }
0x39: {  	_ = 	snop;
	(pc) =	sbr.ind lr, $3  }
0x3a: {  	_ = 	snop  }
0x3b: {  	_ = 	snop  }
0x3c: {  	p2 =	seq.s32 s10, $0x1;
	s10 =	sld [smem:$0x3FA3]  }
0x3d: {  	_ =	shalt  }
0x3e: {  	_ =	shalt  }
0x3f: {  	_ =	shalt  }
0x40: {  	_ =	shalt  }
0x41: {  	_ =	shalt  }
0x42: {  	_ =	shalt  }
0x43: {  	_ =	shalt  }
0x44: {  	_ =	shalt  }
0x45: {  	_ =	shalt  }
0x46: {  	_ =	shalt  }
0x47: {  	_ =	shalt  }
0x48: {  	_ =	shalt  }
0x49: {  	_ =	shalt  }
0x4a: {  	_ =	shalt  }
0x4b: {  	_ =	shalt  }
0x4c: {  	_ =	shalt  }
0x4d: {  	_ =	shalt  }
0x4e: {  	_ =	shalt  }
0x4f: {  	_ =	shalt  }
0x50: {  	_ =	shalt  }
0x51: {  	_ =	shalt  }
0x52: {  	_ =	shalt  }
0x53: {  	_ =	shalt  }
0x54: {  	_ =	shalt  }
0x55: {  	_ =	shalt  }
0x56: {  	_ =	shalt  }
0x57: {  	_ =	shalt  }
0x58: {  	_ =	shalt  }
0x59: {  	_ =	shalt  }
0x5a: {  	_ =	shalt  }
0x5b: {  	_ =	shalt  }
0x5c: {  	_ =	shalt  }
0x5d: {  	_ =	shalt  }
0x5e: {  	_ =	shalt  }
0x5f: {  	_ =	shalt  }
0x60: {  	_ =	shalt  }
0x61: {  	_ =	shalt  }
0x62: {  	_ =	shalt  }
0x63: {  	_ =	shalt  }
0x64: {  	_ =	shalt  }
0x65: {  	_ =	shalt  }
0x66: {  	_ =	shalt  }
0x67: {  	_ =	shalt  }
0x68: {  	_ =	shalt  }
0x69: {  	_ =	shalt  }
0x6a: {  	_ =	shalt  }
0x6b: {  	_ =	shalt  }
0x6c: {  	_ =	shalt  }
0x6d: {  	_ =	shalt  }
0x6e: {  	_ =	shalt  }
0x6f: {  	_ =	shalt  }
0x70: {  	_ =	shalt  }
0x71: {  	_ =	shalt  }
0x72: {  	_ =	shalt  }
0x73: {  	_ =	shalt  }
0x74: {  	_ =	shalt  }
0x75: {  	_ =	shalt  }
0x76: {  	_ =	shalt  }
0x77: {  	_ =	shalt  }
0x78: {  	_ =	shalt  }
0x79: {  	_ =	shalt  }
0x7a: {  	_ =	shalt  }
0x7b: {  	_ =	shalt  }
0x7c: {  	_ =	shalt  }
0x7d: {  	_ =	shalt  }
0x7e: {  	_ =	shalt  }
0x7f: {  	_ =	shalt  }
0x80: {  	_ =	shalt  }
0x81: {  	_ =	shalt  }
0x82: {  	_ =	shalt  }
0x83: {  	_ =	shalt  }
0x84: {  	_ =	shalt  }
0x85: {  	_ =	shalt  }
0x86: {  	_ =	shalt  }
0x87: {  	_ =	shalt  }
.Lfunc_end0:
.L_simem_size_0:
called_computation.5_lowered:
.L_overlay_start_0:
0x88: {  	s2 =	sld [smem:$0x3FD9]  }
0x89: {  	s3 =	sld [smem:$0x3FFE];
	_ =	sdelay $0x1  }
0x8a: {  	s1 =	srdreg.scid  }
0x8b: {  	s0 =	sand.u32 $0x1, s1  }
0x8c: {  	s17 =	sshll.u32 s0, $0xA;
	s2 =	sadd.s32 s3, s2  }
0x8d: {  	s2 =	sadd.s32 s2, s17  }
0x8e: {  	[smem:$0x3FAF] =	sst s2  }
0x8f: {  	_ = 	snop  }
0x90: {  	s2 =	sld [smem:$0x3FD0];
	(tm) =	ssettm $0x1  }
0x91: {  	s18 =	sld [smem:$0x3FFB];
	_ =	sdelay $0x3  }
0x92: {  	_ =	strace s18  }
0x93: {  	s3 =	sld [smem:$0x3FFC];
	_ =	sdelay $0x3  }
0x94: {  	_ =	strace s3  }
0x95: {  	s3 =	sld [smem:$0x3FFD];
	_ =	sdelay $0x3  }
0x96: {  	_ =	strace s3  }
0x97: {  	_ =	strace $0x8FFFFFFF  }
0x98: {  	s19 =	sld [smem:$0x3FDB];
	_ =	sdelay $0x1  }
0x99: {  	s4 =	simm.s32 $_scs_section_size  }
0x9a: {  	s5 =	simm.s32 $_size__tile_overlayer_lowered;
	s6 =	simm.s32 $_tile_overlayer_lowered  }
0x9b: {  	s22 =	simm.s32 $0x1BFF;
	s21 =	sshll.u32 s6, $0x1;
	s3 =	sadd.s32 s4, s19  }
0x9c: {  	s7 =	simm.s32 $0x0;
	s20 =	sshll.u32 s5, $0x1;
	s5 =	sadd.s32 s21, s3  }
0x9d: {  	[timem:s7], [sflag:s22] =	dma.local [hbm:s5], s20  }
0x9e: {  	_ =	swait.ge [sflag:s22], s20  }
0x9f: {  	s4 =	ssub.s32 $0x0, s20;
	[sflag:s22] =	ssyncset.done $0x0  }
0xa0: {  	[sflag:s22] =	ssyncadd.s32 s4;
	_ =	sdelay $0x1  }
0xa1: {  	s23 =	simm.s32 $0x1B8B  }
0xa2: {  	_ =	swait.ge [sflag:s23], $0x1  }
0xa3: {  	[sflag:s23] =	ssyncset.done $0x0  }
0xa4: {  	s25 =	simm.s32 $0x1B8E;
	s24 =	sld [smem:$0x3FFE];
	[sflag:s23] =	ssyncadd.s32 $0xFFFFFFFF  }
0xa5: {  	s26 =	simm.s32 $execute0_lowered;
	[smem:$0x3FD2] =	sst s25  }
0xa6: {  	s5 =	sshll.u32 s26, $0x1;
	_ =	strace $0x80000055;
	[dreg:$0x1] =	wrdreg $0xFFFFFFFF  }
0xa7: {  	s28 =	simm.s32 $_size_execute0_lowered;
	s3 =	sadd.s32 s3, s5;
	[dreg:$0x0] =	wrdreg $0x0  }
0xa8: {  	s5 =	sshll.u32 s28, $0x1;
	[dreg:$0x2] =	wrdreg s3  }
0xa9: {  	[dreg:$0x3] =	wrdreg s5  }
0xaa: {  	[dreg:$0x4] =	wrdreg $0xC0  }
0xab: {  	_ =	task [dreg:s7], $0x5FFFF  }
0xac: {  	[dreg:$0x1] =	wrdreg $0xFFFFFFFF  }
0xad: {  	[dreg:$0x0] =	wrdreg $0x60  }
0xae: {  	[dreg:$0x2] =	wrdreg s24  }
0xaf: {  	[dreg:$0x3] =	wrdreg s2  }
0xb0: {  	[dreg:$0x4] =	wrdreg $0x65000  }
0xb1: {  	[dreg:$0x5] =	wrdreg $0x9  }
0xb2: {  	_ =	task.clear_ibuf [dreg:s7], $0x6FFFF;
	_ =	strace $0x90000055  }
0xb3: {  	s29 =	simm.s32 $0x9;
	_ =	strace $0x80000057  }
0xb4: {  	_ =	swait.ge [sflag:s29], $0x1  }
0xb5: {  	[sflag:s29] =	ssyncadd.s32 $0xFFFFFFFF  }
0xb6: {  	_ =	strace $0x90000057  }
0xb7: {  	_ =	sfence  }
0xb8: {  	s30 =	sld [smem:$0x0];
	_ =	sdelay $0x2  }
0xb9: {  	s31 =	sshll.u32 s1, $0xD;
	s1 =	sshrl.u32 s1, $0x2  }
0xba: {  	s3 =	sand.u32 $0x4000, s31;
	s1 =	sadd.s32 s1, s30  }
0xbb: {  	s0 =	sor.u32 s3, s0;
	s1 =	sshll.u32 s1, $0x11  }
0xbc: {  	s0 =	sor.u32 s1, s0  }
0xbd: {  	s0 =	sadd.s32 $0x8F2B, s0  }
0xbe: {  	[sflag:s0] =	ssyncadd.remote.s32 $0x1  }
0xbf: {  	_ =	sfence.sel $0xFFFF  }
0xc0: {  	[dreg:$0x0] =	wrdreg $0xFFFFFFFF;
	(pc) =	sbr.abs _section_cstart, $3  }
0xc1: {  	[dreg:$0x1] =	wrdreg $0xFFFFFFFF  }
0xc2: {  	_ =	task.clear_ibuf [dreg:s7], $0x2FFFF;
	_ =	strace $0x9FFFFFFF  }
0xc3: {  	(tm) =	ssettm $0x7FFFFFFF  }
tec
execute0_lowered:
.L_overlay_start_1:
0x0: {  	(tag) =	ssettag $0x1  }
0x1: {  	s5 =	rddreg [dreg:$0x0]  }
0x2: {  	s10 =	rddreg [dreg:$0x1];
	s2 =	stileid.u32  }
0x3: {  	s0 =	srdreg.scid;
	s8 =	smul.u32 $0x14000, s2  }
0x4: {  	s1 =	rddreg [dreg:$0x2];
	s11 =	smul.u32 $0x50000, s2  }
0x5: {  	s3 =	simm.s32 $0x0;
	s15 =	simm.s32 $0xC8;
	s29 =	smul.u32 $0x1388, s2  }
0x6: {  	s6 =	sand.u32 $0x1, s0;
	s0 =	rddreg [dreg:$0x3];
	s14 =	smul.u32 $0x13880, s2  }
0x7: {  	s16 =	simm.s32 $0x0;
	[smem:$0x7FF] =	sst s3;
	s4 =	smul.u32 $0x138800, s6  }
0x8: {  	s30 =	sshll.u32 s2, $0x6;
	s7 =	smul.u32 $0x140000, s6;
	s25 =	ssub.s32 $0x2, s6  }
0x9: {  	_ =	strace $0x80000056;
	s12 =	smul.u32 $0x13880, s6;
	s26 =	sshrl.u32 s25, $0x1  }
0xa: {  	s28 =	sshrl.u32 s11, $0x2;
	s9 =	sadd.s32 s4, s5;
	s4 =	sadd.s32 $0x45C00, s5  }
0xb: {  	s7 =	sadd.s32 s8, s7;
	s8 =	ssub.s32 s25, s26;
	s13 =	sadd.s32 s28, s1  }
0xc: {  	s11 =	sadd.s32 s29, s12;
	s7 =	sshrl.u32 s7, $0x3;
	s31 =	sadd.s32 s14, s9  }
0xd: {  	s11 =	sshrl.u32 s11, $0x3;
	s8 =	smax.u32 s8, $0x1;
	s12 =	sshrl.u32 s13, $0x3  }
0xe: {  	s13 =	simm.s32 $0x1;
	s14 =	simm.s32 $0x100;
	s7 =	sadd.s32 s7, s5  }
0xf: {  	s9 =	sadd.s32 $0xD1C400, s31;
	s10 =	sadd.s32 s11, s10;
	s11 =	sadd.s32 $0xF8D400, s31  }
0x10: {  	s5 =	sor.u32 $0x1C01, s30;
	s6 =	sadd.s32 $0xAAB400, s7;
	s7 =	sadd.s32 $0x48400, s7  }
.LBB2_1:
0x11: {  	[spmem:s12], [sflag:s5] =	dma.local [hbm:s4], $0x2800  }
0x12: {  	_ =	swait.ge [sflag:s13], $0x2800  }
0x13: {  	[sflag:s13] =	ssyncset.done $0x0  }
0x14: {  	[sflag:s13] =	ssyncadd.s32 $0xFFFFD800  }
0x15: {  	s17 =	sadd.s32 $0x0, s10;
	[bflag:$0x0] =	sbarrier.arrive $0xFFFF  }
0x16: {  	[tilespmem:s3], [sflag:$0x1] =	stream.linear.gather [hbm4b:s17+s3], $0xC8, $0x38;
	[tilespmem:$0x1A500] =	vst v63  }
0x17: {  	_ =	swait.ge [sflag:s13], $0xC8  }
0x18: {  	[sflag:s13] =	ssyncset.done $0x0  }
0x19: {  	[sflag:s13] =	ssyncadd.s32 $0xFFFFFF38  }
0x1a: {  	[tilespmem:s14], [sflag:$0x1] =	stream.linear.gather [hbm4b:s9+s3], $0x6400, $0x38;
	[tilespmem:$0x1A500] =	vst v63  }
0x1b: {  	_ =	swait.ge [sflag:s13], $0x6400  }
0x1c: {  	[sflag:s13] =	ssyncset.done $0x0  }
0x1d: {  	[sflag:s13] =	ssyncadd.s32 $0xFFFF9C00  }
0x1e: {  	[spmem:s1] =	stream.indirect.scatter.add.f32 [tilespmem:s14], [sflag:$0x1], $0x80, s3, s15, $0xb8;
	[tilespmem:$0x1A500] =	vst v63  }
0x1f: {  	s18 =	simm.s32 $0x19;
	_ =	swait.ge [sflag:s13], $0x6400  }
0x20: {  	s19 =	simm.s32 $0x32;
	s17 =	sadd.s32 $0xC80, s9;
	[sflag:s13] =	ssyncset.done $0x0  }
.LBB2_2:
0x21: {  	s20 =	sadd.s32 s18, s10  }
0x22: {  	[sflag:s13] =	ssyncadd.s32 $0xFFFF9C00;
	s18 =	smov.u32 s19;
	s21 =	sadd.s32 $0x19, s19  }
0x23: {  	[tilespmem:s3], [sflag:$0x1] =	stream.linear.gather [hbm4b:s20+s3], $0xC8, $0x38;
	[tilespmem:$0x1A500] =	vst v63  }
0x24: {  	p0 =	sne.s32 s19, $0x258;
	_ =	swait.ge [sflag:s13], $0xC8  }
0x25: {  	[sflag:s13] =	ssyncset.done $0x0  }
0x26: {  	[sflag:s13] =	ssyncadd.s32 $0xFFFFFF38  }
0x27: {  	[tilespmem:s14], [sflag:$0x1] =	stream.linear.gather [hbm4b:s17+s3], $0x6400, $0x38;
	[tilespmem:$0x1A500] =	vst v63  }
0x28: {  	_ =	swait.ge [sflag:s13], $0x6400  }
.Ltmp0:
0x29: {  	[sflag:s13] =	ssyncset.done $0x0;
	(pc) =	sbr.rel @p0 .LBB2_2-.Ltmp0, $4  }
0x2a: {  	[sflag:s13] =	ssyncadd.s32 $0xFFFF9C00  }
0x2b: {  	[spmem:s1] =	stream.indirect.scatter.add.f32 [tilespmem:s14], [sflag:$0x1], $0x80, s3, s15, $0xb8;
	[tilespmem:$0x1A500] =	vst v63  }
0x2c: {  	_ =	swait.ge [sflag:s13], $0x6400  }
0x2d: {  	s19 =	smov.u32 s21;
	s17 =	sadd.s32 $0xC80, s17;
	[sflag:s13] =	ssyncset.done $0x0  }
0x2e: {  	s18 =	sadd.s32 s18, s10;
	[sflag:s13] =	ssyncadd.s32 $0xFFFF9C00  }
0x2f: {  	[tilespmem:s3], [sflag:$0x1] =	stream.linear.gather [hbm4b:s18+s3], $0xC8, $0x38;
	[tilespmem:$0x1A500] =	vst v63  }
0x30: {  	_ =	swait.ge [sflag:s13], $0xC8  }
0x31: {  	[sflag:s13] =	ssyncset.done $0x0  }
0x32: {  	[sflag:s13] =	ssyncadd.s32 $0xFFFFFF38  }
0x33: {  	[tilespmem:s14], [sflag:$0x1] =	stream.linear.gather [hbm4b:s17+s3], $0x6400, $0x38;
	[tilespmem:$0x1A500] =	vst v63  }
0x34: {  	_ =	swait.ge [sflag:s13], $0x6400  }
0x35: {  	[sflag:s13] =	ssyncset.done $0x0  }
0x36: {  	[sflag:s13] =	ssyncadd.s32 $0xFFFF9C00  }
0x37: {  	[spmem:s1] =	stream.indirect.scatter.add.f32 [tilespmem:s14], [sflag:$0x1], $0x80, s3, s15, $0xb8;
	[tilespmem:$0x1A500] =	vst v63  }
0x38: {  	_ =	swait.ge [sflag:s13], $0x6400  }
0x39: {  	[sflag:s13] =	ssyncset.done $0x0  }
0x3a: {  	[sflag:s13] =	ssyncadd.s32 $0xFFFF9C00  }
0x3b: {  	[bflag:$0x0] =	sbarrier.arrive $0xFFFF  }
0x3c: {  	[hbm:s6], [sflag:s5] =	dma.local [spmem:s12], $0x2800  }
0x3d: {  	_ =	swait.ge [sflag:s13], $0x2800  }
0x3e: {  	[sflag:s13] =	ssyncset.done $0x0  }
0x3f: {  	[sflag:s13] =	ssyncadd.s32 $0xFFFFD800  }
0x40: {  	[spmem:s12], [sflag:s5] =	dma.local [hbm:s4], $0x2800  }
0x41: {  	_ =	swait.ge [sflag:s13], $0x2800  }
0x42: {  	[sflag:s13] =	ssyncset.done $0x0  }
0x43: {  	[sflag:s13] =	ssyncadd.s32 $0xFFFFD800  }
0x44: {  	s31 =	sadd.s32 $0x0, s10;
	[bflag:$0x0] =	sbarrier.arrive $0xFFFF  }
0x45: {  	[tilespmem:s3], [sflag:$0x1] =	stream.linear.gather [hbm4b:s31+s3], $0xC8, $0x38;
	[tilespmem:$0x1A500] =	vst v63  }
0x46: {  	_ =	swait.ge [sflag:s13], $0xC8  }
0x47: {  	[sflag:s13] =	ssyncset.done $0x0  }
0x48: {  	[sflag:s13] =	ssyncadd.s32 $0xFFFFFF38  }
0x49: {  	[tilespmem:s14], [sflag:$0x1] =	stream.linear.gather [hbm4b:s11+s3], $0x6400, $0x38;
	[tilespmem:$0x1A500] =	vst v63  }
0x4a: {  	_ =	swait.ge [sflag:s13], $0x6400  }
0x4b: {  	[sflag:s13] =	ssyncset.done $0x0  }
0x4c: {  	[sflag:s13] =	ssyncadd.s32 $0xFFFF9C00  }
0x4d: {  	[spmem:s1] =	stream.indirect.scatter.add.f32 [tilespmem:s14], [sflag:$0x1], $0x80, s3, s15, $0xb8;
	[tilespmem:$0x1A500] =	vst v63  }
0x4e: {  	s19 =	simm.s32 $0x32;
	_ =	swait.ge [sflag:s13], $0x6400  }
0x4f: {  	s18 =	simm.s32 $0x19;
	s17 =	sadd.s32 $0xC80, s11;
	[sflag:s13] =	ssyncset.done $0x0  }
.LBB2_4:
0x50: {  	s20 =	sadd.s32 s18, s10  }
0x51: {  	[sflag:s13] =	ssyncadd.s32 $0xFFFF9C00;
	s18 =	smov.u32 s19;
	s21 =	sadd.s32 $0x19, s19  }
0x52: {  	[tilespmem:s3], [sflag:$0x1] =	stream.linear.gather [hbm4b:s20+s3], $0xC8, $0x38;
	[tilespmem:$0x1A500] =	vst v63  }
0x53: {  	p0 =	sne.s32 s19, $0x258;
	_ =	swait.ge [sflag:s13], $0xC8  }
0x54: {  	[sflag:s13] =	ssyncset.done $0x0  }
0x55: {  	[sflag:s13] =	ssyncadd.s32 $0xFFFFFF38  }
0x56: {  	[tilespmem:s14], [sflag:$0x1] =	stream.linear.gather [hbm4b:s17+s3], $0x6400, $0x38;
	[tilespmem:$0x1A500] =	vst v63  }
0x57: {  	_ =	swait.ge [sflag:s13], $0x6400  }
.Ltmp1:
0x58: {  	[sflag:s13] =	ssyncset.done $0x0;
	(pc) =	sbr.rel @p0 .LBB2_4-.Ltmp1, $4  }
0x59: {  	[sflag:s13] =	ssyncadd.s32 $0xFFFF9C00  }
0x5a: {  	[spmem:s1] =	stream.indirect.scatter.add.f32 [tilespmem:s14], [sflag:$0x1], $0x80, s3, s15, $0xb8;
	[tilespmem:$0x1A500] =	vst v63  }
0x5b: {  	_ =	swait.ge [sflag:s13], $0x6400  }
0x5c: {  	s19 =	smov.u32 s21;
	s17 =	sadd.s32 $0xC80, s17;
	[sflag:s13] =	ssyncset.done $0x0  }
0x5d: {  	s18 =	sadd.s32 s18, s10;
	[sflag:s13] =	ssyncadd.s32 $0xFFFF9C00  }
0x5e: {  	[tilespmem:s3], [sflag:$0x1] =	stream.linear.gather [hbm4b:s18+s3], $0xC8, $0x38;
	[tilespmem:$0x1A500] =	vst v63  }
0x5f: {  	_ =	swait.ge [sflag:s13], $0xC8  }
0x60: {  	[sflag:s13] =	ssyncset.done $0x0  }
0x61: {  	[sflag:s13] =	ssyncadd.s32 $0xFFFFFF38  }
0x62: {  	[tilespmem:s14], [sflag:$0x1] =	stream.linear.gather [hbm4b:s17+s3], $0x6400, $0x38;
	[tilespmem:$0x1A500] =	vst v63  }
0x63: {  	_ =	swait.ge [sflag:s13], $0x6400  }
0x64: {  	[sflag:s13] =	ssyncset.done $0x0  }
0x65: {  	[sflag:s13] =	ssyncadd.s32 $0xFFFF9C00  }
0x66: {  	[spmem:s1] =	stream.indirect.scatter.add.f32 [tilespmem:s14], [sflag:$0x1], $0x80, s3, s15, $0xb8;
	[tilespmem:$0x1A500] =	vst v63  }
0x67: {  	_ =	swait.ge [sflag:s13], $0x6400  }
0x68: {  	s16 =	sadd.s32 $0x1, s16;
	[sflag:s13] =	ssyncset.done $0x0  }
0x69: {  	p0 =	sne.s32 s16, s8;
	[sflag:s13] =	ssyncadd.s32 $0xFFFF9C00  }
.Ltmp2:
0x6a: {  	[bflag:$0x0] =	sbarrier.arrive $0xFFFF;
	(pc) =	sbr.rel @p0 .LBB2_1-.Ltmp2, $4  }
0x6b: {  	[hbm:s7], [sflag:s5] =	dma.local [spmem:s12], $0x2800  }
0x6c: {  	_ =	swait.ge [sflag:s13], $0x2800  }
0x6d: {  	[sflag:s13] =	ssyncset.done $0x0  }
0x6e: {  	[sflag:s13] =	ssyncadd.s32 $0xFFFFD800  }
0x6f: {  	_ =	sfence.sel $0x180000  }
0x70: {  	[bflag:$0x0] =	sbarrier.arrive $0xFFFF  }
0x71: {  	p0 =	sne.s32 s2, $0x0;
	_ =	strace $0x90000056  }
0x72: {  	s0 =	sadd.s32 @!p0 $0x100000, s0;
	[bflag:$0x2] =	sbarrier.arrive $0xFFFF  }
0x73: {  	[sflag:s0] =	ssyncadd.tile.s32 @!p0 $0x1;
	_ =	shalt  }
.Lfunc_end2:
_tile_overlayer_lowered:
.L_overlay_start_2:
0x74: {  	(tag) =	ssettag $0x2  }
0x75: {  	s0 =	rddreg [dreg:$0x0];
	s2 =	stileid.u32  }
0x76: {  	s1 =	rddreg [dreg:$0x1];
	p0 =	sne.s32 s2, $0x0  }
0x77: {  	s3 =	rddreg [dreg:$0x2];
	[bflag:$0x3] =	sbarrier.arrive $0xFFFF;
	s2 =	simm.s32 @!p0 $0x1C01  }
0x78: {  	[timem:s3], [sflag:s2] =	dma.local @!p0 [hbm:s0], s1  }
0x79: {  	s0 =	simm.s32 @!p0 $0x1  }
0x7a: {  	_ =	swait.ge @!p0 [sflag:s0], s1  }
0x7b: {  	s1 =	ssub.s32 @!p0 $0x0, s1;
	[sflag:s0] =	ssyncset.done @!p0 $0x0  }
0x7c: {  	[sflag:s0] =	ssyncadd.s32 @!p0 s1  }
0x7d: {  	[bflag:$0x3] =	sbarrier.arrive $0xFFFF  }
0x7e: {  	_ =	shalt  }

// kernel: kernel.43.cloned.1.call-start
scs
__scs_entry_jumppad:
0x0: {  	(pc) =	sbr.rel $0x88, $3  }
0x1: {  	(tag) =	ssettag $0x0;
	lr =	simm.s32 $0x1  }
0x2: {  	[smem:$0x3F88] =	sst lr;
	_ =	strace $0xD0000000  }
0x3: {  	_ = 	snop  }
0x4: {  	_ = 	snop  }
0x5: {  	_ = 	snop  }
0x6: {  	_ = 	snop  }
0x7: {  	_ = 	snop  }
__scs_overlays_trampoline_lowered:
0x8: {  	[smem:$0x3F97] =	sst s0  }
0x9: {  	[smem:$0x3F98] =	sst s1  }
0xa: {  	[smem:$0x3F99] =	sst s2  }
0xb: {  	[smem:$0x3F9A] =	sst s3  }
0xc: {  	[smem:$0x3F9B] =	sst s4  }
0xd: {  	[smem:$0x3F9C] =	sst s5  }
0xe: {  	[smem:$0x3F9D] =	sst s6  }
0xf: {  	[smem:$0x3F9E] =	sst s7  }
0x10: {  	[smem:$0x3F9F] =	sst s8  }
0x11: {  	[smem:$0x3FA0] =	sst s9;
	s0 =	simm.s32 @!p0 $0x0  }
0x12: {  	s1 =	sld [smem:$0x3F86];
	s0 =	simm.s32 @p0 $0x1  }
0x13: {  	[smem:$0x3FA1] =	sst s0;
	s0 =	simm.s32 @!p1 $0x0  }
0x14: {  	s2 =	sld [smem:$0x3F85];
	s0 =	simm.s32 @p1 $0x1  }
0x15: {  	[smem:$0x3FA2] =	sst s0;
	s0 =	simm.s32 @!p2 $0x0  }
0x16: {  	s3 =	sld [smem:$0x3FDB];
	s0 =	simm.s32 @p2 $0x1  }
0x17: {  	s4 =	simm.s32 $0x1BF5;
	[smem:$0x3FA4] =	sst s0  }
0x18: {  	s0 =	sld [smem:$0x3F87];
	_ =	swait.ge [sflag:s4], $0x0  }
0x19: {  	s7 =	sld [smem:$0x3F88]  }
0x1a: {  	s8 =	sadd.s32 $0xFFFFE003, lr  }
0x1b: {  	s9 =	sadd.s32 $0xFFFFFEF7, lr;
	s5 =	simm.s32 $0xFFFFFFFF;
	p2 =	slt.u32 s8, $0xFFFFF086  }
0x1c: {  	p1 =	slt.u32 s9, $0xF7A;
	s5 =	simm.s32 @!p2 $0x0  }
0x1d: {  	s5 =	simm.s32 @p1 $0x1;
	p0 =	seq.s32 s7, s2  }
0x1e: {  	s7 =	smul.u32 @!p0 $0xF7A, s2;
	p2 =	seq.s32 @!p0 s5, $0x0  }
0x1f: {  	s9 =	smul.u32 $0xF7A, s1;
	s8 =	simm.s32 @!p0 $0x1BF5;
	p2 =	por !p2, p0  }
0x20: {  	[sflag:s8] =	ssyncset.s32 @!p0 $0xFFFFF086;
	s6 =	sadd.s32 @!p0 s3, s7;
	s7 =	simm.s32 @!p0 $0x108  }
0x21: {  	s3 =	sadd.s32 s3, s9;
	s6 =	sadd.s32 @!p0 $0x88, s6;
	s7 =	simm.s32 @p2 $0x1082  }
0x22: {  	[simem:s7], [sflag:s8] =	dma.local @!p0 [hbm:s6], $0xF7A  }
0x23: {  	s9 =	sor.u32 $0xD0000000, s2;
	s6 =	simm.s32 $0x108;
	_ =	swait.ge @!p0 [sflag:s8], $0x0  }
0x24: {  	s3 =	sadd.s32 $0x88, s3;
	s6 =	simm.s32 @!p1 $0x1082;
	[sflag:s4] =	ssyncset.s32 $0xFFFFF086  }
0x25: {  	[simem:s6], [sflag:s4] =	dma.local [hbm:s3], $0xF7A  }
0x26: {  	[smem:$0x3F88] =	sst s1;
	(tag) =	ssettag s2;
	_ =	strace s9  }
0x27: {  	s1 =	sld [smem:$0x3F98]  }
0x28: {  	s2 =	sld [smem:$0x3F99]  }
0x29: {  	s4 =	sld [smem:$0x3F9B]  }
0x2a: {  	p0 =	seq.s32 s5, $0x0;
	s5 =	sld [smem:$0x3F9C]  }
0x2b: {  	s6 =	sld [smem:$0x3F9D]  }
0x2c: {  	s7 =	sld [smem:$0x3F9E]  }
0x2d: {  	s3 =	simm.s32 $0x108;
	s8 =	sld [smem:$0x3F9F]  }
0x2e: {  	s3 =	simm.s32 @!p0 $0x1082;
	s9 =	sld [smem:$0x3FA0]  }
0x2f: {  	lr =	sadd.s32 s0, s3;
	s0 =	sld [smem:$0x3F97]  }
0x30: {  	s3 =	sld [smem:$0x3F9A]  }
0x31: {  	[smem:$0x3FA3] =	sst s10  }
0x32: {  	s10 =	sld [smem:$0x3FA1];
	_ =	sdelay $0x3  }
0x33: {  	p0 =	seq.s32 s10, $0x1;
	s10 =	sld [smem:$0x3FA3];
	_ =	sdelay $0x3  }
0x34: {  	[smem:$0x3FA3] =	sst s10  }
0x35: {  	s10 =	sld [smem:$0x3FA2];
	_ =	sdelay $0x3  }
0x36: {  	p1 =	seq.s32 s10, $0x1;
	s10 =	sld [smem:$0x3FA3];
	_ =	sdelay $0x3  }
0x37: {  	[smem:$0x3FA3] =	sst s10  }
0x38: {  	s10 =	sld [smem:$0x3FA4]  }
0x39: {  	_ = 	snop;
	(pc) =	sbr.ind lr, $3  }
0x3a: {  	_ = 	snop  }
0x3b: {  	_ = 	snop  }
0x3c: {  	p2 =	seq.s32 s10, $0x1;
	s10 =	sld [smem:$0x3FA3]  }
0x3d: {  	_ =	shalt  }
0x3e: {  	_ =	shalt  }
0x3f: {  	_ =	shalt  }
0x40: {  	_ =	shalt  }
0x41: {  	_ =	shalt  }
0x42: {  	_ =	shalt  }
0x43: {  	_ =	shalt  }
0x44: {  	_ =	shalt  }
0x45: {  	_ =	shalt  }
0x46: {  	_ =	shalt  }
0x47: {  	_ =	shalt  }
0x48: {  	_ =	shalt  }
0x49: {  	_ =	shalt  }
0x4a: {  	_ =	shalt  }
0x4b: {  	_ =	shalt  }
0x4c: {  	_ =	shalt  }
0x4d: {  	_ =	shalt  }
0x4e: {  	_ =	shalt  }
0x4f: {  	_ =	shalt  }
0x50: {  	_ =	shalt  }
0x51: {  	_ =	shalt  }
0x52: {  	_ =	shalt  }
0x53: {  	_ =	shalt  }
0x54: {  	_ =	shalt  }
0x55: {  	_ =	shalt  }
0x56: {  	_ =	shalt  }
0x57: {  	_ =	shalt  }
0x58: {  	_ =	shalt  }
0x59: {  	_ =	shalt  }
0x5a: {  	_ =	shalt  }
0x5b: {  	_ =	shalt  }
0x5c: {  	_ =	shalt  }
0x5d: {  	_ =	shalt  }
0x5e: {  	_ =	shalt  }
0x5f: {  	_ =	shalt  }
0x60: {  	_ =	shalt  }
0x61: {  	_ =	shalt  }
0x62: {  	_ =	shalt  }
0x63: {  	_ =	shalt  }
0x64: {  	_ =	shalt  }
0x65: {  	_ =	shalt  }
0x66: {  	_ =	shalt  }
0x67: {  	_ =	shalt  }
0x68: {  	_ =	shalt  }
0x69: {  	_ =	shalt  }
0x6a: {  	_ =	shalt  }
0x6b: {  	_ =	shalt  }
0x6c: {  	_ =	shalt  }
0x6d: {  	_ =	shalt  }
0x6e: {  	_ =	shalt  }
0x6f: {  	_ =	shalt  }
0x70: {  	_ =	shalt  }
0x71: {  	_ =	shalt  }
0x72: {  	_ =	shalt  }
0x73: {  	_ =	shalt  }
0x74: {  	_ =	shalt  }
0x75: {  	_ =	shalt  }
0x76: {  	_ =	shalt  }
0x77: {  	_ =	shalt  }
0x78: {  	_ =	shalt  }
0x79: {  	_ =	shalt  }
0x7a: {  	_ =	shalt  }
0x7b: {  	_ =	shalt  }
0x7c: {  	_ =	shalt  }
0x7d: {  	_ =	shalt  }
0x7e: {  	_ =	shalt  }
0x7f: {  	_ =	shalt  }
0x80: {  	_ =	shalt  }
0x81: {  	_ =	shalt  }
0x82: {  	_ =	shalt  }
0x83: {  	_ =	shalt  }
0x84: {  	_ =	shalt  }
0x85: {  	_ =	shalt  }
0x86: {  	_ =	shalt  }
0x87: {  	_ =	shalt  }
.Lfunc_end0:
.L_simem_size_0:
called_computation.6_lowered:
.L_overlay_start_0:
0x88: {  	s2 =	sld [smem:$0x3FD9]  }
0x89: {  	s3 =	sld [smem:$0x3FFE];
	_ =	sdelay $0x1  }
0x8a: {  	s1 =	srdreg.scid  }
0x8b: {  	s0 =	sand.u32 $0x1, s1  }
0x8c: {  	s17 =	sshll.u32 s0, $0xA;
	s2 =	sadd.s32 s3, s2  }
0x8d: {  	s2 =	sadd.s32 s2, s17  }
0x8e: {  	[smem:$0x3FAF] =	sst s2  }
0x8f: {  	_ = 	snop  }
0x90: {  	s2 =	sld [smem:$0x3FD0];
	(tm) =	ssettm $0x1  }
0x91: {  	s18 =	sld [smem:$0x3FFB];
	_ =	sdelay $0x3  }
0x92: {  	_ =	strace s18  }
0x93: {  	s3 =	sld [smem:$0x3FFC];
	_ =	sdelay $0x3  }
0x94: {  	_ =	strace s3  }
0x95: {  	s3 =	sld [smem:$0x3FFD];
	_ =	sdelay $0x3  }
0x96: {  	_ =	strace s3  }
0x97: {  	_ =	strace $0x8FFFFFFF  }
0x98: {  	s19 =	sld [smem:$0x3FDB];
	_ =	sdelay $0x1  }
0x99: {  	s4 =	simm.s32 $_scs_section_size  }
0x9a: {  	s5 =	simm.s32 $_size__tile_overlayer_lowered;
	s6 =	simm.s32 $_tile_overlayer_lowered  }
0x9b: {  	s22 =	simm.s32 $0x1BFF;
	s21 =	sshll.u32 s6, $0x1;
	s3 =	sadd.s32 s4, s19  }
0x9c: {  	s7 =	simm.s32 $0x0;
	s20 =	sshll.u32 s5, $0x1;
	s5 =	sadd.s32 s21, s3  }
0x9d: {  	[timem:s7], [sflag:s22] =	dma.local [hbm:s5], s20  }
0x9e: {  	_ =	swait.ge [sflag:s22], s20  }
0x9f: {  	s4 =	ssub.s32 $0x0, s20;
	[sflag:s22] =	ssyncset.done $0x0  }
0xa0: {  	[sflag:s22] =	ssyncadd.s32 s4;
	_ =	sdelay $0x1  }
0xa1: {  	s23 =	simm.s32 $0x1B8B  }
0xa2: {  	_ =	swait.ge [sflag:s23], $0x1  }
0xa3: {  	[sflag:s23] =	ssyncset.done $0x0  }
0xa4: {  	s25 =	simm.s32 $0x1B8E;
	s24 =	sld [smem:$0x3FFE];
	[sflag:s23] =	ssyncadd.s32 $0xFFFFFFFF  }
0xa5: {  	s26 =	simm.s32 $execute0_lowered;
	[smem:$0x3FD2] =	sst s25  }
0xa6: {  	s5 =	sshll.u32 s26, $0x1;
	_ =	strace $0x80000058;
	[dreg:$0x1] =	wrdreg $0xFFFFFFFF  }
0xa7: {  	s28 =	simm.s32 $_size_execute0_lowered;
	s3 =	sadd.s32 s3, s5;
	[dreg:$0x0] =	wrdreg $0x0  }
0xa8: {  	s5 =	sshll.u32 s28, $0x1;
	[dreg:$0x2] =	wrdreg s3  }
0xa9: {  	[dreg:$0x3] =	wrdreg s5  }
0xaa: {  	[dreg:$0x4] =	wrdreg $0xC0  }
0xab: {  	_ =	task [dreg:s7], $0x5FFFF  }
0xac: {  	[dreg:$0x1] =	wrdreg $0xFFFFFFFF  }
0xad: {  	[dreg:$0x0] =	wrdreg $0x60  }
0xae: {  	[dreg:$0x2] =	wrdreg s24  }
0xaf: {  	[dreg:$0x3] =	wrdreg s2  }
0xb0: {  	[dreg:$0x4] =	wrdreg $0x9  }
0xb1: {  	_ =	task.clear_ibuf [dreg:s7], $0x5FFFF;
	_ =	strace $0x90000058  }
0xb2: {  	s29 =	simm.s32 $0x9;
	_ =	strace $0x8000005A  }
0xb3: {  	_ =	swait.ge [sflag:s29], $0x1  }
0xb4: {  	[sflag:s29] =	ssyncadd.s32 $0xFFFFFFFF  }
0xb5: {  	_ =	strace $0x9000005A  }
0xb6: {  	_ =	sfence  }
0xb7: {  	s30 =	sld [smem:$0x0];
	_ =	sdelay $0x2  }
0xb8: {  	s31 =	sshll.u32 s1, $0xD;
	s1 =	sshrl.u32 s1, $0x2  }
0xb9: {  	s3 =	sand.u32 $0x4000, s31;
	s1 =	sadd.s32 s1, s30  }
0xba: {  	s0 =	sor.u32 s3, s0;
	s1 =	sshll.u32 s1, $0x11  }
0xbb: {  	s0 =	sor.u32 s1, s0  }
0xbc: {  	s0 =	sadd.s32 $0x8F2B, s0  }
0xbd: {  	[sflag:s0] =	ssyncadd.remote.s32 $0x1  }
0xbe: {  	_ =	sfence.sel $0xFFFF  }
0xbf: {  	[dreg:$0x0] =	wrdreg $0xFFFFFFFF;
	(pc) =	sbr.abs _section_cstart, $3  }
0xc0: {  	[dreg:$0x1] =	wrdreg $0xFFFFFFFF  }
0xc1: {  	_ =	task.clear_ibuf [dreg:s7], $0x2FFFF;
	_ =	strace $0x9FFFFFFF  }
0xc2: {  	(tm) =	ssettm $0x7FFFFFFF  }
0xc3: {  	_ =	shalt  }
tec
execute0_lowered:
.L_overlay_start_1:
0x0: {  	(tag) =	ssettag $0x1  }
0x1: {  	s6 =	rddreg [dreg:$0x0]  }
0x2: {  	s10 =	rddreg [dreg:$0x1]  }
0x3: {  	s0 =	rddreg [dreg:$0x2];
	s1 =	simm.s32 $0x0  }
0x4: {  	s2 =	srdreg.scid;
	s14 =	simm.s32 $0xC8;
	s15 =	simm.s32 $0x200  }
0x5: {  	s16 =	simm.s32 $0x6600;
	s17 =	simm.s32 $0xCA00;
	s18 =	simm.s32 $0x1  }
0x6: {  	s19 =	simm.s32 $0x2;
	s20 =	simm.s32 $0x3;
	s7 =	sand.u32 $0x1, s2  }
0x7: {  	s21 =	simm.s32 $0x0;
	s2 =	stileid.u32;
	s8 =	smul.u32 $0x13880, s7  }
0x8: {  	[smem:$0x7FF] =	sst s1;
	s3 =	sadd.s32 $0x48400, s6;
	s9 =	smul.u32 $0x1388, s2  }
0x9: {  	s4 =	sadd.s32 $0x70400, s6;
	s5 =	sadd.s32 $0x99000, s6;
	s11 =	smul.u32 $0x138800, s7  }
0xa: {  	_ =	strace $0x80000059;
	s7 =	ssub.s32 $0x2, s7;
	s12 =	smul.u32 $0x13880, s2  }
0xb: {  	s28 =	sshrl.u32 s7, $0x1;
	s8 =	sadd.s32 s9, s8;
	s29 =	sadd.s32 s11, s6  }
0xc: {  	s7 =	ssub.s32 s7, s28;
	s13 =	sshrl.u32 s8, $0x3;
	s31 =	sadd.s32 s12, s29  }
0xd: {  	s12 =	simm.s32 $0x4;
	s30 =	sadd.s32 s13, s6;
	s6 =	smax.u32 s7, $0x1  }
0xe: {  	s7 =	sadd.s32 $0x35A000, s31;
	s8 =	sadd.s32 $0xAAB400, s31;
	s9 =	sadd.s32 $0xE9000, s31  }
0xf: {  	s10 =	sadd.s32 s13, s10;
	s13 =	simm.s32 $0x100;
	s11 =	sadd.s32 $0x11400, s30  }
.LBB2_1:
0x10: {  	[tilespmem:s1], [sflag:$0x4] =	stream.linear.gather [hbm4b:s11+s1], $0xC8, $0x38;
	[tilespmem:$0x12E00] =	vst v63  }
0x11: {  	_ =	swait.ge [sflag:s12], $0xC8  }
0x12: {  	[sflag:s12] =	ssyncset.done $0x0  }
0x13: {  	[sflag:s12] =	ssyncadd.s32 $0xFFFFFF38  }
0x14: {  	[tilespmem:s13], [sflag:$0x4] =	stream.linear.gather [hbm4b:s10+s1], $0xC8, $0x38;
	[tilespmem:$0x12E00] =	vst v63  }
0x15: {  	_ =	swait.ge [sflag:s12], $0xC8  }
0x16: {  	[sflag:s12] =	ssyncset.done $0x0  }
0x17: {  	[sflag:s12] =	ssyncadd.s32 $0xFFFFFF38  }
0x18: {  	[tilespmem:s15], [sflag:$0x1] =	stream.indirect.gather [hbm4b:s4+s14], $0x80, s1, s14, $0xb8;
	[tilespmem:$0x12E00] =	vst v63  }
0x19: {  	_ = 	snop  }
0x1a: {  	[tilespmem:s16], [sflag:$0x2] =	stream.indirect.gather [hbm4b:s5+s14], $0x80, s1, s14, $0xb8;
	[tilespmem:$0x12E00] =	vst v63  }
0x1b: {  	_ = 	snop  }
0x1c: {  	[tilespmem:s17], [sflag:$0x3] =	stream.indirect.gather [hbm4b:s3+s14], $0x80, s13, s14, $0xb8;
	[tilespmem:$0x12E00] =	vst v63  }
0x1d: {  	_ =	swait.ge [sflag:s18], $0x6400  }
0x1e: {  	[sflag:s18] =	ssyncset.done $0x0  }
0x1f: {  	s22 =	sadd.s32 $0x0, s7;
	[sflag:s18] =	ssyncadd.s32 $0xFFFF9C00  }
0x20: {  	[hbm4b:s22+s1] =	stream.linear.scatter [tilespmem:s15], [sflag:$0x4], $0x6400, $0x38;
	[tilespmem:$0x12E00] =	vst v63  }
0x21: {  	_ =	swait.ge [sflag:s12], $0x6400  }
0x22: {  	[sflag:s12] =	ssyncset.done $0x0  }
0x23: {  	[sflag:s12] =	ssyncadd.s32 $0xFFFF9C00  }
0x24: {  	_ =	swait.ge [sflag:s19], $0x6400  }
0x25: {  	[sflag:s19] =	ssyncset.done $0x0  }
0x26: {  	s30 =	sadd.s32 $0x0, s8;
	[sflag:s19] =	ssyncadd.s32 $0xFFFF9C00  }
0x27: {  	[hbm4b:s30+s1] =	stream.linear.scatter [tilespmem:s16], [sflag:$0x4], $0x6400, $0x38;
	[tilespmem:$0x12E00] =	vst v63  }
0x28: {  	_ =	swait.ge [sflag:s12], $0x6400  }
0x29: {  	[sflag:s12] =	ssyncset.done $0x0  }
0x2a: {  	[sflag:s12] =	ssyncadd.s32 $0xFFFF9C00  }
0x2b: {  	_ =	swait.ge [sflag:s20], $0x6400  }
0x2c: {  	[sflag:s20] =	ssyncset.done $0x0  }
0x2d: {  	s31 =	sadd.s32 $0x0, s9;
	[sflag:s20] =	ssyncadd.s32 $0xFFFF9C00  }
0x2e: {  	[hbm4b:s31+s1] =	stream.linear.scatter [tilespmem:s17], [sflag:$0x4], $0x6400, $0x38;
	[tilespmem:$0x12E00] =	vst v63  }
0x2f: {  	s23 =	smov.u32 s10;
	_ =	swait.ge [sflag:s12], $0x6400  }
0x30: {  	s24 =	smov.u32 s11;
	s22 =	simm.s32 $0xC80;
	[sflag:s12] =	ssyncset.done $0x0  }
.LBB2_2:
0x31: {  	[sflag:s12] =	ssyncadd.s32 $0xFFFF9C00  }
0x32: {  	s23 =	sadd.s32 $0x19, s23;
	s24 =	sadd.s32 $0x19, s24;
	s25 =	smov.u32 s22  }
0x33: {  	[tilespmem:s1], [sflag:$0x4] =	stream.linear.gather [hbm4b:s24+s1], $0xC8, $0x38;
	[tilespmem:$0x12E00] =	vst v63  }
0x34: {  	p0 =	sne.s32 s22, $0x12C00;
	s22 =	sadd.s32 $0xC80, s22;
	_ =	swait.ge [sflag:s12], $0xC8  }
0x35: {  	[sflag:s12] =	ssyncset.done $0x0  }
0x36: {  	[sflag:s12] =	ssyncadd.s32 $0xFFFFFF38  }
0x37: {  	[tilespmem:s13], [sflag:$0x4] =	stream.linear.gather [hbm4b:s23+s1], $0xC8, $0x38;
	[tilespmem:$0x12E00] =	vst v63  }
0x38: {  	_ =	swait.ge [sflag:s12], $0xC8  }
0x39: {  	[sflag:s12] =	ssyncset.done $0x0  }
0x3a: {  	[sflag:s12] =	ssyncadd.s32 $0xFFFFFF38  }
0x3b: {  	[tilespmem:s15], [sflag:$0x1] =	stream.indirect.gather [hbm4b:s4+s14], $0x80, s1, s14, $0xb8;
	[tilespmem:$0x12E00] =	vst v63  }
0x3c: {  	_ = 	snop  }
0x3d: {  	[tilespmem:s16], [sflag:$0x2] =	stream.indirect.gather [hbm4b:s5+s14], $0x80, s1, s14, $0xb8;
	[tilespmem:$0x12E00] =	vst v63  }
0x3e: {  	_ = 	snop  }
0x3f: {  	[tilespmem:s17], [sflag:$0x3] =	stream.indirect.gather [hbm4b:s3+s14], $0x80, s13, s14, $0xb8;
	[tilespmem:$0x12E00] =	vst v63  }
0x40: {  	_ =	swait.ge [sflag:s18], $0x6400  }
0x41: {  	[sflag:s18] =	ssyncset.done $0x0  }
0x42: {  	s26 =	sadd.s32 s25, s7;
	[sflag:s18] =	ssyncadd.s32 $0xFFFF9C00  }
0x43: {  	[hbm4b:s26+s1] =	stream.linear.scatter [tilespmem:s15], [sflag:$0x4], $0x6400, $0x38;
	[tilespmem:$0x12E00] =	vst v63  }
0x44: {  	_ =	swait.ge [sflag:s12], $0x6400  }
0x45: {  	[sflag:s12] =	ssyncset.done $0x0  }
0x46: {  	[sflag:s12] =	ssyncadd.s32 $0xFFFF9C00  }
0x47: {  	_ =	swait.ge [sflag:s19], $0x6400  }
0x48: {  	[sflag:s19] =	ssyncset.done $0x0  }
0x49: {  	s26 =	sadd.s32 s25, s8;
	[sflag:s19] =	ssyncadd.s32 $0xFFFF9C00  }
0x4a: {  	[hbm4b:s26+s1] =	stream.linear.scatter [tilespmem:s16], [sflag:$0x4], $0x6400, $0x38;
	[tilespmem:$0x12E00] =	vst v63  }
0x4b: {  	_ =	swait.ge [sflag:s12], $0x6400  }
0x4c: {  	[sflag:s12] =	ssyncset.done $0x0  }
0x4d: {  	[sflag:s12] =	ssyncadd.s32 $0xFFFF9C00  }
0x4e: {  	_ =	swait.ge [sflag:s20], $0x6400  }
.Ltmp0:
0x4f: {  	[sflag:s20] =	ssyncset.done $0x0;
	(pc) =	sbr.rel @p0 .LBB2_2-.Ltmp0, $4  }
0x50: {  	s25 =	sadd.s32 s25, s9;
	[sflag:s20] =	ssyncadd.s32 $0xFFFF9C00  }
0x51: {  	[hbm4b:s25+s1] =	stream.linear.scatter [tilespmem:s17], [sflag:$0x4], $0x6400, $0x38;
	[tilespmem:$0x12E00] =	vst v63  }
0x52: {  	_ =	swait.ge [sflag:s12], $0x6400  }
0x53: {  	[sflag:s12] =	ssyncset.done $0x0  }
0x54: {  	s21 =	sadd.s32 $0x1, s21  }
0x55: {  	p0 =	sne.s32 s21, s6  }
.Ltmp1:
0x56: {  	_ = 	snop;
	(pc) =	sbr.rel @p0 .LBB2_1-.Ltmp1, $2  }
0x57: {  	_ =	sdelay $0x2  }
0x58: {  	[sflag:s12] =	ssyncadd.s32 $0xFFFF9C00  }
0x59: {  	_ =	sfence.sel $0x180000  }
0x5a: {  	[bflag:$0x0] =	sbarrier.arrive $0xFFFF  }
0x5b: {  	p0 =	sne.s32 s2, $0x0;
	_ =	strace $0x90000059  }
0x5c: {  	s0 =	sadd.s32 @!p0 $0x100000, s0;
	[bflag:$0x2] =	sbarrier.arrive $0xFFFF  }
0x5d: {  	[sflag:s0] =	ssyncadd.tile.s32 @!p0 $0x1;
	_ =	shalt  }
.Lfunc_end2:
_tile_overlayer_lowered:
.L_overlay_start_2:
0x5e: {  	(tag) =	ssettag $0x2  }
0x5f: {  	s0 =	rddreg [dreg:$0x0];
	s2 =	stileid.u32  }
0x60: {  	s1 =	rddreg [dreg:$0x1];
	p0 =	sne.s32 s2, $0x0  }
0x61: {  	s3 =	rddreg [dreg:$0x2];
	[bflag:$0x3] =	sbarrier.arrive $0xFFFF;
	s2 =	simm.s32 @!p0 $0x1C04  }
0x62: {  	[timem:s3], [sflag:s2] =	dma.local @!p0 [hbm:s0], s1  }
0x63: {  	s0 =	simm.s32 @!p0 $0x4  }
0x64: {  	_ =	swait.ge @!p0 [sflag:s0], s1  }
0x65: {  	s1 =	ssub.s32 @!p0 $0x0, s1;
	[sflag:s0] =	ssyncset.done @!p0 $0x0  }
0x66: {  	[sflag:s0] =	ssyncadd.s32 @!p0 s1  }
0x67: {  	[bflag:$0x3] =	sbarrier.arrive $0xFFFF  }
0x68: {  	_ =	shalt  }

// kernel: kernel.46.cloned.1.call-start
scs
__scs_entry_jumppad:
0x0: {  	(pc) =	sbr.rel $0x88, $3  }
0x1: {  	(tag) =	ssettag $0x0;
	lr =	simm.s32 $0x1  }
0x2: {  	[smem:$0x3F88] =	sst lr;
	_ =	strace $0xD0000000  }
0x3: {  	_ = 	snop  }
0x4: {  	_ = 	snop  }
0x5: {  	_ = 	snop  }
0x6: {  	_ = 	snop  }
0x7: {  	_ = 	snop  }
__scs_overlays_trampoline_lowered:
0x8: {  	[smem:$0x3F97] =	sst s0  }
0x9: {  	[smem:$0x3F98] =	sst s1  }
0xa: {  	[smem:$0x3F99] =	sst s2  }
0xb: {  	[smem:$0x3F9A] =	sst s3  }
0xc: {  	[smem:$0x3F9B] =	sst s4  }
0xd: {  	[smem:$0x3F9C] =	sst s5  }
0xe: {  	[smem:$0x3F9D] =	sst s6  }
0xf: {  	[smem:$0x3F9E] =	sst s7  }
0x10: {  	[smem:$0x3F9F] =	sst s8  }
0x11: {  	[smem:$0x3FA0] =	sst s9;
	s0 =	simm.s32 @!p0 $0x0  }
0x12: {  	s1 =	sld [smem:$0x3F86];
	s0 =	simm.s32 @p0 $0x1  }
0x13: {  	[smem:$0x3FA1] =	sst s0;
	s0 =	simm.s32 @!p1 $0x0  }
0x14: {  	s2 =	sld [smem:$0x3F85];
	s0 =	simm.s32 @p1 $0x1  }
0x15: {  	[smem:$0x3FA2] =	sst s0;
	s0 =	simm.s32 @!p2 $0x0  }
0x16: {  	s3 =	sld [smem:$0x3FDB];
	s0 =	simm.s32 @p2 $0x1  }
0x17: {  	s4 =	simm.s32 $0x1BF5;
	[smem:$0x3FA4] =	sst s0  }
0x18: {  	s0 =	sld [smem:$0x3F87];
	_ =	swait.ge [sflag:s4], $0x0  }
0x19: {  	s7 =	sld [smem:$0x3F88]  }
0x1a: {  	s8 =	sadd.s32 $0xFFFFE003, lr  }
0x1b: {  	s9 =	sadd.s32 $0xFFFFFEF7, lr;
	s5 =	simm.s32 $0xFFFFFFFF;
	p2 =	slt.u32 s8, $0xFFFFF086  }
0x1c: {  	p1 =	slt.u32 s9, $0xF7A;
	s5 =	simm.s32 @!p2 $0x0  }
0x1d: {  	s5 =	simm.s32 @p1 $0x1;
	p0 =	seq.s32 s7, s2  }
0x1e: {  	s7 =	smul.u32 @!p0 $0xF7A, s2;
	p2 =	seq.s32 @!p0 s5, $0x0  }
0x1f: {  	s9 =	smul.u32 $0xF7A, s1;
	s8 =	simm.s32 @!p0 $0x1BF5;
	p2 =	por !p2, p0  }
0x20: {  	[sflag:s8] =	ssyncset.s32 @!p0 $0xFFFFF086;
	s6 =	sadd.s32 @!p0 s3, s7;
	s7 =	simm.s32 @!p0 $0x108  }
0x21: {  	s3 =	sadd.s32 s3, s9;
	s6 =	sadd.s32 @!p0 $0x88, s6;
	s7 =	simm.s32 @p2 $0x1082  }
0x22: {  	[simem:s7], [sflag:s8] =	dma.local @!p0 [hbm:s6], $0xF7A  }
0x23: {  	s9 =	sor.u32 $0xD0000000, s2;
	s6 =	simm.s32 $0x108;
	_ =	swait.ge @!p0 [sflag:s8], $0x0  }
0x24: {  	s3 =	sadd.s32 $0x88, s3;
	s6 =	simm.s32 @!p1 $0x1082;
	[sflag:s4] =	ssyncset.s32 $0xFFFFF086  }
0x25: {  	[simem:s6], [sflag:s4] =	dma.local [hbm:s3], $0xF7A  }
0x26: {  	[smem:$0x3F88] =	sst s1;
	(tag) =	ssettag s2;
	_ =	strace s9  }
0x27: {  	s1 =	sld [smem:$0x3F98]  }
0x28: {  	s2 =	sld [smem:$0x3F99]  }
0x29: {  	s4 =	sld [smem:$0x3F9B]  }
0x2a: {  	p0 =	seq.s32 s5, $0x0;
	s5 =	sld [smem:$0x3F9C]  }
0x2b: {  	s6 =	sld [smem:$0x3F9D]  }
0x2c: {  	s7 =	sld [smem:$0x3F9E]  }
0x2d: {  	s3 =	simm.s32 $0x108;
	s8 =	sld [smem:$0x3F9F]  }
0x2e: {  	s3 =	simm.s32 @!p0 $0x1082;
	s9 =	sld [smem:$0x3FA0]  }
0x2f: {  	lr =	sadd.s32 s0, s3;
	s0 =	sld [smem:$0x3F97]  }
0x30: {  	s3 =	sld [smem:$0x3F9A]  }
0x31: {  	[smem:$0x3FA3] =	sst s10  }
0x32: {  	s10 =	sld [smem:$0x3FA1];
	_ =	sdelay $0x3  }
0x33: {  	p0 =	seq.s32 s10, $0x1;
	s10 =	sld [smem:$0x3FA3];
	_ =	sdelay $0x3  }
0x34: {  	[smem:$0x3FA3] =	sst s10  }
0x35: {  	s10 =	sld [smem:$0x3FA2];
	_ =	sdelay $0x3  }
0x36: {  	p1 =	seq.s32 s10, $0x1;
	s10 =	sld [smem:$0x3FA3];
	_ =	sdelay $0x3  }
0x37: {  	[smem:$0x3FA3] =	sst s10  }
0x38: {  	s10 =	sld [smem:$0x3FA4]  }
0x39: {  	_ = 	snop;
	(pc) =	sbr.ind lr, $3  }
0x3a: {  	_ = 	snop  }
0x3b: {  	_ = 	snop  }
0x3c: {  	p2 =	seq.s32 s10, $0x1;
	s10 =	sld [smem:$0x3FA3]  }
0x3d: {  	_ =	shalt  }
0x3e: {  	_ =	shalt  }
0x3f: {  	_ =	shalt  }
0x40: {  	_ =	shalt  }
0x41: {  	_ =	shalt  }
0x42: {  	_ =	shalt  }
0x43: {  	_ =	shalt  }
0x44: {  	_ =	shalt  }
0x45: {  	_ =	shalt  }
0x46: {  	_ =	shalt  }
0x47: {  	_ =	shalt  }
0x48: {  	_ =	shalt  }
0x49: {  	_ =	shalt  }
0x4a: {  	_ =	shalt  }
0x4b: {  	_ =	shalt  }
0x4c: {  	_ =	shalt  }
0x4d: {  	_ =	shalt  }
0x4e: {  	_ =	shalt  }
0x4f: {  	_ =	shalt  }
0x50: {  	_ =	shalt  }
0x51: {  	_ =	shalt  }
0x52: {  	_ =	shalt  }
0x53: {  	_ =	shalt  }
0x54: {  	_ =	shalt  }
0x55: {  	_ =	shalt  }
0x56: {  	_ =	shalt  }
0x57: {  	_ =	shalt  }
0x58: {  	_ =	shalt  }
0x59: {  	_ =	shalt  }
0x5a: {  	_ =	shalt  }
0x5b: {  	_ =	shalt  }
0x5c: {  	_ =	shalt  }
0x5d: {  	_ =	shalt  }
0x5e: {  	_ =	shalt  }
0x5f: {  	_ =	shalt  }
0x60: {  	_ =	shalt  }
0x61: {  	_ =	shalt  }
0x62: {  	_ =	shalt  }
0x63: {  	_ =	shalt  }
0x64: {  	_ =	shalt  }
0x65: {  	_ =	shalt  }
0x66: {  	_ =	shalt  }
0x67: {  	_ =	shalt  }
0x68: {  	_ =	shalt  }
0x69: {  	_ =	shalt  }
0x6a: {  	_ =	shalt  }
0x6b: {  	_ =	shalt  }
0x6c: {  	_ =	shalt  }
0x6d: {  	_ =	shalt  }
0x6e: {  	_ =	shalt  }
0x6f: {  	_ =	shalt  }
0x70: {  	_ =	shalt  }
0x71: {  	_ =	shalt  }
0x72: {  	_ =	shalt  }
0x73: {  	_ =	shalt  }
0x74: {  	_ =	shalt  }
0x75: {  	_ =	shalt  }
0x76: {  	_ =	shalt  }
0x77: {  	_ =	shalt  }
0x78: {  	_ =	shalt  }
0x79: {  	_ =	shalt  }
0x7a: {  	_ =	shalt  }
0x7b: {  	_ =	shalt  }
0x7c: {  	_ =	shalt  }
0x7d: {  	_ =	shalt  }
0x7e: {  	_ =	shalt  }
0x7f: {  	_ =	shalt  }
0x80: {  	_ =	shalt  }
0x81: {  	_ =	shalt  }
0x82: {  	_ =	shalt  }
0x83: {  	_ =	shalt  }
0x84: {  	_ =	shalt  }
0x85: {  	_ =	shalt  }
0x86: {  	_ =	shalt  }
0x87: {  	_ =	shalt  }
.Lfunc_end0:
.L_simem_size_0:
called_computation.7_lowered:
.L_overlay_start_0:
0x88: {  	s2 =	sld [smem:$0x3FD9]  }
0x89: {  	s3 =	sld [smem:$0x3FFE];
	_ =	sdelay $0x1  }
0x8a: {  	s1 =	srdreg.scid  }
0x8b: {  	s0 =	sand.u32 $0x1, s1  }
0x8c: {  	s17 =	sshll.u32 s0, $0xA;
	s2 =	sadd.s32 s3, s2  }
0x8d: {  	s2 =	sadd.s32 s2, s17  }
0x8e: {  	[smem:$0x3FAF] =	sst s2  }
0x8f: {  	_ = 	snop  }
0x90: {  	s2 =	sld [smem:$0x3FD0];
	(tm) =	ssettm $0x1  }
0x91: {  	s18 =	sld [smem:$0x3FFB];
	_ =	sdelay $0x3  }
0x92: {  	_ =	strace s18  }
0x93: {  	s3 =	sld [smem:$0x3FFC];
	_ =	sdelay $0x3  }
0x94: {  	_ =	strace s3  }
0x95: {  	s3 =	sld [smem:$0x3FFD];
	_ =	sdelay $0x3  }
0x96: {  	_ =	strace s3  }
0x97: {  	_ =	strace $0x8FFFFFFF  }
0x98: {  	s19 =	sld [smem:$0x3FDB];
	_ =	sdelay $0x1  }
0x99: {  	s4 =	simm.s32 $_scs_section_size  }
0x9a: {  	s5 =	simm.s32 $_size__tile_overlayer_lowered;
	s6 =	simm.s32 $_tile_overlayer_lowered  }
0x9b: {  	s22 =	simm.s32 $0x1BFF;
	s21 =	sshll.u32 s6, $0x1;
	s3 =	sadd.s32 s4, s19  }
0x9c: {  	s7 =	simm.s32 $0x0;
	s20 =	sshll.u32 s5, $0x1;
	s5 =	sadd.s32 s21, s3  }
0x9d: {  	[timem:s7], [sflag:s22] =	dma.local [hbm:s5], s20  }
0x9e: {  	_ =	swait.ge [sflag:s22], s20  }
0x9f: {  	s4 =	ssub.s32 $0x0, s20;
	[sflag:s22] =	ssyncset.done $0x0  }
0xa0: {  	[sflag:s22] =	ssyncadd.s32 s4;
	_ =	sdelay $0x1  }
0xa1: {  	s23 =	simm.s32 $0x1B8B  }
0xa2: {  	_ =	swait.ge [sflag:s23], $0x1  }
0xa3: {  	[sflag:s23] =	ssyncset.done $0x0  }
0xa4: {  	s25 =	simm.s32 $0x1B8E;
	s24 =	sld [smem:$0x3FFE];
	[sflag:s23] =	ssyncadd.s32 $0xFFFFFFFF  }
0xa5: {  	s26 =	simm.s32 $execute0_lowered;
	[smem:$0x3FD2] =	sst s25  }
0xa6: {  	s5 =	sshll.u32 s26, $0x1;
	_ =	strace $0x8000005B;
	[dreg:$0x1] =	wrdreg $0xFFFFFFFF  }
0xa7: {  	s28 =	simm.s32 $_size_execute0_lowered;
	s3 =	sadd.s32 s3, s5;
	[dreg:$0x0] =	wrdreg $0x0  }
0xa8: {  	s5 =	sshll.u32 s28, $0x1;
	[dreg:$0x2] =	wrdreg s3  }
0xa9: {  	[dreg:$0x3] =	wrdreg s5  }
0xaa: {  	[dreg:$0x4] =	wrdreg $0xC0  }
0xab: {  	_ =	task [dreg:s7], $0x5FFFF  }
0xac: {  	[dreg:$0x1] =	wrdreg $0xFFFFFFFF  }
0xad: {  	[dreg:$0x0] =	wrdreg $0x60  }
0xae: {  	[dreg:$0x2] =	wrdreg s24  }
0xaf: {  	[dreg:$0x3] =	wrdreg s2  }
0xb0: {  	[dreg:$0x4] =	wrdreg $0x65000  }
0xb1: {  	[dreg:$0x5] =	wrdreg $0x9  }
0xb2: {  	_ =	task.clear_ibuf [dreg:s7], $0x6FFFF;
	_ =	strace $0x9000005B  }
0xb3: {  	s29 =	simm.s32 $0x9;
	_ =	strace $0x8000005D  }
0xb4: {  	_ =	swait.ge [sflag:s29], $0x1  }
0xb5: {  	[sflag:s29] =	ssyncadd.s32 $0xFFFFFFFF  }
0xb6: {  	_ =	strace $0x9000005D  }
0xb7: {  	_ =	sfence  }
0xb8: {  	s30 =	sld [smem:$0x0];
	_ =	sdelay $0x2  }
0xb9: {  	s31 =	sshll.u32 s1, $0xD;
	s1 =	sshrl.u32 s1, $0x2  }
0xba: {  	s3 =	sand.u32 $0x4000, s31;
	s1 =	sadd.s32 s1, s30  }
0xbb: {  	s0 =	sor.u32 s3, s0;
	s1 =	sshll.u32 s1, $0x11  }
0xbc: {  	s0 =	sor.u32 s1, s0  }
0xbd: {  	s0 =	sadd.s32 $0x8F2B, s0  }
0xbe: {  	[sflag:s0] =	ssyncadd.remote.s32 $0x1  }
0xbf: {  	_ =	sfence.sel $0xFFFF  }
0xc0: {  	[dreg:$0x0] =	wrdreg $0xFFFFFFFF;
	(pc) =	sbr.abs _section_cstart, $3  }
0xc1: {  	[dreg:$0x1] =	wrdreg $0xFFFFFFFF  }
0xc2: {  	_ =	task.clear_ibuf [dreg:s7], $0x2FFFF;
	_ =	strace $0x9FFFFFFF  }
0xc3: {  	(tm) =	ssettm $0x7FFFFFFF  }
tec
execute0_lowered:
.L_overlay_start_1:
0x0: {  	(tag) =	ssettag $0x1  }
0x1: {  	s5 =	rddreg [dreg:$0x0]  }
0x2: {  	s10 =	rddreg [dreg:$0x1];
	s2 =	stileid.u32  }
0x3: {  	s0 =	srdreg.scid;
	s8 =	smul.u32 $0x14000, s2  }
0x4: {  	s1 =	rddreg [dreg:$0x2];
	s11 =	smul.u32 $0x50000, s2  }
0x5: {  	s3 =	simm.s32 $0x0;
	s15 =	simm.s32 $0xC8;
	s29 =	smul.u32 $0x1388, s2  }
0x6: {  	s6 =	sand.u32 $0x1, s0;
	s0 =	rddreg [dreg:$0x3];
	s14 =	smul.u32 $0x13880, s2  }
0x7: {  	s16 =	simm.s32 $0x0;
	[smem:$0x7FF] =	sst s3;
	s4 =	smul.u32 $0x138800, s6  }
0x8: {  	s30 =	sshll.u32 s2, $0x6;
	s7 =	smul.u32 $0x140000, s6;
	s25 =	ssub.s32 $0x2, s6  }
0x9: {  	_ =	strace $0x8000005C;
	s12 =	smul.u32 $0x13880, s6;
	s26 =	sshrl.u32 s25, $0x1  }
0xa: {  	s28 =	sshrl.u32 s11, $0x2;
	s9 =	sadd.s32 s4, s5;
	s4 =	sadd.s32 $0x45C00, s5  }
0xb: {  	s7 =	sadd.s32 s8, s7;
	s8 =	ssub.s32 s25, s26;
	s13 =	sadd.s32 s28, s1  }
0xc: {  	s11 =	sadd.s32 s29, s12;
	s7 =	sshrl.u32 s7, $0x3;
	s31 =	sadd.s32 s14, s9  }
0xd: {  	s11 =	sshrl.u32 s11, $0x3;
	s8 =	smax.u32 s8, $0x1;
	s12 =	sshrl.u32 s13, $0x3  }
0xe: {  	s13 =	simm.s32 $0x1;
	s14 =	simm.s32 $0x100;
	s7 =	sadd.s32 s7, s5  }
0xf: {  	s5 =	sor.u32 $0x1C01, s30;
	s9 =	sadd.s32 $0xD1C400, s31;
	s10 =	sadd.s32 s11, s10  }
0x10: {  	s11 =	sadd.s32 $0xF8D400, s31;
	s6 =	sadd.s32 $0xE9000, s7;
	s7 =	sadd.s32 $0x48400, s7  }
.LBB2_1:
0x11: {  	[spmem:s12], [sflag:s5] =	dma.local [hbm:s4], $0x2800  }
0x12: {  	_ =	swait.ge [sflag:s13], $0x2800  }
0x13: {  	[sflag:s13] =	ssyncset.done $0x0  }
0x14: {  	[sflag:s13] =	ssyncadd.s32 $0xFFFFD800  }
0x15: {  	s17 =	sadd.s32 $0x0, s10;
	[bflag:$0x0] =	sbarrier.arrive $0xFFFF  }
0x16: {  	[tilespmem:s3], [sflag:$0x1] =	stream.linear.gather [hbm4b:s17+s3], $0xC8, $0x38;
	[tilespmem:$0x1A500] =	vst v63  }
0x17: {  	_ =	swait.ge [sflag:s13], $0xC8  }
0x18: {  	[sflag:s13] =	ssyncset.done $0x0  }
0x19: {  	[sflag:s13] =	ssyncadd.s32 $0xFFFFFF38  }
0x1a: {  	[tilespmem:s14], [sflag:$0x1] =	stream.linear.gather [hbm4b:s9+s3], $0x6400, $0x38;
	[tilespmem:$0x1A500] =	vst v63  }
0x1b: {  	_ =	swait.ge [sflag:s13], $0x6400  }
0x1c: {  	[sflag:s13] =	ssyncset.done $0x0  }
0x1d: {  	[sflag:s13] =	ssyncadd.s32 $0xFFFF9C00  }
0x1e: {  	[spmem:s1] =	stream.indirect.scatter.add.f32 [tilespmem:s14], [sflag:$0x1], $0x80, s3, s15, $0xb8;
	[tilespmem:$0x1A500] =	vst v63  }
0x1f: {  	s18 =	simm.s32 $0x19;
	_ =	swait.ge [sflag:s13], $0x6400  }
0x20: {  	s19 =	simm.s32 $0x32;
	s17 =	sadd.s32 $0xC80, s9;
	[sflag:s13] =	ssyncset.done $0x0  }
.LBB2_2:
0x21: {  	s20 =	sadd.s32 s18, s10  }
0x22: {  	[sflag:s13] =	ssyncadd.s32 $0xFFFF9C00;
	s18 =	smov.u32 s19;
	s21 =	sadd.s32 $0x19, s19  }
0x23: {  	[tilespmem:s3], [sflag:$0x1] =	stream.linear.gather [hbm4b:s20+s3], $0xC8, $0x38;
	[tilespmem:$0x1A500] =	vst v63  }
0x24: {  	p0 =	sne.s32 s19, $0x258;
	_ =	swait.ge [sflag:s13], $0xC8  }
0x25: {  	[sflag:s13] =	ssyncset.done $0x0  }
0x26: {  	[sflag:s13] =	ssyncadd.s32 $0xFFFFFF38  }
0x27: {  	[tilespmem:s14], [sflag:$0x1] =	stream.linear.gather [hbm4b:s17+s3], $0x6400, $0x38;
	[tilespmem:$0x1A500] =	vst v63  }
0x28: {  	_ =	swait.ge [sflag:s13], $0x6400  }
.Ltmp0:
0x29: {  	[sflag:s13] =	ssyncset.done $0x0;
	(pc) =	sbr.rel @p0 .LBB2_2-.Ltmp0, $4  }
0x2a: {  	[sflag:s13] =	ssyncadd.s32 $0xFFFF9C00  }
0x2b: {  	[spmem:s1] =	stream.indirect.scatter.add.f32 [tilespmem:s14], [sflag:$0x1], $0x80, s3, s15, $0xb8;
	[tilespmem:$0x1A500] =	vst v63  }
0x2c: {  	_ =	swait.ge [sflag:s13], $0x6400  }
0x2d: {  	s19 =	smov.u32 s21;
	s17 =	sadd.s32 $0xC80, s17;
	[sflag:s13] =	ssyncset.done $0x0  }
0x2e: {  	s18 =	sadd.s32 s18, s10;
	[sflag:s13] =	ssyncadd.s32 $0xFFFF9C00  }
0x2f: {  	[tilespmem:s3], [sflag:$0x1] =	stream.linear.gather [hbm4b:s18+s3], $0xC8, $0x38;
	[tilespmem:$0x1A500] =	vst v63  }
0x30: {  	_ =	swait.ge [sflag:s13], $0xC8  }
0x31: {  	[sflag:s13] =	ssyncset.done $0x0  }
0x32: {  	[sflag:s13] =	ssyncadd.s32 $0xFFFFFF38  }
0x33: {  	[tilespmem:s14], [sflag:$0x1] =	stream.linear.gather [hbm4b:s17+s3], $0x6400, $0x38;
	[tilespmem:$0x1A500] =	vst v63  }
0x34: {  	_ =	swait.ge [sflag:s13], $0x6400  }
0x35: {  	[sflag:s13] =	ssyncset.done $0x0  }
0x36: {  	[sflag:s13] =	ssyncadd.s32 $0xFFFF9C00  }
0x37: {  	[spmem:s1] =	stream.indirect.scatter.add.f32 [tilespmem:s14], [sflag:$0x1], $0x80, s3, s15, $0xb8;
	[tilespmem:$0x1A500] =	vst v63  }
0x38: {  	_ =	swait.ge [sflag:s13], $0x6400  }
0x39: {  	[sflag:s13] =	ssyncset.done $0x0  }
0x3a: {  	[sflag:s13] =	ssyncadd.s32 $0xFFFF9C00  }
0x3b: {  	[bflag:$0x0] =	sbarrier.arrive $0xFFFF  }
0x3c: {  	[hbm:s6], [sflag:s5] =	dma.local [spmem:s12], $0x2800  }
0x3d: {  	_ =	swait.ge [sflag:s13], $0x2800  }
0x3e: {  	[sflag:s13] =	ssyncset.done $0x0  }
0x3f: {  	[sflag:s13] =	ssyncadd.s32 $0xFFFFD800  }
0x40: {  	[spmem:s12], [sflag:s5] =	dma.local [hbm:s4], $0x2800  }
0x41: {  	_ =	swait.ge [sflag:s13], $0x2800  }
0x42: {  	[sflag:s13] =	ssyncset.done $0x0  }
0x43: {  	[sflag:s13] =	ssyncadd.s32 $0xFFFFD800  }
0x44: {  	s31 =	sadd.s32 $0x0, s10;
	[bflag:$0x0] =	sbarrier.arrive $0xFFFF  }
0x45: {  	[tilespmem:s3], [sflag:$0x1] =	stream.linear.gather [hbm4b:s31+s3], $0xC8, $0x38;
	[tilespmem:$0x1A500] =	vst v63  }
0x46: {  	_ =	swait.ge [sflag:s13], $0xC8  }
0x47: {  	[sflag:s13] =	ssyncset.done $0x0  }
0x48: {  	[sflag:s13] =	ssyncadd.s32 $0xFFFFFF38  }
0x49: {  	[tilespmem:s14], [sflag:$0x1] =	stream.linear.gather [hbm4b:s11+s3], $0x6400, $0x38;
	[tilespmem:$0x1A500] =	vst v63  }
0x4a: {  	_ =	swait.ge [sflag:s13], $0x6400  }
0x4b: {  	[sflag:s13] =	ssyncset.done $0x0  }
0x4c: {  	[sflag:s13] =	ssyncadd.s32 $0xFFFF9C00  }
0x4d: {  	[spmem:s1] =	stream.indirect.scatter.add.f32 [tilespmem:s14], [sflag:$0x1], $0x80, s3, s15, $0xb8;
	[tilespmem:$0x1A500] =	vst v63  }
0x4e: {  	s19 =	simm.s32 $0x32;
	_ =	swait.ge [sflag:s13], $0x6400  }
0x4f: {  	s18 =	simm.s32 $0x19;
	s17 =	sadd.s32 $0xC80, s11;
	[sflag:s13] =	ssyncset.done $0x0  }
.LBB2_4:
0x50: {  	s20 =	sadd.s32 s18, s10  }
0x51: {  	[sflag:s13] =	ssyncadd.s32 $0xFFFF9C00;
	s18 =	smov.u32 s19;
	s21 =	sadd.s32 $0x19, s19  }
0x52: {  	[tilespmem:s3], [sflag:$0x1] =	stream.linear.gather [hbm4b:s20+s3], $0xC8, $0x38;
	[tilespmem:$0x1A500] =	vst v63  }
0x53: {  	p0 =	sne.s32 s19, $0x258;
	_ =	swait.ge [sflag:s13], $0xC8  }
0x54: {  	[sflag:s13] =	ssyncset.done $0x0  }
0x55: {  	[sflag:s13] =	ssyncadd.s32 $0xFFFFFF38  }
0x56: {  	[tilespmem:s14], [sflag:$0x1] =	stream.linear.gather [hbm4b:s17+s3], $0x6400, $0x38;
	[tilespmem:$0x1A500] =	vst v63  }
0x57: {  	_ =	swait.ge [sflag:s13], $0x6400  }
.Ltmp1:
0x58: {  	[sflag:s13] =	ssyncset.done $0x0;
	(pc) =	sbr.rel @p0 .LBB2_4-.Ltmp1, $4  }
0x59: {  	[sflag:s13] =	ssyncadd.s32 $0xFFFF9C00  }
0x5a: {  	[spmem:s1] =	stream.indirect.scatter.add.f32 [tilespmem:s14], [sflag:$0x1], $0x80, s3, s15, $0xb8;
	[tilespmem:$0x1A500] =	vst v63  }
0x5b: {  	_ =	swait.ge [sflag:s13], $0x6400  }
0x5c: {  	s19 =	smov.u32 s21;
	s17 =	sadd.s32 $0xC80, s17;
	[sflag:s13] =	ssyncset.done $0x0  }
0x5d: {  	s18 =	sadd.s32 s18, s10;
	[sflag:s13] =	ssyncadd.s32 $0xFFFF9C00  }
0x5e: {  	[tilespmem:s3], [sflag:$0x1] =	stream.linear.gather [hbm4b:s18+s3], $0xC8, $0x38;
	[tilespmem:$0x1A500] =	vst v63  }
0x5f: {  	_ =	swait.ge [sflag:s13], $0xC8  }
0x60: {  	[sflag:s13] =	ssyncset.done $0x0  }
0x61: {  	[sflag:s13] =	ssyncadd.s32 $0xFFFFFF38  }
0x62: {  	[tilespmem:s14], [sflag:$0x1] =	stream.linear.gather [hbm4b:s17+s3], $0x6400, $0x38;
	[tilespmem:$0x1A500] =	vst v63  }
0x63: {  	_ =	swait.ge [sflag:s13], $0x6400  }
0x64: {  	[sflag:s13] =	ssyncset.done $0x0  }
0x65: {  	[sflag:s13] =	ssyncadd.s32 $0xFFFF9C00  }
0x66: {  	[spmem:s1] =	stream.indirect.scatter.add.f32 [tilespmem:s14], [sflag:$0x1], $0x80, s3, s15, $0xb8;
	[tilespmem:$0x1A500] =	vst v63  }
0x67: {  	_ =	swait.ge [sflag:s13], $0x6400  }
0x68: {  	s16 =	sadd.s32 $0x1, s16;
	[sflag:s13] =	ssyncset.done $0x0  }
0x69: {  	p0 =	sne.s32 s16, s8;
	[sflag:s13] =	ssyncadd.s32 $0xFFFF9C00  }
.Ltmp2:
0x6a: {  	[bflag:$0x0] =	sbarrier.arrive $0xFFFF;
	(pc) =	sbr.rel @p0 .LBB2_1-.Ltmp2, $4  }
0x6b: {  	[hbm:s7], [sflag:s5] =	dma.local [spmem:s12], $0x2800  }
0x6c: {  	_ =	swait.ge [sflag:s13], $0x2800  }
0x6d: {  	[sflag:s13] =	ssyncset.done $0x0  }
0x6e: {  	[sflag:s13] =	ssyncadd.s32 $0xFFFFD800  }
0x6f: {  	_ =	sfence.sel $0x180000  }
0x70: {  	[bflag:$0x0] =	sbarrier.arrive $0xFFFF  }
0x71: {  	p0 =	sne.s32 s2, $0x0;
	_ =	strace $0x9000005C  }
0x72: {  	s0 =	sadd.s32 @!p0 $0x100000, s0;
	[bflag:$0x2] =	sbarrier.arrive $0xFFFF  }
0x73: {  	[sflag:s0] =	ssyncadd.tile.s32 @!p0 $0x1;
	_ =	shalt  }
.Lfunc_end2:
_tile_overlayer_lowered:
.L_overlay_start_2:
0x74: {  	(tag) =	ssettag $0x2  }
0x75: {  	s0 =	rddreg [dreg:$0x0];
	s2 =	stileid.u32  }
0x76: {  	s1 =	rddreg [dreg:$0x1];
	p0 =	sne.s32 s2, $0x0  }
0x77: {  	s3 =	rddreg [dreg:$0x2];
	[bflag:$0x3] =	sbarrier.arrive $0xFFFF;
	s2 =	simm.s32 @!p0 $0x1C01  }
0x78: {  	[timem:s3], [sflag:s2] =	dma.local @!p0 [hbm:s0], s1  }
0x79: {  	s0 =	simm.s32 @!p0 $0x1  }
0x7a: {  	_ =	swait.ge @!p0 [sflag:s0], s1  }
0x7b: {  	s1 =	ssub.s32 @!p0 $0x0, s1;
	[sflag:s0] =	ssyncset.done @!p0 $0x0  }
0x7c: {  	[sflag:s0] =	ssyncadd.s32 @!p0 s1  }
0x7d: {  	[bflag:$0x3] =	sbarrier.arrive $0xFFFF  }
0x7e: {  	_ =	shalt  }

</sc_bundles>
